<compile_context>
chip_gen: v7x
topology: tpu7x:2x2x1
jax: 0.10.2.dev20260603
libtpu: 0.0.44.dev20260713+nightly
codegen_flags: <defaults>
</compile_context>

<pallas_src>
import functools

import numpy as np
import jax
import jax.numpy as jnp
from jax import lax
from jax.experimental import pallas as pl
from jax.experimental.pallas import tpu as pltpu
from jax.experimental.pallas import tpu_sc as plsc

_NN = 10000
_NE = 160000
_C = 128
_MSG = 288
_CW = 64
_CH = 128
_NCH = _NE // _CH

_UNITS = {
    (0, 0): (0, 0, 64),
    (1, 0): (0, 64, 64),
    (0, 1): (1, 0, 64),
    (1, 1): (1, 64, 64),
    (0, 2): (2, 0, 16),
    (1, 2): (2, 16, 16),
}


def _build_expand():
    exp = [np.zeros((32, _MSG), np.float32) for _ in range(3)]
    fexp = np.zeros((9, _MSG), np.float32)
    for j in range(_MSG):
        if j < 32:
            l, m, k = 0, j, 0
        elif j < 128:
            l, m, k = 1, (j - 32) // 3, (j - 32) % 3
        else:
            l, m, k = 2, (j - 128) // 5, (j - 128) % 5
        exp[l][m, j] = 1.0
        fexp[(0, 1, 4)[l] + k, j] = 1.0
    return exp[0], exp[1], exp[2], fexp


_EXP0, _EXP1, _EXP2, _FEXP = _build_expand()


def _build_sh_affine():
    c1 = np.sqrt(3.0)
    c2 = np.sqrt(15.0)
    c2b = np.sqrt(5.0) / 2.0
    A = np.zeros((3, 9), np.float32)
    B = np.zeros((3, 9), np.float32)
    ar = np.zeros((9,), np.float32)
    br = np.zeros((9,), np.float32)
    cr = np.zeros((9,), np.float32)
    ar[0] = 1.0
    br[0] = 1.0
    for j, ax in ((1, 0), (2, 1), (3, 2)):
        A[ax, j] = 1.0
        br[j] = c1
    A[0, 4] = 1.0; B[1, 4] = c2
    A[1, 5] = 1.0; B[2, 5] = c2
    A[2, 6] = 1.0; B[2, 6] = 3.0 * c2b
    cr[6] = -c2b
    A[0, 7] = 1.0; B[2, 7] = c2
    A[0, 8] = 1.0; A[1, 8] = -1.0
    B[0, 8] = c2 / 2.0; B[1, 8] = c2 / 2.0
    return A, B, ar.reshape(1, 9), br.reshape(1, 9), cr.reshape(1, 9)


_SH_A, _SH_B, _SH_AR, _SH_BR, _SH_CR = _build_sh_affine()

_SC_PARAMS = pltpu.CompilerParams(use_tc_tiling_on_sc=False,
                                  needs_layout_passes=False)


def _sc_gather(table, idx):
    mesh = plsc.VectorSubcoreMesh(core_axis_name="c", subcore_axis_name="s")

    @functools.partial(
        pl.kernel,
        mesh=mesh,
        compiler_params=_SC_PARAMS,
        out_type=jax.ShapeDtypeStruct((_NE, _C), jnp.bfloat16),
        scratch_types=[
            pltpu.VMEM((_CH,), jnp.int32),
            pltpu.VMEM((_CH,), jnp.int32),
            pltpu.VMEM((_CH, _C), jnp.bfloat16),
            pltpu.VMEM((_CH, _C), jnp.bfloat16),
            pltpu.SemaphoreType.DMA,
            pltpu.SemaphoreType.DMA,
            pltpu.SemaphoreType.DMA,
            pltpu.SemaphoreType.DMA,
            pltpu.SemaphoreType.DMA,
            pltpu.SemaphoreType.DMA,
        ],
    )
    def k(table_hbm, idx_hbm, out_hbm, ix0, ix1, rw0, rw1,
          se0, se1, sg0, sg1, ss0, ss1):
        wid = lax.axis_index("s") * 2 + lax.axis_index("c")
        ixb = (ix0, ix1)
        rwb = (rw0, rw1)
        se = (se0, se1)
        sg = (sg0, sg1)
        ss = (ss0, ss1)
        nj = 39 + jnp.where(wid < 2, 1, 0)

        def chunk_off(j):
            return (wid + j * 32) * _CH

        pltpu.async_copy(idx_hbm.at[pl.ds(chunk_off(0), _CH)], ix0, se0)

        def iteration(j, b):
            nb = 1 - b
            pltpu.make_async_copy(
                idx_hbm.at[pl.ds(0, _CH)], ixb[b], se[b]).wait()

            @pl.when(j >= 2)
            def _():
                pltpu.make_async_copy(
                    rwb[b], out_hbm.at[pl.ds(0, _CH)], ss[b]).wait()

            pltpu.async_copy(table_hbm.at[ixb[b]], rwb[b], sg[b])

            @pl.when(j + 1 < nj)
            def _():
                pltpu.async_copy(
                    idx_hbm.at[pl.ds(chunk_off(j + 1), _CH)], ixb[nb], se[nb])

            pltpu.make_async_copy(table_hbm.at[ixb[b]], rwb[b], sg[b]).wait()
            pltpu.async_copy(rwb[b], out_hbm.at[pl.ds(chunk_off(j), _CH)],
                             ss[b])

        def body(j, carry):
            @pl.when(j % 2 == 0)
            def _():
                iteration(j, 0)

            @pl.when(j % 2 == 1)
            def _():
                iteration(j, 1)
            return carry

        lax.fori_loop(0, nj, body, 0)
        pltpu.make_async_copy(rw0, out_hbm.at[pl.ds(0, _CH)], ss0).wait()
        pltpu.make_async_copy(rw1, out_hbm.at[pl.ds(0, _CH)], ss1).wait()

    return k(table, idx)


def _tc_messages(ef, ev, src, W1, W2, W3, Q, fexp, sha, shb):
    BE = 2000
    grid = _NE // BE

    def body(ef_r, ev_r, src_r, W1_r, W2_r, W3_r, Q_r, f_r, a_r, b_r,
             o0_r, o1_r, o2_r):
        bf = jnp.bfloat16
        f32 = jnp.float32
        h = jax.nn.silu(jnp.dot(ef_r[...].astype(bf), W1_r[...],
                                preferred_element_type=f32))
        h = jax.nn.silu(jnp.dot(h.astype(bf), W2_r[...],
                                preferred_element_type=f32))
        w = jax.nn.silu(jnp.dot(h.astype(bf), W3_r[...],
                                preferred_element_type=f32))
        s = src_r[...]
        g = w.astype(bf) * jnp.concatenate([s, s, s], axis=1)
        acc = jnp.dot(g, Q_r[...],
                      preferred_element_type=f32)
        v = ev_r[...]
        n = jnp.sqrt(jnp.sum(v * v, axis=1, keepdims=True))
        vn = v / jnp.maximum(n, 1e-9)
        u = vn @ a_r[0:3] + a_r[3:4]
        t = vn @ b_r[0:3] + b_r[3:4]
        y9 = u * t + a_r[4:5]
        y288 = y9 @ f_r[...]
        res = acc * y288
        o0_r[...] = res[:, 0:128]
        o1_r[...] = res[:, 128:256]
        o2_r[:, 0:32] = res[:, 256:288]

    full = lambda a, b: pl.BlockSpec((a, b), lambda i: (0, 0))
    eb = lambda: pl.BlockSpec((BE, _C), lambda i: (i, 0))
    return pl.pallas_call(
        body,
        grid=(grid,),
        in_specs=[
            pl.BlockSpec((BE, 16), lambda i: (i, 0)),
            pl.BlockSpec((BE, 3), lambda i: (i, 0)),
            eb(),
            full(16, 64), full(64, 64), full(64, 384),
            full(384, _MSG), full(9, _MSG), full(5, 9), full(4, 9),
        ],
        out_specs=[eb(), eb(), eb()],
        out_shape=[jax.ShapeDtypeStruct((_NE, _C), jnp.float32)] * 3,
    )(ef, ev, src, W1, W2, W3, Q, fexp, sha, shb)


def _tc_assemble(o0, o1, o2):
    BR = 2000

    def body(a_r, b_r, c_r, out_r):
        out_r[:, 0:128] = a_r[...]
        out_r[:, 128:256] = b_r[...]
        out_r[:, 256:288] = c_r[:, 0:32]

    spec = pl.BlockSpec((BR, _C), lambda i: (i, 0))
    return pl.pallas_call(
        body,
        grid=(_NN // BR,),
        in_specs=[spec, spec, spec],
        out_specs=pl.BlockSpec((BR, _MSG), lambda i: (i, 0)),
        out_shape=jax.ShapeDtypeStruct((_NN, _MSG), jnp.float32),
    )(o0, o1, o2)


def _sc_scatter(m0, m1, m2, dst, z25):
    mesh = plsc.VectorSubcoreMesh(core_axis_name="c", subcore_axis_name="s")

    @functools.partial(
        pl.kernel,
        mesh=mesh,
        compiler_params=_SC_PARAMS,
        out_type=[jax.ShapeDtypeStruct((_NN, _C), jnp.float32)] * 3,
        scratch_types=[
            pltpu.VMEM((_CH,), jnp.int32),
            pltpu.VMEM((_CH,), jnp.int32),
            pltpu.VMEM((_CH, _CW), jnp.float32),
            pltpu.VMEM((_CH, _CW), jnp.float32),
            pltpu.VMEM((_CH, 16), jnp.float32),
            pltpu.VMEM((_CH, 16), jnp.float32),
            pltpu.VMEM((25, _CW), jnp.float32),
            pltpu.VMEM_SHARED((_NN, _CW), jnp.float32),
            pltpu.VMEM_SHARED((_NN, 16), jnp.float32),
            pltpu.SemaphoreType.DMA,
            pltpu.SemaphoreType.DMA,
            pltpu.SemaphoreType.DMA,
            pltpu.SemaphoreType.DMA,
            pltpu.SemaphoreType.DMA,
            pltpu.SemaphoreType.DMA,
        ],
    )
    def k(m0_hbm, m1_hbm, m2_hbm, dst_hbm, z_hbm, o0_hbm, o1_hbm, o2_hbm,
          ix0, ix1, b0, b1, n0, n1, zbuf, acc64, acc16,
          se0, se1, sl0, sl1, sa0, sa1):
        c = lax.axis_index("c")
        sid = lax.axis_index("s")
        slabs = (m0_hbm, m1_hbm, m2_hbm)
        outs = (o0_hbm, o1_hbm, o2_hbm)
        ixb = (ix0, ix1)
        se = (se0, se1)
        sl = (sl0, sl1)
        sa = (sa0, sa1)

        nj = 78 + jnp.where(sid < 2, 1, 0)

        def chunk_off(j):
            return (sid + j * 16) * _CH

        pltpu.sync_copy(z_hbm, zbuf)

        def emit_phase(cv, p):
            slab, scol, wdt = _UNITS[(cv, p)]
            mb = (b0, b1) if wdt == _CW else (n0, n1)
            acc = acc64 if wdt == _CW else acc16

            def start_loads(j, b):
                off = chunk_off(j)
                pltpu.async_copy(dst_hbm.at[pl.ds(off, _CH)], ixb[b], se[b])
                pltpu.async_copy(
                    slabs[slab].at[pl.ds(off, _CH), pl.ds(scol, wdt)],
                    mb[b], sl[b])

            def wait_loads(b):
                pltpu.make_async_copy(
                    dst_hbm.at[pl.ds(0, _CH)], ixb[b], se[b]).wait()
                pltpu.make_async_copy(
                    slabs[slab].at[pl.ds(0, _CH), pl.ds(scol, wdt)],
                    mb[b], sl[b]).wait()

            def zbody(kk, carry):
                pltpu.sync_copy(zbuf.at[:, pl.ds(0, wdt)],
                                acc.at[pl.ds(sid * 625 + kk * 25, 25)])
                return carry

            lax.fori_loop(0, 25, zbody, 0)
            plsc.subcore_barrier()

            start_loads(0, 0)

            def iteration(j, b):
                nb = 1 - b
                wait_loads(b)
                pltpu.async_copy(mb[b], acc.at[ixb[b]], sa[b], add=True)

                @pl.when(j + 1 < nj)
                def _():
                    @pl.when(j >= 1)
                    def _():
                        pltpu.make_async_copy(mb[nb], acc.at[ixb[nb]],
                                              sa[nb]).wait()
                    start_loads(j + 1, nb)

            def body(j, carry):
                @pl.when(j % 2 == 0)
                def _():
                    iteration(j, 0)

                @pl.when(j % 2 == 1)
                def _():
                    iteration(j, 1)
                return carry

            lax.fori_loop(0, nj, body, 0)
            pltpu.make_async_copy(mb[0], acc.at[ix0], sa0).wait()
            pltpu.make_async_copy(mb[1], acc.at[ix1], sa1).wait()
            plsc.subcore_barrier()

            def wbody(kk, carry):
                r0 = sid * 625 + kk * 125
                pltpu.sync_copy(acc.at[pl.ds(r0, 125)], mb[0].at[pl.ds(0, 125)])
                pltpu.sync_copy(
                    mb[0].at[pl.ds(0, 125)],
                    outs[slab].at[pl.ds(r0, 125), pl.ds(scol, wdt)])
                return carry

            lax.fori_loop(0, 5, wbody, 0)
            plsc.subcore_barrier()

        for p in range(3):
            @pl.when(c == 0)
            def _():
                emit_phase(0, p)

            @pl.when(c == 1)
            def _():
                emit_phase(1, p)

    return k(m0, m1, m2, dst, z25)


def kernel(node_features, edge_features, edge_vectors, edge_index, W1, W2, W3, P):
    bf = jnp.bfloat16
    src_idx = edge_index[:, 0]
    dst_idx = edge_index[:, 1]
    src = _sc_gather(node_features.astype(bf), src_idx)
    Q = jnp.concatenate(
        [P[0].T @ _EXP0, P[1].T @ _EXP1, P[2].T @ _EXP2], axis=0).astype(bf)
    sha = jnp.concatenate(
        [jnp.asarray(_SH_A), jnp.asarray(_SH_AR), jnp.asarray(_SH_CR)], axis=0)
    shb = jnp.concatenate([jnp.asarray(_SH_B), jnp.asarray(_SH_BR)], axis=0)
    m0, m1, m2 = _tc_messages(
        edge_features, edge_vectors, src, W1.astype(bf), W2.astype(bf),
        W3.astype(bf), Q, jnp.asarray(_FEXP), sha, shb)
    z25 = jnp.zeros((25, _CW), jnp.float32)
    o0, o1, o2 = _sc_scatter(m0, m1, m2, dst_idx, z25)
    return _tc_assemble(o0, o1, o2)

# --- scband reference (transcript-rebuilt; emitter-appended) ---
"""Pipeline reference for scband-tensor-field-network-37855841747616 (READ-ONLY COPY).

The authoritative reference and input builder live on the scoring server;
editing this copy changes nothing except your own understanding.
"""

import jax, jax.numpy as jnp
import numpy as np

N_NODES = 10000
N_EDGES = 160000
C_IN = 128        # irreps_in = 128x0e
MUL_OUT = 32      # irreps_out = 32x0e + 32x1o + 32x2e  -> dim 32 + 96 + 160 = 288
N_RBF = 16
FC_DIMS = [64, 64]
N_WEIGHTS = 3 * C_IN  # per-edge radial weight per (input channel, output l path)


def _spherical_harmonics_l2(vectors, normalize=True):
    """Real spherical harmonics up to l=2, component normalization."""
    if normalize:
        n = jnp.linalg.norm(vectors, axis=-1, keepdims=True)
        v = vectors / jnp.maximum(n, 1e-9)
    else:
        v = vectors
    x, y, z = v[..., 0], v[..., 1], v[..., 2]
    y0 = jnp.ones_like(x)[..., None]                      # [E, 1]
    c1 = np.sqrt(3.0).astype(np.float32)
    y1 = jnp.stack([c1 * x, c1 * y, c1 * z], axis=-1)     # [E, 3]
    c2 = np.sqrt(15.0).astype(np.float32)
    c2b = (np.sqrt(5.0) / 2.0).astype(np.float32)
    y2 = jnp.stack([
        c2 * x * y,
        c2 * y * z,
        c2b * (3.0 * z * z - 1.0),
        c2 * x * z,
        (c2 / 2.0) * (x * x - y * y),
    ], axis=-1)                                           # [E, 5]
    return y0, y1, y2


def setup_inputs(seed: int = 0) -> dict:
    key = jax.random.key(seed)
    ks = jax.random.split(key, 8)
    node_features = jax.random.normal(ks[0], (N_NODES, C_IN), dtype=jnp.float32)
    edge_features = jax.random.uniform(ks[1], (N_EDGES, N_RBF), dtype=jnp.float32)
    edge_vectors = jax.random.normal(ks[2], (N_EDGES, 3), dtype=jnp.float32)
    edge_index = jax.random.randint(ks[3], (N_EDGES, 2), 0, N_NODES, dtype=jnp.int32)
    # Filter network params (Dense, no bias, VarianceScaling scale=2 fan_in).
    W1 = jax.random.normal(ks[4], (N_RBF, FC_DIMS[0]), dtype=jnp.float32) * np.sqrt(2.0 / N_RBF)
    W2 = jax.random.normal(ks[5], (FC_DIMS[0], FC_DIMS[1]), dtype=jnp.float32) * np.sqrt(2.0 / FC_DIMS[0])
    W3 = jax.random.normal(ks[6], (FC_DIMS[1], N_WEIGHTS), dtype=jnp.float32) * np.sqrt(2.0 / FC_DIMS[1])
    # Shared channel-mixing projection per output-l path of the tensor product.
    P = jax.random.normal(ks[7], (3, MUL_OUT, C_IN), dtype=jnp.float32) / np.sqrt(C_IN)
    return {
        "node_features": node_features,
        "edge_features": edge_features,
        "edge_vectors": edge_vectors,
        "edge_index": edge_index,
        "W1": W1, "W2": W2, "W3": W3, "P": P,
    }


def reference(node_features, edge_features, edge_vectors, edge_index, W1, W2, W3, P):
    E = edge_features.shape[0]
    C = node_features.shape[1]
    # Spherical harmonic basis of edge directions (l_max=2, normalized vectors).
    y0, y1, y2 = _spherical_harmonics_l2(edge_vectors, normalize=True)
    # Radial filter network (swish after every dense, as in the Keras module).
    h = jax.nn.silu(edge_features @ W1)
    h = jax.nn.silu(h @ W2)
    w = jax.nn.silu(h @ W3)                  # [E, 3*C]
    w = w.reshape(E, 3, C)
    # Gather source node features along edges.
    src = jnp.take(node_features, edge_index[:, 0], axis=0)   # [E, C]
    # Tensor product 128x0e (x) (1x0e+1x1o+1x2e) -> 32x0e+32x1o+32x2e:
    # per-edge radial gating per input channel, shared channel mixing, outer with Y_l.
    msgs = []
    for l, yl in enumerate((y0, y1, y2)):
        g = w[:, l, :] * src                                  # [E, C]
        hl = g @ P[l].T                                       # [E, MUL_OUT]
        msgs.append((hl[:, :, None] * yl[:, None, :]).reshape(E, -1))
    message = jnp.concatenate(msgs, axis=-1)                  # [E, 288]
    out = jnp.zeros((node_features.shape[0], message.shape[-1]), dtype=node_features.dtype)
    out = out.at[edge_index[:, 1]].add(message)               # scatter-add to dst nodes
    return out

if __name__ == "__main__":
    import jax
    _d = setup_inputs()
    print(jax.jit(kernel)(*tuple(_d.values())))

</pallas_src>

<mosaic_0001>
#map = affine_map<(d0, d1) -> (0, 0)>
#map1 = affine_map<(d0, d1) -> (0)>
module attributes {stable_mosaic.version = 14 : i64} {
  func.func @k(%arg0: i32, %arg1: i32, %arg2: memref<160000x128xf32, #tpu.memory_space<hbm>>, %arg3: memref<160000x128xf32, #tpu.memory_space<hbm>>, %arg4: memref<160000x128xf32, #tpu.memory_space<hbm>>, %arg5: memref<160000xi32, #tpu.memory_space<hbm>>, %arg6: memref<25x64xf32, #tpu.memory_space<hbm>>, %arg7: memref<10000x128xf32, #tpu.memory_space<hbm>>, %arg8: memref<10000x128xf32, #tpu.memory_space<hbm>>, %arg9: memref<10000x128xf32, #tpu.memory_space<hbm>>, %arg10: memref<128xi32, #tpu.memory_space<vmem>>, %arg11: memref<128xi32, #tpu.memory_space<vmem>>, %arg12: memref<128x64xf32, #tpu.memory_space<vmem>>, %arg13: memref<128x64xf32, #tpu.memory_space<vmem>>, %arg14: memref<128x16xf32, #tpu.memory_space<vmem>>, %arg15: memref<128x16xf32, #tpu.memory_space<vmem>>, %arg16: memref<25x64xf32, #tpu.memory_space<vmem>>, %arg17: memref<10000x64xf32, #tpu.memory_space<vmem_shared>>, %arg18: memref<10000x16xf32, #tpu.memory_space<vmem_shared>>, %arg19: memref<!tpu.dma_semaphore, #tpu.memory_space<semaphore_mem>>, %arg20: memref<!tpu.dma_semaphore, #tpu.memory_space<semaphore_mem>>, %arg21: memref<!tpu.dma_semaphore, #tpu.memory_space<semaphore_mem>>, %arg22: memref<!tpu.dma_semaphore, #tpu.memory_space<semaphore_mem>>, %arg23: memref<!tpu.dma_semaphore, #tpu.memory_space<semaphore_mem>>, %arg24: memref<!tpu.dma_semaphore, #tpu.memory_space<semaphore_mem>>) attributes {dimension_semantics = [#tpu.dimension_semantics<core_parallel>, #tpu.dimension_semantics<subcore_parallel>], iteration_bounds = array<i64: 2, 16>, scalar_prefetch = 0 : i64, scratch_operands = 15 : i64, tpu.core_type = #tpu.core_type<sc_vector_subcore>, window_params = [{transform_indices = #map}, {transform_indices = #map}, {transform_indices = #map}, {transform_indices = #map1}, {transform_indices = #map}, {transform_indices = #map}, {transform_indices = #map}, {transform_indices = #map}]} {
    %lt3A = arith.constant 2 : i32
    %lt3A_0 = arith.cmpi slt, %arg1, %lt3A : i32
    %jit3A = arith.constant 1 : i32
    %jit3A_1 = arith.constant 0 : i32
    %select_n3A = arith.select %lt3A_0, %jit3A, %jit3A_1 : i32
    %add3A = arith.constant 78 : i32
    %add3A_2 = arith.addi %add3A, %select_n3A : i32
    "tpu.region"() ({
      %run_scoped3A = tpu.sem_alloc : memref<!tpu.dma_semaphore, #tpu.memory_space<semaphore_mem>>
      tpu.enqueue_dma source(%arg6 : memref<25x64xf32, #tpu.memory_space<hbm>>) target(%arg16 : memref<25x64xf32, #tpu.memory_space<vmem>>) target_semaphore(%run_scoped3A : memref<!tpu.dma_semaphore, #tpu.memory_space<semaphore_mem>>)
      tpu.wait_dma2 semaphore(%run_scoped3A : memref<!tpu.dma_semaphore, #tpu.memory_space<semaphore_mem>>) src(%arg6 : memref<25x64xf32, #tpu.memory_space<hbm>>) dst(%arg16 : memref<25x64xf32, #tpu.memory_space<vmem>>)
      tpu.yield
    }) : () -> ()
    %eq3A = arith.constant 0 : i32
    %eq3A_3 = arith.cmpi eq, %arg0, %eq3A : i32
    %convert_element_type3A = arith.extui %eq3A_3 : i1 to i32
    %cond3A = arith.constant 0 : i32
    %cond3A_4 = arith.cmpi ne, %convert_element_type3A, %cond3A : i32
    scf.if %cond3A_4 {
      %scan3A = arith.constant 0 : i32
      %scan3A_30 = arith.constant 0 : i32
      %scan3A_31 = arith.constant 25 : i32
      %scan3A_32 = arith.addi %scan3A_30, %scan3A_31 : i32
      %scan3A_33 = arith.constant 1 : i32
      scf.for %scan3A_65 = %scan3A_30 to %scan3A_32 step %scan3A_33  : i32 {
        %mul3A_66 = arith.constant 625 : i32
        %mul3A_67 = arith.muli %arg1, %mul3A_66 : i32
        %mul3A_68 = arith.constant 25 : i32
        %mul3A_69 = arith.muli %scan3A_65, %mul3A_68 : i32
        %add3A_70 = arith.addi %mul3A_67, %mul3A_69 : i32
        "tpu.region"() ({
          %run_scoped3A = tpu.sem_alloc : memref<!tpu.dma_semaphore, #tpu.memory_space<semaphore_mem>>
          %dma_start3A_71 = arith.constant 0 : i32
          %dma_start3A_72 = arith.constant 0 : i32
          %dma_start3A_73 = tpu.memref_slice %arg16[%dma_start3A_71, %dma_start3A_72] : memref<25x64xf32, #tpu.memory_space<vmem>> -> memref<25x64xf32, #tpu.memory_space<vmem>>
          %dma_start3A_74 = arith.constant 0 : i32
          %dma_start3A_75 = tpu.memref_slice %arg17[%add3A_70, %dma_start3A_74] : memref<10000x64xf32, #tpu.memory_space<vmem_shared>> -> memref<25x64xf32, #tpu.memory_space<vmem_shared>>
          %dma_start3A_76 = arith.constant 0 : i32
          %dma_start3A_77 = tpu.memref_slice %arg17[%add3A_70, %dma_start3A_76] : memref<10000x64xf32, #tpu.memory_space<vmem_shared>> -> memref<25x64xf32, #tpu.memory_space<vmem_shared>>
          %dma_start3A_78 = arith.constant 0 : i32
          %dma_start3A_79 = arith.constant 0 : i32
          %dma_start3A_80 = tpu.memref_slice %arg16[%dma_start3A_78, %dma_start3A_79] : memref<25x64xf32, #tpu.memory_space<vmem>> -> memref<25x64xf32, #tpu.memory_space<vmem>>
          tpu.enqueue_dma source(%dma_start3A_80 : memref<25x64xf32, #tpu.memory_space<vmem>>) target(%dma_start3A_77 : memref<25x64xf32, #tpu.memory_space<vmem_shared>>) target_semaphore(%run_scoped3A : memref<!tpu.dma_semaphore, #tpu.memory_space<semaphore_mem>>)
          %dma_wait3A_81 = arith.constant 0 : i32
          %dma_wait3A_82 = arith.constant 0 : i32
          %dma_wait3A_83 = tpu.memref_slice %arg16[%dma_wait3A_81, %dma_wait3A_82] : memref<25x64xf32, #tpu.memory_space<vmem>> -> memref<25x64xf32, #tpu.memory_space<vmem>>
          %dma_wait3A_84 = arith.constant 0 : i32
          %dma_wait3A_85 = tpu.memref_slice %arg17[%add3A_70, %dma_wait3A_84] : memref<10000x64xf32, #tpu.memory_space<vmem_shared>> -> memref<25x64xf32, #tpu.memory_space<vmem_shared>>
          %dma_wait3A_86 = arith.constant 0 : i32
          %dma_wait3A_87 = tpu.memref_slice %arg17[%add3A_70, %dma_wait3A_86] : memref<10000x64xf32, #tpu.memory_space<vmem_shared>> -> memref<25x64xf32, #tpu.memory_space<vmem_shared>>
          %dma_wait3A_88 = arith.constant 0 : i32
          %dma_wait3A_89 = arith.constant 0 : i32
          %dma_wait3A_90 = tpu.memref_slice %arg16[%dma_wait3A_88, %dma_wait3A_89] : memref<25x64xf32, #tpu.memory_space<vmem>> -> memref<25x64xf32, #tpu.memory_space<vmem>>
          tpu.wait_dma2 semaphore(%run_scoped3A : memref<!tpu.dma_semaphore, #tpu.memory_space<semaphore_mem>>) src(%dma_wait3A_90 : memref<25x64xf32, #tpu.memory_space<vmem>>) dst(%dma_wait3A_87 : memref<25x64xf32, #tpu.memory_space<vmem_shared>>)
          tpu.yield
        }) : () -> ()
      }
      %scan3A_34 = arith.constant 25 : i32
      %barrier3A = arith.constant 0 : index
      tpu.barrier barrier_id(%barrier3A)
      %add3A_35 = arith.constant 0 : i32
      %add3A_36 = arith.addi %arg1, %add3A_35 : i32
      %mul3A = arith.constant 128 : i32
      %mul3A_37 = arith.muli %add3A_36, %mul3A : i32
      %dma_start3A = tpu.memref_slice %arg5[%mul3A_37] : memref<160000xi32, #tpu.memory_space<hbm>> -> memref<128xi32, #tpu.memory_space<hbm>>
      %dma_start3A_38 = tpu.memref_slice %arg5[%mul3A_37] : memref<160000xi32, #tpu.memory_space<hbm>> -> memref<128xi32, #tpu.memory_space<hbm>>
      tpu.enqueue_dma source(%dma_start3A_38 : memref<128xi32, #tpu.memory_space<hbm>>) target(%arg10 : memref<128xi32, #tpu.memory_space<vmem>>) target_semaphore(%arg19 : memref<!tpu.dma_semaphore, #tpu.memory_space<semaphore_mem>>)
      %dma_start3A_39 = arith.constant 0 : i32
      %dma_start3A_40 = tpu.memref_slice %arg2[%mul3A_37, %dma_start3A_39] : memref<160000x128xf32, #tpu.memory_space<hbm>> -> memref<128x64xf32, #tpu.memory_space<hbm>>
      %dma_start3A_41 = arith.constant 0 : i32
      %dma_start3A_42 = tpu.memref_slice %arg2[%mul3A_37, %dma_start3A_41] : memref<160000x128xf32, #tpu.memory_space<hbm>> -> memref<128x64xf32, #tpu.memory_space<hbm>>
      tpu.enqueue_dma source(%dma_start3A_42 : memref<128x64xf32, #tpu.memory_space<hbm>>) target(%arg12 : memref<128x64xf32, #tpu.memory_space<vmem>>) target_semaphore(%arg21 : memref<!tpu.dma_semaphore, #tpu.memory_space<semaphore_mem>>)
      %while3A = arith.constant 0 : i32
      %while3A_43 = arith.constant 0 : i32
      %while3A_44 = arith.subi %add3A_2, %while3A_43 : i32
      %while3A_45 = arith.addi %while3A_43, %while3A_44 : i32
      %while3A_46 = arith.constant 1 : i32
      %while3A_47 = arith.divsi %while3A_44, %while3A_46 : i32
      %while3A_48 = arith.muli %while3A_47, %while3A_46 : i32
      %while3A_49 = arith.addi %while3A_43, %while3A_48 : i32
      %while3A_50 = arith.constant 1 : i32
      scf.for %while3A_65 = %while3A_43 to %while3A_49 step %while3A_50  : i32 {
        %jit3A_66 = arith.constant 2 : i32
        %eq3A_67 = arith.constant 0 : i32
        %eq3A_68 = arith.cmpi eq, %jit3A_66, %eq3A_67 : i32
        %jit3A_69 = arith.constant 1 : i32
        %select_n3A_70 = arith.select %eq3A_68, %jit3A_69, %jit3A_66 : i32
        %rem3A = arith.remsi %while3A_65, %select_n3A_70 : i32
        %ne3A = arith.constant 0 : i32
        %ne3A_71 = arith.cmpi ne, %rem3A, %ne3A : i32
        %lt3A_72 = arith.constant 0 : i32
        %lt3A_73 = arith.cmpi slt, %rem3A, %lt3A_72 : i32
        %lt3A_74 = arith.constant 0 : i32
        %lt3A_75 = arith.cmpi slt, %select_n3A_70, %lt3A_74 : i32
        %ne3A_76 = arith.xori %lt3A_73, %lt3A_75 : i1
        %and3A = arith.andi %ne3A_76, %ne3A_71 : i1
        %add3A_77 = arith.addi %rem3A, %select_n3A_70 : i32
        %select_n3A_78 = arith.select %and3A, %add3A_77, %rem3A : i32
        %eq3A_79 = arith.constant 0 : i32
        %eq3A_80 = arith.cmpi eq, %select_n3A_78, %eq3A_79 : i32
        %convert_element_type3A_81 = arith.extui %eq3A_80 : i1 to i32
        %cond3A_82 = arith.constant 0 : i32
        %cond3A_83 = arith.cmpi ne, %convert_element_type3A_81, %cond3A_82 : i32
        scf.if %cond3A_83 {
          %dma_wait3A_105 = arith.constant 0 : i32
          %dma_wait3A_106 = tpu.memref_slice %arg5[%dma_wait3A_105] : memref<160000xi32, #tpu.memory_space<hbm>> -> memref<128xi32, #tpu.memory_space<hbm>>
          %dma_wait3A_107 = arith.constant 0 : i32
          %dma_wait3A_108 = tpu.memref_slice %arg5[%dma_wait3A_107] : memref<160000xi32, #tpu.memory_space<hbm>> -> memref<128xi32, #tpu.memory_space<hbm>>
          tpu.wait_dma2 semaphore(%arg19 : memref<!tpu.dma_semaphore, #tpu.memory_space<semaphore_mem>>) src(%dma_wait3A_108 : memref<128xi32, #tpu.memory_space<hbm>>) dst(%arg10 : memref<128xi32, #tpu.memory_space<vmem>>)
          %dma_wait3A_109 = arith.constant 0 : i32
          %dma_wait3A_110 = arith.constant 0 : i32
          %dma_wait3A_111 = tpu.memref_slice %arg2[%dma_wait3A_109, %dma_wait3A_110] : memref<160000x128xf32, #tpu.memory_space<hbm>> -> memref<128x64xf32, #tpu.memory_space<hbm>>
          %dma_wait3A_112 = arith.constant 0 : i32
          %dma_wait3A_113 = arith.constant 0 : i32
          %dma_wait3A_114 = tpu.memref_slice %arg2[%dma_wait3A_112, %dma_wait3A_113] : memref<160000x128xf32, #tpu.memory_space<hbm>> -> memref<128x64xf32, #tpu.memory_space<hbm>>
          tpu.wait_dma2 semaphore(%arg21 : memref<!tpu.dma_semaphore, #tpu.memory_space<semaphore_mem>>) src(%dma_wait3A_114 : memref<128x64xf32, #tpu.memory_space<hbm>>) dst(%arg12 : memref<128x64xf32, #tpu.memory_space<vmem>>)
          %dma_start3A_115 = arith.constant 0 : i32
          %dma_start3A_116 = arith.constant 0 : i32
          %dma_start3A_117 = tpu.memref_slice %arg17[%dma_start3A_115, %dma_start3A_116] : memref<10000x64xf32, #tpu.memory_space<vmem_shared>> -> memref<10000x64xf32, #tpu.memory_space<vmem_shared>>
          tpu.enqueue_indirect_dma source(%arg12 : memref<128x64xf32, #tpu.memory_space<vmem>>) target(%dma_start3A_117 : memref<10000x64xf32, #tpu.memory_space<vmem_shared>>) offsets(%arg10 : memref<128xi32, #tpu.memory_space<vmem>>) semaphore(%arg23 : memref<!tpu.dma_semaphore, #tpu.memory_space<semaphore_mem>>) {add = true}
          %add3A_118 = arith.constant 1 : i32
          %add3A_119 = arith.addi %while3A_65, %add3A_118 : i32
          %lt3A_120 = arith.cmpi slt, %add3A_119, %add3A_2 : i32
          %convert_element_type3A_121 = arith.extui %lt3A_120 : i1 to i32
          %cond3A_122 = arith.constant 0 : i32
          %cond3A_123 = arith.cmpi ne, %convert_element_type3A_121, %cond3A_122 : i32
          scf.if %cond3A_123 {
            %ge3A = arith.constant 1 : i32
            %ge3A_124 = arith.cmpi sge, %while3A_65, %ge3A : i32
            %convert_element_type3A_125 = arith.extui %ge3A_124 : i1 to i32
            %cond3A_126 = arith.constant 0 : i32
            %cond3A_127 = arith.cmpi ne, %convert_element_type3A_125, %cond3A_126 : i32
            scf.if %cond3A_127 {
              %dma_wait3A_141 = arith.constant 0 : i32
              %dma_wait3A_142 = arith.constant 0 : i32
              %dma_wait3A_143 = tpu.memref_slice %arg17[%dma_wait3A_141, %dma_wait3A_142] : memref<10000x64xf32, #tpu.memory_space<vmem_shared>> -> memref<10000x64xf32, #tpu.memory_space<vmem_shared>>
              tpu.wait_indirect_dma semaphore(%arg24 : memref<!tpu.dma_semaphore, #tpu.memory_space<semaphore_mem>>) src(%arg13 : memref<128x64xf32, #tpu.memory_space<vmem>>) dst(%dma_wait3A_143 : memref<10000x64xf32, #tpu.memory_space<vmem_shared>>)
            } else {
            }
            %add3A_128 = arith.constant 1 : i32
            %add3A_129 = arith.addi %while3A_65, %add3A_128 : i32
            %mul3A_130 = arith.constant 16 : i32
            %mul3A_131 = arith.muli %add3A_129, %mul3A_130 : i32
            %add3A_132 = arith.addi %arg1, %mul3A_131 : i32
            %mul3A_133 = arith.constant 128 : i32
            %mul3A_134 = arith.muli %add3A_132, %mul3A_133 : i32
            %dma_start3A_135 = tpu.memref_slice %arg5[%mul3A_134] : memref<160000xi32, #tpu.memory_space<hbm>> -> memref<128xi32, #tpu.memory_space<hbm>>
            %dma_start3A_136 = tpu.memref_slice %arg5[%mul3A_134] : memref<160000xi32, #tpu.memory_space<hbm>> -> memref<128xi32, #tpu.memory_space<hbm>>
            tpu.enqueue_dma source(%dma_start3A_136 : memref<128xi32, #tpu.memory_space<hbm>>) target(%arg11 : memref<128xi32, #tpu.memory_space<vmem>>) target_semaphore(%arg20 : memref<!tpu.dma_semaphore, #tpu.memory_space<semaphore_mem>>)
            %dma_start3A_137 = arith.constant 0 : i32
            %dma_start3A_138 = tpu.memref_slice %arg2[%mul3A_134, %dma_start3A_137] : memref<160000x128xf32, #tpu.memory_space<hbm>> -> memref<128x64xf32, #tpu.memory_space<hbm>>
            %dma_start3A_139 = arith.constant 0 : i32
            %dma_start3A_140 = tpu.memref_slice %arg2[%mul3A_134, %dma_start3A_139] : memref<160000x128xf32, #tpu.memory_space<hbm>> -> memref<128x64xf32, #tpu.memory_space<hbm>>
            tpu.enqueue_dma source(%dma_start3A_140 : memref<128x64xf32, #tpu.memory_space<hbm>>) target(%arg13 : memref<128x64xf32, #tpu.memory_space<vmem>>) target_semaphore(%arg22 : memref<!tpu.dma_semaphore, #tpu.memory_space<semaphore_mem>>)
          } else {
          }
        } else {
        }
        %jit3A_84 = arith.constant 2 : i32
        %eq3A_85 = arith.constant 0 : i32
        %eq3A_86 = arith.cmpi eq, %jit3A_84, %eq3A_85 : i32
        %jit3A_87 = arith.constant 1 : i32
        %select_n3A_88 = arith.select %eq3A_86, %jit3A_87, %jit3A_84 : i32
        %rem3A_89 = arith.remsi %while3A_65, %select_n3A_88 : i32
        %ne3A_90 = arith.constant 0 : i32
        %ne3A_91 = arith.cmpi ne, %rem3A_89, %ne3A_90 : i32
        %lt3A_92 = arith.constant 0 : i32
        %lt3A_93 = arith.cmpi slt, %rem3A_89, %lt3A_92 : i32
        %lt3A_94 = arith.constant 0 : i32
        %lt3A_95 = arith.cmpi slt, %select_n3A_88, %lt3A_94 : i32
        %ne3A_96 = arith.xori %lt3A_93, %lt3A_95 : i1
        %and3A_97 = arith.andi %ne3A_96, %ne3A_91 : i1
        %add3A_98 = arith.addi %rem3A_89, %select_n3A_88 : i32
        %select_n3A_99 = arith.select %and3A_97, %add3A_98, %rem3A_89 : i32
        %eq3A_100 = arith.constant 1 : i32
        %eq3A_101 = arith.cmpi eq, %select_n3A_99, %eq3A_100 : i32
        %convert_element_type3A_102 = arith.extui %eq3A_101 : i1 to i32
        %cond3A_103 = arith.constant 0 : i32
        %cond3A_104 = arith.cmpi ne, %convert_element_type3A_102, %cond3A_103 : i32
        scf.if %cond3A_104 {
          %dma_wait3A_105 = arith.constant 0 : i32
          %dma_wait3A_106 = tpu.memref_slice %arg5[%dma_wait3A_105] : memref<160000xi32, #tpu.memory_space<hbm>> -> memref<128xi32, #tpu.memory_space<hbm>>
          %dma_wait3A_107 = arith.constant 0 : i32
          %dma_wait3A_108 = tpu.memref_slice %arg5[%dma_wait3A_107] : memref<160000xi32, #tpu.memory_space<hbm>> -> memref<128xi32, #tpu.memory_space<hbm>>
          tpu.wait_dma2 semaphore(%arg20 : memref<!tpu.dma_semaphore, #tpu.memory_space<semaphore_mem>>) src(%dma_wait3A_108 : memref<128xi32, #tpu.memory_space<hbm>>) dst(%arg11 : memref<128xi32, #tpu.memory_space<vmem>>)
          %dma_wait3A_109 = arith.constant 0 : i32
          %dma_wait3A_110 = arith.constant 0 : i32
          %dma_wait3A_111 = tpu.memref_slice %arg2[%dma_wait3A_109, %dma_wait3A_110] : memref<160000x128xf32, #tpu.memory_space<hbm>> -> memref<128x64xf32, #tpu.memory_space<hbm>>
          %dma_wait3A_112 = arith.constant 0 : i32
          %dma_wait3A_113 = arith.constant 0 : i32
          %dma_wait3A_114 = tpu.memref_slice %arg2[%dma_wait3A_112, %dma_wait3A_113] : memref<160000x128xf32, #tpu.memory_space<hbm>> -> memref<128x64xf32, #tpu.memory_space<hbm>>
          tpu.wait_dma2 semaphore(%arg22 : memref<!tpu.dma_semaphore, #tpu.memory_space<semaphore_mem>>) src(%dma_wait3A_114 : memref<128x64xf32, #tpu.memory_space<hbm>>) dst(%arg13 : memref<128x64xf32, #tpu.memory_space<vmem>>)
          %dma_start3A_115 = arith.constant 0 : i32
          %dma_start3A_116 = arith.constant 0 : i32
          %dma_start3A_117 = tpu.memref_slice %arg17[%dma_start3A_115, %dma_start3A_116] : memref<10000x64xf32, #tpu.memory_space<vmem_shared>> -> memref<10000x64xf32, #tpu.memory_space<vmem_shared>>
          tpu.enqueue_indirect_dma source(%arg13 : memref<128x64xf32, #tpu.memory_space<vmem>>) target(%dma_start3A_117 : memref<10000x64xf32, #tpu.memory_space<vmem_shared>>) offsets(%arg11 : memref<128xi32, #tpu.memory_space<vmem>>) semaphore(%arg24 : memref<!tpu.dma_semaphore, #tpu.memory_space<semaphore_mem>>) {add = true}
          %add3A_118 = arith.constant 1 : i32
          %add3A_119 = arith.addi %while3A_65, %add3A_118 : i32
          %lt3A_120 = arith.cmpi slt, %add3A_119, %add3A_2 : i32
          %convert_element_type3A_121 = arith.extui %lt3A_120 : i1 to i32
          %cond3A_122 = arith.constant 0 : i32
          %cond3A_123 = arith.cmpi ne, %convert_element_type3A_121, %cond3A_122 : i32
          scf.if %cond3A_123 {
            %ge3A = arith.constant 1 : i32
            %ge3A_124 = arith.cmpi sge, %while3A_65, %ge3A : i32
            %convert_element_type3A_125 = arith.extui %ge3A_124 : i1 to i32
            %cond3A_126 = arith.constant 0 : i32
            %cond3A_127 = arith.cmpi ne, %convert_element_type3A_125, %cond3A_126 : i32
            scf.if %cond3A_127 {
              %dma_wait3A_141 = arith.constant 0 : i32
              %dma_wait3A_142 = arith.constant 0 : i32
              %dma_wait3A_143 = tpu.memref_slice %arg17[%dma_wait3A_141, %dma_wait3A_142] : memref<10000x64xf32, #tpu.memory_space<vmem_shared>> -> memref<10000x64xf32, #tpu.memory_space<vmem_shared>>
              tpu.wait_indirect_dma semaphore(%arg23 : memref<!tpu.dma_semaphore, #tpu.memory_space<semaphore_mem>>) src(%arg12 : memref<128x64xf32, #tpu.memory_space<vmem>>) dst(%dma_wait3A_143 : memref<10000x64xf32, #tpu.memory_space<vmem_shared>>)
            } else {
            }
            %add3A_128 = arith.constant 1 : i32
            %add3A_129 = arith.addi %while3A_65, %add3A_128 : i32
            %mul3A_130 = arith.constant 16 : i32
            %mul3A_131 = arith.muli %add3A_129, %mul3A_130 : i32
            %add3A_132 = arith.addi %arg1, %mul3A_131 : i32
            %mul3A_133 = arith.constant 128 : i32
            %mul3A_134 = arith.muli %add3A_132, %mul3A_133 : i32
            %dma_start3A_135 = tpu.memref_slice %arg5[%mul3A_134] : memref<160000xi32, #tpu.memory_space<hbm>> -> memref<128xi32, #tpu.memory_space<hbm>>
            %dma_start3A_136 = tpu.memref_slice %arg5[%mul3A_134] : memref<160000xi32, #tpu.memory_space<hbm>> -> memref<128xi32, #tpu.memory_space<hbm>>
            tpu.enqueue_dma source(%dma_start3A_136 : memref<128xi32, #tpu.memory_space<hbm>>) target(%arg10 : memref<128xi32, #tpu.memory_space<vmem>>) target_semaphore(%arg19 : memref<!tpu.dma_semaphore, #tpu.memory_space<semaphore_mem>>)
            %dma_start3A_137 = arith.constant 0 : i32
            %dma_start3A_138 = tpu.memref_slice %arg2[%mul3A_134, %dma_start3A_137] : memref<160000x128xf32, #tpu.memory_space<hbm>> -> memref<128x64xf32, #tpu.memory_space<hbm>>
            %dma_start3A_139 = arith.constant 0 : i32
            %dma_start3A_140 = tpu.memref_slice %arg2[%mul3A_134, %dma_start3A_139] : memref<160000x128xf32, #tpu.memory_space<hbm>> -> memref<128x64xf32, #tpu.memory_space<hbm>>
            tpu.enqueue_dma source(%dma_start3A_140 : memref<128x64xf32, #tpu.memory_space<hbm>>) target(%arg12 : memref<128x64xf32, #tpu.memory_space<vmem>>) target_semaphore(%arg21 : memref<!tpu.dma_semaphore, #tpu.memory_space<semaphore_mem>>)
          } else {
          }
        } else {
        }
      }
      %while3A_51 = arith.constant 1 : i32
      scf.for %while3A_65 = %while3A_49 to %while3A_45 step %while3A_51  : i32 {
        %jit3A_66 = arith.constant 2 : i32
        %eq3A_67 = arith.constant 0 : i32
        %eq3A_68 = arith.cmpi eq, %jit3A_66, %eq3A_67 : i32
        %jit3A_69 = arith.constant 1 : i32
        %select_n3A_70 = arith.select %eq3A_68, %jit3A_69, %jit3A_66 : i32
        %rem3A = arith.remsi %while3A_65, %select_n3A_70 : i32
        %ne3A = arith.constant 0 : i32
        %ne3A_71 = arith.cmpi ne, %rem3A, %ne3A : i32
        %lt3A_72 = arith.constant 0 : i32
        %lt3A_73 = arith.cmpi slt, %rem3A, %lt3A_72 : i32
        %lt3A_74 = arith.constant 0 : i32
        %lt3A_75 = arith.cmpi slt, %select_n3A_70, %lt3A_74 : i32
        %ne3A_76 = arith.xori %lt3A_73, %lt3A_75 : i1
        %and3A = arith.andi %ne3A_76, %ne3A_71 : i1
        %add3A_77 = arith.addi %rem3A, %select_n3A_70 : i32
        %select_n3A_78 = arith.select %and3A, %add3A_77, %rem3A : i32
        %eq3A_79 = arith.constant 0 : i32
        %eq3A_80 = arith.cmpi eq, %select_n3A_78, %eq3A_79 : i32
        %convert_element_type3A_81 = arith.extui %eq3A_80 : i1 to i32
        %cond3A_82 = arith.constant 0 : i32
        %cond3A_83 = arith.cmpi ne, %convert_element_type3A_81, %cond3A_82 : i32
        scf.if %cond3A_83 {
          %dma_wait3A_105 = arith.constant 0 : i32
          %dma_wait3A_106 = tpu.memref_slice %arg5[%dma_wait3A_105] : memref<160000xi32, #tpu.memory_space<hbm>> -> memref<128xi32, #tpu.memory_space<hbm>>
          %dma_wait3A_107 = arith.constant 0 : i32
          %dma_wait3A_108 = tpu.memref_slice %arg5[%dma_wait3A_107] : memref<160000xi32, #tpu.memory_space<hbm>> -> memref<128xi32, #tpu.memory_space<hbm>>
          tpu.wait_dma2 semaphore(%arg19 : memref<!tpu.dma_semaphore, #tpu.memory_space<semaphore_mem>>) src(%dma_wait3A_108 : memref<128xi32, #tpu.memory_space<hbm>>) dst(%arg10 : memref<128xi32, #tpu.memory_space<vmem>>)
          %dma_wait3A_109 = arith.constant 0 : i32
          %dma_wait3A_110 = arith.constant 0 : i32
          %dma_wait3A_111 = tpu.memref_slice %arg2[%dma_wait3A_109, %dma_wait3A_110] : memref<160000x128xf32, #tpu.memory_space<hbm>> -> memref<128x64xf32, #tpu.memory_space<hbm>>
          %dma_wait3A_112 = arith.constant 0 : i32
          %dma_wait3A_113 = arith.constant 0 : i32
          %dma_wait3A_114 = tpu.memref_slice %arg2[%dma_wait3A_112, %dma_wait3A_113] : memref<160000x128xf32, #tpu.memory_space<hbm>> -> memref<128x64xf32, #tpu.memory_space<hbm>>
          tpu.wait_dma2 semaphore(%arg21 : memref<!tpu.dma_semaphore, #tpu.memory_space<semaphore_mem>>) src(%dma_wait3A_114 : memref<128x64xf32, #tpu.memory_space<hbm>>) dst(%arg12 : memref<128x64xf32, #tpu.memory_space<vmem>>)
          %dma_start3A_115 = arith.constant 0 : i32
          %dma_start3A_116 = arith.constant 0 : i32
          %dma_start3A_117 = tpu.memref_slice %arg17[%dma_start3A_115, %dma_start3A_116] : memref<10000x64xf32, #tpu.memory_space<vmem_shared>> -> memref<10000x64xf32, #tpu.memory_space<vmem_shared>>
          tpu.enqueue_indirect_dma source(%arg12 : memref<128x64xf32, #tpu.memory_space<vmem>>) target(%dma_start3A_117 : memref<10000x64xf32, #tpu.memory_space<vmem_shared>>) offsets(%arg10 : memref<128xi32, #tpu.memory_space<vmem>>) semaphore(%arg23 : memref<!tpu.dma_semaphore, #tpu.memory_space<semaphore_mem>>) {add = true}
          %add3A_118 = arith.constant 1 : i32
          %add3A_119 = arith.addi %while3A_65, %add3A_118 : i32
          %lt3A_120 = arith.cmpi slt, %add3A_119, %add3A_2 : i32
          %convert_element_type3A_121 = arith.extui %lt3A_120 : i1 to i32
          %cond3A_122 = arith.constant 0 : i32
          %cond3A_123 = arith.cmpi ne, %convert_element_type3A_121, %cond3A_122 : i32
          scf.if %cond3A_123 {
            %ge3A = arith.constant 1 : i32
            %ge3A_124 = arith.cmpi sge, %while3A_65, %ge3A : i32
            %convert_element_type3A_125 = arith.extui %ge3A_124 : i1 to i32
            %cond3A_126 = arith.constant 0 : i32
            %cond3A_127 = arith.cmpi ne, %convert_element_type3A_125, %cond3A_126 : i32
            scf.if %cond3A_127 {
              %dma_wait3A_141 = arith.constant 0 : i32
              %dma_wait3A_142 = arith.constant 0 : i32
              %dma_wait3A_143 = tpu.memref_slice %arg17[%dma_wait3A_141, %dma_wait3A_142] : memref<10000x64xf32, #tpu.memory_space<vmem_shared>> -> memref<10000x64xf32, #tpu.memory_space<vmem_shared>>
              tpu.wait_indirect_dma semaphore(%arg24 : memref<!tpu.dma_semaphore, #tpu.memory_space<semaphore_mem>>) src(%arg13 : memref<128x64xf32, #tpu.memory_space<vmem>>) dst(%dma_wait3A_143 : memref<10000x64xf32, #tpu.memory_space<vmem_shared>>)
            } else {
            }
            %add3A_128 = arith.constant 1 : i32
            %add3A_129 = arith.addi %while3A_65, %add3A_128 : i32
            %mul3A_130 = arith.constant 16 : i32
            %mul3A_131 = arith.muli %add3A_129, %mul3A_130 : i32
            %add3A_132 = arith.addi %arg1, %mul3A_131 : i32
            %mul3A_133 = arith.constant 128 : i32
            %mul3A_134 = arith.muli %add3A_132, %mul3A_133 : i32
            %dma_start3A_135 = tpu.memref_slice %arg5[%mul3A_134] : memref<160000xi32, #tpu.memory_space<hbm>> -> memref<128xi32, #tpu.memory_space<hbm>>
            %dma_start3A_136 = tpu.memref_slice %arg5[%mul3A_134] : memref<160000xi32, #tpu.memory_space<hbm>> -> memref<128xi32, #tpu.memory_space<hbm>>
            tpu.enqueue_dma source(%dma_start3A_136 : memref<128xi32, #tpu.memory_space<hbm>>) target(%arg11 : memref<128xi32, #tpu.memory_space<vmem>>) target_semaphore(%arg20 : memref<!tpu.dma_semaphore, #tpu.memory_space<semaphore_mem>>)
            %dma_start3A_137 = arith.constant 0 : i32
            %dma_start3A_138 = tpu.memref_slice %arg2[%mul3A_134, %dma_start3A_137] : memref<160000x128xf32, #tpu.memory_space<hbm>> -> memref<128x64xf32, #tpu.memory_space<hbm>>
            %dma_start3A_139 = arith.constant 0 : i32
            %dma_start3A_140 = tpu.memref_slice %arg2[%mul3A_134, %dma_start3A_139] : memref<160000x128xf32, #tpu.memory_space<hbm>> -> memref<128x64xf32, #tpu.memory_space<hbm>>
            tpu.enqueue_dma source(%dma_start3A_140 : memref<128x64xf32, #tpu.memory_space<hbm>>) target(%arg13 : memref<128x64xf32, #tpu.memory_space<vmem>>) target_semaphore(%arg22 : memref<!tpu.dma_semaphore, #tpu.memory_space<semaphore_mem>>)
          } else {
          }
        } else {
        }
        %jit3A_84 = arith.constant 2 : i32
        %eq3A_85 = arith.constant 0 : i32
        %eq3A_86 = arith.cmpi eq, %jit3A_84, %eq3A_85 : i32
        %jit3A_87 = arith.constant 1 : i32
        %select_n3A_88 = arith.select %eq3A_86, %jit3A_87, %jit3A_84 : i32
        %rem3A_89 = arith.remsi %while3A_65, %select_n3A_88 : i32
        %ne3A_90 = arith.constant 0 : i32
        %ne3A_91 = arith.cmpi ne, %rem3A_89, %ne3A_90 : i32
        %lt3A_92 = arith.constant 0 : i32
        %lt3A_93 = arith.cmpi slt, %rem3A_89, %lt3A_92 : i32
        %lt3A_94 = arith.constant 0 : i32
        %lt3A_95 = arith.cmpi slt, %select_n3A_88, %lt3A_94 : i32
        %ne3A_96 = arith.xori %lt3A_93, %lt3A_95 : i1
        %and3A_97 = arith.andi %ne3A_96, %ne3A_91 : i1
        %add3A_98 = arith.addi %rem3A_89, %select_n3A_88 : i32
        %select_n3A_99 = arith.select %and3A_97, %add3A_98, %rem3A_89 : i32
        %eq3A_100 = arith.constant 1 : i32
        %eq3A_101 = arith.cmpi eq, %select_n3A_99, %eq3A_100 : i32
        %convert_element_type3A_102 = arith.extui %eq3A_101 : i1 to i32
        %cond3A_103 = arith.constant 0 : i32
        %cond3A_104 = arith.cmpi ne, %convert_element_type3A_102, %cond3A_103 : i32
        scf.if %cond3A_104 {
          %dma_wait3A_105 = arith.constant 0 : i32
          %dma_wait3A_106 = tpu.memref_slice %arg5[%dma_wait3A_105] : memref<160000xi32, #tpu.memory_space<hbm>> -> memref<128xi32, #tpu.memory_space<hbm>>
          %dma_wait3A_107 = arith.constant 0 : i32
          %dma_wait3A_108 = tpu.memref_slice %arg5[%dma_wait3A_107] : memref<160000xi32, #tpu.memory_space<hbm>> -> memref<128xi32, #tpu.memory_space<hbm>>
          tpu.wait_dma2 semaphore(%arg20 : memref<!tpu.dma_semaphore, #tpu.memory_space<semaphore_mem>>) src(%dma_wait3A_108 : memref<128xi32, #tpu.memory_space<hbm>>) dst(%arg11 : memref<128xi32, #tpu.memory_space<vmem>>)
          %dma_wait3A_109 = arith.constant 0 : i32
          %dma_wait3A_110 = arith.constant 0 : i32
          %dma_wait3A_111 = tpu.memref_slice %arg2[%dma_wait3A_109, %dma_wait3A_110] : memref<160000x128xf32, #tpu.memory_space<hbm>> -> memref<128x64xf32, #tpu.memory_space<hbm>>
          %dma_wait3A_112 = arith.constant 0 : i32
          %dma_wait3A_113 = arith.constant 0 : i32
          %dma_wait3A_114 = tpu.memref_slice %arg2[%dma_wait3A_112, %dma_wait3A_113] : memref<160000x128xf32, #tpu.memory_space<hbm>> -> memref<128x64xf32, #tpu.memory_space<hbm>>
          tpu.wait_dma2 semaphore(%arg22 : memref<!tpu.dma_semaphore, #tpu.memory_space<semaphore_mem>>) src(%dma_wait3A_114 : memref<128x64xf32, #tpu.memory_space<hbm>>) dst(%arg13 : memref<128x64xf32, #tpu.memory_space<vmem>>)
          %dma_start3A_115 = arith.constant 0 : i32
          %dma_start3A_116 = arith.constant 0 : i32
          %dma_start3A_117 = tpu.memref_slice %arg17[%dma_start3A_115, %dma_start3A_116] : memref<10000x64xf32, #tpu.memory_space<vmem_shared>> -> memref<10000x64xf32, #tpu.memory_space<vmem_shared>>
          tpu.enqueue_indirect_dma source(%arg13 : memref<128x64xf32, #tpu.memory_space<vmem>>) target(%dma_start3A_117 : memref<10000x64xf32, #tpu.memory_space<vmem_shared>>) offsets(%arg11 : memref<128xi32, #tpu.memory_space<vmem>>) semaphore(%arg24 : memref<!tpu.dma_semaphore, #tpu.memory_space<semaphore_mem>>) {add = true}
          %add3A_118 = arith.constant 1 : i32
          %add3A_119 = arith.addi %while3A_65, %add3A_118 : i32
          %lt3A_120 = arith.cmpi slt, %add3A_119, %add3A_2 : i32
          %convert_element_type3A_121 = arith.extui %lt3A_120 : i1 to i32
          %cond3A_122 = arith.constant 0 : i32
          %cond3A_123 = arith.cmpi ne, %convert_element_type3A_121, %cond3A_122 : i32
          scf.if %cond3A_123 {
            %ge3A = arith.constant 1 : i32
            %ge3A_124 = arith.cmpi sge, %while3A_65, %ge3A : i32
            %convert_element_type3A_125 = arith.extui %ge3A_124 : i1 to i32
            %cond3A_126 = arith.constant 0 : i32
            %cond3A_127 = arith.cmpi ne, %convert_element_type3A_125, %cond3A_126 : i32
            scf.if %cond3A_127 {
              %dma_wait3A_141 = arith.constant 0 : i32
              %dma_wait3A_142 = arith.constant 0 : i32
              %dma_wait3A_143 = tpu.memref_slice %arg17[%dma_wait3A_141, %dma_wait3A_142] : memref<10000x64xf32, #tpu.memory_space<vmem_shared>> -> memref<10000x64xf32, #tpu.memory_space<vmem_shared>>
              tpu.wait_indirect_dma semaphore(%arg23 : memref<!tpu.dma_semaphore, #tpu.memory_space<semaphore_mem>>) src(%arg12 : memref<128x64xf32, #tpu.memory_space<vmem>>) dst(%dma_wait3A_143 : memref<10000x64xf32, #tpu.memory_space<vmem_shared>>)
            } else {
            }
            %add3A_128 = arith.constant 1 : i32
            %add3A_129 = arith.addi %while3A_65, %add3A_128 : i32
            %mul3A_130 = arith.constant 16 : i32
            %mul3A_131 = arith.muli %add3A_129, %mul3A_130 : i32
            %add3A_132 = arith.addi %arg1, %mul3A_131 : i32
            %mul3A_133 = arith.constant 128 : i32
            %mul3A_134 = arith.muli %add3A_132, %mul3A_133 : i32
            %dma_start3A_135 = tpu.memref_slice %arg5[%mul3A_134] : memref<160000xi32, #tpu.memory_space<hbm>> -> memref<128xi32, #tpu.memory_space<hbm>>
            %dma_start3A_136 = tpu.memref_slice %arg5[%mul3A_134] : memref<160000xi32, #tpu.memory_space<hbm>> -> memref<128xi32, #tpu.memory_space<hbm>>
            tpu.enqueue_dma source(%dma_start3A_136 : memref<128xi32, #tpu.memory_space<hbm>>) target(%arg10 : memref<128xi32, #tpu.memory_space<vmem>>) target_semaphore(%arg19 : memref<!tpu.dma_semaphore, #tpu.memory_space<semaphore_mem>>)
            %dma_start3A_137 = arith.constant 0 : i32
            %dma_start3A_138 = tpu.memref_slice %arg2[%mul3A_134, %dma_start3A_137] : memref<160000x128xf32, #tpu.memory_space<hbm>> -> memref<128x64xf32, #tpu.memory_space<hbm>>
            %dma_start3A_139 = arith.constant 0 : i32
            %dma_start3A_140 = tpu.memref_slice %arg2[%mul3A_134, %dma_start3A_139] : memref<160000x128xf32, #tpu.memory_space<hbm>> -> memref<128x64xf32, #tpu.memory_space<hbm>>
            tpu.enqueue_dma source(%dma_start3A_140 : memref<128x64xf32, #tpu.memory_space<hbm>>) target(%arg12 : memref<128x64xf32, #tpu.memory_space<vmem>>) target_semaphore(%arg21 : memref<!tpu.dma_semaphore, #tpu.memory_space<semaphore_mem>>)
          } else {
          }
        } else {
        }
      }
      %dma_wait3A = arith.constant 0 : i32
      %dma_wait3A_52 = arith.constant 0 : i32
      %dma_wait3A_53 = tpu.memref_slice %arg17[%dma_wait3A, %dma_wait3A_52] : memref<10000x64xf32, #tpu.memory_space<vmem_shared>> -> memref<10000x64xf32, #tpu.memory_space<vmem_shared>>
      tpu.wait_indirect_dma semaphore(%arg23 : memref<!tpu.dma_semaphore, #tpu.memory_space<semaphore_mem>>) src(%arg12 : memref<128x64xf32, #tpu.memory_space<vmem>>) dst(%dma_wait3A_53 : memref<10000x64xf32, #tpu.memory_space<vmem_shared>>)
      %dma_wait3A_54 = arith.constant 0 : i32
      %dma_wait3A_55 = arith.constant 0 : i32
      %dma_wait3A_56 = tpu.memref_slice %arg17[%dma_wait3A_54, %dma_wait3A_55] : memref<10000x64xf32, #tpu.memory_space<vmem_shared>> -> memref<10000x64xf32, #tpu.memory_space<vmem_shared>>
      tpu.wait_indirect_dma semaphore(%arg24 : memref<!tpu.dma_semaphore, #tpu.memory_space<semaphore_mem>>) src(%arg13 : memref<128x64xf32, #tpu.memory_space<vmem>>) dst(%dma_wait3A_56 : memref<10000x64xf32, #tpu.memory_space<vmem_shared>>)
      %barrier3A_57 = arith.constant 0 : index
      tpu.barrier barrier_id(%barrier3A_57)
      %scan3A_58 = arith.constant 0 : i32
      %scan3A_59 = arith.constant 0 : i32
      %scan3A_60 = arith.constant 5 : i32
      %scan3A_61 = arith.addi %scan3A_59, %scan3A_60 : i32
      %scan3A_62 = arith.constant 1 : i32
      scf.for %scan3A_65 = %scan3A_59 to %scan3A_61 step %scan3A_62  : i32 {
        %mul3A_66 = arith.constant 625 : i32
        %mul3A_67 = arith.muli %arg1, %mul3A_66 : i32
        %mul3A_68 = arith.constant 125 : i32
        %mul3A_69 = arith.muli %scan3A_65, %mul3A_68 : i32
        %add3A_70 = arith.addi %mul3A_67, %mul3A_69 : i32
        "tpu.region"() ({
          %run_scoped3A = tpu.sem_alloc : memref<!tpu.dma_semaphore, #tpu.memory_space<semaphore_mem>>
          %dma_start3A_71 = arith.constant 0 : i32
          %dma_start3A_72 = arith.constant 0 : i32
          %dma_start3A_73 = tpu.memref_slice %arg12[%dma_start3A_71, %dma_start3A_72] : memref<128x64xf32, #tpu.memory_space<vmem>> -> memref<125x64xf32, #tpu.memory_space<vmem>>
          %dma_start3A_74 = arith.constant 0 : i32
          %dma_start3A_75 = tpu.memref_slice %arg17[%add3A_70, %dma_start3A_74] : memref<10000x64xf32, #tpu.memory_space<vmem_shared>> -> memref<125x64xf32, #tpu.memory_space<vmem_shared>>
          %dma_start3A_76 = arith.constant 0 : i32
          %dma_start3A_77 = arith.constant 0 : i32
          %dma_start3A_78 = tpu.memref_slice %arg12[%dma_start3A_76, %dma_start3A_77] : memref<128x64xf32, #tpu.memory_space<vmem>> -> memref<125x64xf32, #tpu.memory_space<vmem>>
          %dma_start3A_79 = arith.constant 0 : i32
          %dma_start3A_80 = tpu.memref_slice %arg17[%add3A_70, %dma_start3A_79] : memref<10000x64xf32, #tpu.memory_space<vmem_shared>> -> memref<125x64xf32, #tpu.memory_space<vmem_shared>>
          tpu.enqueue_dma source(%dma_start3A_80 : memref<125x64xf32, #tpu.memory_space<vmem_shared>>) target(%dma_start3A_78 : memref<125x64xf32, #tpu.memory_space<vmem>>) target_semaphore(%run_scoped3A : memref<!tpu.dma_semaphore, #tpu.memory_space<semaphore_mem>>)
          %dma_wait3A_81 = arith.constant 0 : i32
          %dma_wait3A_82 = arith.constant 0 : i32
          %dma_wait3A_83 = tpu.memref_slice %arg12[%dma_wait3A_81, %dma_wait3A_82] : memref<128x64xf32, #tpu.memory_space<vmem>> -> memref<125x64xf32, #tpu.memory_space<vmem>>
          %dma_wait3A_84 = arith.constant 0 : i32
          %dma_wait3A_85 = tpu.memref_slice %arg17[%add3A_70, %dma_wait3A_84] : memref<10000x64xf32, #tpu.memory_space<vmem_shared>> -> memref<125x64xf32, #tpu.memory_space<vmem_shared>>
          %dma_wait3A_86 = arith.constant 0 : i32
          %dma_wait3A_87 = arith.constant 0 : i32
          %dma_wait3A_88 = tpu.memref_slice %arg12[%dma_wait3A_86, %dma_wait3A_87] : memref<128x64xf32, #tpu.memory_space<vmem>> -> memref<125x64xf32, #tpu.memory_space<vmem>>
          %dma_wait3A_89 = arith.constant 0 : i32
          %dma_wait3A_90 = tpu.memref_slice %arg17[%add3A_70, %dma_wait3A_89] : memref<10000x64xf32, #tpu.memory_space<vmem_shared>> -> memref<125x64xf32, #tpu.memory_space<vmem_shared>>
          tpu.wait_dma2 semaphore(%run_scoped3A : memref<!tpu.dma_semaphore, #tpu.memory_space<semaphore_mem>>) src(%dma_wait3A_90 : memref<125x64xf32, #tpu.memory_space<vmem_shared>>) dst(%dma_wait3A_88 : memref<125x64xf32, #tpu.memory_space<vmem>>)
          tpu.yield
        }) : () -> ()
        "tpu.region"() ({
          %run_scoped3A = tpu.sem_alloc : memref<!tpu.dma_semaphore, #tpu.memory_space<semaphore_mem>>
          %dma_start3A_71 = arith.constant 0 : i32
          %dma_start3A_72 = arith.constant 0 : i32
          %dma_start3A_73 = tpu.memref_slice %arg12[%dma_start3A_71, %dma_start3A_72] : memref<128x64xf32, #tpu.memory_space<vmem>> -> memref<125x64xf32, #tpu.memory_space<vmem>>
          %dma_start3A_74 = arith.constant 0 : i32
          %dma_start3A_75 = tpu.memref_slice %arg7[%add3A_70, %dma_start3A_74] : memref<10000x128xf32, #tpu.memory_space<hbm>> -> memref<125x64xf32, #tpu.memory_space<hbm>>
          %dma_start3A_76 = arith.constant 0 : i32
          %dma_start3A_77 = tpu.memref_slice %arg7[%add3A_70, %dma_start3A_76] : memref<10000x128xf32, #tpu.memory_space<hbm>> -> memref<125x64xf32, #tpu.memory_space<hbm>>
          %dma_start3A_78 = arith.constant 0 : i32
          %dma_start3A_79 = arith.constant 0 : i32
          %dma_start3A_80 = tpu.memref_slice %arg12[%dma_start3A_78, %dma_start3A_79] : memref<128x64xf32, #tpu.memory_space<vmem>> -> memref<125x64xf32, #tpu.memory_space<vmem>>
          tpu.enqueue_dma source(%dma_start3A_80 : memref<125x64xf32, #tpu.memory_space<vmem>>) target(%dma_start3A_77 : memref<125x64xf32, #tpu.memory_space<hbm>>) target_semaphore(%run_scoped3A : memref<!tpu.dma_semaphore, #tpu.memory_space<semaphore_mem>>)
          %dma_wait3A_81 = arith.constant 0 : i32
          %dma_wait3A_82 = arith.constant 0 : i32
          %dma_wait3A_83 = tpu.memref_slice %arg12[%dma_wait3A_81, %dma_wait3A_82] : memref<128x64xf32, #tpu.memory_space<vmem>> -> memref<125x64xf32, #tpu.memory_space<vmem>>
          %dma_wait3A_84 = arith.constant 0 : i32
          %dma_wait3A_85 = tpu.memref_slice %arg7[%add3A_70, %dma_wait3A_84] : memref<10000x128xf32, #tpu.memory_space<hbm>> -> memref<125x64xf32, #tpu.memory_space<hbm>>
          %dma_wait3A_86 = arith.constant 0 : i32
          %dma_wait3A_87 = tpu.memref_slice %arg7[%add3A_70, %dma_wait3A_86] : memref<10000x128xf32, #tpu.memory_space<hbm>> -> memref<125x64xf32, #tpu.memory_space<hbm>>
          %dma_wait3A_88 = arith.constant 0 : i32
          %dma_wait3A_89 = arith.constant 0 : i32
          %dma_wait3A_90 = tpu.memref_slice %arg12[%dma_wait3A_88, %dma_wait3A_89] : memref<128x64xf32, #tpu.memory_space<vmem>> -> memref<125x64xf32, #tpu.memory_space<vmem>>
          tpu.wait_dma2 semaphore(%run_scoped3A : memref<!tpu.dma_semaphore, #tpu.memory_space<semaphore_mem>>) src(%dma_wait3A_90 : memref<125x64xf32, #tpu.memory_space<vmem>>) dst(%dma_wait3A_87 : memref<125x64xf32, #tpu.memory_space<hbm>>)
          tpu.yield
        }) : () -> ()
      }
      %scan3A_63 = arith.constant 5 : i32
      %barrier3A_64 = arith.constant 0 : index
      tpu.barrier barrier_id(%barrier3A_64)
    } else {
    }
    %eq3A_5 = arith.constant 1 : i32
    %eq3A_6 = arith.cmpi eq, %arg0, %eq3A_5 : i32
    %convert_element_type3A_7 = arith.extui %eq3A_6 : i1 to i32
    %cond3A_8 = arith.constant 0 : i32
    %cond3A_9 = arith.cmpi ne, %convert_element_type3A_7, %cond3A_8 : i32
    scf.if %cond3A_9 {
      %scan3A = arith.constant 0 : i32
      %scan3A_30 = arith.constant 0 : i32
      %scan3A_31 = arith.constant 25 : i32
      %scan3A_32 = arith.addi %scan3A_30, %scan3A_31 : i32
      %scan3A_33 = arith.constant 1 : i32
      scf.for %scan3A_65 = %scan3A_30 to %scan3A_32 step %scan3A_33  : i32 {
        %mul3A_66 = arith.constant 625 : i32
        %mul3A_67 = arith.muli %arg1, %mul3A_66 : i32
        %mul3A_68 = arith.constant 25 : i32
        %mul3A_69 = arith.muli %scan3A_65, %mul3A_68 : i32
        %add3A_70 = arith.addi %mul3A_67, %mul3A_69 : i32
        "tpu.region"() ({
          %run_scoped3A = tpu.sem_alloc : memref<!tpu.dma_semaphore, #tpu.memory_space<semaphore_mem>>
          %dma_start3A_71 = arith.constant 0 : i32
          %dma_start3A_72 = arith.constant 0 : i32
          %dma_start3A_73 = tpu.memref_slice %arg16[%dma_start3A_71, %dma_start3A_72] : memref<25x64xf32, #tpu.memory_space<vmem>> -> memref<25x64xf32, #tpu.memory_space<vmem>>
          %dma_start3A_74 = arith.constant 0 : i32
          %dma_start3A_75 = tpu.memref_slice %arg17[%add3A_70, %dma_start3A_74] : memref<10000x64xf32, #tpu.memory_space<vmem_shared>> -> memref<25x64xf32, #tpu.memory_space<vmem_shared>>
          %dma_start3A_76 = arith.constant 0 : i32
          %dma_start3A_77 = tpu.memref_slice %arg17[%add3A_70, %dma_start3A_76] : memref<10000x64xf32, #tpu.memory_space<vmem_shared>> -> memref<25x64xf32, #tpu.memory_space<vmem_shared>>
          %dma_start3A_78 = arith.constant 0 : i32
          %dma_start3A_79 = arith.constant 0 : i32
          %dma_start3A_80 = tpu.memref_slice %arg16[%dma_start3A_78, %dma_start3A_79] : memref<25x64xf32, #tpu.memory_space<vmem>> -> memref<25x64xf32, #tpu.memory_space<vmem>>
          tpu.enqueue_dma source(%dma_start3A_80 : memref<25x64xf32, #tpu.memory_space<vmem>>) target(%dma_start3A_77 : memref<25x64xf32, #tpu.memory_space<vmem_shared>>) target_semaphore(%run_scoped3A : memref<!tpu.dma_semaphore, #tpu.memory_space<semaphore_mem>>)
          %dma_wait3A_81 = arith.constant 0 : i32
          %dma_wait3A_82 = arith.constant 0 : i32
          %dma_wait3A_83 = tpu.memref_slice %arg16[%dma_wait3A_81, %dma_wait3A_82] : memref<25x64xf32, #tpu.memory_space<vmem>> -> memref<25x64xf32, #tpu.memory_space<vmem>>
          %dma_wait3A_84 = arith.constant 0 : i32
          %dma_wait3A_85 = tpu.memref_slice %arg17[%add3A_70, %dma_wait3A_84] : memref<10000x64xf32, #tpu.memory_space<vmem_shared>> -> memref<25x64xf32, #tpu.memory_space<vmem_shared>>
          %dma_wait3A_86 = arith.constant 0 : i32
          %dma_wait3A_87 = tpu.memref_slice %arg17[%add3A_70, %dma_wait3A_86] : memref<10000x64xf32, #tpu.memory_space<vmem_shared>> -> memref<25x64xf32, #tpu.memory_space<vmem_shared>>
          %dma_wait3A_88 = arith.constant 0 : i32
          %dma_wait3A_89 = arith.constant 0 : i32
          %dma_wait3A_90 = tpu.memref_slice %arg16[%dma_wait3A_88, %dma_wait3A_89] : memref<25x64xf32, #tpu.memory_space<vmem>> -> memref<25x64xf32, #tpu.memory_space<vmem>>
          tpu.wait_dma2 semaphore(%run_scoped3A : memref<!tpu.dma_semaphore, #tpu.memory_space<semaphore_mem>>) src(%dma_wait3A_90 : memref<25x64xf32, #tpu.memory_space<vmem>>) dst(%dma_wait3A_87 : memref<25x64xf32, #tpu.memory_space<vmem_shared>>)
          tpu.yield
        }) : () -> ()
      }
      %scan3A_34 = arith.constant 25 : i32
      %barrier3A = arith.constant 0 : index
      tpu.barrier barrier_id(%barrier3A)
      %add3A_35 = arith.constant 0 : i32
      %add3A_36 = arith.addi %arg1, %add3A_35 : i32
      %mul3A = arith.constant 128 : i32
      %mul3A_37 = arith.muli %add3A_36, %mul3A : i32
      %dma_start3A = tpu.memref_slice %arg5[%mul3A_37] : memref<160000xi32, #tpu.memory_space<hbm>> -> memref<128xi32, #tpu.memory_space<hbm>>
      %dma_start3A_38 = tpu.memref_slice %arg5[%mul3A_37] : memref<160000xi32, #tpu.memory_space<hbm>> -> memref<128xi32, #tpu.memory_space<hbm>>
      tpu.enqueue_dma source(%dma_start3A_38 : memref<128xi32, #tpu.memory_space<hbm>>) target(%arg10 : memref<128xi32, #tpu.memory_space<vmem>>) target_semaphore(%arg19 : memref<!tpu.dma_semaphore, #tpu.memory_space<semaphore_mem>>)
      %dma_start3A_39 = arith.constant 64 : i32
      %dma_start3A_40 = tpu.memref_slice %arg2[%mul3A_37, %dma_start3A_39] : memref<160000x128xf32, #tpu.memory_space<hbm>> -> memref<128x64xf32, #tpu.memory_space<hbm>>
      %dma_start3A_41 = arith.constant 64 : i32
      %dma_start3A_42 = tpu.memref_slice %arg2[%mul3A_37, %dma_start3A_41] : memref<160000x128xf32, #tpu.memory_space<hbm>> -> memref<128x64xf32, #tpu.memory_space<hbm>>
      tpu.enqueue_dma source(%dma_start3A_42 : memref<128x64xf32, #tpu.memory_space<hbm>>) target(%arg12 : memref<128x64xf32, #tpu.memory_space<vmem>>) target_semaphore(%arg21 : memref<!tpu.dma_semaphore, #tpu.memory_space<semaphore_mem>>)
      %while3A = arith.constant 0 : i32
      %while3A_43 = arith.constant 0 : i32
      %while3A_44 = arith.subi %add3A_2, %while3A_43 : i32
      %while3A_45 = arith.addi %while3A_43, %while3A_44 : i32
      %while3A_46 = arith.constant 1 : i32
      %while3A_47 = arith.divsi %while3A_44, %while3A_46 : i32
      %while3A_48 = arith.muli %while3A_47, %while3A_46 : i32
      %while3A_49 = arith.addi %while3A_43, %while3A_48 : i32
      %while3A_50 = arith.constant 1 : i32
      scf.for %while3A_65 = %while3A_43 to %while3A_49 step %while3A_50  : i32 {
        %jit3A_66 = arith.constant 2 : i32
        %eq3A_67 = arith.constant 0 : i32
        %eq3A_68 = arith.cmpi eq, %jit3A_66, %eq3A_67 : i32
        %jit3A_69 = arith.constant 1 : i32
        %select_n3A_70 = arith.select %eq3A_68, %jit3A_69, %jit3A_66 : i32
        %rem3A = arith.remsi %while3A_65, %select_n3A_70 : i32
        %ne3A = arith.constant 0 : i32
        %ne3A_71 = arith.cmpi ne, %rem3A, %ne3A : i32
        %lt3A_72 = arith.constant 0 : i32
        %lt3A_73 = arith.cmpi slt, %rem3A, %lt3A_72 : i32
        %lt3A_74 = arith.constant 0 : i32
        %lt3A_75 = arith.cmpi slt, %select_n3A_70, %lt3A_74 : i32
        %ne3A_76 = arith.xori %lt3A_73, %lt3A_75 : i1
        %and3A = arith.andi %ne3A_76, %ne3A_71 : i1
        %add3A_77 = arith.addi %rem3A, %select_n3A_70 : i32
        %select_n3A_78 = arith.select %and3A, %add3A_77, %rem3A : i32
        %eq3A_79 = arith.constant 0 : i32
        %eq3A_80 = arith.cmpi eq, %select_n3A_78, %eq3A_79 : i32
        %convert_element_type3A_81 = arith.extui %eq3A_80 : i1 to i32
        %cond3A_82 = arith.constant 0 : i32
        %cond3A_83 = arith.cmpi ne, %convert_element_type3A_81, %cond3A_82 : i32
        scf.if %cond3A_83 {
          %dma_wait3A_105 = arith.constant 0 : i32
          %dma_wait3A_106 = tpu.memref_slice %arg5[%dma_wait3A_105] : memref<160000xi32, #tpu.memory_space<hbm>> -> memref<128xi32, #tpu.memory_space<hbm>>
          %dma_wait3A_107 = arith.constant 0 : i32
          %dma_wait3A_108 = tpu.memref_slice %arg5[%dma_wait3A_107] : memref<160000xi32, #tpu.memory_space<hbm>> -> memref<128xi32, #tpu.memory_space<hbm>>
          tpu.wait_dma2 semaphore(%arg19 : memref<!tpu.dma_semaphore, #tpu.memory_space<semaphore_mem>>) src(%dma_wait3A_108 : memref<128xi32, #tpu.memory_space<hbm>>) dst(%arg10 : memref<128xi32, #tpu.memory_space<vmem>>)
          %dma_wait3A_109 = arith.constant 0 : i32
          %dma_wait3A_110 = arith.constant 64 : i32
          %dma_wait3A_111 = tpu.memref_slice %arg2[%dma_wait3A_109, %dma_wait3A_110] : memref<160000x128xf32, #tpu.memory_space<hbm>> -> memref<128x64xf32, #tpu.memory_space<hbm>>
          %dma_wait3A_112 = arith.constant 0 : i32
          %dma_wait3A_113 = arith.constant 64 : i32
          %dma_wait3A_114 = tpu.memref_slice %arg2[%dma_wait3A_112, %dma_wait3A_113] : memref<160000x128xf32, #tpu.memory_space<hbm>> -> memref<128x64xf32, #tpu.memory_space<hbm>>
          tpu.wait_dma2 semaphore(%arg21 : memref<!tpu.dma_semaphore, #tpu.memory_space<semaphore_mem>>) src(%dma_wait3A_114 : memref<128x64xf32, #tpu.memory_space<hbm>>) dst(%arg12 : memref<128x64xf32, #tpu.memory_space<vmem>>)
          %dma_start3A_115 = arith.constant 0 : i32
          %dma_start3A_116 = arith.constant 0 : i32
          %dma_start3A_117 = tpu.memref_slice %arg17[%dma_start3A_115, %dma_start3A_116] : memref<10000x64xf32, #tpu.memory_space<vmem_shared>> -> memref<10000x64xf32, #tpu.memory_space<vmem_shared>>
          tpu.enqueue_indirect_dma source(%arg12 : memref<128x64xf32, #tpu.memory_space<vmem>>) target(%dma_start3A_117 : memref<10000x64xf32, #tpu.memory_space<vmem_shared>>) offsets(%arg10 : memref<128xi32, #tpu.memory_space<vmem>>) semaphore(%arg23 : memref<!tpu.dma_semaphore, #tpu.memory_space<semaphore_mem>>) {add = true}
          %add3A_118 = arith.constant 1 : i32
          %add3A_119 = arith.addi %while3A_65, %add3A_118 : i32
          %lt3A_120 = arith.cmpi slt, %add3A_119, %add3A_2 : i32
          %convert_element_type3A_121 = arith.extui %lt3A_120 : i1 to i32
          %cond3A_122 = arith.constant 0 : i32
          %cond3A_123 = arith.cmpi ne, %convert_element_type3A_121, %cond3A_122 : i32
          scf.if %cond3A_123 {
            %ge3A = arith.constant 1 : i32
            %ge3A_124 = arith.cmpi sge, %while3A_65, %ge3A : i32
            %convert_element_type3A_125 = arith.extui %ge3A_124 : i1 to i32
            %cond3A_126 = arith.constant 0 : i32
            %cond3A_127 = arith.cmpi ne, %convert_element_type3A_125, %cond3A_126 : i32
            scf.if %cond3A_127 {
              %dma_wait3A_141 = arith.constant 0 : i32
              %dma_wait3A_142 = arith.constant 0 : i32
              %dma_wait3A_143 = tpu.memref_slice %arg17[%dma_wait3A_141, %dma_wait3A_142] : memref<10000x64xf32, #tpu.memory_space<vmem_shared>> -> memref<10000x64xf32, #tpu.memory_space<vmem_shared>>
              tpu.wait_indirect_dma semaphore(%arg24 : memref<!tpu.dma_semaphore, #tpu.memory_space<semaphore_mem>>) src(%arg13 : memref<128x64xf32, #tpu.memory_space<vmem>>) dst(%dma_wait3A_143 : memref<10000x64xf32, #tpu.memory_space<vmem_shared>>)
            } else {
            }
            %add3A_128 = arith.constant 1 : i32
            %add3A_129 = arith.addi %while3A_65, %add3A_128 : i32
            %mul3A_130 = arith.constant 16 : i32
            %mul3A_131 = arith.muli %add3A_129, %mul3A_130 : i32
            %add3A_132 = arith.addi %arg1, %mul3A_131 : i32
            %mul3A_133 = arith.constant 128 : i32
            %mul3A_134 = arith.muli %add3A_132, %mul3A_133 : i32
            %dma_start3A_135 = tpu.memref_slice %arg5[%mul3A_134] : memref<160000xi32, #tpu.memory_space<hbm>> -> memref<128xi32, #tpu.memory_space<hbm>>
            %dma_start3A_136 = tpu.memref_slice %arg5[%mul3A_134] : memref<160000xi32, #tpu.memory_space<hbm>> -> memref<128xi32, #tpu.memory_space<hbm>>
            tpu.enqueue_dma source(%dma_start3A_136 : memref<128xi32, #tpu.memory_space<hbm>>) target(%arg11 : memref<128xi32, #tpu.memory_space<vmem>>) target_semaphore(%arg20 : memref<!tpu.dma_semaphore, #tpu.memory_space<semaphore_mem>>)
            %dma_start3A_137 = arith.constant 64 : i32
            %dma_start3A_138 = tpu.memref_slice %arg2[%mul3A_134, %dma_start3A_137] : memref<160000x128xf32, #tpu.memory_space<hbm>> -> memref<128x64xf32, #tpu.memory_space<hbm>>
            %dma_start3A_139 = arith.constant 64 : i32
            %dma_start3A_140 = tpu.memref_slice %arg2[%mul3A_134, %dma_start3A_139] : memref<160000x128xf32, #tpu.memory_space<hbm>> -> memref<128x64xf32, #tpu.memory_space<hbm>>
            tpu.enqueue_dma source(%dma_start3A_140 : memref<128x64xf32, #tpu.memory_space<hbm>>) target(%arg13 : memref<128x64xf32, #tpu.memory_space<vmem>>) target_semaphore(%arg22 : memref<!tpu.dma_semaphore, #tpu.memory_space<semaphore_mem>>)
          } else {
          }
        } else {
        }
        %jit3A_84 = arith.constant 2 : i32
        %eq3A_85 = arith.constant 0 : i32
        %eq3A_86 = arith.cmpi eq, %jit3A_84, %eq3A_85 : i32
        %jit3A_87 = arith.constant 1 : i32
        %select_n3A_88 = arith.select %eq3A_86, %jit3A_87, %jit3A_84 : i32
        %rem3A_89 = arith.remsi %while3A_65, %select_n3A_88 : i32
        %ne3A_90 = arith.constant 0 : i32
        %ne3A_91 = arith.cmpi ne, %rem3A_89, %ne3A_90 : i32
        %lt3A_92 = arith.constant 0 : i32
        %lt3A_93 = arith.cmpi slt, %rem3A_89, %lt3A_92 : i32
        %lt3A_94 = arith.constant 0 : i32
        %lt3A_95 = arith.cmpi slt, %select_n3A_88, %lt3A_94 : i32
        %ne3A_96 = arith.xori %lt3A_93, %lt3A_95 : i1
        %and3A_97 = arith.andi %ne3A_96, %ne3A_91 : i1
        %add3A_98 = arith.addi %rem3A_89, %select_n3A_88 : i32
        %select_n3A_99 = arith.select %and3A_97, %add3A_98, %rem3A_89 : i32
        %eq3A_100 = arith.constant 1 : i32
        %eq3A_101 = arith.cmpi eq, %select_n3A_99, %eq3A_100 : i32
        %convert_element_type3A_102 = arith.extui %eq3A_101 : i1 to i32
        %cond3A_103 = arith.constant 0 : i32
        %cond3A_104 = arith.cmpi ne, %convert_element_type3A_102, %cond3A_103 : i32
        scf.if %cond3A_104 {
          %dma_wait3A_105 = arith.constant 0 : i32
          %dma_wait3A_106 = tpu.memref_slice %arg5[%dma_wait3A_105] : memref<160000xi32, #tpu.memory_space<hbm>> -> memref<128xi32, #tpu.memory_space<hbm>>
          %dma_wait3A_107 = arith.constant 0 : i32
          %dma_wait3A_108 = tpu.memref_slice %arg5[%dma_wait3A_107] : memref<160000xi32, #tpu.memory_space<hbm>> -> memref<128xi32, #tpu.memory_space<hbm>>
          tpu.wait_dma2 semaphore(%arg20 : memref<!tpu.dma_semaphore, #tpu.memory_space<semaphore_mem>>) src(%dma_wait3A_108 : memref<128xi32, #tpu.memory_space<hbm>>) dst(%arg11 : memref<128xi32, #tpu.memory_space<vmem>>)
          %dma_wait3A_109 = arith.constant 0 : i32
          %dma_wait3A_110 = arith.constant 64 : i32
          %dma_wait3A_111 = tpu.memref_slice %arg2[%dma_wait3A_109, %dma_wait3A_110] : memref<160000x128xf32, #tpu.memory_space<hbm>> -> memref<128x64xf32, #tpu.memory_space<hbm>>
          %dma_wait3A_112 = arith.constant 0 : i32
          %dma_wait3A_113 = arith.constant 64 : i32
          %dma_wait3A_114 = tpu.memref_slice %arg2[%dma_wait3A_112, %dma_wait3A_113] : memref<160000x128xf32, #tpu.memory_space<hbm>> -> memref<128x64xf32, #tpu.memory_space<hbm>>
          tpu.wait_dma2 semaphore(%arg22 : memref<!tpu.dma_semaphore, #tpu.memory_space<semaphore_mem>>) src(%dma_wait3A_114 : memref<128x64xf32, #tpu.memory_space<hbm>>) dst(%arg13 : memref<128x64xf32, #tpu.memory_space<vmem>>)
          %dma_start3A_115 = arith.constant 0 : i32
          %dma_start3A_116 = arith.constant 0 : i32
          %dma_start3A_117 = tpu.memref_slice %arg17[%dma_start3A_115, %dma_start3A_116] : memref<10000x64xf32, #tpu.memory_space<vmem_shared>> -> memref<10000x64xf32, #tpu.memory_space<vmem_shared>>
          tpu.enqueue_indirect_dma source(%arg13 : memref<128x64xf32, #tpu.memory_space<vmem>>) target(%dma_start3A_117 : memref<10000x64xf32, #tpu.memory_space<vmem_shared>>) offsets(%arg11 : memref<128xi32, #tpu.memory_space<vmem>>) semaphore(%arg24 : memref<!tpu.dma_semaphore, #tpu.memory_space<semaphore_mem>>) {add = true}
          %add3A_118 = arith.constant 1 : i32
          %add3A_119 = arith.addi %while3A_65, %add3A_118 : i32
          %lt3A_120 = arith.cmpi slt, %add3A_119, %add3A_2 : i32
          %convert_element_type3A_121 = arith.extui %lt3A_120 : i1 to i32
          %cond3A_122 = arith.constant 0 : i32
          %cond3A_123 = arith.cmpi ne, %convert_element_type3A_121, %cond3A_122 : i32
          scf.if %cond3A_123 {
            %ge3A = arith.constant 1 : i32
            %ge3A_124 = arith.cmpi sge, %while3A_65, %ge3A : i32
            %convert_element_type3A_125 = arith.extui %ge3A_124 : i1 to i32
            %cond3A_126 = arith.constant 0 : i32
            %cond3A_127 = arith.cmpi ne, %convert_element_type3A_125, %cond3A_126 : i32
            scf.if %cond3A_127 {
              %dma_wait3A_141 = arith.constant 0 : i32
              %dma_wait3A_142 = arith.constant 0 : i32
              %dma_wait3A_143 = tpu.memref_slice %arg17[%dma_wait3A_141, %dma_wait3A_142] : memref<10000x64xf32, #tpu.memory_space<vmem_shared>> -> memref<10000x64xf32, #tpu.memory_space<vmem_shared>>
              tpu.wait_indirect_dma semaphore(%arg23 : memref<!tpu.dma_semaphore, #tpu.memory_space<semaphore_mem>>) src(%arg12 : memref<128x64xf32, #tpu.memory_space<vmem>>) dst(%dma_wait3A_143 : memref<10000x64xf32, #tpu.memory_space<vmem_shared>>)
            } else {
            }
            %add3A_128 = arith.constant 1 : i32
            %add3A_129 = arith.addi %while3A_65, %add3A_128 : i32
            %mul3A_130 = arith.constant 16 : i32
            %mul3A_131 = arith.muli %add3A_129, %mul3A_130 : i32
            %add3A_132 = arith.addi %arg1, %mul3A_131 : i32
            %mul3A_133 = arith.constant 128 : i32
            %mul3A_134 = arith.muli %add3A_132, %mul3A_133 : i32
            %dma_start3A_135 = tpu.memref_slice %arg5[%mul3A_134] : memref<160000xi32, #tpu.memory_space<hbm>> -> memref<128xi32, #tpu.memory_space<hbm>>
            %dma_start3A_136 = tpu.memref_slice %arg5[%mul3A_134] : memref<160000xi32, #tpu.memory_space<hbm>> -> memref<128xi32, #tpu.memory_space<hbm>>
            tpu.enqueue_dma source(%dma_start3A_136 : memref<128xi32, #tpu.memory_space<hbm>>) target(%arg10 : memref<128xi32, #tpu.memory_space<vmem>>) target_semaphore(%arg19 : memref<!tpu.dma_semaphore, #tpu.memory_space<semaphore_mem>>)
            %dma_start3A_137 = arith.constant 64 : i32
            %dma_start3A_138 = tpu.memref_slice %arg2[%mul3A_134, %dma_start3A_137] : memref<160000x128xf32, #tpu.memory_space<hbm>> -> memref<128x64xf32, #tpu.memory_space<hbm>>
            %dma_start3A_139 = arith.constant 64 : i32
            %dma_start3A_140 = tpu.memref_slice %arg2[%mul3A_134, %dma_start3A_139] : memref<160000x128xf32, #tpu.memory_space<hbm>> -> memref<128x64xf32, #tpu.memory_space<hbm>>
            tpu.enqueue_dma source(%dma_start3A_140 : memref<128x64xf32, #tpu.memory_space<hbm>>) target(%arg12 : memref<128x64xf32, #tpu.memory_space<vmem>>) target_semaphore(%arg21 : memref<!tpu.dma_semaphore, #tpu.memory_space<semaphore_mem>>)
          } else {
          }
        } else {
        }
      }
      %while3A_51 = arith.constant 1 : i32
      scf.for %while3A_65 = %while3A_49 to %while3A_45 step %while3A_51  : i32 {
        %jit3A_66 = arith.constant 2 : i32
        %eq3A_67 = arith.constant 0 : i32
        %eq3A_68 = arith.cmpi eq, %jit3A_66, %eq3A_67 : i32
        %jit3A_69 = arith.constant 1 : i32
        %select_n3A_70 = arith.select %eq3A_68, %jit3A_69, %jit3A_66 : i32
        %rem3A = arith.remsi %while3A_65, %select_n3A_70 : i32
        %ne3A = arith.constant 0 : i32
        %ne3A_71 = arith.cmpi ne, %rem3A, %ne3A : i32
        %lt3A_72 = arith.constant 0 : i32
        %lt3A_73 = arith.cmpi slt, %rem3A, %lt3A_72 : i32
        %lt3A_74 = arith.constant 0 : i32
        %lt3A_75 = arith.cmpi slt, %select_n3A_70, %lt3A_74 : i32
        %ne3A_76 = arith.xori %lt3A_73, %lt3A_75 : i1
        %and3A = arith.andi %ne3A_76, %ne3A_71 : i1
        %add3A_77 = arith.addi %rem3A, %select_n3A_70 : i32
        %select_n3A_78 = arith.select %and3A, %add3A_77, %rem3A : i32
        %eq3A_79 = arith.constant 0 : i32
        %eq3A_80 = arith.cmpi eq, %select_n3A_78, %eq3A_79 : i32
        %convert_element_type3A_81 = arith.extui %eq3A_80 : i1 to i32
        %cond3A_82 = arith.constant 0 : i32
        %cond3A_83 = arith.cmpi ne, %convert_element_type3A_81, %cond3A_82 : i32
        scf.if %cond3A_83 {
          %dma_wait3A_105 = arith.constant 0 : i32
          %dma_wait3A_106 = tpu.memref_slice %arg5[%dma_wait3A_105] : memref<160000xi32, #tpu.memory_space<hbm>> -> memref<128xi32, #tpu.memory_space<hbm>>
          %dma_wait3A_107 = arith.constant 0 : i32
          %dma_wait3A_108 = tpu.memref_slice %arg5[%dma_wait3A_107] : memref<160000xi32, #tpu.memory_space<hbm>> -> memref<128xi32, #tpu.memory_space<hbm>>
          tpu.wait_dma2 semaphore(%arg19 : memref<!tpu.dma_semaphore, #tpu.memory_space<semaphore_mem>>) src(%dma_wait3A_108 : memref<128xi32, #tpu.memory_space<hbm>>) dst(%arg10 : memref<128xi32, #tpu.memory_space<vmem>>)
          %dma_wait3A_109 = arith.constant 0 : i32
          %dma_wait3A_110 = arith.constant 64 : i32
          %dma_wait3A_111 = tpu.memref_slice %arg2[%dma_wait3A_109, %dma_wait3A_110] : memref<160000x128xf32, #tpu.memory_space<hbm>> -> memref<128x64xf32, #tpu.memory_space<hbm>>
          %dma_wait3A_112 = arith.constant 0 : i32
          %dma_wait3A_113 = arith.constant 64 : i32
          %dma_wait3A_114 = tpu.memref_slice %arg2[%dma_wait3A_112, %dma_wait3A_113] : memref<160000x128xf32, #tpu.memory_space<hbm>> -> memref<128x64xf32, #tpu.memory_space<hbm>>
          tpu.wait_dma2 semaphore(%arg21 : memref<!tpu.dma_semaphore, #tpu.memory_space<semaphore_mem>>) src(%dma_wait3A_114 : memref<128x64xf32, #tpu.memory_space<hbm>>) dst(%arg12 : memref<128x64xf32, #tpu.memory_space<vmem>>)
          %dma_start3A_115 = arith.constant 0 : i32
          %dma_start3A_116 = arith.constant 0 : i32
          %dma_start3A_117 = tpu.memref_slice %arg17[%dma_start3A_115, %dma_start3A_116] : memref<10000x64xf32, #tpu.memory_space<vmem_shared>> -> memref<10000x64xf32, #tpu.memory_space<vmem_shared>>
          tpu.enqueue_indirect_dma source(%arg12 : memref<128x64xf32, #tpu.memory_space<vmem>>) target(%dma_start3A_117 : memref<10000x64xf32, #tpu.memory_space<vmem_shared>>) offsets(%arg10 : memref<128xi32, #tpu.memory_space<vmem>>) semaphore(%arg23 : memref<!tpu.dma_semaphore, #tpu.memory_space<semaphore_mem>>) {add = true}
          %add3A_118 = arith.constant 1 : i32
          %add3A_119 = arith.addi %while3A_65, %add3A_118 : i32
          %lt3A_120 = arith.cmpi slt, %add3A_119, %add3A_2 : i32
          %convert_element_type3A_121 = arith.extui %lt3A_120 : i1 to i32
          %cond3A_122 = arith.constant 0 : i32
          %cond3A_123 = arith.cmpi ne, %convert_element_type3A_121, %cond3A_122 : i32
          scf.if %cond3A_123 {
            %ge3A = arith.constant 1 : i32
            %ge3A_124 = arith.cmpi sge, %while3A_65, %ge3A : i32
            %convert_element_type3A_125 = arith.extui %ge3A_124 : i1 to i32
            %cond3A_126 = arith.constant 0 : i32
            %cond3A_127 = arith.cmpi ne, %convert_element_type3A_125, %cond3A_126 : i32
            scf.if %cond3A_127 {
              %dma_wait3A_141 = arith.constant 0 : i32
              %dma_wait3A_142 = arith.constant 0 : i32
              %dma_wait3A_143 = tpu.memref_slice %arg17[%dma_wait3A_141, %dma_wait3A_142] : memref<10000x64xf32, #tpu.memory_space<vmem_shared>> -> memref<10000x64xf32, #tpu.memory_space<vmem_shared>>
              tpu.wait_indirect_dma semaphore(%arg24 : memref<!tpu.dma_semaphore, #tpu.memory_space<semaphore_mem>>) src(%arg13 : memref<128x64xf32, #tpu.memory_space<vmem>>) dst(%dma_wait3A_143 : memref<10000x64xf32, #tpu.memory_space<vmem_shared>>)
            } else {
            }
            %add3A_128 = arith.constant 1 : i32
            %add3A_129 = arith.addi %while3A_65, %add3A_128 : i32
            %mul3A_130 = arith.constant 16 : i32
            %mul3A_131 = arith.muli %add3A_129, %mul3A_130 : i32
            %add3A_132 = arith.addi %arg1, %mul3A_131 : i32
            %mul3A_133 = arith.constant 128 : i32
            %mul3A_134 = arith.muli %add3A_132, %mul3A_133 : i32
            %dma_start3A_135 = tpu.memref_slice %arg5[%mul3A_134] : memref<160000xi32, #tpu.memory_space<hbm>> -> memref<128xi32, #tpu.memory_space<hbm>>
            %dma_start3A_136 = tpu.memref_slice %arg5[%mul3A_134] : memref<160000xi32, #tpu.memory_space<hbm>> -> memref<128xi32, #tpu.memory_space<hbm>>
            tpu.enqueue_dma source(%dma_start3A_136 : memref<128xi32, #tpu.memory_space<hbm>>) target(%arg11 : memref<128xi32, #tpu.memory_space<vmem>>) target_semaphore(%arg20 : memref<!tpu.dma_semaphore, #tpu.memory_space<semaphore_mem>>)
            %dma_start3A_137 = arith.constant 64 : i32
            %dma_start3A_138 = tpu.memref_slice %arg2[%mul3A_134, %dma_start3A_137] : memref<160000x128xf32, #tpu.memory_space<hbm>> -> memref<128x64xf32, #tpu.memory_space<hbm>>
            %dma_start3A_139 = arith.constant 64 : i32
            %dma_start3A_140 = tpu.memref_slice %arg2[%mul3A_134, %dma_start3A_139] : memref<160000x128xf32, #tpu.memory_space<hbm>> -> memref<128x64xf32, #tpu.memory_space<hbm>>
            tpu.enqueue_dma source(%dma_start3A_140 : memref<128x64xf32, #tpu.memory_space<hbm>>) target(%arg13 : memref<128x64xf32, #tpu.memory_space<vmem>>) target_semaphore(%arg22 : memref<!tpu.dma_semaphore, #tpu.memory_space<semaphore_mem>>)
          } else {
          }
        } else {
        }
        %jit3A_84 = arith.constant 2 : i32
        %eq3A_85 = arith.constant 0 : i32
        %eq3A_86 = arith.cmpi eq, %jit3A_84, %eq3A_85 : i32
        %jit3A_87 = arith.constant 1 : i32
        %select_n3A_88 = arith.select %eq3A_86, %jit3A_87, %jit3A_84 : i32
        %rem3A_89 = arith.remsi %while3A_65, %select_n3A_88 : i32
        %ne3A_90 = arith.constant 0 : i32
        %ne3A_91 = arith.cmpi ne, %rem3A_89, %ne3A_90 : i32
        %lt3A_92 = arith.constant 0 : i32
        %lt3A_93 = arith.cmpi slt, %rem3A_89, %lt3A_92 : i32
        %lt3A_94 = arith.constant 0 : i32
        %lt3A_95 = arith.cmpi slt, %select_n3A_88, %lt3A_94 : i32
        %ne3A_96 = arith.xori %lt3A_93, %lt3A_95 : i1
        %and3A_97 = arith.andi %ne3A_96, %ne3A_91 : i1
        %add3A_98 = arith.addi %rem3A_89, %select_n3A_88 : i32
        %select_n3A_99 = arith.select %and3A_97, %add3A_98, %rem3A_89 : i32
        %eq3A_100 = arith.constant 1 : i32
        %eq3A_101 = arith.cmpi eq, %select_n3A_99, %eq3A_100 : i32
        %convert_element_type3A_102 = arith.extui %eq3A_101 : i1 to i32
        %cond3A_103 = arith.constant 0 : i32
        %cond3A_104 = arith.cmpi ne, %convert_element_type3A_102, %cond3A_103 : i32
        scf.if %cond3A_104 {
          %dma_wait3A_105 = arith.constant 0 : i32
          %dma_wait3A_106 = tpu.memref_slice %arg5[%dma_wait3A_105] : memref<160000xi32, #tpu.memory_space<hbm>> -> memref<128xi32, #tpu.memory_space<hbm>>
          %dma_wait3A_107 = arith.constant 0 : i32
          %dma_wait3A_108 = tpu.memref_slice %arg5[%dma_wait3A_107] : memref<160000xi32, #tpu.memory_space<hbm>> -> memref<128xi32, #tpu.memory_space<hbm>>
          tpu.wait_dma2 semaphore(%arg20 : memref<!tpu.dma_semaphore, #tpu.memory_space<semaphore_mem>>) src(%dma_wait3A_108 : memref<128xi32, #tpu.memory_space<hbm>>) dst(%arg11 : memref<128xi32, #tpu.memory_space<vmem>>)
          %dma_wait3A_109 = arith.constant 0 : i32
          %dma_wait3A_110 = arith.constant 64 : i32
          %dma_wait3A_111 = tpu.memref_slice %arg2[%dma_wait3A_109, %dma_wait3A_110] : memref<160000x128xf32, #tpu.memory_space<hbm>> -> memref<128x64xf32, #tpu.memory_space<hbm>>
          %dma_wait3A_112 = arith.constant 0 : i32
          %dma_wait3A_113 = arith.constant 64 : i32
          %dma_wait3A_114 = tpu.memref_slice %arg2[%dma_wait3A_112, %dma_wait3A_113] : memref<160000x128xf32, #tpu.memory_space<hbm>> -> memref<128x64xf32, #tpu.memory_space<hbm>>
          tpu.wait_dma2 semaphore(%arg22 : memref<!tpu.dma_semaphore, #tpu.memory_space<semaphore_mem>>) src(%dma_wait3A_114 : memref<128x64xf32, #tpu.memory_space<hbm>>) dst(%arg13 : memref<128x64xf32, #tpu.memory_space<vmem>>)
          %dma_start3A_115 = arith.constant 0 : i32
          %dma_start3A_116 = arith.constant 0 : i32
          %dma_start3A_117 = tpu.memref_slice %arg17[%dma_start3A_115, %dma_start3A_116] : memref<10000x64xf32, #tpu.memory_space<vmem_shared>> -> memref<10000x64xf32, #tpu.memory_space<vmem_shared>>
          tpu.enqueue_indirect_dma source(%arg13 : memref<128x64xf32, #tpu.memory_space<vmem>>) target(%dma_start3A_117 : memref<10000x64xf32, #tpu.memory_space<vmem_shared>>) offsets(%arg11 : memref<128xi32, #tpu.memory_space<vmem>>) semaphore(%arg24 : memref<!tpu.dma_semaphore, #tpu.memory_space<semaphore_mem>>) {add = true}
          %add3A_118 = arith.constant 1 : i32
          %add3A_119 = arith.addi %while3A_65, %add3A_118 : i32
          %lt3A_120 = arith.cmpi slt, %add3A_119, %add3A_2 : i32
          %convert_element_type3A_121 = arith.extui %lt3A_120 : i1 to i32
          %cond3A_122 = arith.constant 0 : i32
          %cond3A_123 = arith.cmpi ne, %convert_element_type3A_121, %cond3A_122 : i32
          scf.if %cond3A_123 {
            %ge3A = arith.constant 1 : i32
            %ge3A_124 = arith.cmpi sge, %while3A_65, %ge3A : i32
            %convert_element_type3A_125 = arith.extui %ge3A_124 : i1 to i32
            %cond3A_126 = arith.constant 0 : i32
            %cond3A_127 = arith.cmpi ne, %convert_element_type3A_125, %cond3A_126 : i32
            scf.if %cond3A_127 {
              %dma_wait3A_141 = arith.constant 0 : i32
              %dma_wait3A_142 = arith.constant 0 : i32
              %dma_wait3A_143 = tpu.memref_slice %arg17[%dma_wait3A_141, %dma_wait3A_142] : memref<10000x64xf32, #tpu.memory_space<vmem_shared>> -> memref<10000x64xf32, #tpu.memory_space<vmem_shared>>
              tpu.wait_indirect_dma semaphore(%arg23 : memref<!tpu.dma_semaphore, #tpu.memory_space<semaphore_mem>>) src(%arg12 : memref<128x64xf32, #tpu.memory_space<vmem>>) dst(%dma_wait3A_143 : memref<10000x64xf32, #tpu.memory_space<vmem_shared>>)
            } else {
            }
            %add3A_128 = arith.constant 1 : i32
            %add3A_129 = arith.addi %while3A_65, %add3A_128 : i32
            %mul3A_130 = arith.constant 16 : i32
            %mul3A_131 = arith.muli %add3A_129, %mul3A_130 : i32
            %add3A_132 = arith.addi %arg1, %mul3A_131 : i32
            %mul3A_133 = arith.constant 128 : i32
            %mul3A_134 = arith.muli %add3A_132, %mul3A_133 : i32
            %dma_start3A_135 = tpu.memref_slice %arg5[%mul3A_134] : memref<160000xi32, #tpu.memory_space<hbm>> -> memref<128xi32, #tpu.memory_space<hbm>>
            %dma_start3A_136 = tpu.memref_slice %arg5[%mul3A_134] : memref<160000xi32, #tpu.memory_space<hbm>> -> memref<128xi32, #tpu.memory_space<hbm>>
            tpu.enqueue_dma source(%dma_start3A_136 : memref<128xi32, #tpu.memory_space<hbm>>) target(%arg10 : memref<128xi32, #tpu.memory_space<vmem>>) target_semaphore(%arg19 : memref<!tpu.dma_semaphore, #tpu.memory_space<semaphore_mem>>)
            %dma_start3A_137 = arith.constant 64 : i32
            %dma_start3A_138 = tpu.memref_slice %arg2[%mul3A_134, %dma_start3A_137] : memref<160000x128xf32, #tpu.memory_space<hbm>> -> memref<128x64xf32, #tpu.memory_space<hbm>>
            %dma_start3A_139 = arith.constant 64 : i32
            %dma_start3A_140 = tpu.memref_slice %arg2[%mul3A_134, %dma_start3A_139] : memref<160000x128xf32, #tpu.memory_space<hbm>> -> memref<128x64xf32, #tpu.memory_space<hbm>>
            tpu.enqueue_dma source(%dma_start3A_140 : memref<128x64xf32, #tpu.memory_space<hbm>>) target(%arg12 : memref<128x64xf32, #tpu.memory_space<vmem>>) target_semaphore(%arg21 : memref<!tpu.dma_semaphore, #tpu.memory_space<semaphore_mem>>)
          } else {
          }
        } else {
        }
      }
      %dma_wait3A = arith.constant 0 : i32
      %dma_wait3A_52 = arith.constant 0 : i32
      %dma_wait3A_53 = tpu.memref_slice %arg17[%dma_wait3A, %dma_wait3A_52] : memref<10000x64xf32, #tpu.memory_space<vmem_shared>> -> memref<10000x64xf32, #tpu.memory_space<vmem_shared>>
      tpu.wait_indirect_dma semaphore(%arg23 : memref<!tpu.dma_semaphore, #tpu.memory_space<semaphore_mem>>) src(%arg12 : memref<128x64xf32, #tpu.memory_space<vmem>>) dst(%dma_wait3A_53 : memref<10000x64xf32, #tpu.memory_space<vmem_shared>>)
      %dma_wait3A_54 = arith.constant 0 : i32
      %dma_wait3A_55 = arith.constant 0 : i32
      %dma_wait3A_56 = tpu.memref_slice %arg17[%dma_wait3A_54, %dma_wait3A_55] : memref<10000x64xf32, #tpu.memory_space<vmem_shared>> -> memref<10000x64xf32, #tpu.memory_space<vmem_shared>>
      tpu.wait_indirect_dma semaphore(%arg24 : memref<!tpu.dma_semaphore, #tpu.memory_space<semaphore_mem>>) src(%arg13 : memref<128x64xf32, #tpu.memory_space<vmem>>) dst(%dma_wait3A_56 : memref<10000x64xf32, #tpu.memory_space<vmem_shared>>)
      %barrier3A_57 = arith.constant 0 : index
      tpu.barrier barrier_id(%barrier3A_57)
      %scan3A_58 = arith.constant 0 : i32
      %scan3A_59 = arith.constant 0 : i32
      %scan3A_60 = arith.constant 5 : i32
      %scan3A_61 = arith.addi %scan3A_59, %scan3A_60 : i32
      %scan3A_62 = arith.constant 1 : i32
      scf.for %scan3A_65 = %scan3A_59 to %scan3A_61 step %scan3A_62  : i32 {
        %mul3A_66 = arith.constant 625 : i32
        %mul3A_67 = arith.muli %arg1, %mul3A_66 : i32
        %mul3A_68 = arith.constant 125 : i32
        %mul3A_69 = arith.muli %scan3A_65, %mul3A_68 : i32
        %add3A_70 = arith.addi %mul3A_67, %mul3A_69 : i32
        "tpu.region"() ({
          %run_scoped3A = tpu.sem_alloc : memref<!tpu.dma_semaphore, #tpu.memory_space<semaphore_mem>>
          %dma_start3A_71 = arith.constant 0 : i32
          %dma_start3A_72 = arith.constant 0 : i32
          %dma_start3A_73 = tpu.memref_slice %arg12[%dma_start3A_71, %dma_start3A_72] : memref<128x64xf32, #tpu.memory_space<vmem>> -> memref<125x64xf32, #tpu.memory_space<vmem>>
          %dma_start3A_74 = arith.constant 0 : i32
          %dma_start3A_75 = tpu.memref_slice %arg17[%add3A_70, %dma_start3A_74] : memref<10000x64xf32, #tpu.memory_space<vmem_shared>> -> memref<125x64xf32, #tpu.memory_space<vmem_shared>>
          %dma_start3A_76 = arith.constant 0 : i32
          %dma_start3A_77 = arith.constant 0 : i32
          %dma_start3A_78 = tpu.memref_slice %arg12[%dma_start3A_76, %dma_start3A_77] : memref<128x64xf32, #tpu.memory_space<vmem>> -> memref<125x64xf32, #tpu.memory_space<vmem>>
          %dma_start3A_79 = arith.constant 0 : i32
          %dma_start3A_80 = tpu.memref_slice %arg17[%add3A_70, %dma_start3A_79] : memref<10000x64xf32, #tpu.memory_space<vmem_shared>> -> memref<125x64xf32, #tpu.memory_space<vmem_shared>>
          tpu.enqueue_dma source(%dma_start3A_80 : memref<125x64xf32, #tpu.memory_space<vmem_shared>>) target(%dma_start3A_78 : memref<125x64xf32, #tpu.memory_space<vmem>>) target_semaphore(%run_scoped3A : memref<!tpu.dma_semaphore, #tpu.memory_space<semaphore_mem>>)
          %dma_wait3A_81 = arith.constant 0 : i32
          %dma_wait3A_82 = arith.constant 0 : i32
          %dma_wait3A_83 = tpu.memref_slice %arg12[%dma_wait3A_81, %dma_wait3A_82] : memref<128x64xf32, #tpu.memory_space<vmem>> -> memref<125x64xf32, #tpu.memory_space<vmem>>
          %dma_wait3A_84 = arith.constant 0 : i32
          %dma_wait3A_85 = tpu.memref_slice %arg17[%add3A_70, %dma_wait3A_84] : memref<10000x64xf32, #tpu.memory_space<vmem_shared>> -> memref<125x64xf32, #tpu.memory_space<vmem_shared>>
          %dma_wait3A_86 = arith.constant 0 : i32
          %dma_wait3A_87 = arith.constant 0 : i32
          %dma_wait3A_88 = tpu.memref_slice %arg12[%dma_wait3A_86, %dma_wait3A_87] : memref<128x64xf32, #tpu.memory_space<vmem>> -> memref<125x64xf32, #tpu.memory_space<vmem>>
          %dma_wait3A_89 = arith.constant 0 : i32
          %dma_wait3A_90 = tpu.memref_slice %arg17[%add3A_70, %dma_wait3A_89] : memref<10000x64xf32, #tpu.memory_space<vmem_shared>> -> memref<125x64xf32, #tpu.memory_space<vmem_shared>>
          tpu.wait_dma2 semaphore(%run_scoped3A : memref<!tpu.dma_semaphore, #tpu.memory_space<semaphore_mem>>) src(%dma_wait3A_90 : memref<125x64xf32, #tpu.memory_space<vmem_shared>>) dst(%dma_wait3A_88 : memref<125x64xf32, #tpu.memory_space<vmem>>)
          tpu.yield
        }) : () -> ()
        "tpu.region"() ({
          %run_scoped3A = tpu.sem_alloc : memref<!tpu.dma_semaphore, #tpu.memory_space<semaphore_mem>>
          %dma_start3A_71 = arith.constant 0 : i32
          %dma_start3A_72 = arith.constant 0 : i32
          %dma_start3A_73 = tpu.memref_slice %arg12[%dma_start3A_71, %dma_start3A_72] : memref<128x64xf32, #tpu.memory_space<vmem>> -> memref<125x64xf32, #tpu.memory_space<vmem>>
          %dma_start3A_74 = arith.constant 64 : i32
          %dma_start3A_75 = tpu.memref_slice %arg7[%add3A_70, %dma_start3A_74] : memref<10000x128xf32, #tpu.memory_space<hbm>> -> memref<125x64xf32, #tpu.memory_space<hbm>>
          %dma_start3A_76 = arith.constant 64 : i32
          %dma_start3A_77 = tpu.memref_slice %arg7[%add3A_70, %dma_start3A_76] : memref<10000x128xf32, #tpu.memory_space<hbm>> -> memref<125x64xf32, #tpu.memory_space<hbm>>
          %dma_start3A_78 = arith.constant 0 : i32
          %dma_start3A_79 = arith.constant 0 : i32
          %dma_start3A_80 = tpu.memref_slice %arg12[%dma_start3A_78, %dma_start3A_79] : memref<128x64xf32, #tpu.memory_space<vmem>> -> memref<125x64xf32, #tpu.memory_space<vmem>>
          tpu.enqueue_dma source(%dma_start3A_80 : memref<125x64xf32, #tpu.memory_space<vmem>>) target(%dma_start3A_77 : memref<125x64xf32, #tpu.memory_space<hbm>>) target_semaphore(%run_scoped3A : memref<!tpu.dma_semaphore, #tpu.memory_space<semaphore_mem>>)
          %dma_wait3A_81 = arith.constant 0 : i32
          %dma_wait3A_82 = arith.constant 0 : i32
          %dma_wait3A_83 = tpu.memref_slice %arg12[%dma_wait3A_81, %dma_wait3A_82] : memref<128x64xf32, #tpu.memory_space<vmem>> -> memref<125x64xf32, #tpu.memory_space<vmem>>
          %dma_wait3A_84 = arith.constant 64 : i32
          %dma_wait3A_85 = tpu.memref_slice %arg7[%add3A_70, %dma_wait3A_84] : memref<10000x128xf32, #tpu.memory_space<hbm>> -> memref<125x64xf32, #tpu.memory_space<hbm>>
          %dma_wait3A_86 = arith.constant 64 : i32
          %dma_wait3A_87 = tpu.memref_slice %arg7[%add3A_70, %dma_wait3A_86] : memref<10000x128xf32, #tpu.memory_space<hbm>> -> memref<125x64xf32, #tpu.memory_space<hbm>>
          %dma_wait3A_88 = arith.constant 0 : i32
          %dma_wait3A_89 = arith.constant 0 : i32
          %dma_wait3A_90 = tpu.memref_slice %arg12[%dma_wait3A_88, %dma_wait3A_89] : memref<128x64xf32, #tpu.memory_space<vmem>> -> memref<125x64xf32, #tpu.memory_space<vmem>>
          tpu.wait_dma2 semaphore(%run_scoped3A : memref<!tpu.dma_semaphore, #tpu.memory_space<semaphore_mem>>) src(%dma_wait3A_90 : memref<125x64xf32, #tpu.memory_space<vmem>>) dst(%dma_wait3A_87 : memref<125x64xf32, #tpu.memory_space<hbm>>)
          tpu.yield
        }) : () -> ()
      }
      %scan3A_63 = arith.constant 5 : i32
      %barrier3A_64 = arith.constant 0 : index
      tpu.barrier barrier_id(%barrier3A_64)
    } else {
    }
    %eq3A_10 = arith.constant 0 : i32
    %eq3A_11 = arith.cmpi eq, %arg0, %eq3A_10 : i32
    %convert_element_type3A_12 = arith.extui %eq3A_11 : i1 to i32
    %cond3A_13 = arith.constant 0 : i32
    %cond3A_14 = arith.cmpi ne, %convert_element_type3A_12, %cond3A_13 : i32
    scf.if %cond3A_14 {
      %scan3A = arith.constant 0 : i32
      %scan3A_30 = arith.constant 0 : i32
      %scan3A_31 = arith.constant 25 : i32
      %scan3A_32 = arith.addi %scan3A_30, %scan3A_31 : i32
      %scan3A_33 = arith.constant 1 : i32
      scf.for %scan3A_65 = %scan3A_30 to %scan3A_32 step %scan3A_33  : i32 {
        %mul3A_66 = arith.constant 625 : i32
        %mul3A_67 = arith.muli %arg1, %mul3A_66 : i32
        %mul3A_68 = arith.constant 25 : i32
        %mul3A_69 = arith.muli %scan3A_65, %mul3A_68 : i32
        %add3A_70 = arith.addi %mul3A_67, %mul3A_69 : i32
        "tpu.region"() ({
          %run_scoped3A = tpu.sem_alloc : memref<!tpu.dma_semaphore, #tpu.memory_space<semaphore_mem>>
          %dma_start3A_71 = arith.constant 0 : i32
          %dma_start3A_72 = arith.constant 0 : i32
          %dma_start3A_73 = tpu.memref_slice %arg16[%dma_start3A_71, %dma_start3A_72] : memref<25x64xf32, #tpu.memory_space<vmem>> -> memref<25x64xf32, #tpu.memory_space<vmem>>
          %dma_start3A_74 = arith.constant 0 : i32
          %dma_start3A_75 = tpu.memref_slice %arg17[%add3A_70, %dma_start3A_74] : memref<10000x64xf32, #tpu.memory_space<vmem_shared>> -> memref<25x64xf32, #tpu.memory_space<vmem_shared>>
          %dma_start3A_76 = arith.constant 0 : i32
          %dma_start3A_77 = tpu.memref_slice %arg17[%add3A_70, %dma_start3A_76] : memref<10000x64xf32, #tpu.memory_space<vmem_shared>> -> memref<25x64xf32, #tpu.memory_space<vmem_shared>>
          %dma_start3A_78 = arith.constant 0 : i32
          %dma_start3A_79 = arith.constant 0 : i32
          %dma_start3A_80 = tpu.memref_slice %arg16[%dma_start3A_78, %dma_start3A_79] : memref<25x64xf32, #tpu.memory_space<vmem>> -> memref<25x64xf32, #tpu.memory_space<vmem>>
          tpu.enqueue_dma source(%dma_start3A_80 : memref<25x64xf32, #tpu.memory_space<vmem>>) target(%dma_start3A_77 : memref<25x64xf32, #tpu.memory_space<vmem_shared>>) target_semaphore(%run_scoped3A : memref<!tpu.dma_semaphore, #tpu.memory_space<semaphore_mem>>)
          %dma_wait3A_81 = arith.constant 0 : i32
          %dma_wait3A_82 = arith.constant 0 : i32
          %dma_wait3A_83 = tpu.memref_slice %arg16[%dma_wait3A_81, %dma_wait3A_82] : memref<25x64xf32, #tpu.memory_space<vmem>> -> memref<25x64xf32, #tpu.memory_space<vmem>>
          %dma_wait3A_84 = arith.constant 0 : i32
          %dma_wait3A_85 = tpu.memref_slice %arg17[%add3A_70, %dma_wait3A_84] : memref<10000x64xf32, #tpu.memory_space<vmem_shared>> -> memref<25x64xf32, #tpu.memory_space<vmem_shared>>
          %dma_wait3A_86 = arith.constant 0 : i32
          %dma_wait3A_87 = tpu.memref_slice %arg17[%add3A_70, %dma_wait3A_86] : memref<10000x64xf32, #tpu.memory_space<vmem_shared>> -> memref<25x64xf32, #tpu.memory_space<vmem_shared>>
          %dma_wait3A_88 = arith.constant 0 : i32
          %dma_wait3A_89 = arith.constant 0 : i32
          %dma_wait3A_90 = tpu.memref_slice %arg16[%dma_wait3A_88, %dma_wait3A_89] : memref<25x64xf32, #tpu.memory_space<vmem>> -> memref<25x64xf32, #tpu.memory_space<vmem>>
          tpu.wait_dma2 semaphore(%run_scoped3A : memref<!tpu.dma_semaphore, #tpu.memory_space<semaphore_mem>>) src(%dma_wait3A_90 : memref<25x64xf32, #tpu.memory_space<vmem>>) dst(%dma_wait3A_87 : memref<25x64xf32, #tpu.memory_space<vmem_shared>>)
          tpu.yield
        }) : () -> ()
      }
      %scan3A_34 = arith.constant 25 : i32
      %barrier3A = arith.constant 0 : index
      tpu.barrier barrier_id(%barrier3A)
      %add3A_35 = arith.constant 0 : i32
      %add3A_36 = arith.addi %arg1, %add3A_35 : i32
      %mul3A = arith.constant 128 : i32
      %mul3A_37 = arith.muli %add3A_36, %mul3A : i32
      %dma_start3A = tpu.memref_slice %arg5[%mul3A_37] : memref<160000xi32, #tpu.memory_space<hbm>> -> memref<128xi32, #tpu.memory_space<hbm>>
      %dma_start3A_38 = tpu.memref_slice %arg5[%mul3A_37] : memref<160000xi32, #tpu.memory_space<hbm>> -> memref<128xi32, #tpu.memory_space<hbm>>
      tpu.enqueue_dma source(%dma_start3A_38 : memref<128xi32, #tpu.memory_space<hbm>>) target(%arg10 : memref<128xi32, #tpu.memory_space<vmem>>) target_semaphore(%arg19 : memref<!tpu.dma_semaphore, #tpu.memory_space<semaphore_mem>>)
      %dma_start3A_39 = arith.constant 0 : i32
      %dma_start3A_40 = tpu.memref_slice %arg3[%mul3A_37, %dma_start3A_39] : memref<160000x128xf32, #tpu.memory_space<hbm>> -> memref<128x64xf32, #tpu.memory_space<hbm>>
      %dma_start3A_41 = arith.constant 0 : i32
      %dma_start3A_42 = tpu.memref_slice %arg3[%mul3A_37, %dma_start3A_41] : memref<160000x128xf32, #tpu.memory_space<hbm>> -> memref<128x64xf32, #tpu.memory_space<hbm>>
      tpu.enqueue_dma source(%dma_start3A_42 : memref<128x64xf32, #tpu.memory_space<hbm>>) target(%arg12 : memref<128x64xf32, #tpu.memory_space<vmem>>) target_semaphore(%arg21 : memref<!tpu.dma_semaphore, #tpu.memory_space<semaphore_mem>>)
      %while3A = arith.constant 0 : i32
      %while3A_43 = arith.constant 0 : i32
      %while3A_44 = arith.subi %add3A_2, %while3A_43 : i32
      %while3A_45 = arith.addi %while3A_43, %while3A_44 : i32
      %while3A_46 = arith.constant 1 : i32
      %while3A_47 = arith.divsi %while3A_44, %while3A_46 : i32
      %while3A_48 = arith.muli %while3A_47, %while3A_46 : i32
      %while3A_49 = arith.addi %while3A_43, %while3A_48 : i32
      %while3A_50 = arith.constant 1 : i32
      scf.for %while3A_65 = %while3A_43 to %while3A_49 step %while3A_50  : i32 {
        %jit3A_66 = arith.constant 2 : i32
        %eq3A_67 = arith.constant 0 : i32
        %eq3A_68 = arith.cmpi eq, %jit3A_66, %eq3A_67 : i32
        %jit3A_69 = arith.constant 1 : i32
        %select_n3A_70 = arith.select %eq3A_68, %jit3A_69, %jit3A_66 : i32
        %rem3A = arith.remsi %while3A_65, %select_n3A_70 : i32
        %ne3A = arith.constant 0 : i32
        %ne3A_71 = arith.cmpi ne, %rem3A, %ne3A : i32
        %lt3A_72 = arith.constant 0 : i32
        %lt3A_73 = arith.cmpi slt, %rem3A, %lt3A_72 : i32
        %lt3A_74 = arith.constant 0 : i32
        %lt3A_75 = arith.cmpi slt, %select_n3A_70, %lt3A_74 : i32
        %ne3A_76 = arith.xori %lt3A_73, %lt3A_75 : i1
        %and3A = arith.andi %ne3A_76, %ne3A_71 : i1
        %add3A_77 = arith.addi %rem3A, %select_n3A_70 : i32
        %select_n3A_78 = arith.select %and3A, %add3A_77, %rem3A : i32
        %eq3A_79 = arith.constant 0 : i32
        %eq3A_80 = arith.cmpi eq, %select_n3A_78, %eq3A_79 : i32
        %convert_element_type3A_81 = arith.extui %eq3A_80 : i1 to i32
        %cond3A_82 = arith.constant 0 : i32
        %cond3A_83 = arith.cmpi ne, %convert_element_type3A_81, %cond3A_82 : i32
        scf.if %cond3A_83 {
          %dma_wait3A_105 = arith.constant 0 : i32
          %dma_wait3A_106 = tpu.memref_slice %arg5[%dma_wait3A_105] : memref<160000xi32, #tpu.memory_space<hbm>> -> memref<128xi32, #tpu.memory_space<hbm>>
          %dma_wait3A_107 = arith.constant 0 : i32
          %dma_wait3A_108 = tpu.memref_slice %arg5[%dma_wait3A_107] : memref<160000xi32, #tpu.memory_space<hbm>> -> memref<128xi32, #tpu.memory_space<hbm>>
          tpu.wait_dma2 semaphore(%arg19 : memref<!tpu.dma_semaphore, #tpu.memory_space<semaphore_mem>>) src(%dma_wait3A_108 : memref<128xi32, #tpu.memory_space<hbm>>) dst(%arg10 : memref<128xi32, #tpu.memory_space<vmem>>)
          %dma_wait3A_109 = arith.constant 0 : i32
          %dma_wait3A_110 = arith.constant 0 : i32
          %dma_wait3A_111 = tpu.memref_slice %arg3[%dma_wait3A_109, %dma_wait3A_110] : memref<160000x128xf32, #tpu.memory_space<hbm>> -> memref<128x64xf32, #tpu.memory_space<hbm>>
          %dma_wait3A_112 = arith.constant 0 : i32
          %dma_wait3A_113 = arith.constant 0 : i32
          %dma_wait3A_114 = tpu.memref_slice %arg3[%dma_wait3A_112, %dma_wait3A_113] : memref<160000x128xf32, #tpu.memory_space<hbm>> -> memref<128x64xf32, #tpu.memory_space<hbm>>
          tpu.wait_dma2 semaphore(%arg21 : memref<!tpu.dma_semaphore, #tpu.memory_space<semaphore_mem>>) src(%dma_wait3A_114 : memref<128x64xf32, #tpu.memory_space<hbm>>) dst(%arg12 : memref<128x64xf32, #tpu.memory_space<vmem>>)
          %dma_start3A_115 = arith.constant 0 : i32
          %dma_start3A_116 = arith.constant 0 : i32
          %dma_start3A_117 = tpu.memref_slice %arg17[%dma_start3A_115, %dma_start3A_116] : memref<10000x64xf32, #tpu.memory_space<vmem_shared>> -> memref<10000x64xf32, #tpu.memory_space<vmem_shared>>
          tpu.enqueue_indirect_dma source(%arg12 : memref<128x64xf32, #tpu.memory_space<vmem>>) target(%dma_start3A_117 : memref<10000x64xf32, #tpu.memory_space<vmem_shared>>) offsets(%arg10 : memref<128xi32, #tpu.memory_space<vmem>>) semaphore(%arg23 : memref<!tpu.dma_semaphore, #tpu.memory_space<semaphore_mem>>) {add = true}
          %add3A_118 = arith.constant 1 : i32
          %add3A_119 = arith.addi %while3A_65, %add3A_118 : i32
          %lt3A_120 = arith.cmpi slt, %add3A_119, %add3A_2 : i32
          %convert_element_type3A_121 = arith.extui %lt3A_120 : i1 to i32
          %cond3A_122 = arith.constant 0 : i32
          %cond3A_123 = arith.cmpi ne, %convert_element_type3A_121, %cond3A_122 : i32
          scf.if %cond3A_123 {
            %ge3A = arith.constant 1 : i32
            %ge3A_124 = arith.cmpi sge, %while3A_65, %ge3A : i32
            %convert_element_type3A_125 = arith.extui %ge3A_124 : i1 to i32
            %cond3A_126 = arith.constant 0 : i32
            %cond3A_127 = arith.cmpi ne, %convert_element_type3A_125, %cond3A_126 : i32
            scf.if %cond3A_127 {
              %dma_wait3A_141 = arith.constant 0 : i32
              %dma_wait3A_142 = arith.constant 0 : i32
              %dma_wait3A_143 = tpu.memref_slice %arg17[%dma_wait3A_141, %dma_wait3A_142] : memref<10000x64xf32, #tpu.memory_space<vmem_shared>> -> memref<10000x64xf32, #tpu.memory_space<vmem_shared>>
              tpu.wait_indirect_dma semaphore(%arg24 : memref<!tpu.dma_semaphore, #tpu.memory_space<semaphore_mem>>) src(%arg13 : memref<128x64xf32, #tpu.memory_space<vmem>>) dst(%dma_wait3A_143 : memref<10000x64xf32, #tpu.memory_space<vmem_shared>>)
            } else {
            }
            %add3A_128 = arith.constant 1 : i32
            %add3A_129 = arith.addi %while3A_65, %add3A_128 : i32
            %mul3A_130 = arith.constant 16 : i32
            %mul3A_131 = arith.muli %add3A_129, %mul3A_130 : i32
            %add3A_132 = arith.addi %arg1, %mul3A_131 : i32
            %mul3A_133 = arith.constant 128 : i32
            %mul3A_134 = arith.muli %add3A_132, %mul3A_133 : i32
            %dma_start3A_135 = tpu.memref_slice %arg5[%mul3A_134] : memref<160000xi32, #tpu.memory_space<hbm>> -> memref<128xi32, #tpu.memory_space<hbm>>
            %dma_start3A_136 = tpu.memref_slice %arg5[%mul3A_134] : memref<160000xi32, #tpu.memory_space<hbm>> -> memref<128xi32, #tpu.memory_space<hbm>>
            tpu.enqueue_dma source(%dma_start3A_136 : memref<128xi32, #tpu.memory_space<hbm>>) target(%arg11 : memref<128xi32, #tpu.memory_space<vmem>>) target_semaphore(%arg20 : memref<!tpu.dma_semaphore, #tpu.memory_space<semaphore_mem>>)
            %dma_start3A_137 = arith.constant 0 : i32
            %dma_start3A_138 = tpu.memref_slice %arg3[%mul3A_134, %dma_start3A_137] : memref<160000x128xf32, #tpu.memory_space<hbm>> -> memref<128x64xf32, #tpu.memory_space<hbm>>
            %dma_start3A_139 = arith.constant 0 : i32
            %dma_start3A_140 = tpu.memref_slice %arg3[%mul3A_134, %dma_start3A_139] : memref<160000x128xf32, #tpu.memory_space<hbm>> -> memref<128x64xf32, #tpu.memory_space<hbm>>
            tpu.enqueue_dma source(%dma_start3A_140 : memref<128x64xf32, #tpu.memory_space<hbm>>) target(%arg13 : memref<128x64xf32, #tpu.memory_space<vmem>>) target_semaphore(%arg22 : memref<!tpu.dma_semaphore, #tpu.memory_space<semaphore_mem>>)
          } else {
          }
        } else {
        }
        %jit3A_84 = arith.constant 2 : i32
        %eq3A_85 = arith.constant 0 : i32
        %eq3A_86 = arith.cmpi eq, %jit3A_84, %eq3A_85 : i32
        %jit3A_87 = arith.constant 1 : i32
        %select_n3A_88 = arith.select %eq3A_86, %jit3A_87, %jit3A_84 : i32
        %rem3A_89 = arith.remsi %while3A_65, %select_n3A_88 : i32
        %ne3A_90 = arith.constant 0 : i32
        %ne3A_91 = arith.cmpi ne, %rem3A_89, %ne3A_90 : i32
        %lt3A_92 = arith.constant 0 : i32
        %lt3A_93 = arith.cmpi slt, %rem3A_89, %lt3A_92 : i32
        %lt3A_94 = arith.constant 0 : i32
        %lt3A_95 = arith.cmpi slt, %select_n3A_88, %lt3A_94 : i32
        %ne3A_96 = arith.xori %lt3A_93, %lt3A_95 : i1
        %and3A_97 = arith.andi %ne3A_96, %ne3A_91 : i1
        %add3A_98 = arith.addi %rem3A_89, %select_n3A_88 : i32
        %select_n3A_99 = arith.select %and3A_97, %add3A_98, %rem3A_89 : i32
        %eq3A_100 = arith.constant 1 : i32
        %eq3A_101 = arith.cmpi eq, %select_n3A_99, %eq3A_100 : i32
        %convert_element_type3A_102 = arith.extui %eq3A_101 : i1 to i32
        %cond3A_103 = arith.constant 0 : i32
        %cond3A_104 = arith.cmpi ne, %convert_element_type3A_102, %cond3A_103 : i32
        scf.if %cond3A_104 {
          %dma_wait3A_105 = arith.constant 0 : i32
          %dma_wait3A_106 = tpu.memref_slice %arg5[%dma_wait3A_105] : memref<160000xi32, #tpu.memory_space<hbm>> -> memref<128xi32, #tpu.memory_space<hbm>>
          %dma_wait3A_107 = arith.constant 0 : i32
          %dma_wait3A_108 = tpu.memref_slice %arg5[%dma_wait3A_107] : memref<160000xi32, #tpu.memory_space<hbm>> -> memref<128xi32, #tpu.memory_space<hbm>>
          tpu.wait_dma2 semaphore(%arg20 : memref<!tpu.dma_semaphore, #tpu.memory_space<semaphore_mem>>) src(%dma_wait3A_108 : memref<128xi32, #tpu.memory_space<hbm>>) dst(%arg11 : memref<128xi32, #tpu.memory_space<vmem>>)
          %dma_wait3A_109 = arith.constant 0 : i32
          %dma_wait3A_110 = arith.constant 0 : i32
          %dma_wait3A_111 = tpu.memref_slice %arg3[%dma_wait3A_109, %dma_wait3A_110] : memref<160000x128xf32, #tpu.memory_space<hbm>> -> memref<128x64xf32, #tpu.memory_space<hbm>>
          %dma_wait3A_112 = arith.constant 0 : i32
          %dma_wait3A_113 = arith.constant 0 : i32
          %dma_wait3A_114 = tpu.memref_slice %arg3[%dma_wait3A_112, %dma_wait3A_113] : memref<160000x128xf32, #tpu.memory_space<hbm>> -> memref<128x64xf32, #tpu.memory_space<hbm>>
          tpu.wait_dma2 semaphore(%arg22 : memref<!tpu.dma_semaphore, #tpu.memory_space<semaphore_mem>>) src(%dma_wait3A_114 : memref<128x64xf32, #tpu.memory_space<hbm>>) dst(%arg13 : memref<128x64xf32, #tpu.memory_space<vmem>>)
          %dma_start3A_115 = arith.constant 0 : i32
          %dma_start3A_116 = arith.constant 0 : i32
          %dma_start3A_117 = tpu.memref_slice %arg17[%dma_start3A_115, %dma_start3A_116] : memref<10000x64xf32, #tpu.memory_space<vmem_shared>> -> memref<10000x64xf32, #tpu.memory_space<vmem_shared>>
          tpu.enqueue_indirect_dma source(%arg13 : memref<128x64xf32, #tpu.memory_space<vmem>>) target(%dma_start3A_117 : memref<10000x64xf32, #tpu.memory_space<vmem_shared>>) offsets(%arg11 : memref<128xi32, #tpu.memory_space<vmem>>) semaphore(%arg24 : memref<!tpu.dma_semaphore, #tpu.memory_space<semaphore_mem>>) {add = true}
          %add3A_118 = arith.constant 1 : i32
          %add3A_119 = arith.addi %while3A_65, %add3A_118 : i32
          %lt3A_120 = arith.cmpi slt, %add3A_119, %add3A_2 : i32
          %convert_element_type3A_121 = arith.extui %lt3A_120 : i1 to i32
          %cond3A_122 = arith.constant 0 : i32
          %cond3A_123 = arith.cmpi ne, %convert_element_type3A_121, %cond3A_122 : i32
          scf.if %cond3A_123 {
            %ge3A = arith.constant 1 : i32
            %ge3A_124 = arith.cmpi sge, %while3A_65, %ge3A : i32
            %convert_element_type3A_125 = arith.extui %ge3A_124 : i1 to i32
            %cond3A_126 = arith.constant 0 : i32
            %cond3A_127 = arith.cmpi ne, %convert_element_type3A_125, %cond3A_126 : i32
            scf.if %cond3A_127 {
              %dma_wait3A_141 = arith.constant 0 : i32
              %dma_wait3A_142 = arith.constant 0 : i32
              %dma_wait3A_143 = tpu.memref_slice %arg17[%dma_wait3A_141, %dma_wait3A_142] : memref<10000x64xf32, #tpu.memory_space<vmem_shared>> -> memref<10000x64xf32, #tpu.memory_space<vmem_shared>>
              tpu.wait_indirect_dma semaphore(%arg23 : memref<!tpu.dma_semaphore, #tpu.memory_space<semaphore_mem>>) src(%arg12 : memref<128x64xf32, #tpu.memory_space<vmem>>) dst(%dma_wait3A_143 : memref<10000x64xf32, #tpu.memory_space<vmem_shared>>)
            } else {
            }
            %add3A_128 = arith.constant 1 : i32
            %add3A_129 = arith.addi %while3A_65, %add3A_128 : i32
            %mul3A_130 = arith.constant 16 : i32
            %mul3A_131 = arith.muli %add3A_129, %mul3A_130 : i32
            %add3A_132 = arith.addi %arg1, %mul3A_131 : i32
            %mul3A_133 = arith.constant 128 : i32
            %mul3A_134 = arith.muli %add3A_132, %mul3A_133 : i32
            %dma_start3A_135 = tpu.memref_slice %arg5[%mul3A_134] : memref<160000xi32, #tpu.memory_space<hbm>> -> memref<128xi32, #tpu.memory_space<hbm>>
            %dma_start3A_136 = tpu.memref_slice %arg5[%mul3A_134] : memref<160000xi32, #tpu.memory_space<hbm>> -> memref<128xi32, #tpu.memory_space<hbm>>
            tpu.enqueue_dma source(%dma_start3A_136 : memref<128xi32, #tpu.memory_space<hbm>>) target(%arg10 : memref<128xi32, #tpu.memory_space<vmem>>) target_semaphore(%arg19 : memref<!tpu.dma_semaphore, #tpu.memory_space<semaphore_mem>>)
            %dma_start3A_137 = arith.constant 0 : i32
            %dma_start3A_138 = tpu.memref_slice %arg3[%mul3A_134, %dma_start3A_137] : memref<160000x128xf32, #tpu.memory_space<hbm>> -> memref<128x64xf32, #tpu.memory_space<hbm>>
            %dma_start3A_139 = arith.constant 0 : i32
            %dma_start3A_140 = tpu.memref_slice %arg3[%mul3A_134, %dma_start3A_139] : memref<160000x128xf32, #tpu.memory_space<hbm>> -> memref<128x64xf32, #tpu.memory_space<hbm>>
            tpu.enqueue_dma source(%dma_start3A_140 : memref<128x64xf32, #tpu.memory_space<hbm>>) target(%arg12 : memref<128x64xf32, #tpu.memory_space<vmem>>) target_semaphore(%arg21 : memref<!tpu.dma_semaphore, #tpu.memory_space<semaphore_mem>>)
          } else {
          }
        } else {
        }
      }
      %while3A_51 = arith.constant 1 : i32
      scf.for %while3A_65 = %while3A_49 to %while3A_45 step %while3A_51  : i32 {
        %jit3A_66 = arith.constant 2 : i32
        %eq3A_67 = arith.constant 0 : i32
        %eq3A_68 = arith.cmpi eq, %jit3A_66, %eq3A_67 : i32
        %jit3A_69 = arith.constant 1 : i32
        %select_n3A_70 = arith.select %eq3A_68, %jit3A_69, %jit3A_66 : i32
        %rem3A = arith.remsi %while3A_65, %select_n3A_70 : i32
        %ne3A = arith.constant 0 : i32
        %ne3A_71 = arith.cmpi ne, %rem3A, %ne3A : i32
        %lt3A_72 = arith.constant 0 : i32
        %lt3A_73 = arith.cmpi slt, %rem3A, %lt3A_72 : i32
        %lt3A_74 = arith.constant 0 : i32
        %lt3A_75 = arith.cmpi slt, %select_n3A_70, %lt3A_74 : i32
        %ne3A_76 = arith.xori %lt3A_73, %lt3A_75 : i1
        %and3A = arith.andi %ne3A_76, %ne3A_71 : i1
        %add3A_77 = arith.addi %rem3A, %select_n3A_70 : i32
        %select_n3A_78 = arith.select %and3A, %add3A_77, %rem3A : i32
        %eq3A_79 = arith.constant 0 : i32
        %eq3A_80 = arith.cmpi eq, %select_n3A_78, %eq3A_79 : i32
        %convert_element_type3A_81 = arith.extui %eq3A_80 : i1 to i32
        %cond3A_82 = arith.constant 0 : i32
        %cond3A_83 = arith.cmpi ne, %convert_element_type3A_81, %cond3A_82 : i32
        scf.if %cond3A_83 {
          %dma_wait3A_105 = arith.constant 0 : i32
          %dma_wait3A_106 = tpu.memref_slice %arg5[%dma_wait3A_105] : memref<160000xi32, #tpu.memory_space<hbm>> -> memref<128xi32, #tpu.memory_space<hbm>>
          %dma_wait3A_107 = arith.constant 0 : i32
          %dma_wait3A_108 = tpu.memref_slice %arg5[%dma_wait3A_107] : memref<160000xi32, #tpu.memory_space<hbm>> -> memref<128xi32, #tpu.memory_space<hbm>>
          tpu.wait_dma2 semaphore(%arg19 : memref<!tpu.dma_semaphore, #tpu.memory_space<semaphore_mem>>) src(%dma_wait3A_108 : memref<128xi32, #tpu.memory_space<hbm>>) dst(%arg10 : memref<128xi32, #tpu.memory_space<vmem>>)
          %dma_wait3A_109 = arith.constant 0 : i32
          %dma_wait3A_110 = arith.constant 0 : i32
          %dma_wait3A_111 = tpu.memref_slice %arg3[%dma_wait3A_109, %dma_wait3A_110] : memref<160000x128xf32, #tpu.memory_space<hbm>> -> memref<128x64xf32, #tpu.memory_space<hbm>>
          %dma_wait3A_112 = arith.constant 0 : i32
          %dma_wait3A_113 = arith.constant 0 : i32
          %dma_wait3A_114 = tpu.memref_slice %arg3[%dma_wait3A_112, %dma_wait3A_113] : memref<160000x128xf32, #tpu.memory_space<hbm>> -> memref<128x64xf32, #tpu.memory_space<hbm>>
          tpu.wait_dma2 semaphore(%arg21 : memref<!tpu.dma_semaphore, #tpu.memory_space<semaphore_mem>>) src(%dma_wait3A_114 : memref<128x64xf32, #tpu.memory_space<hbm>>) dst(%arg12 : memref<128x64xf32, #tpu.memory_space<vmem>>)
          %dma_start3A_115 = arith.constant 0 : i32
          %dma_start3A_116 = arith.constant 0 : i32
          %dma_start3A_117 = tpu.memref_slice %arg17[%dma_start3A_115, %dma_start3A_116] : memref<10000x64xf32, #tpu.memory_space<vmem_shared>> -> memref<10000x64xf32, #tpu.memory_space<vmem_shared>>
          tpu.enqueue_indirect_dma source(%arg12 : memref<128x64xf32, #tpu.memory_space<vmem>>) target(%dma_start3A_117 : memref<10000x64xf32, #tpu.memory_space<vmem_shared>>) offsets(%arg10 : memref<128xi32, #tpu.memory_space<vmem>>) semaphore(%arg23 : memref<!tpu.dma_semaphore, #tpu.memory_space<semaphore_mem>>) {add = true}
          %add3A_118 = arith.constant 1 : i32
          %add3A_119 = arith.addi %while3A_65, %add3A_118 : i32
          %lt3A_120 = arith.cmpi slt, %add3A_119, %add3A_2 : i32
          %convert_element_type3A_121 = arith.extui %lt3A_120 : i1 to i32
          %cond3A_122 = arith.constant 0 : i32
          %cond3A_123 = arith.cmpi ne, %convert_element_type3A_121, %cond3A_122 : i32
          scf.if %cond3A_123 {
            %ge3A = arith.constant 1 : i32
            %ge3A_124 = arith.cmpi sge, %while3A_65, %ge3A : i32
            %convert_element_type3A_125 = arith.extui %ge3A_124 : i1 to i32
            %cond3A_126 = arith.constant 0 : i32
            %cond3A_127 = arith.cmpi ne, %convert_element_type3A_125, %cond3A_126 : i32
            scf.if %cond3A_127 {
              %dma_wait3A_141 = arith.constant 0 : i32
              %dma_wait3A_142 = arith.constant 0 : i32
              %dma_wait3A_143 = tpu.memref_slice %arg17[%dma_wait3A_141, %dma_wait3A_142] : memref<10000x64xf32, #tpu.memory_space<vmem_shared>> -> memref<10000x64xf32, #tpu.memory_space<vmem_shared>>
              tpu.wait_indirect_dma semaphore(%arg24 : memref<!tpu.dma_semaphore, #tpu.memory_space<semaphore_mem>>) src(%arg13 : memref<128x64xf32, #tpu.memory_space<vmem>>) dst(%dma_wait3A_143 : memref<10000x64xf32, #tpu.memory_space<vmem_shared>>)
            } else {
            }
            %add3A_128 = arith.constant 1 : i32
            %add3A_129 = arith.addi %while3A_65, %add3A_128 : i32
            %mul3A_130 = arith.constant 16 : i32
            %mul3A_131 = arith.muli %add3A_129, %mul3A_130 : i32
            %add3A_132 = arith.addi %arg1, %mul3A_131 : i32
            %mul3A_133 = arith.constant 128 : i32
            %mul3A_134 = arith.muli %add3A_132, %mul3A_133 : i32
            %dma_start3A_135 = tpu.memref_slice %arg5[%mul3A_134] : memref<160000xi32, #tpu.memory_space<hbm>> -> memref<128xi32, #tpu.memory_space<hbm>>
            %dma_start3A_136 = tpu.memref_slice %arg5[%mul3A_134] : memref<160000xi32, #tpu.memory_space<hbm>> -> memref<128xi32, #tpu.memory_space<hbm>>
            tpu.enqueue_dma source(%dma_start3A_136 : memref<128xi32, #tpu.memory_space<hbm>>) target(%arg11 : memref<128xi32, #tpu.memory_space<vmem>>) target_semaphore(%arg20 : memref<!tpu.dma_semaphore, #tpu.memory_space<semaphore_mem>>)
            %dma_start3A_137 = arith.constant 0 : i32
            %dma_start3A_138 = tpu.memref_slice %arg3[%mul3A_134, %dma_start3A_137] : memref<160000x128xf32, #tpu.memory_space<hbm>> -> memref<128x64xf32, #tpu.memory_space<hbm>>
            %dma_start3A_139 = arith.constant 0 : i32
            %dma_start3A_140 = tpu.memref_slice %arg3[%mul3A_134, %dma_start3A_139] : memref<160000x128xf32, #tpu.memory_space<hbm>> -> memref<128x64xf32, #tpu.memory_space<hbm>>
            tpu.enqueue_dma source(%dma_start3A_140 : memref<128x64xf32, #tpu.memory_space<hbm>>) target(%arg13 : memref<128x64xf32, #tpu.memory_space<vmem>>) target_semaphore(%arg22 : memref<!tpu.dma_semaphore, #tpu.memory_space<semaphore_mem>>)
          } else {
          }
        } else {
        }
        %jit3A_84 = arith.constant 2 : i32
        %eq3A_85 = arith.constant 0 : i32
        %eq3A_86 = arith.cmpi eq, %jit3A_84, %eq3A_85 : i32
        %jit3A_87 = arith.constant 1 : i32
        %select_n3A_88 = arith.select %eq3A_86, %jit3A_87, %jit3A_84 : i32
        %rem3A_89 = arith.remsi %while3A_65, %select_n3A_88 : i32
        %ne3A_90 = arith.constant 0 : i32
        %ne3A_91 = arith.cmpi ne, %rem3A_89, %ne3A_90 : i32
        %lt3A_92 = arith.constant 0 : i32
        %lt3A_93 = arith.cmpi slt, %rem3A_89, %lt3A_92 : i32
        %lt3A_94 = arith.constant 0 : i32
        %lt3A_95 = arith.cmpi slt, %select_n3A_88, %lt3A_94 : i32
        %ne3A_96 = arith.xori %lt3A_93, %lt3A_95 : i1
        %and3A_97 = arith.andi %ne3A_96, %ne3A_91 : i1
        %add3A_98 = arith.addi %rem3A_89, %select_n3A_88 : i32
        %select_n3A_99 = arith.select %and3A_97, %add3A_98, %rem3A_89 : i32
        %eq3A_100 = arith.constant 1 : i32
        %eq3A_101 = arith.cmpi eq, %select_n3A_99, %eq3A_100 : i32
        %convert_element_type3A_102 = arith.extui %eq3A_101 : i1 to i32
        %cond3A_103 = arith.constant 0 : i32
        %cond3A_104 = arith.cmpi ne, %convert_element_type3A_102, %cond3A_103 : i32
        scf.if %cond3A_104 {
          %dma_wait3A_105 = arith.constant 0 : i32
          %dma_wait3A_106 = tpu.memref_slice %arg5[%dma_wait3A_105] : memref<160000xi32, #tpu.memory_space<hbm>> -> memref<128xi32, #tpu.memory_space<hbm>>
          %dma_wait3A_107 = arith.constant 0 : i32
          %dma_wait3A_108 = tpu.memref_slice %arg5[%dma_wait3A_107] : memref<160000xi32, #tpu.memory_space<hbm>> -> memref<128xi32, #tpu.memory_space<hbm>>
          tpu.wait_dma2 semaphore(%arg20 : memref<!tpu.dma_semaphore, #tpu.memory_space<semaphore_mem>>) src(%dma_wait3A_108 : memref<128xi32, #tpu.memory_space<hbm>>) dst(%arg11 : memref<128xi32, #tpu.memory_space<vmem>>)
          %dma_wait3A_109 = arith.constant 0 : i32
          %dma_wait3A_110 = arith.constant 0 : i32
          %dma_wait3A_111 = tpu.memref_slice %arg3[%dma_wait3A_109, %dma_wait3A_110] : memref<160000x128xf32, #tpu.memory_space<hbm>> -> memref<128x64xf32, #tpu.memory_space<hbm>>
          %dma_wait3A_112 = arith.constant 0 : i32
          %dma_wait3A_113 = arith.constant 0 : i32
          %dma_wait3A_114 = tpu.memref_slice %arg3[%dma_wait3A_112, %dma_wait3A_113] : memref<160000x128xf32, #tpu.memory_space<hbm>> -> memref<128x64xf32, #tpu.memory_space<hbm>>
          tpu.wait_dma2 semaphore(%arg22 : memref<!tpu.dma_semaphore, #tpu.memory_space<semaphore_mem>>) src(%dma_wait3A_114 : memref<128x64xf32, #tpu.memory_space<hbm>>) dst(%arg13 : memref<128x64xf32, #tpu.memory_space<vmem>>)
          %dma_start3A_115 = arith.constant 0 : i32
          %dma_start3A_116 = arith.constant 0 : i32
          %dma_start3A_117 = tpu.memref_slice %arg17[%dma_start3A_115, %dma_start3A_116] : memref<10000x64xf32, #tpu.memory_space<vmem_shared>> -> memref<10000x64xf32, #tpu.memory_space<vmem_shared>>
          tpu.enqueue_indirect_dma source(%arg13 : memref<128x64xf32, #tpu.memory_space<vmem>>) target(%dma_start3A_117 : memref<10000x64xf32, #tpu.memory_space<vmem_shared>>) offsets(%arg11 : memref<128xi32, #tpu.memory_space<vmem>>) semaphore(%arg24 : memref<!tpu.dma_semaphore, #tpu.memory_space<semaphore_mem>>) {add = true}
          %add3A_118 = arith.constant 1 : i32
          %add3A_119 = arith.addi %while3A_65, %add3A_118 : i32
          %lt3A_120 = arith.cmpi slt, %add3A_119, %add3A_2 : i32
          %convert_element_type3A_121 = arith.extui %lt3A_120 : i1 to i32
          %cond3A_122 = arith.constant 0 : i32
          %cond3A_123 = arith.cmpi ne, %convert_element_type3A_121, %cond3A_122 : i32
          scf.if %cond3A_123 {
            %ge3A = arith.constant 1 : i32
            %ge3A_124 = arith.cmpi sge, %while3A_65, %ge3A : i32
            %convert_element_type3A_125 = arith.extui %ge3A_124 : i1 to i32
            %cond3A_126 = arith.constant 0 : i32
            %cond3A_127 = arith.cmpi ne, %convert_element_type3A_125, %cond3A_126 : i32
            scf.if %cond3A_127 {
              %dma_wait3A_141 = arith.constant 0 : i32
              %dma_wait3A_142 = arith.constant 0 : i32
              %dma_wait3A_143 = tpu.memref_slice %arg17[%dma_wait3A_141, %dma_wait3A_142] : memref<10000x64xf32, #tpu.memory_space<vmem_shared>> -> memref<10000x64xf32, #tpu.memory_space<vmem_shared>>
              tpu.wait_indirect_dma semaphore(%arg23 : memref<!tpu.dma_semaphore, #tpu.memory_space<semaphore_mem>>) src(%arg12 : memref<128x64xf32, #tpu.memory_space<vmem>>) dst(%dma_wait3A_143 : memref<10000x64xf32, #tpu.memory_space<vmem_shared>>)
            } else {
            }
            %add3A_128 = arith.constant 1 : i32
            %add3A_129 = arith.addi %while3A_65, %add3A_128 : i32
            %mul3A_130 = arith.constant 16 : i32
            %mul3A_131 = arith.muli %add3A_129, %mul3A_130 : i32
            %add3A_132 = arith.addi %arg1, %mul3A_131 : i32
            %mul3A_133 = arith.constant 128 : i32
            %mul3A_134 = arith.muli %add3A_132, %mul3A_133 : i32
            %dma_start3A_135 = tpu.memref_slice %arg5[%mul3A_134] : memref<160000xi32, #tpu.memory_space<hbm>> -> memref<128xi32, #tpu.memory_space<hbm>>
            %dma_start3A_136 = tpu.memref_slice %arg5[%mul3A_134] : memref<160000xi32, #tpu.memory_space<hbm>> -> memref<128xi32, #tpu.memory_space<hbm>>
            tpu.enqueue_dma source(%dma_start3A_136 : memref<128xi32, #tpu.memory_space<hbm>>) target(%arg10 : memref<128xi32, #tpu.memory_space<vmem>>) target_semaphore(%arg19 : memref<!tpu.dma_semaphore, #tpu.memory_space<semaphore_mem>>)
            %dma_start3A_137 = arith.constant 0 : i32
            %dma_start3A_138 = tpu.memref_slice %arg3[%mul3A_134, %dma_start3A_137] : memref<160000x128xf32, #tpu.memory_space<hbm>> -> memref<128x64xf32, #tpu.memory_space<hbm>>
            %dma_start3A_139 = arith.constant 0 : i32
            %dma_start3A_140 = tpu.memref_slice %arg3[%mul3A_134, %dma_start3A_139] : memref<160000x128xf32, #tpu.memory_space<hbm>> -> memref<128x64xf32, #tpu.memory_space<hbm>>
            tpu.enqueue_dma source(%dma_start3A_140 : memref<128x64xf32, #tpu.memory_space<hbm>>) target(%arg12 : memref<128x64xf32, #tpu.memory_space<vmem>>) target_semaphore(%arg21 : memref<!tpu.dma_semaphore, #tpu.memory_space<semaphore_mem>>)
          } else {
          }
        } else {
        }
      }
      %dma_wait3A = arith.constant 0 : i32
      %dma_wait3A_52 = arith.constant 0 : i32
      %dma_wait3A_53 = tpu.memref_slice %arg17[%dma_wait3A, %dma_wait3A_52] : memref<10000x64xf32, #tpu.memory_space<vmem_shared>> -> memref<10000x64xf32, #tpu.memory_space<vmem_shared>>
      tpu.wait_indirect_dma semaphore(%arg23 : memref<!tpu.dma_semaphore, #tpu.memory_space<semaphore_mem>>) src(%arg12 : memref<128x64xf32, #tpu.memory_space<vmem>>) dst(%dma_wait3A_53 : memref<10000x64xf32, #tpu.memory_space<vmem_shared>>)
      %dma_wait3A_54 = arith.constant 0 : i32
      %dma_wait3A_55 = arith.constant 0 : i32
      %dma_wait3A_56 = tpu.memref_slice %arg17[%dma_wait3A_54, %dma_wait3A_55] : memref<10000x64xf32, #tpu.memory_space<vmem_shared>> -> memref<10000x64xf32, #tpu.memory_space<vmem_shared>>
      tpu.wait_indirect_dma semaphore(%arg24 : memref<!tpu.dma_semaphore, #tpu.memory_space<semaphore_mem>>) src(%arg13 : memref<128x64xf32, #tpu.memory_space<vmem>>) dst(%dma_wait3A_56 : memref<10000x64xf32, #tpu.memory_space<vmem_shared>>)
      %barrier3A_57 = arith.constant 0 : index
      tpu.barrier barrier_id(%barrier3A_57)
      %scan3A_58 = arith.constant 0 : i32
      %scan3A_59 = arith.constant 0 : i32
      %scan3A_60 = arith.constant 5 : i32
      %scan3A_61 = arith.addi %scan3A_59, %scan3A_60 : i32
      %scan3A_62 = arith.constant 1 : i32
      scf.for %scan3A_65 = %scan3A_59 to %scan3A_61 step %scan3A_62  : i32 {
        %mul3A_66 = arith.constant 625 : i32
        %mul3A_67 = arith.muli %arg1, %mul3A_66 : i32
        %mul3A_68 = arith.constant 125 : i32
        %mul3A_69 = arith.muli %scan3A_65, %mul3A_68 : i32
        %add3A_70 = arith.addi %mul3A_67, %mul3A_69 : i32
        "tpu.region"() ({
          %run_scoped3A = tpu.sem_alloc : memref<!tpu.dma_semaphore, #tpu.memory_space<semaphore_mem>>
          %dma_start3A_71 = arith.constant 0 : i32
          %dma_start3A_72 = arith.constant 0 : i32
          %dma_start3A_73 = tpu.memref_slice %arg12[%dma_start3A_71, %dma_start3A_72] : memref<128x64xf32, #tpu.memory_space<vmem>> -> memref<125x64xf32, #tpu.memory_space<vmem>>
          %dma_start3A_74 = arith.constant 0 : i32
          %dma_start3A_75 = tpu.memref_slice %arg17[%add3A_70, %dma_start3A_74] : memref<10000x64xf32, #tpu.memory_space<vmem_shared>> -> memref<125x64xf32, #tpu.memory_space<vmem_shared>>
          %dma_start3A_76 = arith.constant 0 : i32
          %dma_start3A_77 = arith.constant 0 : i32
          %dma_start3A_78 = tpu.memref_slice %arg12[%dma_start3A_76, %dma_start3A_77] : memref<128x64xf32, #tpu.memory_space<vmem>> -> memref<125x64xf32, #tpu.memory_space<vmem>>
          %dma_start3A_79 = arith.constant 0 : i32
          %dma_start3A_80 = tpu.memref_slice %arg17[%add3A_70, %dma_start3A_79] : memref<10000x64xf32, #tpu.memory_space<vmem_shared>> -> memref<125x64xf32, #tpu.memory_space<vmem_shared>>
          tpu.enqueue_dma source(%dma_start3A_80 : memref<125x64xf32, #tpu.memory_space<vmem_shared>>) target(%dma_start3A_78 : memref<125x64xf32, #tpu.memory_space<vmem>>) target_semaphore(%run_scoped3A : memref<!tpu.dma_semaphore, #tpu.memory_space<semaphore_mem>>)
          %dma_wait3A_81 = arith.constant 0 : i32
          %dma_wait3A_82 = arith.constant 0 : i32
          %dma_wait3A_83 = tpu.memref_slice %arg12[%dma_wait3A_81, %dma_wait3A_82] : memref<128x64xf32, #tpu.memory_space<vmem>> -> memref<125x64xf32, #tpu.memory_space<vmem>>
          %dma_wait3A_84 = arith.constant 0 : i32
          %dma_wait3A_85 = tpu.memref_slice %arg17[%add3A_70, %dma_wait3A_84] : memref<10000x64xf32, #tpu.memory_space<vmem_shared>> -> memref<125x64xf32, #tpu.memory_space<vmem_shared>>
          %dma_wait3A_86 = arith.constant 0 : i32
          %dma_wait3A_87 = arith.constant 0 : i32
          %dma_wait3A_88 = tpu.memref_slice %arg12[%dma_wait3A_86, %dma_wait3A_87] : memref<128x64xf32, #tpu.memory_space<vmem>> -> memref<125x64xf32, #tpu.memory_space<vmem>>
          %dma_wait3A_89 = arith.constant 0 : i32
          %dma_wait3A_90 = tpu.memref_slice %arg17[%add3A_70, %dma_wait3A_89] : memref<10000x64xf32, #tpu.memory_space<vmem_shared>> -> memref<125x64xf32, #tpu.memory_space<vmem_shared>>
          tpu.wait_dma2 semaphore(%run_scoped3A : memref<!tpu.dma_semaphore, #tpu.memory_space<semaphore_mem>>) src(%dma_wait3A_90 : memref<125x64xf32, #tpu.memory_space<vmem_shared>>) dst(%dma_wait3A_88 : memref<125x64xf32, #tpu.memory_space<vmem>>)
          tpu.yield
        }) : () -> ()
        "tpu.region"() ({
          %run_scoped3A = tpu.sem_alloc : memref<!tpu.dma_semaphore, #tpu.memory_space<semaphore_mem>>
          %dma_start3A_71 = arith.constant 0 : i32
          %dma_start3A_72 = arith.constant 0 : i32
          %dma_start3A_73 = tpu.memref_slice %arg12[%dma_start3A_71, %dma_start3A_72] : memref<128x64xf32, #tpu.memory_space<vmem>> -> memref<125x64xf32, #tpu.memory_space<vmem>>
          %dma_start3A_74 = arith.constant 0 : i32
          %dma_start3A_75 = tpu.memref_slice %arg8[%add3A_70, %dma_start3A_74] : memref<10000x128xf32, #tpu.memory_space<hbm>> -> memref<125x64xf32, #tpu.memory_space<hbm>>
          %dma_start3A_76 = arith.constant 0 : i32
          %dma_start3A_77 = tpu.memref_slice %arg8[%add3A_70, %dma_start3A_76] : memref<10000x128xf32, #tpu.memory_space<hbm>> -> memref<125x64xf32, #tpu.memory_space<hbm>>
          %dma_start3A_78 = arith.constant 0 : i32
          %dma_start3A_79 = arith.constant 0 : i32
          %dma_start3A_80 = tpu.memref_slice %arg12[%dma_start3A_78, %dma_start3A_79] : memref<128x64xf32, #tpu.memory_space<vmem>> -> memref<125x64xf32, #tpu.memory_space<vmem>>
          tpu.enqueue_dma source(%dma_start3A_80 : memref<125x64xf32, #tpu.memory_space<vmem>>) target(%dma_start3A_77 : memref<125x64xf32, #tpu.memory_space<hbm>>) target_semaphore(%run_scoped3A : memref<!tpu.dma_semaphore, #tpu.memory_space<semaphore_mem>>)
          %dma_wait3A_81 = arith.constant 0 : i32
          %dma_wait3A_82 = arith.constant 0 : i32
          %dma_wait3A_83 = tpu.memref_slice %arg12[%dma_wait3A_81, %dma_wait3A_82] : memref<128x64xf32, #tpu.memory_space<vmem>> -> memref<125x64xf32, #tpu.memory_space<vmem>>
          %dma_wait3A_84 = arith.constant 0 : i32
          %dma_wait3A_85 = tpu.memref_slice %arg8[%add3A_70, %dma_wait3A_84] : memref<10000x128xf32, #tpu.memory_space<hbm>> -> memref<125x64xf32, #tpu.memory_space<hbm>>
          %dma_wait3A_86 = arith.constant 0 : i32
          %dma_wait3A_87 = tpu.memref_slice %arg8[%add3A_70, %dma_wait3A_86] : memref<10000x128xf32, #tpu.memory_space<hbm>> -> memref<125x64xf32, #tpu.memory_space<hbm>>
          %dma_wait3A_88 = arith.constant 0 : i32
          %dma_wait3A_89 = arith.constant 0 : i32
          %dma_wait3A_90 = tpu.memref_slice %arg12[%dma_wait3A_88, %dma_wait3A_89] : memref<128x64xf32, #tpu.memory_space<vmem>> -> memref<125x64xf32, #tpu.memory_space<vmem>>
          tpu.wait_dma2 semaphore(%run_scoped3A : memref<!tpu.dma_semaphore, #tpu.memory_space<semaphore_mem>>) src(%dma_wait3A_90 : memref<125x64xf32, #tpu.memory_space<vmem>>) dst(%dma_wait3A_87 : memref<125x64xf32, #tpu.memory_space<hbm>>)
          tpu.yield
        }) : () -> ()
      }
      %scan3A_63 = arith.constant 5 : i32
      %barrier3A_64 = arith.constant 0 : index
      tpu.barrier barrier_id(%barrier3A_64)
    } else {
    }
    %eq3A_15 = arith.constant 1 : i32
    %eq3A_16 = arith.cmpi eq, %arg0, %eq3A_15 : i32
    %convert_element_type3A_17 = arith.extui %eq3A_16 : i1 to i32
    %cond3A_18 = arith.constant 0 : i32
    %cond3A_19 = arith.cmpi ne, %convert_element_type3A_17, %cond3A_18 : i32
    scf.if %cond3A_19 {
      %scan3A = arith.constant 0 : i32
      %scan3A_30 = arith.constant 0 : i32
      %scan3A_31 = arith.constant 25 : i32
      %scan3A_32 = arith.addi %scan3A_30, %scan3A_31 : i32
      %scan3A_33 = arith.constant 1 : i32
      scf.for %scan3A_65 = %scan3A_30 to %scan3A_32 step %scan3A_33  : i32 {
        %mul3A_66 = arith.constant 625 : i32
        %mul3A_67 = arith.muli %arg1, %mul3A_66 : i32
        %mul3A_68 = arith.constant 25 : i32
        %mul3A_69 = arith.muli %scan3A_65, %mul3A_68 : i32
        %add3A_70 = arith.addi %mul3A_67, %mul3A_69 : i32
        "tpu.region"() ({
          %run_scoped3A = tpu.sem_alloc : memref<!tpu.dma_semaphore, #tpu.memory_space<semaphore_mem>>
          %dma_start3A_71 = arith.constant 0 : i32
          %dma_start3A_72 = arith.constant 0 : i32
          %dma_start3A_73 = tpu.memref_slice %arg16[%dma_start3A_71, %dma_start3A_72] : memref<25x64xf32, #tpu.memory_space<vmem>> -> memref<25x64xf32, #tpu.memory_space<vmem>>
          %dma_start3A_74 = arith.constant 0 : i32
          %dma_start3A_75 = tpu.memref_slice %arg17[%add3A_70, %dma_start3A_74] : memref<10000x64xf32, #tpu.memory_space<vmem_shared>> -> memref<25x64xf32, #tpu.memory_space<vmem_shared>>
          %dma_start3A_76 = arith.constant 0 : i32
          %dma_start3A_77 = tpu.memref_slice %arg17[%add3A_70, %dma_start3A_76] : memref<10000x64xf32, #tpu.memory_space<vmem_shared>> -> memref<25x64xf32, #tpu.memory_space<vmem_shared>>
          %dma_start3A_78 = arith.constant 0 : i32
          %dma_start3A_79 = arith.constant 0 : i32
          %dma_start3A_80 = tpu.memref_slice %arg16[%dma_start3A_78, %dma_start3A_79] : memref<25x64xf32, #tpu.memory_space<vmem>> -> memref<25x64xf32, #tpu.memory_space<vmem>>
          tpu.enqueue_dma source(%dma_start3A_80 : memref<25x64xf32, #tpu.memory_space<vmem>>) target(%dma_start3A_77 : memref<25x64xf32, #tpu.memory_space<vmem_shared>>) target_semaphore(%run_scoped3A : memref<!tpu.dma_semaphore, #tpu.memory_space<semaphore_mem>>)
          %dma_wait3A_81 = arith.constant 0 : i32
          %dma_wait3A_82 = arith.constant 0 : i32
          %dma_wait3A_83 = tpu.memref_slice %arg16[%dma_wait3A_81, %dma_wait3A_82] : memref<25x64xf32, #tpu.memory_space<vmem>> -> memref<25x64xf32, #tpu.memory_space<vmem>>
          %dma_wait3A_84 = arith.constant 0 : i32
          %dma_wait3A_85 = tpu.memref_slice %arg17[%add3A_70, %dma_wait3A_84] : memref<10000x64xf32, #tpu.memory_space<vmem_shared>> -> memref<25x64xf32, #tpu.memory_space<vmem_shared>>
          %dma_wait3A_86 = arith.constant 0 : i32
          %dma_wait3A_87 = tpu.memref_slice %arg17[%add3A_70, %dma_wait3A_86] : memref<10000x64xf32, #tpu.memory_space<vmem_shared>> -> memref<25x64xf32, #tpu.memory_space<vmem_shared>>
          %dma_wait3A_88 = arith.constant 0 : i32
          %dma_wait3A_89 = arith.constant 0 : i32
          %dma_wait3A_90 = tpu.memref_slice %arg16[%dma_wait3A_88, %dma_wait3A_89] : memref<25x64xf32, #tpu.memory_space<vmem>> -> memref<25x64xf32, #tpu.memory_space<vmem>>
          tpu.wait_dma2 semaphore(%run_scoped3A : memref<!tpu.dma_semaphore, #tpu.memory_space<semaphore_mem>>) src(%dma_wait3A_90 : memref<25x64xf32, #tpu.memory_space<vmem>>) dst(%dma_wait3A_87 : memref<25x64xf32, #tpu.memory_space<vmem_shared>>)
          tpu.yield
        }) : () -> ()
      }
      %scan3A_34 = arith.constant 25 : i32
      %barrier3A = arith.constant 0 : index
      tpu.barrier barrier_id(%barrier3A)
      %add3A_35 = arith.constant 0 : i32
      %add3A_36 = arith.addi %arg1, %add3A_35 : i32
      %mul3A = arith.constant 128 : i32
      %mul3A_37 = arith.muli %add3A_36, %mul3A : i32
      %dma_start3A = tpu.memref_slice %arg5[%mul3A_37] : memref<160000xi32, #tpu.memory_space<hbm>> -> memref<128xi32, #tpu.memory_space<hbm>>
      %dma_start3A_38 = tpu.memref_slice %arg5[%mul3A_37] : memref<160000xi32, #tpu.memory_space<hbm>> -> memref<128xi32, #tpu.memory_space<hbm>>
      tpu.enqueue_dma source(%dma_start3A_38 : memref<128xi32, #tpu.memory_space<hbm>>) target(%arg10 : memref<128xi32, #tpu.memory_space<vmem>>) target_semaphore(%arg19 : memref<!tpu.dma_semaphore, #tpu.memory_space<semaphore_mem>>)
      %dma_start3A_39 = arith.constant 64 : i32
      %dma_start3A_40 = tpu.memref_slice %arg3[%mul3A_37, %dma_start3A_39] : memref<160000x128xf32, #tpu.memory_space<hbm>> -> memref<128x64xf32, #tpu.memory_space<hbm>>
      %dma_start3A_41 = arith.constant 64 : i32
      %dma_start3A_42 = tpu.memref_slice %arg3[%mul3A_37, %dma_start3A_41] : memref<160000x128xf32, #tpu.memory_space<hbm>> -> memref<128x64xf32, #tpu.memory_space<hbm>>
      tpu.enqueue_dma source(%dma_start3A_42 : memref<128x64xf32, #tpu.memory_space<hbm>>) target(%arg12 : memref<128x64xf32, #tpu.memory_space<vmem>>) target_semaphore(%arg21 : memref<!tpu.dma_semaphore, #tpu.memory_space<semaphore_mem>>)
      %while3A = arith.constant 0 : i32
      %while3A_43 = arith.constant 0 : i32
      %while3A_44 = arith.subi %add3A_2, %while3A_43 : i32
      %while3A_45 = arith.addi %while3A_43, %while3A_44 : i32
      %while3A_46 = arith.constant 1 : i32
      %while3A_47 = arith.divsi %while3A_44, %while3A_46 : i32
      %while3A_48 = arith.muli %while3A_47, %while3A_46 : i32
      %while3A_49 = arith.addi %while3A_43, %while3A_48 : i32
      %while3A_50 = arith.constant 1 : i32
      scf.for %while3A_65 = %while3A_43 to %while3A_49 step %while3A_50  : i32 {
        %jit3A_66 = arith.constant 2 : i32
        %eq3A_67 = arith.constant 0 : i32
        %eq3A_68 = arith.cmpi eq, %jit3A_66, %eq3A_67 : i32
        %jit3A_69 = arith.constant 1 : i32
        %select_n3A_70 = arith.select %eq3A_68, %jit3A_69, %jit3A_66 : i32
        %rem3A = arith.remsi %while3A_65, %select_n3A_70 : i32
        %ne3A = arith.constant 0 : i32
        %ne3A_71 = arith.cmpi ne, %rem3A, %ne3A : i32
        %lt3A_72 = arith.constant 0 : i32
        %lt3A_73 = arith.cmpi slt, %rem3A, %lt3A_72 : i32
        %lt3A_74 = arith.constant 0 : i32
        %lt3A_75 = arith.cmpi slt, %select_n3A_70, %lt3A_74 : i32
        %ne3A_76 = arith.xori %lt3A_73, %lt3A_75 : i1
        %and3A = arith.andi %ne3A_76, %ne3A_71 : i1
        %add3A_77 = arith.addi %rem3A, %select_n3A_70 : i32
        %select_n3A_78 = arith.select %and3A, %add3A_77, %rem3A : i32
        %eq3A_79 = arith.constant 0 : i32
        %eq3A_80 = arith.cmpi eq, %select_n3A_78, %eq3A_79 : i32
        %convert_element_type3A_81 = arith.extui %eq3A_80 : i1 to i32
        %cond3A_82 = arith.constant 0 : i32
        %cond3A_83 = arith.cmpi ne, %convert_element_type3A_81, %cond3A_82 : i32
        scf.if %cond3A_83 {
          %dma_wait3A_105 = arith.constant 0 : i32
          %dma_wait3A_106 = tpu.memref_slice %arg5[%dma_wait3A_105] : memref<160000xi32, #tpu.memory_space<hbm>> -> memref<128xi32, #tpu.memory_space<hbm>>
          %dma_wait3A_107 = arith.constant 0 : i32
          %dma_wait3A_108 = tpu.memref_slice %arg5[%dma_wait3A_107] : memref<160000xi32, #tpu.memory_space<hbm>> -> memref<128xi32, #tpu.memory_space<hbm>>
          tpu.wait_dma2 semaphore(%arg19 : memref<!tpu.dma_semaphore, #tpu.memory_space<semaphore_mem>>) src(%dma_wait3A_108 : memref<128xi32, #tpu.memory_space<hbm>>) dst(%arg10 : memref<128xi32, #tpu.memory_space<vmem>>)
          %dma_wait3A_109 = arith.constant 0 : i32
          %dma_wait3A_110 = arith.constant 64 : i32
          %dma_wait3A_111 = tpu.memref_slice %arg3[%dma_wait3A_109, %dma_wait3A_110] : memref<160000x128xf32, #tpu.memory_space<hbm>> -> memref<128x64xf32, #tpu.memory_space<hbm>>
          %dma_wait3A_112 = arith.constant 0 : i32
          %dma_wait3A_113 = arith.constant 64 : i32
          %dma_wait3A_114 = tpu.memref_slice %arg3[%dma_wait3A_112, %dma_wait3A_113] : memref<160000x128xf32, #tpu.memory_space<hbm>> -> memref<128x64xf32, #tpu.memory_space<hbm>>
          tpu.wait_dma2 semaphore(%arg21 : memref<!tpu.dma_semaphore, #tpu.memory_space<semaphore_mem>>) src(%dma_wait3A_114 : memref<128x64xf32, #tpu.memory_space<hbm>>) dst(%arg12 : memref<128x64xf32, #tpu.memory_space<vmem>>)
          %dma_start3A_115 = arith.constant 0 : i32
          %dma_start3A_116 = arith.constant 0 : i32
          %dma_start3A_117 = tpu.memref_slice %arg17[%dma_start3A_115, %dma_start3A_116] : memref<10000x64xf32, #tpu.memory_space<vmem_shared>> -> memref<10000x64xf32, #tpu.memory_space<vmem_shared>>
          tpu.enqueue_indirect_dma source(%arg12 : memref<128x64xf32, #tpu.memory_space<vmem>>) target(%dma_start3A_117 : memref<10000x64xf32, #tpu.memory_space<vmem_shared>>) offsets(%arg10 : memref<128xi32, #tpu.memory_space<vmem>>) semaphore(%arg23 : memref<!tpu.dma_semaphore, #tpu.memory_space<semaphore_mem>>) {add = true}
          %add3A_118 = arith.constant 1 : i32
          %add3A_119 = arith.addi %while3A_65, %add3A_118 : i32
          %lt3A_120 = arith.cmpi slt, %add3A_119, %add3A_2 : i32
          %convert_element_type3A_121 = arith.extui %lt3A_120 : i1 to i32
          %cond3A_122 = arith.constant 0 : i32
          %cond3A_123 = arith.cmpi ne, %convert_element_type3A_121, %cond3A_122 : i32
          scf.if %cond3A_123 {
            %ge3A = arith.constant 1 : i32
            %ge3A_124 = arith.cmpi sge, %while3A_65, %ge3A : i32
            %convert_element_type3A_125 = arith.extui %ge3A_124 : i1 to i32
            %cond3A_126 = arith.constant 0 : i32
            %cond3A_127 = arith.cmpi ne, %convert_element_type3A_125, %cond3A_126 : i32
            scf.if %cond3A_127 {
              %dma_wait3A_141 = arith.constant 0 : i32
              %dma_wait3A_142 = arith.constant 0 : i32
              %dma_wait3A_143 = tpu.memref_slice %arg17[%dma_wait3A_141, %dma_wait3A_142] : memref<10000x64xf32, #tpu.memory_space<vmem_shared>> -> memref<10000x64xf32, #tpu.memory_space<vmem_shared>>
              tpu.wait_indirect_dma semaphore(%arg24 : memref<!tpu.dma_semaphore, #tpu.memory_space<semaphore_mem>>) src(%arg13 : memref<128x64xf32, #tpu.memory_space<vmem>>) dst(%dma_wait3A_143 : memref<10000x64xf32, #tpu.memory_space<vmem_shared>>)
            } else {
            }
            %add3A_128 = arith.constant 1 : i32
            %add3A_129 = arith.addi %while3A_65, %add3A_128 : i32
            %mul3A_130 = arith.constant 16 : i32
            %mul3A_131 = arith.muli %add3A_129, %mul3A_130 : i32
            %add3A_132 = arith.addi %arg1, %mul3A_131 : i32
            %mul3A_133 = arith.constant 128 : i32
            %mul3A_134 = arith.muli %add3A_132, %mul3A_133 : i32
            %dma_start3A_135 = tpu.memref_slice %arg5[%mul3A_134] : memref<160000xi32, #tpu.memory_space<hbm>> -> memref<128xi32, #tpu.memory_space<hbm>>
            %dma_start3A_136 = tpu.memref_slice %arg5[%mul3A_134] : memref<160000xi32, #tpu.memory_space<hbm>> -> memref<128xi32, #tpu.memory_space<hbm>>
            tpu.enqueue_dma source(%dma_start3A_136 : memref<128xi32, #tpu.memory_space<hbm>>) target(%arg11 : memref<128xi32, #tpu.memory_space<vmem>>) target_semaphore(%arg20 : memref<!tpu.dma_semaphore, #tpu.memory_space<semaphore_mem>>)
            %dma_start3A_137 = arith.constant 64 : i32
            %dma_start3A_138 = tpu.memref_slice %arg3[%mul3A_134, %dma_start3A_137] : memref<160000x128xf32, #tpu.memory_space<hbm>> -> memref<128x64xf32, #tpu.memory_space<hbm>>
            %dma_start3A_139 = arith.constant 64 : i32
            %dma_start3A_140 = tpu.memref_slice %arg3[%mul3A_134, %dma_start3A_139] : memref<160000x128xf32, #tpu.memory_space<hbm>> -> memref<128x64xf32, #tpu.memory_space<hbm>>
            tpu.enqueue_dma source(%dma_start3A_140 : memref<128x64xf32, #tpu.memory_space<hbm>>) target(%arg13 : memref<128x64xf32, #tpu.memory_space<vmem>>) target_semaphore(%arg22 : memref<!tpu.dma_semaphore, #tpu.memory_space<semaphore_mem>>)
          } else {
          }
        } else {
        }
        %jit3A_84 = arith.constant 2 : i32
        %eq3A_85 = arith.constant 0 : i32
        %eq3A_86 = arith.cmpi eq, %jit3A_84, %eq3A_85 : i32
        %jit3A_87 = arith.constant 1 : i32
        %select_n3A_88 = arith.select %eq3A_86, %jit3A_87, %jit3A_84 : i32
        %rem3A_89 = arith.remsi %while3A_65, %select_n3A_88 : i32
        %ne3A_90 = arith.constant 0 : i32
        %ne3A_91 = arith.cmpi ne, %rem3A_89, %ne3A_90 : i32
        %lt3A_92 = arith.constant 0 : i32
        %lt3A_93 = arith.cmpi slt, %rem3A_89, %lt3A_92 : i32
        %lt3A_94 = arith.constant 0 : i32
        %lt3A_95 = arith.cmpi slt, %select_n3A_88, %lt3A_94 : i32
        %ne3A_96 = arith.xori %lt3A_93, %lt3A_95 : i1
        %and3A_97 = arith.andi %ne3A_96, %ne3A_91 : i1
        %add3A_98 = arith.addi %rem3A_89, %select_n3A_88 : i32
        %select_n3A_99 = arith.select %and3A_97, %add3A_98, %rem3A_89 : i32
        %eq3A_100 = arith.constant 1 : i32
        %eq3A_101 = arith.cmpi eq, %select_n3A_99, %eq3A_100 : i32
        %convert_element_type3A_102 = arith.extui %eq3A_101 : i1 to i32
        %cond3A_103 = arith.constant 0 : i32
        %cond3A_104 = arith.cmpi ne, %convert_element_type3A_102, %cond3A_103 : i32
        scf.if %cond3A_104 {
          %dma_wait3A_105 = arith.constant 0 : i32
          %dma_wait3A_106 = tpu.memref_slice %arg5[%dma_wait3A_105] : memref<160000xi32, #tpu.memory_space<hbm>> -> memref<128xi32, #tpu.memory_space<hbm>>
          %dma_wait3A_107 = arith.constant 0 : i32
          %dma_wait3A_108 = tpu.memref_slice %arg5[%dma_wait3A_107] : memref<160000xi32, #tpu.memory_space<hbm>> -> memref<128xi32, #tpu.memory_space<hbm>>
          tpu.wait_dma2 semaphore(%arg20 : memref<!tpu.dma_semaphore, #tpu.memory_space<semaphore_mem>>) src(%dma_wait3A_108 : memref<128xi32, #tpu.memory_space<hbm>>) dst(%arg11 : memref<128xi32, #tpu.memory_space<vmem>>)
          %dma_wait3A_109 = arith.constant 0 : i32
          %dma_wait3A_110 = arith.constant 64 : i32
          %dma_wait3A_111 = tpu.memref_slice %arg3[%dma_wait3A_109, %dma_wait3A_110] : memref<160000x128xf32, #tpu.memory_space<hbm>> -> memref<128x64xf32, #tpu.memory_space<hbm>>
          %dma_wait3A_112 = arith.constant 0 : i32
          %dma_wait3A_113 = arith.constant 64 : i32
          %dma_wait3A_114 = tpu.memref_slice %arg3[%dma_wait3A_112, %dma_wait3A_113] : memref<160000x128xf32, #tpu.memory_space<hbm>> -> memref<128x64xf32, #tpu.memory_space<hbm>>
          tpu.wait_dma2 semaphore(%arg22 : memref<!tpu.dma_semaphore, #tpu.memory_space<semaphore_mem>>) src(%dma_wait3A_114 : memref<128x64xf32, #tpu.memory_space<hbm>>) dst(%arg13 : memref<128x64xf32, #tpu.memory_space<vmem>>)
          %dma_start3A_115 = arith.constant 0 : i32
          %dma_start3A_116 = arith.constant 0 : i32
          %dma_start3A_117 = tpu.memref_slice %arg17[%dma_start3A_115, %dma_start3A_116] : memref<10000x64xf32, #tpu.memory_space<vmem_shared>> -> memref<10000x64xf32, #tpu.memory_space<vmem_shared>>
          tpu.enqueue_indirect_dma source(%arg13 : memref<128x64xf32, #tpu.memory_space<vmem>>) target(%dma_start3A_117 : memref<10000x64xf32, #tpu.memory_space<vmem_shared>>) offsets(%arg11 : memref<128xi32, #tpu.memory_space<vmem>>) semaphore(%arg24 : memref<!tpu.dma_semaphore, #tpu.memory_space<semaphore_mem>>) {add = true}
          %add3A_118 = arith.constant 1 : i32
          %add3A_119 = arith.addi %while3A_65, %add3A_118 : i32
          %lt3A_120 = arith.cmpi slt, %add3A_119, %add3A_2 : i32
          %convert_element_type3A_121 = arith.extui %lt3A_120 : i1 to i32
          %cond3A_122 = arith.constant 0 : i32
          %cond3A_123 = arith.cmpi ne, %convert_element_type3A_121, %cond3A_122 : i32
          scf.if %cond3A_123 {
            %ge3A = arith.constant 1 : i32
            %ge3A_124 = arith.cmpi sge, %while3A_65, %ge3A : i32
            %convert_element_type3A_125 = arith.extui %ge3A_124 : i1 to i32
            %cond3A_126 = arith.constant 0 : i32
            %cond3A_127 = arith.cmpi ne, %convert_element_type3A_125, %cond3A_126 : i32
            scf.if %cond3A_127 {
              %dma_wait3A_141 = arith.constant 0 : i32
              %dma_wait3A_142 = arith.constant 0 : i32
              %dma_wait3A_143 = tpu.memref_slice %arg17[%dma_wait3A_141, %dma_wait3A_142] : memref<10000x64xf32, #tpu.memory_space<vmem_shared>> -> memref<10000x64xf32, #tpu.memory_space<vmem_shared>>
              tpu.wait_indirect_dma semaphore(%arg23 : memref<!tpu.dma_semaphore, #tpu.memory_space<semaphore_mem>>) src(%arg12 : memref<128x64xf32, #tpu.memory_space<vmem>>) dst(%dma_wait3A_143 : memref<10000x64xf32, #tpu.memory_space<vmem_shared>>)
            } else {
            }
            %add3A_128 = arith.constant 1 : i32
            %add3A_129 = arith.addi %while3A_65, %add3A_128 : i32
            %mul3A_130 = arith.constant 16 : i32
            %mul3A_131 = arith.muli %add3A_129, %mul3A_130 : i32
            %add3A_132 = arith.addi %arg1, %mul3A_131 : i32
            %mul3A_133 = arith.constant 128 : i32
            %mul3A_134 = arith.muli %add3A_132, %mul3A_133 : i32
            %dma_start3A_135 = tpu.memref_slice %arg5[%mul3A_134] : memref<160000xi32, #tpu.memory_space<hbm>> -> memref<128xi32, #tpu.memory_space<hbm>>
            %dma_start3A_136 = tpu.memref_slice %arg5[%mul3A_134] : memref<160000xi32, #tpu.memory_space<hbm>> -> memref<128xi32, #tpu.memory_space<hbm>>
            tpu.enqueue_dma source(%dma_start3A_136 : memref<128xi32, #tpu.memory_space<hbm>>) target(%arg10 : memref<128xi32, #tpu.memory_space<vmem>>) target_semaphore(%arg19 : memref<!tpu.dma_semaphore, #tpu.memory_space<semaphore_mem>>)
            %dma_start3A_137 = arith.constant 64 : i32
            %dma_start3A_138 = tpu.memref_slice %arg3[%mul3A_134, %dma_start3A_137] : memref<160000x128xf32, #tpu.memory_space<hbm>> -> memref<128x64xf32, #tpu.memory_space<hbm>>
            %dma_start3A_139 = arith.constant 64 : i32
            %dma_start3A_140 = tpu.memref_slice %arg3[%mul3A_134, %dma_start3A_139] : memref<160000x128xf32, #tpu.memory_space<hbm>> -> memref<128x64xf32, #tpu.memory_space<hbm>>
            tpu.enqueue_dma source(%dma_start3A_140 : memref<128x64xf32, #tpu.memory_space<hbm>>) target(%arg12 : memref<128x64xf32, #tpu.memory_space<vmem>>) target_semaphore(%arg21 : memref<!tpu.dma_semaphore, #tpu.memory_space<semaphore_mem>>)
          } else {
          }
        } else {
        }
      }
      %while3A_51 = arith.constant 1 : i32
      scf.for %while3A_65 = %while3A_49 to %while3A_45 step %while3A_51  : i32 {
        %jit3A_66 = arith.constant 2 : i32
        %eq3A_67 = arith.constant 0 : i32
        %eq3A_68 = arith.cmpi eq, %jit3A_66, %eq3A_67 : i32
        %jit3A_69 = arith.constant 1 : i32
        %select_n3A_70 = arith.select %eq3A_68, %jit3A_69, %jit3A_66 : i32
        %rem3A = arith.remsi %while3A_65, %select_n3A_70 : i32
        %ne3A = arith.constant 0 : i32
        %ne3A_71 = arith.cmpi ne, %rem3A, %ne3A : i32
        %lt3A_72 = arith.constant 0 : i32
        %lt3A_73 = arith.cmpi slt, %rem3A, %lt3A_72 : i32
        %lt3A_74 = arith.constant 0 : i32
        %lt3A_75 = arith.cmpi slt, %select_n3A_70, %lt3A_74 : i32
        %ne3A_76 = arith.xori %lt3A_73, %lt3A_75 : i1
        %and3A = arith.andi %ne3A_76, %ne3A_71 : i1
        %add3A_77 = arith.addi %rem3A, %select_n3A_70 : i32
        %select_n3A_78 = arith.select %and3A, %add3A_77, %rem3A : i32
        %eq3A_79 = arith.constant 0 : i32
        %eq3A_80 = arith.cmpi eq, %select_n3A_78, %eq3A_79 : i32
        %convert_element_type3A_81 = arith.extui %eq3A_80 : i1 to i32
        %cond3A_82 = arith.constant 0 : i32
        %cond3A_83 = arith.cmpi ne, %convert_element_type3A_81, %cond3A_82 : i32
        scf.if %cond3A_83 {
          %dma_wait3A_105 = arith.constant 0 : i32
          %dma_wait3A_106 = tpu.memref_slice %arg5[%dma_wait3A_105] : memref<160000xi32, #tpu.memory_space<hbm>> -> memref<128xi32, #tpu.memory_space<hbm>>
          %dma_wait3A_107 = arith.constant 0 : i32
          %dma_wait3A_108 = tpu.memref_slice %arg5[%dma_wait3A_107] : memref<160000xi32, #tpu.memory_space<hbm>> -> memref<128xi32, #tpu.memory_space<hbm>>
          tpu.wait_dma2 semaphore(%arg19 : memref<!tpu.dma_semaphore, #tpu.memory_space<semaphore_mem>>) src(%dma_wait3A_108 : memref<128xi32, #tpu.memory_space<hbm>>) dst(%arg10 : memref<128xi32, #tpu.memory_space<vmem>>)
          %dma_wait3A_109 = arith.constant 0 : i32
          %dma_wait3A_110 = arith.constant 64 : i32
          %dma_wait3A_111 = tpu.memref_slice %arg3[%dma_wait3A_109, %dma_wait3A_110] : memref<160000x128xf32, #tpu.memory_space<hbm>> -> memref<128x64xf32, #tpu.memory_space<hbm>>
          %dma_wait3A_112 = arith.constant 0 : i32
          %dma_wait3A_113 = arith.constant 64 : i32
          %dma_wait3A_114 = tpu.memref_slice %arg3[%dma_wait3A_112, %dma_wait3A_113] : memref<160000x128xf32, #tpu.memory_space<hbm>> -> memref<128x64xf32, #tpu.memory_space<hbm>>
          tpu.wait_dma2 semaphore(%arg21 : memref<!tpu.dma_semaphore, #tpu.memory_space<semaphore_mem>>) src(%dma_wait3A_114 : memref<128x64xf32, #tpu.memory_space<hbm>>) dst(%arg12 : memref<128x64xf32, #tpu.memory_space<vmem>>)
          %dma_start3A_115 = arith.constant 0 : i32
          %dma_start3A_116 = arith.constant 0 : i32
          %dma_start3A_117 = tpu.memref_slice %arg17[%dma_start3A_115, %dma_start3A_116] : memref<10000x64xf32, #tpu.memory_space<vmem_shared>> -> memref<10000x64xf32, #tpu.memory_space<vmem_shared>>
          tpu.enqueue_indirect_dma source(%arg12 : memref<128x64xf32, #tpu.memory_space<vmem>>) target(%dma_start3A_117 : memref<10000x64xf32, #tpu.memory_space<vmem_shared>>) offsets(%arg10 : memref<128xi32, #tpu.memory_space<vmem>>) semaphore(%arg23 : memref<!tpu.dma_semaphore, #tpu.memory_space<semaphore_mem>>) {add = true}
          %add3A_118 = arith.constant 1 : i32
          %add3A_119 = arith.addi %while3A_65, %add3A_118 : i32
          %lt3A_120 = arith.cmpi slt, %add3A_119, %add3A_2 : i32
          %convert_element_type3A_121 = arith.extui %lt3A_120 : i1 to i32
          %cond3A_122 = arith.constant 0 : i32
          %cond3A_123 = arith.cmpi ne, %convert_element_type3A_121, %cond3A_122 : i32
          scf.if %cond3A_123 {
            %ge3A = arith.constant 1 : i32
            %ge3A_124 = arith.cmpi sge, %while3A_65, %ge3A : i32
            %convert_element_type3A_125 = arith.extui %ge3A_124 : i1 to i32
            %cond3A_126 = arith.constant 0 : i32
            %cond3A_127 = arith.cmpi ne, %convert_element_type3A_125, %cond3A_126 : i32
            scf.if %cond3A_127 {
              %dma_wait3A_141 = arith.constant 0 : i32
              %dma_wait3A_142 = arith.constant 0 : i32
              %dma_wait3A_143 = tpu.memref_slice %arg17[%dma_wait3A_141, %dma_wait3A_142] : memref<10000x64xf32, #tpu.memory_space<vmem_shared>> -> memref<10000x64xf32, #tpu.memory_space<vmem_shared>>
              tpu.wait_indirect_dma semaphore(%arg24 : memref<!tpu.dma_semaphore, #tpu.memory_space<semaphore_mem>>) src(%arg13 : memref<128x64xf32, #tpu.memory_space<vmem>>) dst(%dma_wait3A_143 : memref<10000x64xf32, #tpu.memory_space<vmem_shared>>)
            } else {
            }
            %add3A_128 = arith.constant 1 : i32
            %add3A_129 = arith.addi %while3A_65, %add3A_128 : i32
            %mul3A_130 = arith.constant 16 : i32
            %mul3A_131 = arith.muli %add3A_129, %mul3A_130 : i32
            %add3A_132 = arith.addi %arg1, %mul3A_131 : i32
            %mul3A_133 = arith.constant 128 : i32
            %mul3A_134 = arith.muli %add3A_132, %mul3A_133 : i32
            %dma_start3A_135 = tpu.memref_slice %arg5[%mul3A_134] : memref<160000xi32, #tpu.memory_space<hbm>> -> memref<128xi32, #tpu.memory_space<hbm>>
            %dma_start3A_136 = tpu.memref_slice %arg5[%mul3A_134] : memref<160000xi32, #tpu.memory_space<hbm>> -> memref<128xi32, #tpu.memory_space<hbm>>
            tpu.enqueue_dma source(%dma_start3A_136 : memref<128xi32, #tpu.memory_space<hbm>>) target(%arg11 : memref<128xi32, #tpu.memory_space<vmem>>) target_semaphore(%arg20 : memref<!tpu.dma_semaphore, #tpu.memory_space<semaphore_mem>>)
            %dma_start3A_137 = arith.constant 64 : i32
            %dma_start3A_138 = tpu.memref_slice %arg3[%mul3A_134, %dma_start3A_137] : memref<160000x128xf32, #tpu.memory_space<hbm>> -> memref<128x64xf32, #tpu.memory_space<hbm>>
            %dma_start3A_139 = arith.constant 64 : i32
            %dma_start3A_140 = tpu.memref_slice %arg3[%mul3A_134, %dma_start3A_139] : memref<160000x128xf32, #tpu.memory_space<hbm>> -> memref<128x64xf32, #tpu.memory_space<hbm>>
            tpu.enqueue_dma source(%dma_start3A_140 : memref<128x64xf32, #tpu.memory_space<hbm>>) target(%arg13 : memref<128x64xf32, #tpu.memory_space<vmem>>) target_semaphore(%arg22 : memref<!tpu.dma_semaphore, #tpu.memory_space<semaphore_mem>>)
          } else {
          }
        } else {
        }
        %jit3A_84 = arith.constant 2 : i32
        %eq3A_85 = arith.constant 0 : i32
        %eq3A_86 = arith.cmpi eq, %jit3A_84, %eq3A_85 : i32
        %jit3A_87 = arith.constant 1 : i32
        %select_n3A_88 = arith.select %eq3A_86, %jit3A_87, %jit3A_84 : i32
        %rem3A_89 = arith.remsi %while3A_65, %select_n3A_88 : i32
        %ne3A_90 = arith.constant 0 : i32
        %ne3A_91 = arith.cmpi ne, %rem3A_89, %ne3A_90 : i32
        %lt3A_92 = arith.constant 0 : i32
        %lt3A_93 = arith.cmpi slt, %rem3A_89, %lt3A_92 : i32
        %lt3A_94 = arith.constant 0 : i32
        %lt3A_95 = arith.cmpi slt, %select_n3A_88, %lt3A_94 : i32
        %ne3A_96 = arith.xori %lt3A_93, %lt3A_95 : i1
        %and3A_97 = arith.andi %ne3A_96, %ne3A_91 : i1
        %add3A_98 = arith.addi %rem3A_89, %select_n3A_88 : i32
        %select_n3A_99 = arith.select %and3A_97, %add3A_98, %rem3A_89 : i32
        %eq3A_100 = arith.constant 1 : i32
        %eq3A_101 = arith.cmpi eq, %select_n3A_99, %eq3A_100 : i32
        %convert_element_type3A_102 = arith.extui %eq3A_101 : i1 to i32
        %cond3A_103 = arith.constant 0 : i32
        %cond3A_104 = arith.cmpi ne, %convert_element_type3A_102, %cond3A_103 : i32
        scf.if %cond3A_104 {
          %dma_wait3A_105 = arith.constant 0 : i32
          %dma_wait3A_106 = tpu.memref_slice %arg5[%dma_wait3A_105] : memref<160000xi32, #tpu.memory_space<hbm>> -> memref<128xi32, #tpu.memory_space<hbm>>
          %dma_wait3A_107 = arith.constant 0 : i32
          %dma_wait3A_108 = tpu.memref_slice %arg5[%dma_wait3A_107] : memref<160000xi32, #tpu.memory_space<hbm>> -> memref<128xi32, #tpu.memory_space<hbm>>
          tpu.wait_dma2 semaphore(%arg20 : memref<!tpu.dma_semaphore, #tpu.memory_space<semaphore_mem>>) src(%dma_wait3A_108 : memref<128xi32, #tpu.memory_space<hbm>>) dst(%arg11 : memref<128xi32, #tpu.memory_space<vmem>>)
          %dma_wait3A_109 = arith.constant 0 : i32
          %dma_wait3A_110 = arith.constant 64 : i32
          %dma_wait3A_111 = tpu.memref_slice %arg3[%dma_wait3A_109, %dma_wait3A_110] : memref<160000x128xf32, #tpu.memory_space<hbm>> -> memref<128x64xf32, #tpu.memory_space<hbm>>
          %dma_wait3A_112 = arith.constant 0 : i32
          %dma_wait3A_113 = arith.constant 64 : i32
          %dma_wait3A_114 = tpu.memref_slice %arg3[%dma_wait3A_112, %dma_wait3A_113] : memref<160000x128xf32, #tpu.memory_space<hbm>> -> memref<128x64xf32, #tpu.memory_space<hbm>>
          tpu.wait_dma2 semaphore(%arg22 : memref<!tpu.dma_semaphore, #tpu.memory_space<semaphore_mem>>) src(%dma_wait3A_114 : memref<128x64xf32, #tpu.memory_space<hbm>>) dst(%arg13 : memref<128x64xf32, #tpu.memory_space<vmem>>)
          %dma_start3A_115 = arith.constant 0 : i32
          %dma_start3A_116 = arith.constant 0 : i32
          %dma_start3A_117 = tpu.memref_slice %arg17[%dma_start3A_115, %dma_start3A_116] : memref<10000x64xf32, #tpu.memory_space<vmem_shared>> -> memref<10000x64xf32, #tpu.memory_space<vmem_shared>>
          tpu.enqueue_indirect_dma source(%arg13 : memref<128x64xf32, #tpu.memory_space<vmem>>) target(%dma_start3A_117 : memref<10000x64xf32, #tpu.memory_space<vmem_shared>>) offsets(%arg11 : memref<128xi32, #tpu.memory_space<vmem>>) semaphore(%arg24 : memref<!tpu.dma_semaphore, #tpu.memory_space<semaphore_mem>>) {add = true}
          %add3A_118 = arith.constant 1 : i32
          %add3A_119 = arith.addi %while3A_65, %add3A_118 : i32
          %lt3A_120 = arith.cmpi slt, %add3A_119, %add3A_2 : i32
          %convert_element_type3A_121 = arith.extui %lt3A_120 : i1 to i32
          %cond3A_122 = arith.constant 0 : i32
          %cond3A_123 = arith.cmpi ne, %convert_element_type3A_121, %cond3A_122 : i32
          scf.if %cond3A_123 {
            %ge3A = arith.constant 1 : i32
            %ge3A_124 = arith.cmpi sge, %while3A_65, %ge3A : i32
            %convert_element_type3A_125 = arith.extui %ge3A_124 : i1 to i32
            %cond3A_126 = arith.constant 0 : i32
            %cond3A_127 = arith.cmpi ne, %convert_element_type3A_125, %cond3A_126 : i32
            scf.if %cond3A_127 {
              %dma_wait3A_141 = arith.constant 0 : i32
              %dma_wait3A_142 = arith.constant 0 : i32
              %dma_wait3A_143 = tpu.memref_slice %arg17[%dma_wait3A_141, %dma_wait3A_142] : memref<10000x64xf32, #tpu.memory_space<vmem_shared>> -> memref<10000x64xf32, #tpu.memory_space<vmem_shared>>
              tpu.wait_indirect_dma semaphore(%arg23 : memref<!tpu.dma_semaphore, #tpu.memory_space<semaphore_mem>>) src(%arg12 : memref<128x64xf32, #tpu.memory_space<vmem>>) dst(%dma_wait3A_143 : memref<10000x64xf32, #tpu.memory_space<vmem_shared>>)
            } else {
            }
            %add3A_128 = arith.constant 1 : i32
            %add3A_129 = arith.addi %while3A_65, %add3A_128 : i32
            %mul3A_130 = arith.constant 16 : i32
            %mul3A_131 = arith.muli %add3A_129, %mul3A_130 : i32
            %add3A_132 = arith.addi %arg1, %mul3A_131 : i32
            %mul3A_133 = arith.constant 128 : i32
            %mul3A_134 = arith.muli %add3A_132, %mul3A_133 : i32
            %dma_start3A_135 = tpu.memref_slice %arg5[%mul3A_134] : memref<160000xi32, #tpu.memory_space<hbm>> -> memref<128xi32, #tpu.memory_space<hbm>>
            %dma_start3A_136 = tpu.memref_slice %arg5[%mul3A_134] : memref<160000xi32, #tpu.memory_space<hbm>> -> memref<128xi32, #tpu.memory_space<hbm>>
            tpu.enqueue_dma source(%dma_start3A_136 : memref<128xi32, #tpu.memory_space<hbm>>) target(%arg10 : memref<128xi32, #tpu.memory_space<vmem>>) target_semaphore(%arg19 : memref<!tpu.dma_semaphore, #tpu.memory_space<semaphore_mem>>)
            %dma_start3A_137 = arith.constant 64 : i32
            %dma_start3A_138 = tpu.memref_slice %arg3[%mul3A_134, %dma_start3A_137] : memref<160000x128xf32, #tpu.memory_space<hbm>> -> memref<128x64xf32, #tpu.memory_space<hbm>>
            %dma_start3A_139 = arith.constant 64 : i32
            %dma_start3A_140 = tpu.memref_slice %arg3[%mul3A_134, %dma_start3A_139] : memref<160000x128xf32, #tpu.memory_space<hbm>> -> memref<128x64xf32, #tpu.memory_space<hbm>>
            tpu.enqueue_dma source(%dma_start3A_140 : memref<128x64xf32, #tpu.memory_space<hbm>>) target(%arg12 : memref<128x64xf32, #tpu.memory_space<vmem>>) target_semaphore(%arg21 : memref<!tpu.dma_semaphore, #tpu.memory_space<semaphore_mem>>)
          } else {
          }
        } else {
        }
      }
      %dma_wait3A = arith.constant 0 : i32
      %dma_wait3A_52 = arith.constant 0 : i32
      %dma_wait3A_53 = tpu.memref_slice %arg17[%dma_wait3A, %dma_wait3A_52] : memref<10000x64xf32, #tpu.memory_space<vmem_shared>> -> memref<10000x64xf32, #tpu.memory_space<vmem_shared>>
      tpu.wait_indirect_dma semaphore(%arg23 : memref<!tpu.dma_semaphore, #tpu.memory_space<semaphore_mem>>) src(%arg12 : memref<128x64xf32, #tpu.memory_space<vmem>>) dst(%dma_wait3A_53 : memref<10000x64xf32, #tpu.memory_space<vmem_shared>>)
      %dma_wait3A_54 = arith.constant 0 : i32
      %dma_wait3A_55 = arith.constant 0 : i32
      %dma_wait3A_56 = tpu.memref_slice %arg17[%dma_wait3A_54, %dma_wait3A_55] : memref<10000x64xf32, #tpu.memory_space<vmem_shared>> -> memref<10000x64xf32, #tpu.memory_space<vmem_shared>>
      tpu.wait_indirect_dma semaphore(%arg24 : memref<!tpu.dma_semaphore, #tpu.memory_space<semaphore_mem>>) src(%arg13 : memref<128x64xf32, #tpu.memory_space<vmem>>) dst(%dma_wait3A_56 : memref<10000x64xf32, #tpu.memory_space<vmem_shared>>)
      %barrier3A_57 = arith.constant 0 : index
      tpu.barrier barrier_id(%barrier3A_57)
      %scan3A_58 = arith.constant 0 : i32
      %scan3A_59 = arith.constant 0 : i32
      %scan3A_60 = arith.constant 5 : i32
      %scan3A_61 = arith.addi %scan3A_59, %scan3A_60 : i32
      %scan3A_62 = arith.constant 1 : i32
      scf.for %scan3A_65 = %scan3A_59 to %scan3A_61 step %scan3A_62  : i32 {
        %mul3A_66 = arith.constant 625 : i32
        %mul3A_67 = arith.muli %arg1, %mul3A_66 : i32
        %mul3A_68 = arith.constant 125 : i32
        %mul3A_69 = arith.muli %scan3A_65, %mul3A_68 : i32
        %add3A_70 = arith.addi %mul3A_67, %mul3A_69 : i32
        "tpu.region"() ({
          %run_scoped3A = tpu.sem_alloc : memref<!tpu.dma_semaphore, #tpu.memory_space<semaphore_mem>>
          %dma_start3A_71 = arith.constant 0 : i32
          %dma_start3A_72 = arith.constant 0 : i32
          %dma_start3A_73 = tpu.memref_slice %arg12[%dma_start3A_71, %dma_start3A_72] : memref<128x64xf32, #tpu.memory_space<vmem>> -> memref<125x64xf32, #tpu.memory_space<vmem>>
          %dma_start3A_74 = arith.constant 0 : i32
          %dma_start3A_75 = tpu.memref_slice %arg17[%add3A_70, %dma_start3A_74] : memref<10000x64xf32, #tpu.memory_space<vmem_shared>> -> memref<125x64xf32, #tpu.memory_space<vmem_shared>>
          %dma_start3A_76 = arith.constant 0 : i32
          %dma_start3A_77 = arith.constant 0 : i32
          %dma_start3A_78 = tpu.memref_slice %arg12[%dma_start3A_76, %dma_start3A_77] : memref<128x64xf32, #tpu.memory_space<vmem>> -> memref<125x64xf32, #tpu.memory_space<vmem>>
          %dma_start3A_79 = arith.constant 0 : i32
          %dma_start3A_80 = tpu.memref_slice %arg17[%add3A_70, %dma_start3A_79] : memref<10000x64xf32, #tpu.memory_space<vmem_shared>> -> memref<125x64xf32, #tpu.memory_space<vmem_shared>>
          tpu.enqueue_dma source(%dma_start3A_80 : memref<125x64xf32, #tpu.memory_space<vmem_shared>>) target(%dma_start3A_78 : memref<125x64xf32, #tpu.memory_space<vmem>>) target_semaphore(%run_scoped3A : memref<!tpu.dma_semaphore, #tpu.memory_space<semaphore_mem>>)
          %dma_wait3A_81 = arith.constant 0 : i32
          %dma_wait3A_82 = arith.constant 0 : i32
          %dma_wait3A_83 = tpu.memref_slice %arg12[%dma_wait3A_81, %dma_wait3A_82] : memref<128x64xf32, #tpu.memory_space<vmem>> -> memref<125x64xf32, #tpu.memory_space<vmem>>
          %dma_wait3A_84 = arith.constant 0 : i32
          %dma_wait3A_85 = tpu.memref_slice %arg17[%add3A_70, %dma_wait3A_84] : memref<10000x64xf32, #tpu.memory_space<vmem_shared>> -> memref<125x64xf32, #tpu.memory_space<vmem_shared>>
          %dma_wait3A_86 = arith.constant 0 : i32
          %dma_wait3A_87 = arith.constant 0 : i32
          %dma_wait3A_88 = tpu.memref_slice %arg12[%dma_wait3A_86, %dma_wait3A_87] : memref<128x64xf32, #tpu.memory_space<vmem>> -> memref<125x64xf32, #tpu.memory_space<vmem>>
          %dma_wait3A_89 = arith.constant 0 : i32
          %dma_wait3A_90 = tpu.memref_slice %arg17[%add3A_70, %dma_wait3A_89] : memref<10000x64xf32, #tpu.memory_space<vmem_shared>> -> memref<125x64xf32, #tpu.memory_space<vmem_shared>>
          tpu.wait_dma2 semaphore(%run_scoped3A : memref<!tpu.dma_semaphore, #tpu.memory_space<semaphore_mem>>) src(%dma_wait3A_90 : memref<125x64xf32, #tpu.memory_space<vmem_shared>>) dst(%dma_wait3A_88 : memref<125x64xf32, #tpu.memory_space<vmem>>)
          tpu.yield
        }) : () -> ()
        "tpu.region"() ({
          %run_scoped3A = tpu.sem_alloc : memref<!tpu.dma_semaphore, #tpu.memory_space<semaphore_mem>>
          %dma_start3A_71 = arith.constant 0 : i32
          %dma_start3A_72 = arith.constant 0 : i32
          %dma_start3A_73 = tpu.memref_slice %arg12[%dma_start3A_71, %dma_start3A_72] : memref<128x64xf32, #tpu.memory_space<vmem>> -> memref<125x64xf32, #tpu.memory_space<vmem>>
          %dma_start3A_74 = arith.constant 64 : i32
          %dma_start3A_75 = tpu.memref_slice %arg8[%add3A_70, %dma_start3A_74] : memref<10000x128xf32, #tpu.memory_space<hbm>> -> memref<125x64xf32, #tpu.memory_space<hbm>>
          %dma_start3A_76 = arith.constant 64 : i32
          %dma_start3A_77 = tpu.memref_slice %arg8[%add3A_70, %dma_start3A_76] : memref<10000x128xf32, #tpu.memory_space<hbm>> -> memref<125x64xf32, #tpu.memory_space<hbm>>
          %dma_start3A_78 = arith.constant 0 : i32
          %dma_start3A_79 = arith.constant 0 : i32
          %dma_start3A_80 = tpu.memref_slice %arg12[%dma_start3A_78, %dma_start3A_79] : memref<128x64xf32, #tpu.memory_space<vmem>> -> memref<125x64xf32, #tpu.memory_space<vmem>>
          tpu.enqueue_dma source(%dma_start3A_80 : memref<125x64xf32, #tpu.memory_space<vmem>>) target(%dma_start3A_77 : memref<125x64xf32, #tpu.memory_space<hbm>>) target_semaphore(%run_scoped3A : memref<!tpu.dma_semaphore, #tpu.memory_space<semaphore_mem>>)
          %dma_wait3A_81 = arith.constant 0 : i32
          %dma_wait3A_82 = arith.constant 0 : i32
          %dma_wait3A_83 = tpu.memref_slice %arg12[%dma_wait3A_81, %dma_wait3A_82] : memref<128x64xf32, #tpu.memory_space<vmem>> -> memref<125x64xf32, #tpu.memory_space<vmem>>
          %dma_wait3A_84 = arith.constant 64 : i32
          %dma_wait3A_85 = tpu.memref_slice %arg8[%add3A_70, %dma_wait3A_84] : memref<10000x128xf32, #tpu.memory_space<hbm>> -> memref<125x64xf32, #tpu.memory_space<hbm>>
          %dma_wait3A_86 = arith.constant 64 : i32
          %dma_wait3A_87 = tpu.memref_slice %arg8[%add3A_70, %dma_wait3A_86] : memref<10000x128xf32, #tpu.memory_space<hbm>> -> memref<125x64xf32, #tpu.memory_space<hbm>>
          %dma_wait3A_88 = arith.constant 0 : i32
          %dma_wait3A_89 = arith.constant 0 : i32
          %dma_wait3A_90 = tpu.memref_slice %arg12[%dma_wait3A_88, %dma_wait3A_89] : memref<128x64xf32, #tpu.memory_space<vmem>> -> memref<125x64xf32, #tpu.memory_space<vmem>>
          tpu.wait_dma2 semaphore(%run_scoped3A : memref<!tpu.dma_semaphore, #tpu.memory_space<semaphore_mem>>) src(%dma_wait3A_90 : memref<125x64xf32, #tpu.memory_space<vmem>>) dst(%dma_wait3A_87 : memref<125x64xf32, #tpu.memory_space<hbm>>)
          tpu.yield
        }) : () -> ()
      }
      %scan3A_63 = arith.constant 5 : i32
      %barrier3A_64 = arith.constant 0 : index
      tpu.barrier barrier_id(%barrier3A_64)
    } else {
    }
    %eq3A_20 = arith.constant 0 : i32
    %eq3A_21 = arith.cmpi eq, %arg0, %eq3A_20 : i32
    %convert_element_type3A_22 = arith.extui %eq3A_21 : i1 to i32
    %cond3A_23 = arith.constant 0 : i32
    %cond3A_24 = arith.cmpi ne, %convert_element_type3A_22, %cond3A_23 : i32
    scf.if %cond3A_24 {
      %scan3A = arith.constant 0 : i32
      %scan3A_30 = arith.constant 0 : i32
      %scan3A_31 = arith.constant 25 : i32
      %scan3A_32 = arith.addi %scan3A_30, %scan3A_31 : i32
      %scan3A_33 = arith.constant 1 : i32
      scf.for %scan3A_65 = %scan3A_30 to %scan3A_32 step %scan3A_33  : i32 {
        %mul3A_66 = arith.constant 625 : i32
        %mul3A_67 = arith.muli %arg1, %mul3A_66 : i32
        %mul3A_68 = arith.constant 25 : i32
        %mul3A_69 = arith.muli %scan3A_65, %mul3A_68 : i32
        %add3A_70 = arith.addi %mul3A_67, %mul3A_69 : i32
        "tpu.region"() ({
          %run_scoped3A = tpu.sem_alloc : memref<!tpu.dma_semaphore, #tpu.memory_space<semaphore_mem>>
          %dma_start3A_71 = arith.constant 0 : i32
          %dma_start3A_72 = arith.constant 0 : i32
          %dma_start3A_73 = tpu.memref_slice %arg16[%dma_start3A_71, %dma_start3A_72] : memref<25x64xf32, #tpu.memory_space<vmem>> -> memref<25x16xf32, #tpu.memory_space<vmem>>
          %dma_start3A_74 = arith.constant 0 : i32
          %dma_start3A_75 = tpu.memref_slice %arg18[%add3A_70, %dma_start3A_74] : memref<10000x16xf32, #tpu.memory_space<vmem_shared>> -> memref<25x16xf32, #tpu.memory_space<vmem_shared>>
          %dma_start3A_76 = arith.constant 0 : i32
          %dma_start3A_77 = tpu.memref_slice %arg18[%add3A_70, %dma_start3A_76] : memref<10000x16xf32, #tpu.memory_space<vmem_shared>> -> memref<25x16xf32, #tpu.memory_space<vmem_shared>>
          %dma_start3A_78 = arith.constant 0 : i32
          %dma_start3A_79 = arith.constant 0 : i32
          %dma_start3A_80 = tpu.memref_slice %arg16[%dma_start3A_78, %dma_start3A_79] : memref<25x64xf32, #tpu.memory_space<vmem>> -> memref<25x16xf32, #tpu.memory_space<vmem>>
          tpu.enqueue_dma source(%dma_start3A_80 : memref<25x16xf32, #tpu.memory_space<vmem>>) target(%dma_start3A_77 : memref<25x16xf32, #tpu.memory_space<vmem_shared>>) target_semaphore(%run_scoped3A : memref<!tpu.dma_semaphore, #tpu.memory_space<semaphore_mem>>)
          %dma_wait3A_81 = arith.constant 0 : i32
          %dma_wait3A_82 = arith.constant 0 : i32
          %dma_wait3A_83 = tpu.memref_slice %arg16[%dma_wait3A_81, %dma_wait3A_82] : memref<25x64xf32, #tpu.memory_space<vmem>> -> memref<25x16xf32, #tpu.memory_space<vmem>>
          %dma_wait3A_84 = arith.constant 0 : i32
          %dma_wait3A_85 = tpu.memref_slice %arg18[%add3A_70, %dma_wait3A_84] : memref<10000x16xf32, #tpu.memory_space<vmem_shared>> -> memref<25x16xf32, #tpu.memory_space<vmem_shared>>
          %dma_wait3A_86 = arith.constant 0 : i32
          %dma_wait3A_87 = tpu.memref_slice %arg18[%add3A_70, %dma_wait3A_86] : memref<10000x16xf32, #tpu.memory_space<vmem_shared>> -> memref<25x16xf32, #tpu.memory_space<vmem_shared>>
          %dma_wait3A_88 = arith.constant 0 : i32
          %dma_wait3A_89 = arith.constant 0 : i32
          %dma_wait3A_90 = tpu.memref_slice %arg16[%dma_wait3A_88, %dma_wait3A_89] : memref<25x64xf32, #tpu.memory_space<vmem>> -> memref<25x16xf32, #tpu.memory_space<vmem>>
          tpu.wait_dma2 semaphore(%run_scoped3A : memref<!tpu.dma_semaphore, #tpu.memory_space<semaphore_mem>>) src(%dma_wait3A_90 : memref<25x16xf32, #tpu.memory_space<vmem>>) dst(%dma_wait3A_87 : memref<25x16xf32, #tpu.memory_space<vmem_shared>>)
          tpu.yield
        }) : () -> ()
      }
      %scan3A_34 = arith.constant 25 : i32
      %barrier3A = arith.constant 0 : index
      tpu.barrier barrier_id(%barrier3A)
      %add3A_35 = arith.constant 0 : i32
      %add3A_36 = arith.addi %arg1, %add3A_35 : i32
      %mul3A = arith.constant 128 : i32
      %mul3A_37 = arith.muli %add3A_36, %mul3A : i32
      %dma_start3A = tpu.memref_slice %arg5[%mul3A_37] : memref<160000xi32, #tpu.memory_space<hbm>> -> memref<128xi32, #tpu.memory_space<hbm>>
      %dma_start3A_38 = tpu.memref_slice %arg5[%mul3A_37] : memref<160000xi32, #tpu.memory_space<hbm>> -> memref<128xi32, #tpu.memory_space<hbm>>
      tpu.enqueue_dma source(%dma_start3A_38 : memref<128xi32, #tpu.memory_space<hbm>>) target(%arg10 : memref<128xi32, #tpu.memory_space<vmem>>) target_semaphore(%arg19 : memref<!tpu.dma_semaphore, #tpu.memory_space<semaphore_mem>>)
      %dma_start3A_39 = arith.constant 0 : i32
      %dma_start3A_40 = tpu.memref_slice %arg4[%mul3A_37, %dma_start3A_39] : memref<160000x128xf32, #tpu.memory_space<hbm>> -> memref<128x16xf32, #tpu.memory_space<hbm>>
      %dma_start3A_41 = arith.constant 0 : i32
      %dma_start3A_42 = tpu.memref_slice %arg4[%mul3A_37, %dma_start3A_41] : memref<160000x128xf32, #tpu.memory_space<hbm>> -> memref<128x16xf32, #tpu.memory_space<hbm>>
      tpu.enqueue_dma source(%dma_start3A_42 : memref<128x16xf32, #tpu.memory_space<hbm>>) target(%arg14 : memref<128x16xf32, #tpu.memory_space<vmem>>) target_semaphore(%arg21 : memref<!tpu.dma_semaphore, #tpu.memory_space<semaphore_mem>>)
      %while3A = arith.constant 0 : i32
      %while3A_43 = arith.constant 0 : i32
      %while3A_44 = arith.subi %add3A_2, %while3A_43 : i32
      %while3A_45 = arith.addi %while3A_43, %while3A_44 : i32
      %while3A_46 = arith.constant 1 : i32
      %while3A_47 = arith.divsi %while3A_44, %while3A_46 : i32
      %while3A_48 = arith.muli %while3A_47, %while3A_46 : i32
      %while3A_49 = arith.addi %while3A_43, %while3A_48 : i32
      %while3A_50 = arith.constant 1 : i32
      scf.for %while3A_65 = %while3A_43 to %while3A_49 step %while3A_50  : i32 {
        %jit3A_66 = arith.constant 2 : i32
        %eq3A_67 = arith.constant 0 : i32
        %eq3A_68 = arith.cmpi eq, %jit3A_66, %eq3A_67 : i32
        %jit3A_69 = arith.constant 1 : i32
        %select_n3A_70 = arith.select %eq3A_68, %jit3A_69, %jit3A_66 : i32
        %rem3A = arith.remsi %while3A_65, %select_n3A_70 : i32
        %ne3A = arith.constant 0 : i32
        %ne3A_71 = arith.cmpi ne, %rem3A, %ne3A : i32
        %lt3A_72 = arith.constant 0 : i32
        %lt3A_73 = arith.cmpi slt, %rem3A, %lt3A_72 : i32
        %lt3A_74 = arith.constant 0 : i32
        %lt3A_75 = arith.cmpi slt, %select_n3A_70, %lt3A_74 : i32
        %ne3A_76 = arith.xori %lt3A_73, %lt3A_75 : i1
        %and3A = arith.andi %ne3A_76, %ne3A_71 : i1
        %add3A_77 = arith.addi %rem3A, %select_n3A_70 : i32
        %select_n3A_78 = arith.select %and3A, %add3A_77, %rem3A : i32
        %eq3A_79 = arith.constant 0 : i32
        %eq3A_80 = arith.cmpi eq, %select_n3A_78, %eq3A_79 : i32
        %convert_element_type3A_81 = arith.extui %eq3A_80 : i1 to i32
        %cond3A_82 = arith.constant 0 : i32
        %cond3A_83 = arith.cmpi ne, %convert_element_type3A_81, %cond3A_82 : i32
        scf.if %cond3A_83 {
          %dma_wait3A_105 = arith.constant 0 : i32
          %dma_wait3A_106 = tpu.memref_slice %arg5[%dma_wait3A_105] : memref<160000xi32, #tpu.memory_space<hbm>> -> memref<128xi32, #tpu.memory_space<hbm>>
          %dma_wait3A_107 = arith.constant 0 : i32
          %dma_wait3A_108 = tpu.memref_slice %arg5[%dma_wait3A_107] : memref<160000xi32, #tpu.memory_space<hbm>> -> memref<128xi32, #tpu.memory_space<hbm>>
          tpu.wait_dma2 semaphore(%arg19 : memref<!tpu.dma_semaphore, #tpu.memory_space<semaphore_mem>>) src(%dma_wait3A_108 : memref<128xi32, #tpu.memory_space<hbm>>) dst(%arg10 : memref<128xi32, #tpu.memory_space<vmem>>)
          %dma_wait3A_109 = arith.constant 0 : i32
          %dma_wait3A_110 = arith.constant 0 : i32
          %dma_wait3A_111 = tpu.memref_slice %arg4[%dma_wait3A_109, %dma_wait3A_110] : memref<160000x128xf32, #tpu.memory_space<hbm>> -> memref<128x16xf32, #tpu.memory_space<hbm>>
          %dma_wait3A_112 = arith.constant 0 : i32
          %dma_wait3A_113 = arith.constant 0 : i32
          %dma_wait3A_114 = tpu.memref_slice %arg4[%dma_wait3A_112, %dma_wait3A_113] : memref<160000x128xf32, #tpu.memory_space<hbm>> -> memref<128x16xf32, #tpu.memory_space<hbm>>
          tpu.wait_dma2 semaphore(%arg21 : memref<!tpu.dma_semaphore, #tpu.memory_space<semaphore_mem>>) src(%dma_wait3A_114 : memref<128x16xf32, #tpu.memory_space<hbm>>) dst(%arg14 : memref<128x16xf32, #tpu.memory_space<vmem>>)
          %dma_start3A_115 = arith.constant 0 : i32
          %dma_start3A_116 = arith.constant 0 : i32
          %dma_start3A_117 = tpu.memref_slice %arg18[%dma_start3A_115, %dma_start3A_116] : memref<10000x16xf32, #tpu.memory_space<vmem_shared>> -> memref<10000x16xf32, #tpu.memory_space<vmem_shared>>
          tpu.enqueue_indirect_dma source(%arg14 : memref<128x16xf32, #tpu.memory_space<vmem>>) target(%dma_start3A_117 : memref<10000x16xf32, #tpu.memory_space<vmem_shared>>) offsets(%arg10 : memref<128xi32, #tpu.memory_space<vmem>>) semaphore(%arg23 : memref<!tpu.dma_semaphore, #tpu.memory_space<semaphore_mem>>) {add = true}
          %add3A_118 = arith.constant 1 : i32
          %add3A_119 = arith.addi %while3A_65, %add3A_118 : i32
          %lt3A_120 = arith.cmpi slt, %add3A_119, %add3A_2 : i32
          %convert_element_type3A_121 = arith.extui %lt3A_120 : i1 to i32
          %cond3A_122 = arith.constant 0 : i32
          %cond3A_123 = arith.cmpi ne, %convert_element_type3A_121, %cond3A_122 : i32
          scf.if %cond3A_123 {
            %ge3A = arith.constant 1 : i32
            %ge3A_124 = arith.cmpi sge, %while3A_65, %ge3A : i32
            %convert_element_type3A_125 = arith.extui %ge3A_124 : i1 to i32
            %cond3A_126 = arith.constant 0 : i32
            %cond3A_127 = arith.cmpi ne, %convert_element_type3A_125, %cond3A_126 : i32
            scf.if %cond3A_127 {
              %dma_wait3A_141 = arith.constant 0 : i32
              %dma_wait3A_142 = arith.constant 0 : i32
              %dma_wait3A_143 = tpu.memref_slice %arg18[%dma_wait3A_141, %dma_wait3A_142] : memref<10000x16xf32, #tpu.memory_space<vmem_shared>> -> memref<10000x16xf32, #tpu.memory_space<vmem_shared>>
              tpu.wait_indirect_dma semaphore(%arg24 : memref<!tpu.dma_semaphore, #tpu.memory_space<semaphore_mem>>) src(%arg15 : memref<128x16xf32, #tpu.memory_space<vmem>>) dst(%dma_wait3A_143 : memref<10000x16xf32, #tpu.memory_space<vmem_shared>>)
            } else {
            }
            %add3A_128 = arith.constant 1 : i32
            %add3A_129 = arith.addi %while3A_65, %add3A_128 : i32
            %mul3A_130 = arith.constant 16 : i32
            %mul3A_131 = arith.muli %add3A_129, %mul3A_130 : i32
            %add3A_132 = arith.addi %arg1, %mul3A_131 : i32
            %mul3A_133 = arith.constant 128 : i32
            %mul3A_134 = arith.muli %add3A_132, %mul3A_133 : i32
            %dma_start3A_135 = tpu.memref_slice %arg5[%mul3A_134] : memref<160000xi32, #tpu.memory_space<hbm>> -> memref<128xi32, #tpu.memory_space<hbm>>
            %dma_start3A_136 = tpu.memref_slice %arg5[%mul3A_134] : memref<160000xi32, #tpu.memory_space<hbm>> -> memref<128xi32, #tpu.memory_space<hbm>>
            tpu.enqueue_dma source(%dma_start3A_136 : memref<128xi32, #tpu.memory_space<hbm>>) target(%arg11 : memref<128xi32, #tpu.memory_space<vmem>>) target_semaphore(%arg20 : memref<!tpu.dma_semaphore, #tpu.memory_space<semaphore_mem>>)
            %dma_start3A_137 = arith.constant 0 : i32
            %dma_start3A_138 = tpu.memref_slice %arg4[%mul3A_134, %dma_start3A_137] : memref<160000x128xf32, #tpu.memory_space<hbm>> -> memref<128x16xf32, #tpu.memory_space<hbm>>
            %dma_start3A_139 = arith.constant 0 : i32
            %dma_start3A_140 = tpu.memref_slice %arg4[%mul3A_134, %dma_start3A_139] : memref<160000x128xf32, #tpu.memory_space<hbm>> -> memref<128x16xf32, #tpu.memory_space<hbm>>
            tpu.enqueue_dma source(%dma_start3A_140 : memref<128x16xf32, #tpu.memory_space<hbm>>) target(%arg15 : memref<128x16xf32, #tpu.memory_space<vmem>>) target_semaphore(%arg22 : memref<!tpu.dma_semaphore, #tpu.memory_space<semaphore_mem>>)
          } else {
          }
        } else {
        }
        %jit3A_84 = arith.constant 2 : i32
        %eq3A_85 = arith.constant 0 : i32
        %eq3A_86 = arith.cmpi eq, %jit3A_84, %eq3A_85 : i32
        %jit3A_87 = arith.constant 1 : i32
        %select_n3A_88 = arith.select %eq3A_86, %jit3A_87, %jit3A_84 : i32
        %rem3A_89 = arith.remsi %while3A_65, %select_n3A_88 : i32
        %ne3A_90 = arith.constant 0 : i32
        %ne3A_91 = arith.cmpi ne, %rem3A_89, %ne3A_90 : i32
        %lt3A_92 = arith.constant 0 : i32
        %lt3A_93 = arith.cmpi slt, %rem3A_89, %lt3A_92 : i32
        %lt3A_94 = arith.constant 0 : i32
        %lt3A_95 = arith.cmpi slt, %select_n3A_88, %lt3A_94 : i32
        %ne3A_96 = arith.xori %lt3A_93, %lt3A_95 : i1
        %and3A_97 = arith.andi %ne3A_96, %ne3A_91 : i1
        %add3A_98 = arith.addi %rem3A_89, %select_n3A_88 : i32
        %select_n3A_99 = arith.select %and3A_97, %add3A_98, %rem3A_89 : i32
        %eq3A_100 = arith.constant 1 : i32
        %eq3A_101 = arith.cmpi eq, %select_n3A_99, %eq3A_100 : i32
        %convert_element_type3A_102 = arith.extui %eq3A_101 : i1 to i32
        %cond3A_103 = arith.constant 0 : i32
        %cond3A_104 = arith.cmpi ne, %convert_element_type3A_102, %cond3A_103 : i32
        scf.if %cond3A_104 {
          %dma_wait3A_105 = arith.constant 0 : i32
          %dma_wait3A_106 = tpu.memref_slice %arg5[%dma_wait3A_105] : memref<160000xi32, #tpu.memory_space<hbm>> -> memref<128xi32, #tpu.memory_space<hbm>>
          %dma_wait3A_107 = arith.constant 0 : i32
          %dma_wait3A_108 = tpu.memref_slice %arg5[%dma_wait3A_107] : memref<160000xi32, #tpu.memory_space<hbm>> -> memref<128xi32, #tpu.memory_space<hbm>>
          tpu.wait_dma2 semaphore(%arg20 : memref<!tpu.dma_semaphore, #tpu.memory_space<semaphore_mem>>) src(%dma_wait3A_108 : memref<128xi32, #tpu.memory_space<hbm>>) dst(%arg11 : memref<128xi32, #tpu.memory_space<vmem>>)
          %dma_wait3A_109 = arith.constant 0 : i32
          %dma_wait3A_110 = arith.constant 0 : i32
          %dma_wait3A_111 = tpu.memref_slice %arg4[%dma_wait3A_109, %dma_wait3A_110] : memref<160000x128xf32, #tpu.memory_space<hbm>> -> memref<128x16xf32, #tpu.memory_space<hbm>>
          %dma_wait3A_112 = arith.constant 0 : i32
          %dma_wait3A_113 = arith.constant 0 : i32
          %dma_wait3A_114 = tpu.memref_slice %arg4[%dma_wait3A_112, %dma_wait3A_113] : memref<160000x128xf32, #tpu.memory_space<hbm>> -> memref<128x16xf32, #tpu.memory_space<hbm>>
          tpu.wait_dma2 semaphore(%arg22 : memref<!tpu.dma_semaphore, #tpu.memory_space<semaphore_mem>>) src(%dma_wait3A_114 : memref<128x16xf32, #tpu.memory_space<hbm>>) dst(%arg15 : memref<128x16xf32, #tpu.memory_space<vmem>>)
          %dma_start3A_115 = arith.constant 0 : i32
          %dma_start3A_116 = arith.constant 0 : i32
          %dma_start3A_117 = tpu.memref_slice %arg18[%dma_start3A_115, %dma_start3A_116] : memref<10000x16xf32, #tpu.memory_space<vmem_shared>> -> memref<10000x16xf32, #tpu.memory_space<vmem_shared>>
          tpu.enqueue_indirect_dma source(%arg15 : memref<128x16xf32, #tpu.memory_space<vmem>>) target(%dma_start3A_117 : memref<10000x16xf32, #tpu.memory_space<vmem_shared>>) offsets(%arg11 : memref<128xi32, #tpu.memory_space<vmem>>) semaphore(%arg24 : memref<!tpu.dma_semaphore, #tpu.memory_space<semaphore_mem>>) {add = true}
          %add3A_118 = arith.constant 1 : i32
          %add3A_119 = arith.addi %while3A_65, %add3A_118 : i32
          %lt3A_120 = arith.cmpi slt, %add3A_119, %add3A_2 : i32
          %convert_element_type3A_121 = arith.extui %lt3A_120 : i1 to i32
          %cond3A_122 = arith.constant 0 : i32
          %cond3A_123 = arith.cmpi ne, %convert_element_type3A_121, %cond3A_122 : i32
          scf.if %cond3A_123 {
            %ge3A = arith.constant 1 : i32
            %ge3A_124 = arith.cmpi sge, %while3A_65, %ge3A : i32
            %convert_element_type3A_125 = arith.extui %ge3A_124 : i1 to i32
            %cond3A_126 = arith.constant 0 : i32
            %cond3A_127 = arith.cmpi ne, %convert_element_type3A_125, %cond3A_126 : i32
            scf.if %cond3A_127 {
              %dma_wait3A_141 = arith.constant 0 : i32
              %dma_wait3A_142 = arith.constant 0 : i32
              %dma_wait3A_143 = tpu.memref_slice %arg18[%dma_wait3A_141, %dma_wait3A_142] : memref<10000x16xf32, #tpu.memory_space<vmem_shared>> -> memref<10000x16xf32, #tpu.memory_space<vmem_shared>>
              tpu.wait_indirect_dma semaphore(%arg23 : memref<!tpu.dma_semaphore, #tpu.memory_space<semaphore_mem>>) src(%arg14 : memref<128x16xf32, #tpu.memory_space<vmem>>) dst(%dma_wait3A_143 : memref<10000x16xf32, #tpu.memory_space<vmem_shared>>)
            } else {
            }
            %add3A_128 = arith.constant 1 : i32
            %add3A_129 = arith.addi %while3A_65, %add3A_128 : i32
            %mul3A_130 = arith.constant 16 : i32
            %mul3A_131 = arith.muli %add3A_129, %mul3A_130 : i32
            %add3A_132 = arith.addi %arg1, %mul3A_131 : i32
            %mul3A_133 = arith.constant 128 : i32
            %mul3A_134 = arith.muli %add3A_132, %mul3A_133 : i32
            %dma_start3A_135 = tpu.memref_slice %arg5[%mul3A_134] : memref<160000xi32, #tpu.memory_space<hbm>> -> memref<128xi32, #tpu.memory_space<hbm>>
            %dma_start3A_136 = tpu.memref_slice %arg5[%mul3A_134] : memref<160000xi32, #tpu.memory_space<hbm>> -> memref<128xi32, #tpu.memory_space<hbm>>
            tpu.enqueue_dma source(%dma_start3A_136 : memref<128xi32, #tpu.memory_space<hbm>>) target(%arg10 : memref<128xi32, #tpu.memory_space<vmem>>) target_semaphore(%arg19 : memref<!tpu.dma_semaphore, #tpu.memory_space<semaphore_mem>>)
            %dma_start3A_137 = arith.constant 0 : i32
            %dma_start3A_138 = tpu.memref_slice %arg4[%mul3A_134, %dma_start3A_137] : memref<160000x128xf32, #tpu.memory_space<hbm>> -> memref<128x16xf32, #tpu.memory_space<hbm>>
            %dma_start3A_139 = arith.constant 0 : i32
            %dma_start3A_140 = tpu.memref_slice %arg4[%mul3A_134, %dma_start3A_139] : memref<160000x128xf32, #tpu.memory_space<hbm>> -> memref<128x16xf32, #tpu.memory_space<hbm>>
            tpu.enqueue_dma source(%dma_start3A_140 : memref<128x16xf32, #tpu.memory_space<hbm>>) target(%arg14 : memref<128x16xf32, #tpu.memory_space<vmem>>) target_semaphore(%arg21 : memref<!tpu.dma_semaphore, #tpu.memory_space<semaphore_mem>>)
          } else {
          }
        } else {
        }
      }
      %while3A_51 = arith.constant 1 : i32
      scf.for %while3A_65 = %while3A_49 to %while3A_45 step %while3A_51  : i32 {
        %jit3A_66 = arith.constant 2 : i32
        %eq3A_67 = arith.constant 0 : i32
        %eq3A_68 = arith.cmpi eq, %jit3A_66, %eq3A_67 : i32
        %jit3A_69 = arith.constant 1 : i32
        %select_n3A_70 = arith.select %eq3A_68, %jit3A_69, %jit3A_66 : i32
        %rem3A = arith.remsi %while3A_65, %select_n3A_70 : i32
        %ne3A = arith.constant 0 : i32
        %ne3A_71 = arith.cmpi ne, %rem3A, %ne3A : i32
        %lt3A_72 = arith.constant 0 : i32
        %lt3A_73 = arith.cmpi slt, %rem3A, %lt3A_72 : i32
        %lt3A_74 = arith.constant 0 : i32
        %lt3A_75 = arith.cmpi slt, %select_n3A_70, %lt3A_74 : i32
        %ne3A_76 = arith.xori %lt3A_73, %lt3A_75 : i1
        %and3A = arith.andi %ne3A_76, %ne3A_71 : i1
        %add3A_77 = arith.addi %rem3A, %select_n3A_70 : i32
        %select_n3A_78 = arith.select %and3A, %add3A_77, %rem3A : i32
        %eq3A_79 = arith.constant 0 : i32
        %eq3A_80 = arith.cmpi eq, %select_n3A_78, %eq3A_79 : i32
        %convert_element_type3A_81 = arith.extui %eq3A_80 : i1 to i32
        %cond3A_82 = arith.constant 0 : i32
        %cond3A_83 = arith.cmpi ne, %convert_element_type3A_81, %cond3A_82 : i32
        scf.if %cond3A_83 {
          %dma_wait3A_105 = arith.constant 0 : i32
          %dma_wait3A_106 = tpu.memref_slice %arg5[%dma_wait3A_105] : memref<160000xi32, #tpu.memory_space<hbm>> -> memref<128xi32, #tpu.memory_space<hbm>>
          %dma_wait3A_107 = arith.constant 0 : i32
          %dma_wait3A_108 = tpu.memref_slice %arg5[%dma_wait3A_107] : memref<160000xi32, #tpu.memory_space<hbm>> -> memref<128xi32, #tpu.memory_space<hbm>>
          tpu.wait_dma2 semaphore(%arg19 : memref<!tpu.dma_semaphore, #tpu.memory_space<semaphore_mem>>) src(%dma_wait3A_108 : memref<128xi32, #tpu.memory_space<hbm>>) dst(%arg10 : memref<128xi32, #tpu.memory_space<vmem>>)
          %dma_wait3A_109 = arith.constant 0 : i32
          %dma_wait3A_110 = arith.constant 0 : i32
          %dma_wait3A_111 = tpu.memref_slice %arg4[%dma_wait3A_109, %dma_wait3A_110] : memref<160000x128xf32, #tpu.memory_space<hbm>> -> memref<128x16xf32, #tpu.memory_space<hbm>>
          %dma_wait3A_112 = arith.constant 0 : i32
          %dma_wait3A_113 = arith.constant 0 : i32
          %dma_wait3A_114 = tpu.memref_slice %arg4[%dma_wait3A_112, %dma_wait3A_113] : memref<160000x128xf32, #tpu.memory_space<hbm>> -> memref<128x16xf32, #tpu.memory_space<hbm>>
          tpu.wait_dma2 semaphore(%arg21 : memref<!tpu.dma_semaphore, #tpu.memory_space<semaphore_mem>>) src(%dma_wait3A_114 : memref<128x16xf32, #tpu.memory_space<hbm>>) dst(%arg14 : memref<128x16xf32, #tpu.memory_space<vmem>>)
          %dma_start3A_115 = arith.constant 0 : i32
          %dma_start3A_116 = arith.constant 0 : i32
          %dma_start3A_117 = tpu.memref_slice %arg18[%dma_start3A_115, %dma_start3A_116] : memref<10000x16xf32, #tpu.memory_space<vmem_shared>> -> memref<10000x16xf32, #tpu.memory_space<vmem_shared>>
          tpu.enqueue_indirect_dma source(%arg14 : memref<128x16xf32, #tpu.memory_space<vmem>>) target(%dma_start3A_117 : memref<10000x16xf32, #tpu.memory_space<vmem_shared>>) offsets(%arg10 : memref<128xi32, #tpu.memory_space<vmem>>) semaphore(%arg23 : memref<!tpu.dma_semaphore, #tpu.memory_space<semaphore_mem>>) {add = true}
          %add3A_118 = arith.constant 1 : i32
          %add3A_119 = arith.addi %while3A_65, %add3A_118 : i32
          %lt3A_120 = arith.cmpi slt, %add3A_119, %add3A_2 : i32
          %convert_element_type3A_121 = arith.extui %lt3A_120 : i1 to i32
          %cond3A_122 = arith.constant 0 : i32
          %cond3A_123 = arith.cmpi ne, %convert_element_type3A_121, %cond3A_122 : i32
          scf.if %cond3A_123 {
            %ge3A = arith.constant 1 : i32
            %ge3A_124 = arith.cmpi sge, %while3A_65, %ge3A : i32
            %convert_element_type3A_125 = arith.extui %ge3A_124 : i1 to i32
            %cond3A_126 = arith.constant 0 : i32
            %cond3A_127 = arith.cmpi ne, %convert_element_type3A_125, %cond3A_126 : i32
            scf.if %cond3A_127 {
              %dma_wait3A_141 = arith.constant 0 : i32
              %dma_wait3A_142 = arith.constant 0 : i32
              %dma_wait3A_143 = tpu.memref_slice %arg18[%dma_wait3A_141, %dma_wait3A_142] : memref<10000x16xf32, #tpu.memory_space<vmem_shared>> -> memref<10000x16xf32, #tpu.memory_space<vmem_shared>>
              tpu.wait_indirect_dma semaphore(%arg24 : memref<!tpu.dma_semaphore, #tpu.memory_space<semaphore_mem>>) src(%arg15 : memref<128x16xf32, #tpu.memory_space<vmem>>) dst(%dma_wait3A_143 : memref<10000x16xf32, #tpu.memory_space<vmem_shared>>)
            } else {
            }
            %add3A_128 = arith.constant 1 : i32
            %add3A_129 = arith.addi %while3A_65, %add3A_128 : i32
            %mul3A_130 = arith.constant 16 : i32
            %mul3A_131 = arith.muli %add3A_129, %mul3A_130 : i32
            %add3A_132 = arith.addi %arg1, %mul3A_131 : i32
            %mul3A_133 = arith.constant 128 : i32
            %mul3A_134 = arith.muli %add3A_132, %mul3A_133 : i32
            %dma_start3A_135 = tpu.memref_slice %arg5[%mul3A_134] : memref<160000xi32, #tpu.memory_space<hbm>> -> memref<128xi32, #tpu.memory_space<hbm>>
            %dma_start3A_136 = tpu.memref_slice %arg5[%mul3A_134] : memref<160000xi32, #tpu.memory_space<hbm>> -> memref<128xi32, #tpu.memory_space<hbm>>
            tpu.enqueue_dma source(%dma_start3A_136 : memref<128xi32, #tpu.memory_space<hbm>>) target(%arg11 : memref<128xi32, #tpu.memory_space<vmem>>) target_semaphore(%arg20 : memref<!tpu.dma_semaphore, #tpu.memory_space<semaphore_mem>>)
            %dma_start3A_137 = arith.constant 0 : i32
            %dma_start3A_138 = tpu.memref_slice %arg4[%mul3A_134, %dma_start3A_137] : memref<160000x128xf32, #tpu.memory_space<hbm>> -> memref<128x16xf32, #tpu.memory_space<hbm>>
            %dma_start3A_139 = arith.constant 0 : i32
            %dma_start3A_140 = tpu.memref_slice %arg4[%mul3A_134, %dma_start3A_139] : memref<160000x128xf32, #tpu.memory_space<hbm>> -> memref<128x16xf32, #tpu.memory_space<hbm>>
            tpu.enqueue_dma source(%dma_start3A_140 : memref<128x16xf32, #tpu.memory_space<hbm>>) target(%arg15 : memref<128x16xf32, #tpu.memory_space<vmem>>) target_semaphore(%arg22 : memref<!tpu.dma_semaphore, #tpu.memory_space<semaphore_mem>>)
          } else {
          }
        } else {
        }
        %jit3A_84 = arith.constant 2 : i32
        %eq3A_85 = arith.constant 0 : i32
        %eq3A_86 = arith.cmpi eq, %jit3A_84, %eq3A_85 : i32
        %jit3A_87 = arith.constant 1 : i32
        %select_n3A_88 = arith.select %eq3A_86, %jit3A_87, %jit3A_84 : i32
        %rem3A_89 = arith.remsi %while3A_65, %select_n3A_88 : i32
        %ne3A_90 = arith.constant 0 : i32
        %ne3A_91 = arith.cmpi ne, %rem3A_89, %ne3A_90 : i32
        %lt3A_92 = arith.constant 0 : i32
        %lt3A_93 = arith.cmpi slt, %rem3A_89, %lt3A_92 : i32
        %lt3A_94 = arith.constant 0 : i32
        %lt3A_95 = arith.cmpi slt, %select_n3A_88, %lt3A_94 : i32
        %ne3A_96 = arith.xori %lt3A_93, %lt3A_95 : i1
        %and3A_97 = arith.andi %ne3A_96, %ne3A_91 : i1
        %add3A_98 = arith.addi %rem3A_89, %select_n3A_88 : i32
        %select_n3A_99 = arith.select %and3A_97, %add3A_98, %rem3A_89 : i32
        %eq3A_100 = arith.constant 1 : i32
        %eq3A_101 = arith.cmpi eq, %select_n3A_99, %eq3A_100 : i32
        %convert_element_type3A_102 = arith.extui %eq3A_101 : i1 to i32
        %cond3A_103 = arith.constant 0 : i32
        %cond3A_104 = arith.cmpi ne, %convert_element_type3A_102, %cond3A_103 : i32
        scf.if %cond3A_104 {
          %dma_wait3A_105 = arith.constant 0 : i32
          %dma_wait3A_106 = tpu.memref_slice %arg5[%dma_wait3A_105] : memref<160000xi32, #tpu.memory_space<hbm>> -> memref<128xi32, #tpu.memory_space<hbm>>
          %dma_wait3A_107 = arith.constant 0 : i32
          %dma_wait3A_108 = tpu.memref_slice %arg5[%dma_wait3A_107] : memref<160000xi32, #tpu.memory_space<hbm>> -> memref<128xi32, #tpu.memory_space<hbm>>
          tpu.wait_dma2 semaphore(%arg20 : memref<!tpu.dma_semaphore, #tpu.memory_space<semaphore_mem>>) src(%dma_wait3A_108 : memref<128xi32, #tpu.memory_space<hbm>>) dst(%arg11 : memref<128xi32, #tpu.memory_space<vmem>>)
          %dma_wait3A_109 = arith.constant 0 : i32
          %dma_wait3A_110 = arith.constant 0 : i32
          %dma_wait3A_111 = tpu.memref_slice %arg4[%dma_wait3A_109, %dma_wait3A_110] : memref<160000x128xf32, #tpu.memory_space<hbm>> -> memref<128x16xf32, #tpu.memory_space<hbm>>
          %dma_wait3A_112 = arith.constant 0 : i32
          %dma_wait3A_113 = arith.constant 0 : i32
          %dma_wait3A_114 = tpu.memref_slice %arg4[%dma_wait3A_112, %dma_wait3A_113] : memref<160000x128xf32, #tpu.memory_space<hbm>> -> memref<128x16xf32, #tpu.memory_space<hbm>>
          tpu.wait_dma2 semaphore(%arg22 : memref<!tpu.dma_semaphore, #tpu.memory_space<semaphore_mem>>) src(%dma_wait3A_114 : memref<128x16xf32, #tpu.memory_space<hbm>>) dst(%arg15 : memref<128x16xf32, #tpu.memory_space<vmem>>)
          %dma_start3A_115 = arith.constant 0 : i32
          %dma_start3A_116 = arith.constant 0 : i32
          %dma_start3A_117 = tpu.memref_slice %arg18[%dma_start3A_115, %dma_start3A_116] : memref<10000x16xf32, #tpu.memory_space<vmem_shared>> -> memref<10000x16xf32, #tpu.memory_space<vmem_shared>>
          tpu.enqueue_indirect_dma source(%arg15 : memref<128x16xf32, #tpu.memory_space<vmem>>) target(%dma_start3A_117 : memref<10000x16xf32, #tpu.memory_space<vmem_shared>>) offsets(%arg11 : memref<128xi32, #tpu.memory_space<vmem>>) semaphore(%arg24 : memref<!tpu.dma_semaphore, #tpu.memory_space<semaphore_mem>>) {add = true}
          %add3A_118 = arith.constant 1 : i32
          %add3A_119 = arith.addi %while3A_65, %add3A_118 : i32
          %lt3A_120 = arith.cmpi slt, %add3A_119, %add3A_2 : i32
          %convert_element_type3A_121 = arith.extui %lt3A_120 : i1 to i32
          %cond3A_122 = arith.constant 0 : i32
          %cond3A_123 = arith.cmpi ne, %convert_element_type3A_121, %cond3A_122 : i32
          scf.if %cond3A_123 {
            %ge3A = arith.constant 1 : i32
            %ge3A_124 = arith.cmpi sge, %while3A_65, %ge3A : i32
            %convert_element_type3A_125 = arith.extui %ge3A_124 : i1 to i32
            %cond3A_126 = arith.constant 0 : i32
            %cond3A_127 = arith.cmpi ne, %convert_element_type3A_125, %cond3A_126 : i32
            scf.if %cond3A_127 {
              %dma_wait3A_141 = arith.constant 0 : i32
              %dma_wait3A_142 = arith.constant 0 : i32
              %dma_wait3A_143 = tpu.memref_slice %arg18[%dma_wait3A_141, %dma_wait3A_142] : memref<10000x16xf32, #tpu.memory_space<vmem_shared>> -> memref<10000x16xf32, #tpu.memory_space<vmem_shared>>
              tpu.wait_indirect_dma semaphore(%arg23 : memref<!tpu.dma_semaphore, #tpu.memory_space<semaphore_mem>>) src(%arg14 : memref<128x16xf32, #tpu.memory_space<vmem>>) dst(%dma_wait3A_143 : memref<10000x16xf32, #tpu.memory_space<vmem_shared>>)
            } else {
            }
            %add3A_128 = arith.constant 1 : i32
            %add3A_129 = arith.addi %while3A_65, %add3A_128 : i32
            %mul3A_130 = arith.constant 16 : i32
            %mul3A_131 = arith.muli %add3A_129, %mul3A_130 : i32
            %add3A_132 = arith.addi %arg1, %mul3A_131 : i32
            %mul3A_133 = arith.constant 128 : i32
            %mul3A_134 = arith.muli %add3A_132, %mul3A_133 : i32
            %dma_start3A_135 = tpu.memref_slice %arg5[%mul3A_134] : memref<160000xi32, #tpu.memory_space<hbm>> -> memref<128xi32, #tpu.memory_space<hbm>>
            %dma_start3A_136 = tpu.memref_slice %arg5[%mul3A_134] : memref<160000xi32, #tpu.memory_space<hbm>> -> memref<128xi32, #tpu.memory_space<hbm>>
            tpu.enqueue_dma source(%dma_start3A_136 : memref<128xi32, #tpu.memory_space<hbm>>) target(%arg10 : memref<128xi32, #tpu.memory_space<vmem>>) target_semaphore(%arg19 : memref<!tpu.dma_semaphore, #tpu.memory_space<semaphore_mem>>)
            %dma_start3A_137 = arith.constant 0 : i32
            %dma_start3A_138 = tpu.memref_slice %arg4[%mul3A_134, %dma_start3A_137] : memref<160000x128xf32, #tpu.memory_space<hbm>> -> memref<128x16xf32, #tpu.memory_space<hbm>>
            %dma_start3A_139 = arith.constant 0 : i32
            %dma_start3A_140 = tpu.memref_slice %arg4[%mul3A_134, %dma_start3A_139] : memref<160000x128xf32, #tpu.memory_space<hbm>> -> memref<128x16xf32, #tpu.memory_space<hbm>>
            tpu.enqueue_dma source(%dma_start3A_140 : memref<128x16xf32, #tpu.memory_space<hbm>>) target(%arg14 : memref<128x16xf32, #tpu.memory_space<vmem>>) target_semaphore(%arg21 : memref<!tpu.dma_semaphore, #tpu.memory_space<semaphore_mem>>)
          } else {
          }
        } else {
        }
      }
      %dma_wait3A = arith.constant 0 : i32
      %dma_wait3A_52 = arith.constant 0 : i32
      %dma_wait3A_53 = tpu.memref_slice %arg18[%dma_wait3A, %dma_wait3A_52] : memref<10000x16xf32, #tpu.memory_space<vmem_shared>> -> memref<10000x16xf32, #tpu.memory_space<vmem_shared>>
      tpu.wait_indirect_dma semaphore(%arg23 : memref<!tpu.dma_semaphore, #tpu.memory_space<semaphore_mem>>) src(%arg14 : memref<128x16xf32, #tpu.memory_space<vmem>>) dst(%dma_wait3A_53 : memref<10000x16xf32, #tpu.memory_space<vmem_shared>>)
      %dma_wait3A_54 = arith.constant 0 : i32
      %dma_wait3A_55 = arith.constant 0 : i32
      %dma_wait3A_56 = tpu.memref_slice %arg18[%dma_wait3A_54, %dma_wait3A_55] : memref<10000x16xf32, #tpu.memory_space<vmem_shared>> -> memref<10000x16xf32, #tpu.memory_space<vmem_shared>>
      tpu.wait_indirect_dma semaphore(%arg24 : memref<!tpu.dma_semaphore, #tpu.memory_space<semaphore_mem>>) src(%arg15 : memref<128x16xf32, #tpu.memory_space<vmem>>) dst(%dma_wait3A_56 : memref<10000x16xf32, #tpu.memory_space<vmem_shared>>)
      %barrier3A_57 = arith.constant 0 : index
      tpu.barrier barrier_id(%barrier3A_57)
      %scan3A_58 = arith.constant 0 : i32
      %scan3A_59 = arith.constant 0 : i32
      %scan3A_60 = arith.constant 5 : i32
      %scan3A_61 = arith.addi %scan3A_59, %scan3A_60 : i32
      %scan3A_62 = arith.constant 1 : i32
      scf.for %scan3A_65 = %scan3A_59 to %scan3A_61 step %scan3A_62  : i32 {
        %mul3A_66 = arith.constant 625 : i32
        %mul3A_67 = arith.muli %arg1, %mul3A_66 : i32
        %mul3A_68 = arith.constant 125 : i32
        %mul3A_69 = arith.muli %scan3A_65, %mul3A_68 : i32
        %add3A_70 = arith.addi %mul3A_67, %mul3A_69 : i32
        "tpu.region"() ({
          %run_scoped3A = tpu.sem_alloc : memref<!tpu.dma_semaphore, #tpu.memory_space<semaphore_mem>>
          %dma_start3A_71 = arith.constant 0 : i32
          %dma_start3A_72 = arith.constant 0 : i32
          %dma_start3A_73 = tpu.memref_slice %arg14[%dma_start3A_71, %dma_start3A_72] : memref<128x16xf32, #tpu.memory_space<vmem>> -> memref<125x16xf32, #tpu.memory_space<vmem>>
          %dma_start3A_74 = arith.constant 0 : i32
          %dma_start3A_75 = tpu.memref_slice %arg18[%add3A_70, %dma_start3A_74] : memref<10000x16xf32, #tpu.memory_space<vmem_shared>> -> memref<125x16xf32, #tpu.memory_space<vmem_shared>>
          %dma_start3A_76 = arith.constant 0 : i32
          %dma_start3A_77 = arith.constant 0 : i32
          %dma_start3A_78 = tpu.memref_slice %arg14[%dma_start3A_76, %dma_start3A_77] : memref<128x16xf32, #tpu.memory_space<vmem>> -> memref<125x16xf32, #tpu.memory_space<vmem>>
          %dma_start3A_79 = arith.constant 0 : i32
          %dma_start3A_80 = tpu.memref_slice %arg18[%add3A_70, %dma_start3A_79] : memref<10000x16xf32, #tpu.memory_space<vmem_shared>> -> memref<125x16xf32, #tpu.memory_space<vmem_shared>>
          tpu.enqueue_dma source(%dma_start3A_80 : memref<125x16xf32, #tpu.memory_space<vmem_shared>>) target(%dma_start3A_78 : memref<125x16xf32, #tpu.memory_space<vmem>>) target_semaphore(%run_scoped3A : memref<!tpu.dma_semaphore, #tpu.memory_space<semaphore_mem>>)
          %dma_wait3A_81 = arith.constant 0 : i32
          %dma_wait3A_82 = arith.constant 0 : i32
          %dma_wait3A_83 = tpu.memref_slice %arg14[%dma_wait3A_81, %dma_wait3A_82] : memref<128x16xf32, #tpu.memory_space<vmem>> -> memref<125x16xf32, #tpu.memory_space<vmem>>
          %dma_wait3A_84 = arith.constant 0 : i32
          %dma_wait3A_85 = tpu.memref_slice %arg18[%add3A_70, %dma_wait3A_84] : memref<10000x16xf32, #tpu.memory_space<vmem_shared>> -> memref<125x16xf32, #tpu.memory_space<vmem_shared>>
          %dma_wait3A_86 = arith.constant 0 : i32
          %dma_wait3A_87 = arith.constant 0 : i32
          %dma_wait3A_88 = tpu.memref_slice %arg14[%dma_wait3A_86, %dma_wait3A_87] : memref<128x16xf32, #tpu.memory_space<vmem>> -> memref<125x16xf32, #tpu.memory_space<vmem>>
          %dma_wait3A_89 = arith.constant 0 : i32
          %dma_wait3A_90 = tpu.memref_slice %arg18[%add3A_70, %dma_wait3A_89] : memref<10000x16xf32, #tpu.memory_space<vmem_shared>> -> memref<125x16xf32, #tpu.memory_space<vmem_shared>>
          tpu.wait_dma2 semaphore(%run_scoped3A : memref<!tpu.dma_semaphore, #tpu.memory_space<semaphore_mem>>) src(%dma_wait3A_90 : memref<125x16xf32, #tpu.memory_space<vmem_shared>>) dst(%dma_wait3A_88 : memref<125x16xf32, #tpu.memory_space<vmem>>)
          tpu.yield
        }) : () -> ()
        "tpu.region"() ({
          %run_scoped3A = tpu.sem_alloc : memref<!tpu.dma_semaphore, #tpu.memory_space<semaphore_mem>>
          %dma_start3A_71 = arith.constant 0 : i32
          %dma_start3A_72 = arith.constant 0 : i32
          %dma_start3A_73 = tpu.memref_slice %arg14[%dma_start3A_71, %dma_start3A_72] : memref<128x16xf32, #tpu.memory_space<vmem>> -> memref<125x16xf32, #tpu.memory_space<vmem>>
          %dma_start3A_74 = arith.constant 0 : i32
          %dma_start3A_75 = tpu.memref_slice %arg9[%add3A_70, %dma_start3A_74] : memref<10000x128xf32, #tpu.memory_space<hbm>> -> memref<125x16xf32, #tpu.memory_space<hbm>>
          %dma_start3A_76 = arith.constant 0 : i32
          %dma_start3A_77 = tpu.memref_slice %arg9[%add3A_70, %dma_start3A_76] : memref<10000x128xf32, #tpu.memory_space<hbm>> -> memref<125x16xf32, #tpu.memory_space<hbm>>
          %dma_start3A_78 = arith.constant 0 : i32
          %dma_start3A_79 = arith.constant 0 : i32
          %dma_start3A_80 = tpu.memref_slice %arg14[%dma_start3A_78, %dma_start3A_79] : memref<128x16xf32, #tpu.memory_space<vmem>> -> memref<125x16xf32, #tpu.memory_space<vmem>>
          tpu.enqueue_dma source(%dma_start3A_80 : memref<125x16xf32, #tpu.memory_space<vmem>>) target(%dma_start3A_77 : memref<125x16xf32, #tpu.memory_space<hbm>>) target_semaphore(%run_scoped3A : memref<!tpu.dma_semaphore, #tpu.memory_space<semaphore_mem>>)
          %dma_wait3A_81 = arith.constant 0 : i32
          %dma_wait3A_82 = arith.constant 0 : i32
          %dma_wait3A_83 = tpu.memref_slice %arg14[%dma_wait3A_81, %dma_wait3A_82] : memref<128x16xf32, #tpu.memory_space<vmem>> -> memref<125x16xf32, #tpu.memory_space<vmem>>
          %dma_wait3A_84 = arith.constant 0 : i32
          %dma_wait3A_85 = tpu.memref_slice %arg9[%add3A_70, %dma_wait3A_84] : memref<10000x128xf32, #tpu.memory_space<hbm>> -> memref<125x16xf32, #tpu.memory_space<hbm>>
          %dma_wait3A_86 = arith.constant 0 : i32
          %dma_wait3A_87 = tpu.memref_slice %arg9[%add3A_70, %dma_wait3A_86] : memref<10000x128xf32, #tpu.memory_space<hbm>> -> memref<125x16xf32, #tpu.memory_space<hbm>>
          %dma_wait3A_88 = arith.constant 0 : i32
          %dma_wait3A_89 = arith.constant 0 : i32
          %dma_wait3A_90 = tpu.memref_slice %arg14[%dma_wait3A_88, %dma_wait3A_89] : memref<128x16xf32, #tpu.memory_space<vmem>> -> memref<125x16xf32, #tpu.memory_space<vmem>>
          tpu.wait_dma2 semaphore(%run_scoped3A : memref<!tpu.dma_semaphore, #tpu.memory_space<semaphore_mem>>) src(%dma_wait3A_90 : memref<125x16xf32, #tpu.memory_space<vmem>>) dst(%dma_wait3A_87 : memref<125x16xf32, #tpu.memory_space<hbm>>)
          tpu.yield
        }) : () -> ()
      }
      %scan3A_63 = arith.constant 5 : i32
      %barrier3A_64 = arith.constant 0 : index
      tpu.barrier barrier_id(%barrier3A_64)
    } else {
    }
    %eq3A_25 = arith.constant 1 : i32
    %eq3A_26 = arith.cmpi eq, %arg0, %eq3A_25 : i32
    %convert_element_type3A_27 = arith.extui %eq3A_26 : i1 to i32
    %cond3A_28 = arith.constant 0 : i32
    %cond3A_29 = arith.cmpi ne, %convert_element_type3A_27, %cond3A_28 : i32
    scf.if %cond3A_29 {
      %scan3A = arith.constant 0 : i32
      %scan3A_30 = arith.constant 0 : i32
      %scan3A_31 = arith.constant 25 : i32
      %scan3A_32 = arith.addi %scan3A_30, %scan3A_31 : i32
      %scan3A_33 = arith.constant 1 : i32
      scf.for %scan3A_65 = %scan3A_30 to %scan3A_32 step %scan3A_33  : i32 {
        %mul3A_66 = arith.constant 625 : i32
        %mul3A_67 = arith.muli %arg1, %mul3A_66 : i32
        %mul3A_68 = arith.constant 25 : i32
        %mul3A_69 = arith.muli %scan3A_65, %mul3A_68 : i32
        %add3A_70 = arith.addi %mul3A_67, %mul3A_69 : i32
        "tpu.region"() ({
          %run_scoped3A = tpu.sem_alloc : memref<!tpu.dma_semaphore, #tpu.memory_space<semaphore_mem>>
          %dma_start3A_71 = arith.constant 0 : i32
          %dma_start3A_72 = arith.constant 0 : i32
          %dma_start3A_73 = tpu.memref_slice %arg16[%dma_start3A_71, %dma_start3A_72] : memref<25x64xf32, #tpu.memory_space<vmem>> -> memref<25x16xf32, #tpu.memory_space<vmem>>
          %dma_start3A_74 = arith.constant 0 : i32
          %dma_start3A_75 = tpu.memref_slice %arg18[%add3A_70, %dma_start3A_74] : memref<10000x16xf32, #tpu.memory_space<vmem_shared>> -> memref<25x16xf32, #tpu.memory_space<vmem_shared>>
          %dma_start3A_76 = arith.constant 0 : i32
          %dma_start3A_77 = tpu.memref_slice %arg18[%add3A_70, %dma_start3A_76] : memref<10000x16xf32, #tpu.memory_space<vmem_shared>> -> memref<25x16xf32, #tpu.memory_space<vmem_shared>>
          %dma_start3A_78 = arith.constant 0 : i32
          %dma_start3A_79 = arith.constant 0 : i32
          %dma_start3A_80 = tpu.memref_slice %arg16[%dma_start3A_78, %dma_start3A_79] : memref<25x64xf32, #tpu.memory_space<vmem>> -> memref<25x16xf32, #tpu.memory_space<vmem>>
          tpu.enqueue_dma source(%dma_start3A_80 : memref<25x16xf32, #tpu.memory_space<vmem>>) target(%dma_start3A_77 : memref<25x16xf32, #tpu.memory_space<vmem_shared>>) target_semaphore(%run_scoped3A : memref<!tpu.dma_semaphore, #tpu.memory_space<semaphore_mem>>)
          %dma_wait3A_81 = arith.constant 0 : i32
          %dma_wait3A_82 = arith.constant 0 : i32
          %dma_wait3A_83 = tpu.memref_slice %arg16[%dma_wait3A_81, %dma_wait3A_82] : memref<25x64xf32, #tpu.memory_space<vmem>> -> memref<25x16xf32, #tpu.memory_space<vmem>>
          %dma_wait3A_84 = arith.constant 0 : i32
          %dma_wait3A_85 = tpu.memref_slice %arg18[%add3A_70, %dma_wait3A_84] : memref<10000x16xf32, #tpu.memory_space<vmem_shared>> -> memref<25x16xf32, #tpu.memory_space<vmem_shared>>
          %dma_wait3A_86 = arith.constant 0 : i32
          %dma_wait3A_87 = tpu.memref_slice %arg18[%add3A_70, %dma_wait3A_86] : memref<10000x16xf32, #tpu.memory_space<vmem_shared>> -> memref<25x16xf32, #tpu.memory_space<vmem_shared>>
          %dma_wait3A_88 = arith.constant 0 : i32
          %dma_wait3A_89 = arith.constant 0 : i32
          %dma_wait3A_90 = tpu.memref_slice %arg16[%dma_wait3A_88, %dma_wait3A_89] : memref<25x64xf32, #tpu.memory_space<vmem>> -> memref<25x16xf32, #tpu.memory_space<vmem>>
          tpu.wait_dma2 semaphore(%run_scoped3A : memref<!tpu.dma_semaphore, #tpu.memory_space<semaphore_mem>>) src(%dma_wait3A_90 : memref<25x16xf32, #tpu.memory_space<vmem>>) dst(%dma_wait3A_87 : memref<25x16xf32, #tpu.memory_space<vmem_shared>>)
          tpu.yield
        }) : () -> ()
      }
      %scan3A_34 = arith.constant 25 : i32
      %barrier3A = arith.constant 0 : index
      tpu.barrier barrier_id(%barrier3A)
      %add3A_35 = arith.constant 0 : i32
      %add3A_36 = arith.addi %arg1, %add3A_35 : i32
      %mul3A = arith.constant 128 : i32
      %mul3A_37 = arith.muli %add3A_36, %mul3A : i32
      %dma_start3A = tpu.memref_slice %arg5[%mul3A_37] : memref<160000xi32, #tpu.memory_space<hbm>> -> memref<128xi32, #tpu.memory_space<hbm>>
      %dma_start3A_38 = tpu.memref_slice %arg5[%mul3A_37] : memref<160000xi32, #tpu.memory_space<hbm>> -> memref<128xi32, #tpu.memory_space<hbm>>
      tpu.enqueue_dma source(%dma_start3A_38 : memref<128xi32, #tpu.memory_space<hbm>>) target(%arg10 : memref<128xi32, #tpu.memory_space<vmem>>) target_semaphore(%arg19 : memref<!tpu.dma_semaphore, #tpu.memory_space<semaphore_mem>>)
      %dma_start3A_39 = arith.constant 16 : i32
      %dma_start3A_40 = tpu.memref_slice %arg4[%mul3A_37, %dma_start3A_39] : memref<160000x128xf32, #tpu.memory_space<hbm>> -> memref<128x16xf32, #tpu.memory_space<hbm>>
      %dma_start3A_41 = arith.constant 16 : i32
      %dma_start3A_42 = tpu.memref_slice %arg4[%mul3A_37, %dma_start3A_41] : memref<160000x128xf32, #tpu.memory_space<hbm>> -> memref<128x16xf32, #tpu.memory_space<hbm>>
      tpu.enqueue_dma source(%dma_start3A_42 : memref<128x16xf32, #tpu.memory_space<hbm>>) target(%arg14 : memref<128x16xf32, #tpu.memory_space<vmem>>) target_semaphore(%arg21 : memref<!tpu.dma_semaphore, #tpu.memory_space<semaphore_mem>>)
      %while3A = arith.constant 0 : i32
      %while3A_43 = arith.constant 0 : i32
      %while3A_44 = arith.subi %add3A_2, %while3A_43 : i32
      %while3A_45 = arith.addi %while3A_43, %while3A_44 : i32
      %while3A_46 = arith.constant 1 : i32
      %while3A_47 = arith.divsi %while3A_44, %while3A_46 : i32
      %while3A_48 = arith.muli %while3A_47, %while3A_46 : i32
      %while3A_49 = arith.addi %while3A_43, %while3A_48 : i32
      %while3A_50 = arith.constant 1 : i32
      scf.for %while3A_65 = %while3A_43 to %while3A_49 step %while3A_50  : i32 {
        %jit3A_66 = arith.constant 2 : i32
        %eq3A_67 = arith.constant 0 : i32
        %eq3A_68 = arith.cmpi eq, %jit3A_66, %eq3A_67 : i32
        %jit3A_69 = arith.constant 1 : i32
        %select_n3A_70 = arith.select %eq3A_68, %jit3A_69, %jit3A_66 : i32
        %rem3A = arith.remsi %while3A_65, %select_n3A_70 : i32
        %ne3A = arith.constant 0 : i32
        %ne3A_71 = arith.cmpi ne, %rem3A, %ne3A : i32
        %lt3A_72 = arith.constant 0 : i32
        %lt3A_73 = arith.cmpi slt, %rem3A, %lt3A_72 : i32
        %lt3A_74 = arith.constant 0 : i32
        %lt3A_75 = arith.cmpi slt, %select_n3A_70, %lt3A_74 : i32
        %ne3A_76 = arith.xori %lt3A_73, %lt3A_75 : i1
        %and3A = arith.andi %ne3A_76, %ne3A_71 : i1
        %add3A_77 = arith.addi %rem3A, %select_n3A_70 : i32
        %select_n3A_78 = arith.select %and3A, %add3A_77, %rem3A : i32
        %eq3A_79 = arith.constant 0 : i32
        %eq3A_80 = arith.cmpi eq, %select_n3A_78, %eq3A_79 : i32
        %convert_element_type3A_81 = arith.extui %eq3A_80 : i1 to i32
        %cond3A_82 = arith.constant 0 : i32
        %cond3A_83 = arith.cmpi ne, %convert_element_type3A_81, %cond3A_82 : i32
        scf.if %cond3A_83 {
          %dma_wait3A_105 = arith.constant 0 : i32
          %dma_wait3A_106 = tpu.memref_slice %arg5[%dma_wait3A_105] : memref<160000xi32, #tpu.memory_space<hbm>> -> memref<128xi32, #tpu.memory_space<hbm>>
          %dma_wait3A_107 = arith.constant 0 : i32
          %dma_wait3A_108 = tpu.memref_slice %arg5[%dma_wait3A_107] : memref<160000xi32, #tpu.memory_space<hbm>> -> memref<128xi32, #tpu.memory_space<hbm>>
          tpu.wait_dma2 semaphore(%arg19 : memref<!tpu.dma_semaphore, #tpu.memory_space<semaphore_mem>>) src(%dma_wait3A_108 : memref<128xi32, #tpu.memory_space<hbm>>) dst(%arg10 : memref<128xi32, #tpu.memory_space<vmem>>)
          %dma_wait3A_109 = arith.constant 0 : i32
          %dma_wait3A_110 = arith.constant 16 : i32
          %dma_wait3A_111 = tpu.memref_slice %arg4[%dma_wait3A_109, %dma_wait3A_110] : memref<160000x128xf32, #tpu.memory_space<hbm>> -> memref<128x16xf32, #tpu.memory_space<hbm>>
          %dma_wait3A_112 = arith.constant 0 : i32
          %dma_wait3A_113 = arith.constant 16 : i32
          %dma_wait3A_114 = tpu.memref_slice %arg4[%dma_wait3A_112, %dma_wait3A_113] : memref<160000x128xf32, #tpu.memory_space<hbm>> -> memref<128x16xf32, #tpu.memory_space<hbm>>
          tpu.wait_dma2 semaphore(%arg21 : memref<!tpu.dma_semaphore, #tpu.memory_space<semaphore_mem>>) src(%dma_wait3A_114 : memref<128x16xf32, #tpu.memory_space<hbm>>) dst(%arg14 : memref<128x16xf32, #tpu.memory_space<vmem>>)
          %dma_start3A_115 = arith.constant 0 : i32
          %dma_start3A_116 = arith.constant 0 : i32
          %dma_start3A_117 = tpu.memref_slice %arg18[%dma_start3A_115, %dma_start3A_116] : memref<10000x16xf32, #tpu.memory_space<vmem_shared>> -> memref<10000x16xf32, #tpu.memory_space<vmem_shared>>
          tpu.enqueue_indirect_dma source(%arg14 : memref<128x16xf32, #tpu.memory_space<vmem>>) target(%dma_start3A_117 : memref<10000x16xf32, #tpu.memory_space<vmem_shared>>) offsets(%arg10 : memref<128xi32, #tpu.memory_space<vmem>>) semaphore(%arg23 : memref<!tpu.dma_semaphore, #tpu.memory_space<semaphore_mem>>) {add = true}
          %add3A_118 = arith.constant 1 : i32
          %add3A_119 = arith.addi %while3A_65, %add3A_118 : i32
          %lt3A_120 = arith.cmpi slt, %add3A_119, %add3A_2 : i32
          %convert_element_type3A_121 = arith.extui %lt3A_120 : i1 to i32
          %cond3A_122 = arith.constant 0 : i32
          %cond3A_123 = arith.cmpi ne, %convert_element_type3A_121, %cond3A_122 : i32
          scf.if %cond3A_123 {
            %ge3A = arith.constant 1 : i32
            %ge3A_124 = arith.cmpi sge, %while3A_65, %ge3A : i32
            %convert_element_type3A_125 = arith.extui %ge3A_124 : i1 to i32
            %cond3A_126 = arith.constant 0 : i32
            %cond3A_127 = arith.cmpi ne, %convert_element_type3A_125, %cond3A_126 : i32
            scf.if %cond3A_127 {
              %dma_wait3A_141 = arith.constant 0 : i32
              %dma_wait3A_142 = arith.constant 0 : i32
              %dma_wait3A_143 = tpu.memref_slice %arg18[%dma_wait3A_141, %dma_wait3A_142] : memref<10000x16xf32, #tpu.memory_space<vmem_shared>> -> memref<10000x16xf32, #tpu.memory_space<vmem_shared>>
              tpu.wait_indirect_dma semaphore(%arg24 : memref<!tpu.dma_semaphore, #tpu.memory_space<semaphore_mem>>) src(%arg15 : memref<128x16xf32, #tpu.memory_space<vmem>>) dst(%dma_wait3A_143 : memref<10000x16xf32, #tpu.memory_space<vmem_shared>>)
            } else {
            }
            %add3A_128 = arith.constant 1 : i32
            %add3A_129 = arith.addi %while3A_65, %add3A_128 : i32
            %mul3A_130 = arith.constant 16 : i32
            %mul3A_131 = arith.muli %add3A_129, %mul3A_130 : i32
            %add3A_132 = arith.addi %arg1, %mul3A_131 : i32
            %mul3A_133 = arith.constant 128 : i32
            %mul3A_134 = arith.muli %add3A_132, %mul3A_133 : i32
            %dma_start3A_135 = tpu.memref_slice %arg5[%mul3A_134] : memref<160000xi32, #tpu.memory_space<hbm>> -> memref<128xi32, #tpu.memory_space<hbm>>
            %dma_start3A_136 = tpu.memref_slice %arg5[%mul3A_134] : memref<160000xi32, #tpu.memory_space<hbm>> -> memref<128xi32, #tpu.memory_space<hbm>>
            tpu.enqueue_dma source(%dma_start3A_136 : memref<128xi32, #tpu.memory_space<hbm>>) target(%arg11 : memref<128xi32, #tpu.memory_space<vmem>>) target_semaphore(%arg20 : memref<!tpu.dma_semaphore, #tpu.memory_space<semaphore_mem>>)
            %dma_start3A_137 = arith.constant 16 : i32
            %dma_start3A_138 = tpu.memref_slice %arg4[%mul3A_134, %dma_start3A_137] : memref<160000x128xf32, #tpu.memory_space<hbm>> -> memref<128x16xf32, #tpu.memory_space<hbm>>
            %dma_start3A_139 = arith.constant 16 : i32
            %dma_start3A_140 = tpu.memref_slice %arg4[%mul3A_134, %dma_start3A_139] : memref<160000x128xf32, #tpu.memory_space<hbm>> -> memref<128x16xf32, #tpu.memory_space<hbm>>
            tpu.enqueue_dma source(%dma_start3A_140 : memref<128x16xf32, #tpu.memory_space<hbm>>) target(%arg15 : memref<128x16xf32, #tpu.memory_space<vmem>>) target_semaphore(%arg22 : memref<!tpu.dma_semaphore, #tpu.memory_space<semaphore_mem>>)
          } else {
          }
        } else {
        }
        %jit3A_84 = arith.constant 2 : i32
        %eq3A_85 = arith.constant 0 : i32
        %eq3A_86 = arith.cmpi eq, %jit3A_84, %eq3A_85 : i32
        %jit3A_87 = arith.constant 1 : i32
        %select_n3A_88 = arith.select %eq3A_86, %jit3A_87, %jit3A_84 : i32
        %rem3A_89 = arith.remsi %while3A_65, %select_n3A_88 : i32
        %ne3A_90 = arith.constant 0 : i32
        %ne3A_91 = arith.cmpi ne, %rem3A_89, %ne3A_90 : i32
        %lt3A_92 = arith.constant 0 : i32
        %lt3A_93 = arith.cmpi slt, %rem3A_89, %lt3A_92 : i32
        %lt3A_94 = arith.constant 0 : i32
        %lt3A_95 = arith.cmpi slt, %select_n3A_88, %lt3A_94 : i32
        %ne3A_96 = arith.xori %lt3A_93, %lt3A_95 : i1
        %and3A_97 = arith.andi %ne3A_96, %ne3A_91 : i1
        %add3A_98 = arith.addi %rem3A_89, %select_n3A_88 : i32
        %select_n3A_99 = arith.select %and3A_97, %add3A_98, %rem3A_89 : i32
        %eq3A_100 = arith.constant 1 : i32
        %eq3A_101 = arith.cmpi eq, %select_n3A_99, %eq3A_100 : i32
        %convert_element_type3A_102 = arith.extui %eq3A_101 : i1 to i32
        %cond3A_103 = arith.constant 0 : i32
        %cond3A_104 = arith.cmpi ne, %convert_element_type3A_102, %cond3A_103 : i32
        scf.if %cond3A_104 {
          %dma_wait3A_105 = arith.constant 0 : i32
          %dma_wait3A_106 = tpu.memref_slice %arg5[%dma_wait3A_105] : memref<160000xi32, #tpu.memory_space<hbm>> -> memref<128xi32, #tpu.memory_space<hbm>>
          %dma_wait3A_107 = arith.constant 0 : i32
          %dma_wait3A_108 = tpu.memref_slice %arg5[%dma_wait3A_107] : memref<160000xi32, #tpu.memory_space<hbm>> -> memref<128xi32, #tpu.memory_space<hbm>>
          tpu.wait_dma2 semaphore(%arg20 : memref<!tpu.dma_semaphore, #tpu.memory_space<semaphore_mem>>) src(%dma_wait3A_108 : memref<128xi32, #tpu.memory_space<hbm>>) dst(%arg11 : memref<128xi32, #tpu.memory_space<vmem>>)
          %dma_wait3A_109 = arith.constant 0 : i32
          %dma_wait3A_110 = arith.constant 16 : i32
          %dma_wait3A_111 = tpu.memref_slice %arg4[%dma_wait3A_109, %dma_wait3A_110] : memref<160000x128xf32, #tpu.memory_space<hbm>> -> memref<128x16xf32, #tpu.memory_space<hbm>>
          %dma_wait3A_112 = arith.constant 0 : i32
          %dma_wait3A_113 = arith.constant 16 : i32
          %dma_wait3A_114 = tpu.memref_slice %arg4[%dma_wait3A_112, %dma_wait3A_113] : memref<160000x128xf32, #tpu.memory_space<hbm>> -> memref<128x16xf32, #tpu.memory_space<hbm>>
          tpu.wait_dma2 semaphore(%arg22 : memref<!tpu.dma_semaphore, #tpu.memory_space<semaphore_mem>>) src(%dma_wait3A_114 : memref<128x16xf32, #tpu.memory_space<hbm>>) dst(%arg15 : memref<128x16xf32, #tpu.memory_space<vmem>>)
          %dma_start3A_115 = arith.constant 0 : i32
          %dma_start3A_116 = arith.constant 0 : i32
          %dma_start3A_117 = tpu.memref_slice %arg18[%dma_start3A_115, %dma_start3A_116] : memref<10000x16xf32, #tpu.memory_space<vmem_shared>> -> memref<10000x16xf32, #tpu.memory_space<vmem_shared>>
          tpu.enqueue_indirect_dma source(%arg15 : memref<128x16xf32, #tpu.memory_space<vmem>>) target(%dma_start3A_117 : memref<10000x16xf32, #tpu.memory_space<vmem_shared>>) offsets(%arg11 : memref<128xi32, #tpu.memory_space<vmem>>) semaphore(%arg24 : memref<!tpu.dma_semaphore, #tpu.memory_space<semaphore_mem>>) {add = true}
          %add3A_118 = arith.constant 1 : i32
          %add3A_119 = arith.addi %while3A_65, %add3A_118 : i32
          %lt3A_120 = arith.cmpi slt, %add3A_119, %add3A_2 : i32
          %convert_element_type3A_121 = arith.extui %lt3A_120 : i1 to i32
          %cond3A_122 = arith.constant 0 : i32
          %cond3A_123 = arith.cmpi ne, %convert_element_type3A_121, %cond3A_122 : i32
          scf.if %cond3A_123 {
            %ge3A = arith.constant 1 : i32
            %ge3A_124 = arith.cmpi sge, %while3A_65, %ge3A : i32
            %convert_element_type3A_125 = arith.extui %ge3A_124 : i1 to i32
            %cond3A_126 = arith.constant 0 : i32
            %cond3A_127 = arith.cmpi ne, %convert_element_type3A_125, %cond3A_126 : i32
            scf.if %cond3A_127 {
              %dma_wait3A_141 = arith.constant 0 : i32
              %dma_wait3A_142 = arith.constant 0 : i32
              %dma_wait3A_143 = tpu.memref_slice %arg18[%dma_wait3A_141, %dma_wait3A_142] : memref<10000x16xf32, #tpu.memory_space<vmem_shared>> -> memref<10000x16xf32, #tpu.memory_space<vmem_shared>>
              tpu.wait_indirect_dma semaphore(%arg23 : memref<!tpu.dma_semaphore, #tpu.memory_space<semaphore_mem>>) src(%arg14 : memref<128x16xf32, #tpu.memory_space<vmem>>) dst(%dma_wait3A_143 : memref<10000x16xf32, #tpu.memory_space<vmem_shared>>)
            } else {
            }
            %add3A_128 = arith.constant 1 : i32
            %add3A_129 = arith.addi %while3A_65, %add3A_128 : i32
            %mul3A_130 = arith.constant 16 : i32
            %mul3A_131 = arith.muli %add3A_129, %mul3A_130 : i32
            %add3A_132 = arith.addi %arg1, %mul3A_131 : i32
            %mul3A_133 = arith.constant 128 : i32
            %mul3A_134 = arith.muli %add3A_132, %mul3A_133 : i32
            %dma_start3A_135 = tpu.memref_slice %arg5[%mul3A_134] : memref<160000xi32, #tpu.memory_space<hbm>> -> memref<128xi32, #tpu.memory_space<hbm>>
            %dma_start3A_136 = tpu.memref_slice %arg5[%mul3A_134] : memref<160000xi32, #tpu.memory_space<hbm>> -> memref<128xi32, #tpu.memory_space<hbm>>
            tpu.enqueue_dma source(%dma_start3A_136 : memref<128xi32, #tpu.memory_space<hbm>>) target(%arg10 : memref<128xi32, #tpu.memory_space<vmem>>) target_semaphore(%arg19 : memref<!tpu.dma_semaphore, #tpu.memory_space<semaphore_mem>>)
            %dma_start3A_137 = arith.constant 16 : i32
            %dma_start3A_138 = tpu.memref_slice %arg4[%mul3A_134, %dma_start3A_137] : memref<160000x128xf32, #tpu.memory_space<hbm>> -> memref<128x16xf32, #tpu.memory_space<hbm>>
            %dma_start3A_139 = arith.constant 16 : i32
            %dma_start3A_140 = tpu.memref_slice %arg4[%mul3A_134, %dma_start3A_139] : memref<160000x128xf32, #tpu.memory_space<hbm>> -> memref<128x16xf32, #tpu.memory_space<hbm>>
            tpu.enqueue_dma source(%dma_start3A_140 : memref<128x16xf32, #tpu.memory_space<hbm>>) target(%arg14 : memref<128x16xf32, #tpu.memory_space<vmem>>) target_semaphore(%arg21 : memref<!tpu.dma_semaphore, #tpu.memory_space<semaphore_mem>>)
          } else {
          }
        } else {
        }
      }
      %while3A_51 = arith.constant 1 : i32
      scf.for %while3A_65 = %while3A_49 to %while3A_45 step %while3A_51  : i32 {
        %jit3A_66 = arith.constant 2 : i32
        %eq3A_67 = arith.constant 0 : i32
        %eq3A_68 = arith.cmpi eq, %jit3A_66, %eq3A_67 : i32
        %jit3A_69 = arith.constant 1 : i32
        %select_n3A_70 = arith.select %eq3A_68, %jit3A_69, %jit3A_66 : i32
        %rem3A = arith.remsi %while3A_65, %select_n3A_70 : i32
        %ne3A = arith.constant 0 : i32
        %ne3A_71 = arith.cmpi ne, %rem3A, %ne3A : i32
        %lt3A_72 = arith.constant 0 : i32
        %lt3A_73 = arith.cmpi slt, %rem3A, %lt3A_72 : i32
        %lt3A_74 = arith.constant 0 : i32
        %lt3A_75 = arith.cmpi slt, %select_n3A_70, %lt3A_74 : i32
        %ne3A_76 = arith.xori %lt3A_73, %lt3A_75 : i1
        %and3A = arith.andi %ne3A_76, %ne3A_71 : i1
        %add3A_77 = arith.addi %rem3A, %select_n3A_70 : i32
        %select_n3A_78 = arith.select %and3A, %add3A_77, %rem3A : i32
        %eq3A_79 = arith.constant 0 : i32
        %eq3A_80 = arith.cmpi eq, %select_n3A_78, %eq3A_79 : i32
        %convert_element_type3A_81 = arith.extui %eq3A_80 : i1 to i32
        %cond3A_82 = arith.constant 0 : i32
        %cond3A_83 = arith.cmpi ne, %convert_element_type3A_81, %cond3A_82 : i32
        scf.if %cond3A_83 {
          %dma_wait3A_105 = arith.constant 0 : i32
          %dma_wait3A_106 = tpu.memref_slice %arg5[%dma_wait3A_105] : memref<160000xi32, #tpu.memory_space<hbm>> -> memref<128xi32, #tpu.memory_space<hbm>>
          %dma_wait3A_107 = arith.constant 0 : i32
          %dma_wait3A_108 = tpu.memref_slice %arg5[%dma_wait3A_107] : memref<160000xi32, #tpu.memory_space<hbm>> -> memref<128xi32, #tpu.memory_space<hbm>>
          tpu.wait_dma2 semaphore(%arg19 : memref<!tpu.dma_semaphore, #tpu.memory_space<semaphore_mem>>) src(%dma_wait3A_108 : memref<128xi32, #tpu.memory_space<hbm>>) dst(%arg10 : memref<128xi32, #tpu.memory_space<vmem>>)
          %dma_wait3A_109 = arith.constant 0 : i32
          %dma_wait3A_110 = arith.constant 16 : i32
          %dma_wait3A_111 = tpu.memref_slice %arg4[%dma_wait3A_109, %dma_wait3A_110] : memref<160000x128xf32, #tpu.memory_space<hbm>> -> memref<128x16xf32, #tpu.memory_space<hbm>>
          %dma_wait3A_112 = arith.constant 0 : i32
          %dma_wait3A_113 = arith.constant 16 : i32
          %dma_wait3A_114 = tpu.memref_slice %arg4[%dma_wait3A_112, %dma_wait3A_113] : memref<160000x128xf32, #tpu.memory_space<hbm>> -> memref<128x16xf32, #tpu.memory_space<hbm>>
          tpu.wait_dma2 semaphore(%arg21 : memref<!tpu.dma_semaphore, #tpu.memory_space<semaphore_mem>>) src(%dma_wait3A_114 : memref<128x16xf32, #tpu.memory_space<hbm>>) dst(%arg14 : memref<128x16xf32, #tpu.memory_space<vmem>>)
          %dma_start3A_115 = arith.constant 0 : i32
          %dma_start3A_116 = arith.constant 0 : i32
          %dma_start3A_117 = tpu.memref_slice %arg18[%dma_start3A_115, %dma_start3A_116] : memref<10000x16xf32, #tpu.memory_space<vmem_shared>> -> memref<10000x16xf32, #tpu.memory_space<vmem_shared>>
          tpu.enqueue_indirect_dma source(%arg14 : memref<128x16xf32, #tpu.memory_space<vmem>>) target(%dma_start3A_117 : memref<10000x16xf32, #tpu.memory_space<vmem_shared>>) offsets(%arg10 : memref<128xi32, #tpu.memory_space<vmem>>) semaphore(%arg23 : memref<!tpu.dma_semaphore, #tpu.memory_space<semaphore_mem>>) {add = true}
          %add3A_118 = arith.constant 1 : i32
          %add3A_119 = arith.addi %while3A_65, %add3A_118 : i32
          %lt3A_120 = arith.cmpi slt, %add3A_119, %add3A_2 : i32
          %convert_element_type3A_121 = arith.extui %lt3A_120 : i1 to i32
          %cond3A_122 = arith.constant 0 : i32
          %cond3A_123 = arith.cmpi ne, %convert_element_type3A_121, %cond3A_122 : i32
          scf.if %cond3A_123 {
            %ge3A = arith.constant 1 : i32
            %ge3A_124 = arith.cmpi sge, %while3A_65, %ge3A : i32
            %convert_element_type3A_125 = arith.extui %ge3A_124 : i1 to i32
            %cond3A_126 = arith.constant 0 : i32
            %cond3A_127 = arith.cmpi ne, %convert_element_type3A_125, %cond3A_126 : i32
            scf.if %cond3A_127 {
              %dma_wait3A_141 = arith.constant 0 : i32
              %dma_wait3A_142 = arith.constant 0 : i32
              %dma_wait3A_143 = tpu.memref_slice %arg18[%dma_wait3A_141, %dma_wait3A_142] : memref<10000x16xf32, #tpu.memory_space<vmem_shared>> -> memref<10000x16xf32, #tpu.memory_space<vmem_shared>>
              tpu.wait_indirect_dma semaphore(%arg24 : memref<!tpu.dma_semaphore, #tpu.memory_space<semaphore_mem>>) src(%arg15 : memref<128x16xf32, #tpu.memory_space<vmem>>) dst(%dma_wait3A_143 : memref<10000x16xf32, #tpu.memory_space<vmem_shared>>)
            } else {
            }
            %add3A_128 = arith.constant 1 : i32
            %add3A_129 = arith.addi %while3A_65, %add3A_128 : i32
            %mul3A_130 = arith.constant 16 : i32
            %mul3A_131 = arith.muli %add3A_129, %mul3A_130 : i32
            %add3A_132 = arith.addi %arg1, %mul3A_131 : i32
            %mul3A_133 = arith.constant 128 : i32
            %mul3A_134 = arith.muli %add3A_132, %mul3A_133 : i32
            %dma_start3A_135 = tpu.memref_slice %arg5[%mul3A_134] : memref<160000xi32, #tpu.memory_space<hbm>> -> memref<128xi32, #tpu.memory_space<hbm>>
            %dma_start3A_136 = tpu.memref_slice %arg5[%mul3A_134] : memref<160000xi32, #tpu.memory_space<hbm>> -> memref<128xi32, #tpu.memory_space<hbm>>
            tpu.enqueue_dma source(%dma_start3A_136 : memref<128xi32, #tpu.memory_space<hbm>>) target(%arg11 : memref<128xi32, #tpu.memory_space<vmem>>) target_semaphore(%arg20 : memref<!tpu.dma_semaphore, #tpu.memory_space<semaphore_mem>>)
            %dma_start3A_137 = arith.constant 16 : i32
            %dma_start3A_138 = tpu.memref_slice %arg4[%mul3A_134, %dma_start3A_137] : memref<160000x128xf32, #tpu.memory_space<hbm>> -> memref<128x16xf32, #tpu.memory_space<hbm>>
            %dma_start3A_139 = arith.constant 16 : i32
            %dma_start3A_140 = tpu.memref_slice %arg4[%mul3A_134, %dma_start3A_139] : memref<160000x128xf32, #tpu.memory_space<hbm>> -> memref<128x16xf32, #tpu.memory_space<hbm>>
            tpu.enqueue_dma source(%dma_start3A_140 : memref<128x16xf32, #tpu.memory_space<hbm>>) target(%arg15 : memref<128x16xf32, #tpu.memory_space<vmem>>) target_semaphore(%arg22 : memref<!tpu.dma_semaphore, #tpu.memory_space<semaphore_mem>>)
          } else {
          }
        } else {
        }
        %jit3A_84 = arith.constant 2 : i32
        %eq3A_85 = arith.constant 0 : i32
        %eq3A_86 = arith.cmpi eq, %jit3A_84, %eq3A_85 : i32
        %jit3A_87 = arith.constant 1 : i32
        %select_n3A_88 = arith.select %eq3A_86, %jit3A_87, %jit3A_84 : i32
        %rem3A_89 = arith.remsi %while3A_65, %select_n3A_88 : i32
        %ne3A_90 = arith.constant 0 : i32
        %ne3A_91 = arith.cmpi ne, %rem3A_89, %ne3A_90 : i32
        %lt3A_92 = arith.constant 0 : i32
        %lt3A_93 = arith.cmpi slt, %rem3A_89, %lt3A_92 : i32
        %lt3A_94 = arith.constant 0 : i32
        %lt3A_95 = arith.cmpi slt, %select_n3A_88, %lt3A_94 : i32
        %ne3A_96 = arith.xori %lt3A_93, %lt3A_95 : i1
        %and3A_97 = arith.andi %ne3A_96, %ne3A_91 : i1
        %add3A_98 = arith.addi %rem3A_89, %select_n3A_88 : i32
        %select_n3A_99 = arith.select %and3A_97, %add3A_98, %rem3A_89 : i32
        %eq3A_100 = arith.constant 1 : i32
        %eq3A_101 = arith.cmpi eq, %select_n3A_99, %eq3A_100 : i32
        %convert_element_type3A_102 = arith.extui %eq3A_101 : i1 to i32
        %cond3A_103 = arith.constant 0 : i32
        %cond3A_104 = arith.cmpi ne, %convert_element_type3A_102, %cond3A_103 : i32
        scf.if %cond3A_104 {
          %dma_wait3A_105 = arith.constant 0 : i32
          %dma_wait3A_106 = tpu.memref_slice %arg5[%dma_wait3A_105] : memref<160000xi32, #tpu.memory_space<hbm>> -> memref<128xi32, #tpu.memory_space<hbm>>
          %dma_wait3A_107 = arith.constant 0 : i32
          %dma_wait3A_108 = tpu.memref_slice %arg5[%dma_wait3A_107] : memref<160000xi32, #tpu.memory_space<hbm>> -> memref<128xi32, #tpu.memory_space<hbm>>
          tpu.wait_dma2 semaphore(%arg20 : memref<!tpu.dma_semaphore, #tpu.memory_space<semaphore_mem>>) src(%dma_wait3A_108 : memref<128xi32, #tpu.memory_space<hbm>>) dst(%arg11 : memref<128xi32, #tpu.memory_space<vmem>>)
          %dma_wait3A_109 = arith.constant 0 : i32
          %dma_wait3A_110 = arith.constant 16 : i32
          %dma_wait3A_111 = tpu.memref_slice %arg4[%dma_wait3A_109, %dma_wait3A_110] : memref<160000x128xf32, #tpu.memory_space<hbm>> -> memref<128x16xf32, #tpu.memory_space<hbm>>
          %dma_wait3A_112 = arith.constant 0 : i32
          %dma_wait3A_113 = arith.constant 16 : i32
          %dma_wait3A_114 = tpu.memref_slice %arg4[%dma_wait3A_112, %dma_wait3A_113] : memref<160000x128xf32, #tpu.memory_space<hbm>> -> memref<128x16xf32, #tpu.memory_space<hbm>>
          tpu.wait_dma2 semaphore(%arg22 : memref<!tpu.dma_semaphore, #tpu.memory_space<semaphore_mem>>) src(%dma_wait3A_114 : memref<128x16xf32, #tpu.memory_space<hbm>>) dst(%arg15 : memref<128x16xf32, #tpu.memory_space<vmem>>)
          %dma_start3A_115 = arith.constant 0 : i32
          %dma_start3A_116 = arith.constant 0 : i32
          %dma_start3A_117 = tpu.memref_slice %arg18[%dma_start3A_115, %dma_start3A_116] : memref<10000x16xf32, #tpu.memory_space<vmem_shared>> -> memref<10000x16xf32, #tpu.memory_space<vmem_shared>>
          tpu.enqueue_indirect_dma source(%arg15 : memref<128x16xf32, #tpu.memory_space<vmem>>) target(%dma_start3A_117 : memref<10000x16xf32, #tpu.memory_space<vmem_shared>>) offsets(%arg11 : memref<128xi32, #tpu.memory_space<vmem>>) semaphore(%arg24 : memref<!tpu.dma_semaphore, #tpu.memory_space<semaphore_mem>>) {add = true}
          %add3A_118 = arith.constant 1 : i32
          %add3A_119 = arith.addi %while3A_65, %add3A_118 : i32
          %lt3A_120 = arith.cmpi slt, %add3A_119, %add3A_2 : i32
          %convert_element_type3A_121 = arith.extui %lt3A_120 : i1 to i32
          %cond3A_122 = arith.constant 0 : i32
          %cond3A_123 = arith.cmpi ne, %convert_element_type3A_121, %cond3A_122 : i32
          scf.if %cond3A_123 {
            %ge3A = arith.constant 1 : i32
            %ge3A_124 = arith.cmpi sge, %while3A_65, %ge3A : i32
            %convert_element_type3A_125 = arith.extui %ge3A_124 : i1 to i32
            %cond3A_126 = arith.constant 0 : i32
            %cond3A_127 = arith.cmpi ne, %convert_element_type3A_125, %cond3A_126 : i32
            scf.if %cond3A_127 {
              %dma_wait3A_141 = arith.constant 0 : i32
              %dma_wait3A_142 = arith.constant 0 : i32
              %dma_wait3A_143 = tpu.memref_slice %arg18[%dma_wait3A_141, %dma_wait3A_142] : memref<10000x16xf32, #tpu.memory_space<vmem_shared>> -> memref<10000x16xf32, #tpu.memory_space<vmem_shared>>
              tpu.wait_indirect_dma semaphore(%arg23 : memref<!tpu.dma_semaphore, #tpu.memory_space<semaphore_mem>>) src(%arg14 : memref<128x16xf32, #tpu.memory_space<vmem>>) dst(%dma_wait3A_143 : memref<10000x16xf32, #tpu.memory_space<vmem_shared>>)
            } else {
            }
            %add3A_128 = arith.constant 1 : i32
            %add3A_129 = arith.addi %while3A_65, %add3A_128 : i32
            %mul3A_130 = arith.constant 16 : i32
            %mul3A_131 = arith.muli %add3A_129, %mul3A_130 : i32
            %add3A_132 = arith.addi %arg1, %mul3A_131 : i32
            %mul3A_133 = arith.constant 128 : i32
            %mul3A_134 = arith.muli %add3A_132, %mul3A_133 : i32
            %dma_start3A_135 = tpu.memref_slice %arg5[%mul3A_134] : memref<160000xi32, #tpu.memory_space<hbm>> -> memref<128xi32, #tpu.memory_space<hbm>>
            %dma_start3A_136 = tpu.memref_slice %arg5[%mul3A_134] : memref<160000xi32, #tpu.memory_space<hbm>> -> memref<128xi32, #tpu.memory_space<hbm>>
            tpu.enqueue_dma source(%dma_start3A_136 : memref<128xi32, #tpu.memory_space<hbm>>) target(%arg10 : memref<128xi32, #tpu.memory_space<vmem>>) target_semaphore(%arg19 : memref<!tpu.dma_semaphore, #tpu.memory_space<semaphore_mem>>)
            %dma_start3A_137 = arith.constant 16 : i32
            %dma_start3A_138 = tpu.memref_slice %arg4[%mul3A_134, %dma_start3A_137] : memref<160000x128xf32, #tpu.memory_space<hbm>> -> memref<128x16xf32, #tpu.memory_space<hbm>>
            %dma_start3A_139 = arith.constant 16 : i32
            %dma_start3A_140 = tpu.memref_slice %arg4[%mul3A_134, %dma_start3A_139] : memref<160000x128xf32, #tpu.memory_space<hbm>> -> memref<128x16xf32, #tpu.memory_space<hbm>>
            tpu.enqueue_dma source(%dma_start3A_140 : memref<128x16xf32, #tpu.memory_space<hbm>>) target(%arg14 : memref<128x16xf32, #tpu.memory_space<vmem>>) target_semaphore(%arg21 : memref<!tpu.dma_semaphore, #tpu.memory_space<semaphore_mem>>)
          } else {
          }
        } else {
        }
      }
      %dma_wait3A = arith.constant 0 : i32
      %dma_wait3A_52 = arith.constant 0 : i32
      %dma_wait3A_53 = tpu.memref_slice %arg18[%dma_wait3A, %dma_wait3A_52] : memref<10000x16xf32, #tpu.memory_space<vmem_shared>> -> memref<10000x16xf32, #tpu.memory_space<vmem_shared>>
      tpu.wait_indirect_dma semaphore(%arg23 : memref<!tpu.dma_semaphore, #tpu.memory_space<semaphore_mem>>) src(%arg14 : memref<128x16xf32, #tpu.memory_space<vmem>>) dst(%dma_wait3A_53 : memref<10000x16xf32, #tpu.memory_space<vmem_shared>>)
      %dma_wait3A_54 = arith.constant 0 : i32
      %dma_wait3A_55 = arith.constant 0 : i32
      %dma_wait3A_56 = tpu.memref_slice %arg18[%dma_wait3A_54, %dma_wait3A_55] : memref<10000x16xf32, #tpu.memory_space<vmem_shared>> -> memref<10000x16xf32, #tpu.memory_space<vmem_shared>>
      tpu.wait_indirect_dma semaphore(%arg24 : memref<!tpu.dma_semaphore, #tpu.memory_space<semaphore_mem>>) src(%arg15 : memref<128x16xf32, #tpu.memory_space<vmem>>) dst(%dma_wait3A_56 : memref<10000x16xf32, #tpu.memory_space<vmem_shared>>)
      %barrier3A_57 = arith.constant 0 : index
      tpu.barrier barrier_id(%barrier3A_57)
      %scan3A_58 = arith.constant 0 : i32
      %scan3A_59 = arith.constant 0 : i32
      %scan3A_60 = arith.constant 5 : i32
      %scan3A_61 = arith.addi %scan3A_59, %scan3A_60 : i32
      %scan3A_62 = arith.constant 1 : i32
      scf.for %scan3A_65 = %scan3A_59 to %scan3A_61 step %scan3A_62  : i32 {
        %mul3A_66 = arith.constant 625 : i32
        %mul3A_67 = arith.muli %arg1, %mul3A_66 : i32
        %mul3A_68 = arith.constant 125 : i32
        %mul3A_69 = arith.muli %scan3A_65, %mul3A_68 : i32
        %add3A_70 = arith.addi %mul3A_67, %mul3A_69 : i32
        "tpu.region"() ({
          %run_scoped3A = tpu.sem_alloc : memref<!tpu.dma_semaphore, #tpu.memory_space<semaphore_mem>>
          %dma_start3A_71 = arith.constant 0 : i32
          %dma_start3A_72 = arith.constant 0 : i32
          %dma_start3A_73 = tpu.memref_slice %arg14[%dma_start3A_71, %dma_start3A_72] : memref<128x16xf32, #tpu.memory_space<vmem>> -> memref<125x16xf32, #tpu.memory_space<vmem>>
          %dma_start3A_74 = arith.constant 0 : i32
          %dma_start3A_75 = tpu.memref_slice %arg18[%add3A_70, %dma_start3A_74] : memref<10000x16xf32, #tpu.memory_space<vmem_shared>> -> memref<125x16xf32, #tpu.memory_space<vmem_shared>>
          %dma_start3A_76 = arith.constant 0 : i32
          %dma_start3A_77 = arith.constant 0 : i32
          %dma_start3A_78 = tpu.memref_slice %arg14[%dma_start3A_76, %dma_start3A_77] : memref<128x16xf32, #tpu.memory_space<vmem>> -> memref<125x16xf32, #tpu.memory_space<vmem>>
          %dma_start3A_79 = arith.constant 0 : i32
          %dma_start3A_80 = tpu.memref_slice %arg18[%add3A_70, %dma_start3A_79] : memref<10000x16xf32, #tpu.memory_space<vmem_shared>> -> memref<125x16xf32, #tpu.memory_space<vmem_shared>>
          tpu.enqueue_dma source(%dma_start3A_80 : memref<125x16xf32, #tpu.memory_space<vmem_shared>>) target(%dma_start3A_78 : memref<125x16xf32, #tpu.memory_space<vmem>>) target_semaphore(%run_scoped3A : memref<!tpu.dma_semaphore, #tpu.memory_space<semaphore_mem>>)
          %dma_wait3A_81 = arith.constant 0 : i32
          %dma_wait3A_82 = arith.constant 0 : i32
          %dma_wait3A_83 = tpu.memref_slice %arg14[%dma_wait3A_81, %dma_wait3A_82] : memref<128x16xf32, #tpu.memory_space<vmem>> -> memref<125x16xf32, #tpu.memory_space<vmem>>
          %dma_wait3A_84 = arith.constant 0 : i32
          %dma_wait3A_85 = tpu.memref_slice %arg18[%add3A_70, %dma_wait3A_84] : memref<10000x16xf32, #tpu.memory_space<vmem_shared>> -> memref<125x16xf32, #tpu.memory_space<vmem_shared>>
          %dma_wait3A_86 = arith.constant 0 : i32
          %dma_wait3A_87 = arith.constant 0 : i32
          %dma_wait3A_88 = tpu.memref_slice %arg14[%dma_wait3A_86, %dma_wait3A_87] : memref<128x16xf32, #tpu.memory_space<vmem>> -> memref<125x16xf32, #tpu.memory_space<vmem>>
          %dma_wait3A_89 = arith.constant 0 : i32
          %dma_wait3A_90 = tpu.memref_slice %arg18[%add3A_70, %dma_wait3A_89] : memref<10000x16xf32, #tpu.memory_space<vmem_shared>> -> memref<125x16xf32, #tpu.memory_space<vmem_shared>>
          tpu.wait_dma2 semaphore(%run_scoped3A : memref<!tpu.dma_semaphore, #tpu.memory_space<semaphore_mem>>) src(%dma_wait3A_90 : memref<125x16xf32, #tpu.memory_space<vmem_shared>>) dst(%dma_wait3A_88 : memref<125x16xf32, #tpu.memory_space<vmem>>)
          tpu.yield
        }) : () -> ()
        "tpu.region"() ({
          %run_scoped3A = tpu.sem_alloc : memref<!tpu.dma_semaphore, #tpu.memory_space<semaphore_mem>>
          %dma_start3A_71 = arith.constant 0 : i32
          %dma_start3A_72 = arith.constant 0 : i32
          %dma_start3A_73 = tpu.memref_slice %arg14[%dma_start3A_71, %dma_start3A_72] : memref<128x16xf32, #tpu.memory_space<vmem>> -> memref<125x16xf32, #tpu.memory_space<vmem>>
          %dma_start3A_74 = arith.constant 16 : i32
          %dma_start3A_75 = tpu.memref_slice %arg9[%add3A_70, %dma_start3A_74] : memref<10000x128xf32, #tpu.memory_space<hbm>> -> memref<125x16xf32, #tpu.memory_space<hbm>>
          %dma_start3A_76 = arith.constant 16 : i32
          %dma_start3A_77 = tpu.memref_slice %arg9[%add3A_70, %dma_start3A_76] : memref<10000x128xf32, #tpu.memory_space<hbm>> -> memref<125x16xf32, #tpu.memory_space<hbm>>
          %dma_start3A_78 = arith.constant 0 : i32
          %dma_start3A_79 = arith.constant 0 : i32
          %dma_start3A_80 = tpu.memref_slice %arg14[%dma_start3A_78, %dma_start3A_79] : memref<128x16xf32, #tpu.memory_space<vmem>> -> memref<125x16xf32, #tpu.memory_space<vmem>>
          tpu.enqueue_dma source(%dma_start3A_80 : memref<125x16xf32, #tpu.memory_space<vmem>>) target(%dma_start3A_77 : memref<125x16xf32, #tpu.memory_space<hbm>>) target_semaphore(%run_scoped3A : memref<!tpu.dma_semaphore, #tpu.memory_space<semaphore_mem>>)
          %dma_wait3A_81 = arith.constant 0 : i32
          %dma_wait3A_82 = arith.constant 0 : i32
          %dma_wait3A_83 = tpu.memref_slice %arg14[%dma_wait3A_81, %dma_wait3A_82] : memref<128x16xf32, #tpu.memory_space<vmem>> -> memref<125x16xf32, #tpu.memory_space<vmem>>
          %dma_wait3A_84 = arith.constant 16 : i32
          %dma_wait3A_85 = tpu.memref_slice %arg9[%add3A_70, %dma_wait3A_84] : memref<10000x128xf32, #tpu.memory_space<hbm>> -> memref<125x16xf32, #tpu.memory_space<hbm>>
          %dma_wait3A_86 = arith.constant 16 : i32
          %dma_wait3A_87 = tpu.memref_slice %arg9[%add3A_70, %dma_wait3A_86] : memref<10000x128xf32, #tpu.memory_space<hbm>> -> memref<125x16xf32, #tpu.memory_space<hbm>>
          %dma_wait3A_88 = arith.constant 0 : i32
          %dma_wait3A_89 = arith.constant 0 : i32
          %dma_wait3A_90 = tpu.memref_slice %arg14[%dma_wait3A_88, %dma_wait3A_89] : memref<128x16xf32, #tpu.memory_space<vmem>> -> memref<125x16xf32, #tpu.memory_space<vmem>>
          tpu.wait_dma2 semaphore(%run_scoped3A : memref<!tpu.dma_semaphore, #tpu.memory_space<semaphore_mem>>) src(%dma_wait3A_90 : memref<125x16xf32, #tpu.memory_space<vmem>>) dst(%dma_wait3A_87 : memref<125x16xf32, #tpu.memory_space<hbm>>)
          tpu.yield
        }) : () -> ()
      }
      %scan3A_63 = arith.constant 5 : i32
      %barrier3A_64 = arith.constant 0 : index
      tpu.barrier barrier_id(%barrier3A_64)
    } else {
    }
    return
  }
}

#map = affine_map<(d0, d1) -> (0, 0)>
#map1 = affine_map<(d0, d1) -> (0)>
module attributes {stable_mosaic.version = 14 : i64} {
  func.func @k(%arg0: i32, %arg1: i32, %arg2: memref<10000x128xbf16, #tpu.memory_space<hbm>>, %arg3: memref<160000xi32, #tpu.memory_space<hbm>>, %arg4: memref<160000x128xbf16, #tpu.memory_space<hbm>>, %arg5: memref<128xi32, #tpu.memory_space<vmem>>, %arg6: memref<128xi32, #tpu.memory_space<vmem>>, %arg7: memref<128x128xbf16, #tpu.memory_space<vmem>>, %arg8: memref<128x128xbf16, #tpu.memory_space<vmem>>, %arg9: memref<!tpu.dma_semaphore, #tpu.memory_space<semaphore_mem>>, %arg10: memref<!tpu.dma_semaphore, #tpu.memory_space<semaphore_mem>>, %arg11: memref<!tpu.dma_semaphore, #tpu.memory_space<semaphore_mem>>, %arg12: memref<!tpu.dma_semaphore, #tpu.memory_space<semaphore_mem>>, %arg13: memref<!tpu.dma_semaphore, #tpu.memory_space<semaphore_mem>>, %arg14: memref<!tpu.dma_semaphore, #tpu.memory_space<semaphore_mem>>) attributes {dimension_semantics = [#tpu.dimension_semantics<core_parallel>, #tpu.dimension_semantics<subcore_parallel>], iteration_bounds = array<i64: 2, 16>, scalar_prefetch = 0 : i64, scratch_operands = 10 : i64, tpu.core_type = #tpu.core_type<sc_vector_subcore>, window_params = [{transform_indices = #map}, {transform_indices = #map1}, {transform_indices = #map}]} {
    %mul3A = arith.constant 2 : i32
    %mul3A_0 = arith.muli %arg1, %mul3A : i32
    %add3A = arith.addi %mul3A_0, %arg0 : i32
    %lt3A = arith.constant 2 : i32
    %lt3A_1 = arith.cmpi slt, %add3A, %lt3A : i32
    %jit3A = arith.constant 1 : i32
    %jit3A_2 = arith.constant 0 : i32
    %select_n3A = arith.select %lt3A_1, %jit3A, %jit3A_2 : i32
    %add3A_3 = arith.constant 39 : i32
    %add3A_4 = arith.addi %add3A_3, %select_n3A : i32
    %add3A_5 = arith.constant 0 : i32
    %add3A_6 = arith.addi %add3A, %add3A_5 : i32
    %mul3A_7 = arith.constant 128 : i32
    %mul3A_8 = arith.muli %add3A_6, %mul3A_7 : i32
    %dma_start3A = tpu.memref_slice %arg3[%mul3A_8] : memref<160000xi32, #tpu.memory_space<hbm>> -> memref<128xi32, #tpu.memory_space<hbm>>
    %dma_start3A_9 = tpu.memref_slice %arg3[%mul3A_8] : memref<160000xi32, #tpu.memory_space<hbm>> -> memref<128xi32, #tpu.memory_space<hbm>>
    tpu.enqueue_dma source(%dma_start3A_9 : memref<128xi32, #tpu.memory_space<hbm>>) target(%arg5 : memref<128xi32, #tpu.memory_space<vmem>>) target_semaphore(%arg9 : memref<!tpu.dma_semaphore, #tpu.memory_space<semaphore_mem>>)
    %while3A = arith.constant 0 : i32
    %while3A_10 = arith.constant 0 : i32
    %while3A_11 = arith.subi %add3A_4, %while3A_10 : i32
    %while3A_12 = arith.addi %while3A_10, %while3A_11 : i32
    %while3A_13 = arith.constant 1 : i32
    %while3A_14 = arith.divsi %while3A_11, %while3A_13 : i32
    %while3A_15 = arith.muli %while3A_14, %while3A_13 : i32
    %while3A_16 = arith.addi %while3A_10, %while3A_15 : i32
    %while3A_17 = arith.constant 1 : i32
    scf.for %while3A_30 = %while3A_10 to %while3A_16 step %while3A_17  : i32 {
      %jit3A_31 = arith.constant 2 : i32
      %eq3A = arith.constant 0 : i32
      %eq3A_32 = arith.cmpi eq, %jit3A_31, %eq3A : i32
      %jit3A_33 = arith.constant 1 : i32
      %select_n3A_34 = arith.select %eq3A_32, %jit3A_33, %jit3A_31 : i32
      %rem3A = arith.remsi %while3A_30, %select_n3A_34 : i32
      %ne3A = arith.constant 0 : i32
      %ne3A_35 = arith.cmpi ne, %rem3A, %ne3A : i32
      %lt3A_36 = arith.constant 0 : i32
      %lt3A_37 = arith.cmpi slt, %rem3A, %lt3A_36 : i32
      %lt3A_38 = arith.constant 0 : i32
      %lt3A_39 = arith.cmpi slt, %select_n3A_34, %lt3A_38 : i32
      %ne3A_40 = arith.xori %lt3A_37, %lt3A_39 : i1
      %and3A = arith.andi %ne3A_40, %ne3A_35 : i1
      %add3A_41 = arith.addi %rem3A, %select_n3A_34 : i32
      %select_n3A_42 = arith.select %and3A, %add3A_41, %rem3A : i32
      %eq3A_43 = arith.constant 0 : i32
      %eq3A_44 = arith.cmpi eq, %select_n3A_42, %eq3A_43 : i32
      %convert_element_type3A = arith.extui %eq3A_44 : i1 to i32
      %cond3A = arith.constant 0 : i32
      %cond3A_45 = arith.cmpi ne, %convert_element_type3A, %cond3A : i32
      scf.if %cond3A_45 {
        %dma_wait3A_67 = arith.constant 0 : i32
        %dma_wait3A_68 = tpu.memref_slice %arg3[%dma_wait3A_67] : memref<160000xi32, #tpu.memory_space<hbm>> -> memref<128xi32, #tpu.memory_space<hbm>>
        %dma_wait3A_69 = arith.constant 0 : i32
        %dma_wait3A_70 = tpu.memref_slice %arg3[%dma_wait3A_69] : memref<160000xi32, #tpu.memory_space<hbm>> -> memref<128xi32, #tpu.memory_space<hbm>>
        tpu.wait_dma2 semaphore(%arg9 : memref<!tpu.dma_semaphore, #tpu.memory_space<semaphore_mem>>) src(%dma_wait3A_70 : memref<128xi32, #tpu.memory_space<hbm>>) dst(%arg5 : memref<128xi32, #tpu.memory_space<vmem>>)
        %ge3A = arith.constant 2 : i32
        %ge3A_71 = arith.cmpi sge, %while3A_30, %ge3A : i32
        %convert_element_type3A_72 = arith.extui %ge3A_71 : i1 to i32
        %cond3A_73 = arith.constant 0 : i32
        %cond3A_74 = arith.cmpi ne, %convert_element_type3A_72, %cond3A_73 : i32
        scf.if %cond3A_74 {
          %dma_wait3A_96 = arith.constant 0 : i32
          %dma_wait3A_97 = arith.constant 0 : i32
          %dma_wait3A_98 = tpu.memref_slice %arg4[%dma_wait3A_96, %dma_wait3A_97] : memref<160000x128xbf16, #tpu.memory_space<hbm>> -> memref<128x128xbf16, #tpu.memory_space<hbm>>
          %dma_wait3A_99 = arith.constant 0 : i32
          %dma_wait3A_100 = arith.constant 0 : i32
          %dma_wait3A_101 = tpu.memref_slice %arg4[%dma_wait3A_99, %dma_wait3A_100] : memref<160000x128xbf16, #tpu.memory_space<hbm>> -> memref<128x128xbf16, #tpu.memory_space<hbm>>
          tpu.wait_dma2 semaphore(%arg13 : memref<!tpu.dma_semaphore, #tpu.memory_space<semaphore_mem>>) src(%arg7 : memref<128x128xbf16, #tpu.memory_space<vmem>>) dst(%dma_wait3A_101 : memref<128x128xbf16, #tpu.memory_space<hbm>>)
        } else {
        }
        %dma_start3A_75 = arith.constant 0 : i32
        %dma_start3A_76 = arith.constant 0 : i32
        %dma_start3A_77 = tpu.memref_slice %arg2[%dma_start3A_75, %dma_start3A_76] : memref<10000x128xbf16, #tpu.memory_space<hbm>> -> memref<10000x128xbf16, #tpu.memory_space<hbm>>
        tpu.enqueue_indirect_dma source(%dma_start3A_77 : memref<10000x128xbf16, #tpu.memory_space<hbm>>) target(%arg7 : memref<128x128xbf16, #tpu.memory_space<vmem>>) offsets(%arg5 : memref<128xi32, #tpu.memory_space<vmem>>) semaphore(%arg11 : memref<!tpu.dma_semaphore, #tpu.memory_space<semaphore_mem>>)
        %add3A_78 = arith.constant 1 : i32
        %add3A_79 = arith.addi %while3A_30, %add3A_78 : i32
        %lt3A_80 = arith.cmpi slt, %add3A_79, %add3A_4 : i32
        %convert_element_type3A_81 = arith.extui %lt3A_80 : i1 to i32
        %cond3A_82 = arith.constant 0 : i32
        %cond3A_83 = arith.cmpi ne, %convert_element_type3A_81, %cond3A_82 : i32
        scf.if %cond3A_83 {
          %add3A_96 = arith.constant 1 : i32
          %add3A_97 = arith.addi %while3A_30, %add3A_96 : i32
          %mul3A_98 = arith.constant 32 : i32
          %mul3A_99 = arith.muli %add3A_97, %mul3A_98 : i32
          %add3A_100 = arith.addi %add3A, %mul3A_99 : i32
          %mul3A_101 = arith.constant 128 : i32
          %mul3A_102 = arith.muli %add3A_100, %mul3A_101 : i32
          %dma_start3A_103 = tpu.memref_slice %arg3[%mul3A_102] : memref<160000xi32, #tpu.memory_space<hbm>> -> memref<128xi32, #tpu.memory_space<hbm>>
          %dma_start3A_104 = tpu.memref_slice %arg3[%mul3A_102] : memref<160000xi32, #tpu.memory_space<hbm>> -> memref<128xi32, #tpu.memory_space<hbm>>
          tpu.enqueue_dma source(%dma_start3A_104 : memref<128xi32, #tpu.memory_space<hbm>>) target(%arg6 : memref<128xi32, #tpu.memory_space<vmem>>) target_semaphore(%arg10 : memref<!tpu.dma_semaphore, #tpu.memory_space<semaphore_mem>>)
        } else {
        }
        %dma_wait3A_84 = arith.constant 0 : i32
        %dma_wait3A_85 = arith.constant 0 : i32
        %dma_wait3A_86 = tpu.memref_slice %arg2[%dma_wait3A_84, %dma_wait3A_85] : memref<10000x128xbf16, #tpu.memory_space<hbm>> -> memref<10000x128xbf16, #tpu.memory_space<hbm>>
        tpu.wait_indirect_dma semaphore(%arg11 : memref<!tpu.dma_semaphore, #tpu.memory_space<semaphore_mem>>) src(%dma_wait3A_86 : memref<10000x128xbf16, #tpu.memory_space<hbm>>) dst(%arg7 : memref<128x128xbf16, #tpu.memory_space<vmem>>)
        %mul3A_87 = arith.constant 32 : i32
        %mul3A_88 = arith.muli %while3A_30, %mul3A_87 : i32
        %add3A_89 = arith.addi %add3A, %mul3A_88 : i32
        %mul3A_90 = arith.constant 128 : i32
        %mul3A_91 = arith.muli %add3A_89, %mul3A_90 : i32
        %dma_start3A_92 = arith.constant 0 : i32
        %dma_start3A_93 = tpu.memref_slice %arg4[%mul3A_91, %dma_start3A_92] : memref<160000x128xbf16, #tpu.memory_space<hbm>> -> memref<128x128xbf16, #tpu.memory_space<hbm>>
        %dma_start3A_94 = arith.constant 0 : i32
        %dma_start3A_95 = tpu.memref_slice %arg4[%mul3A_91, %dma_start3A_94] : memref<160000x128xbf16, #tpu.memory_space<hbm>> -> memref<128x128xbf16, #tpu.memory_space<hbm>>
        tpu.enqueue_dma source(%arg7 : memref<128x128xbf16, #tpu.memory_space<vmem>>) target(%dma_start3A_95 : memref<128x128xbf16, #tpu.memory_space<hbm>>) target_semaphore(%arg13 : memref<!tpu.dma_semaphore, #tpu.memory_space<semaphore_mem>>)
      } else {
      }
      %jit3A_46 = arith.constant 2 : i32
      %eq3A_47 = arith.constant 0 : i32
      %eq3A_48 = arith.cmpi eq, %jit3A_46, %eq3A_47 : i32
      %jit3A_49 = arith.constant 1 : i32
      %select_n3A_50 = arith.select %eq3A_48, %jit3A_49, %jit3A_46 : i32
      %rem3A_51 = arith.remsi %while3A_30, %select_n3A_50 : i32
      %ne3A_52 = arith.constant 0 : i32
      %ne3A_53 = arith.cmpi ne, %rem3A_51, %ne3A_52 : i32
      %lt3A_54 = arith.constant 0 : i32
      %lt3A_55 = arith.cmpi slt, %rem3A_51, %lt3A_54 : i32
      %lt3A_56 = arith.constant 0 : i32
      %lt3A_57 = arith.cmpi slt, %select_n3A_50, %lt3A_56 : i32
      %ne3A_58 = arith.xori %lt3A_55, %lt3A_57 : i1
      %and3A_59 = arith.andi %ne3A_58, %ne3A_53 : i1
      %add3A_60 = arith.addi %rem3A_51, %select_n3A_50 : i32
      %select_n3A_61 = arith.select %and3A_59, %add3A_60, %rem3A_51 : i32
      %eq3A_62 = arith.constant 1 : i32
      %eq3A_63 = arith.cmpi eq, %select_n3A_61, %eq3A_62 : i32
      %convert_element_type3A_64 = arith.extui %eq3A_63 : i1 to i32
      %cond3A_65 = arith.constant 0 : i32
      %cond3A_66 = arith.cmpi ne, %convert_element_type3A_64, %cond3A_65 : i32
      scf.if %cond3A_66 {
        %dma_wait3A_67 = arith.constant 0 : i32
        %dma_wait3A_68 = tpu.memref_slice %arg3[%dma_wait3A_67] : memref<160000xi32, #tpu.memory_space<hbm>> -> memref<128xi32, #tpu.memory_space<hbm>>
        %dma_wait3A_69 = arith.constant 0 : i32
        %dma_wait3A_70 = tpu.memref_slice %arg3[%dma_wait3A_69] : memref<160000xi32, #tpu.memory_space<hbm>> -> memref<128xi32, #tpu.memory_space<hbm>>
        tpu.wait_dma2 semaphore(%arg10 : memref<!tpu.dma_semaphore, #tpu.memory_space<semaphore_mem>>) src(%dma_wait3A_70 : memref<128xi32, #tpu.memory_space<hbm>>) dst(%arg6 : memref<128xi32, #tpu.memory_space<vmem>>)
        %ge3A = arith.constant 2 : i32
        %ge3A_71 = arith.cmpi sge, %while3A_30, %ge3A : i32
        %convert_element_type3A_72 = arith.extui %ge3A_71 : i1 to i32
        %cond3A_73 = arith.constant 0 : i32
        %cond3A_74 = arith.cmpi ne, %convert_element_type3A_72, %cond3A_73 : i32
        scf.if %cond3A_74 {
          %dma_wait3A_96 = arith.constant 0 : i32
          %dma_wait3A_97 = arith.constant 0 : i32
          %dma_wait3A_98 = tpu.memref_slice %arg4[%dma_wait3A_96, %dma_wait3A_97] : memref<160000x128xbf16, #tpu.memory_space<hbm>> -> memref<128x128xbf16, #tpu.memory_space<hbm>>
          %dma_wait3A_99 = arith.constant 0 : i32
          %dma_wait3A_100 = arith.constant 0 : i32
          %dma_wait3A_101 = tpu.memref_slice %arg4[%dma_wait3A_99, %dma_wait3A_100] : memref<160000x128xbf16, #tpu.memory_space<hbm>> -> memref<128x128xbf16, #tpu.memory_space<hbm>>
          tpu.wait_dma2 semaphore(%arg14 : memref<!tpu.dma_semaphore, #tpu.memory_space<semaphore_mem>>) src(%arg8 : memref<128x128xbf16, #tpu.memory_space<vmem>>) dst(%dma_wait3A_101 : memref<128x128xbf16, #tpu.memory_space<hbm>>)
        } else {
        }
        %dma_start3A_75 = arith.constant 0 : i32
        %dma_start3A_76 = arith.constant 0 : i32
        %dma_start3A_77 = tpu.memref_slice %arg2[%dma_start3A_75, %dma_start3A_76] : memref<10000x128xbf16, #tpu.memory_space<hbm>> -> memref<10000x128xbf16, #tpu.memory_space<hbm>>
        tpu.enqueue_indirect_dma source(%dma_start3A_77 : memref<10000x128xbf16, #tpu.memory_space<hbm>>) target(%arg8 : memref<128x128xbf16, #tpu.memory_space<vmem>>) offsets(%arg6 : memref<128xi32, #tpu.memory_space<vmem>>) semaphore(%arg12 : memref<!tpu.dma_semaphore, #tpu.memory_space<semaphore_mem>>)
        %add3A_78 = arith.constant 1 : i32
        %add3A_79 = arith.addi %while3A_30, %add3A_78 : i32
        %lt3A_80 = arith.cmpi slt, %add3A_79, %add3A_4 : i32
        %convert_element_type3A_81 = arith.extui %lt3A_80 : i1 to i32
        %cond3A_82 = arith.constant 0 : i32
        %cond3A_83 = arith.cmpi ne, %convert_element_type3A_81, %cond3A_82 : i32
        scf.if %cond3A_83 {
          %add3A_96 = arith.constant 1 : i32
          %add3A_97 = arith.addi %while3A_30, %add3A_96 : i32
          %mul3A_98 = arith.constant 32 : i32
          %mul3A_99 = arith.muli %add3A_97, %mul3A_98 : i32
          %add3A_100 = arith.addi %add3A, %mul3A_99 : i32
          %mul3A_101 = arith.constant 128 : i32
          %mul3A_102 = arith.muli %add3A_100, %mul3A_101 : i32
          %dma_start3A_103 = tpu.memref_slice %arg3[%mul3A_102] : memref<160000xi32, #tpu.memory_space<hbm>> -> memref<128xi32, #tpu.memory_space<hbm>>
          %dma_start3A_104 = tpu.memref_slice %arg3[%mul3A_102] : memref<160000xi32, #tpu.memory_space<hbm>> -> memref<128xi32, #tpu.memory_space<hbm>>
          tpu.enqueue_dma source(%dma_start3A_104 : memref<128xi32, #tpu.memory_space<hbm>>) target(%arg5 : memref<128xi32, #tpu.memory_space<vmem>>) target_semaphore(%arg9 : memref<!tpu.dma_semaphore, #tpu.memory_space<semaphore_mem>>)
        } else {
        }
        %dma_wait3A_84 = arith.constant 0 : i32
        %dma_wait3A_85 = arith.constant 0 : i32
        %dma_wait3A_86 = tpu.memref_slice %arg2[%dma_wait3A_84, %dma_wait3A_85] : memref<10000x128xbf16, #tpu.memory_space<hbm>> -> memref<10000x128xbf16, #tpu.memory_space<hbm>>
        tpu.wait_indirect_dma semaphore(%arg12 : memref<!tpu.dma_semaphore, #tpu.memory_space<semaphore_mem>>) src(%dma_wait3A_86 : memref<10000x128xbf16, #tpu.memory_space<hbm>>) dst(%arg8 : memref<128x128xbf16, #tpu.memory_space<vmem>>)
        %mul3A_87 = arith.constant 32 : i32
        %mul3A_88 = arith.muli %while3A_30, %mul3A_87 : i32
        %add3A_89 = arith.addi %add3A, %mul3A_88 : i32
        %mul3A_90 = arith.constant 128 : i32
        %mul3A_91 = arith.muli %add3A_89, %mul3A_90 : i32
        %dma_start3A_92 = arith.constant 0 : i32
        %dma_start3A_93 = tpu.memref_slice %arg4[%mul3A_91, %dma_start3A_92] : memref<160000x128xbf16, #tpu.memory_space<hbm>> -> memref<128x128xbf16, #tpu.memory_space<hbm>>
        %dma_start3A_94 = arith.constant 0 : i32
        %dma_start3A_95 = tpu.memref_slice %arg4[%mul3A_91, %dma_start3A_94] : memref<160000x128xbf16, #tpu.memory_space<hbm>> -> memref<128x128xbf16, #tpu.memory_space<hbm>>
        tpu.enqueue_dma source(%arg8 : memref<128x128xbf16, #tpu.memory_space<vmem>>) target(%dma_start3A_95 : memref<128x128xbf16, #tpu.memory_space<hbm>>) target_semaphore(%arg14 : memref<!tpu.dma_semaphore, #tpu.memory_space<semaphore_mem>>)
      } else {
      }
    }
    %while3A_18 = arith.constant 1 : i32
    scf.for %while3A_30 = %while3A_16 to %while3A_12 step %while3A_18  : i32 {
      %jit3A_31 = arith.constant 2 : i32
      %eq3A = arith.constant 0 : i32
      %eq3A_32 = arith.cmpi eq, %jit3A_31, %eq3A : i32
      %jit3A_33 = arith.constant 1 : i32
      %select_n3A_34 = arith.select %eq3A_32, %jit3A_33, %jit3A_31 : i32
      %rem3A = arith.remsi %while3A_30, %select_n3A_34 : i32
      %ne3A = arith.constant 0 : i32
      %ne3A_35 = arith.cmpi ne, %rem3A, %ne3A : i32
      %lt3A_36 = arith.constant 0 : i32
      %lt3A_37 = arith.cmpi slt, %rem3A, %lt3A_36 : i32
      %lt3A_38 = arith.constant 0 : i32
      %lt3A_39 = arith.cmpi slt, %select_n3A_34, %lt3A_38 : i32
      %ne3A_40 = arith.xori %lt3A_37, %lt3A_39 : i1
      %and3A = arith.andi %ne3A_40, %ne3A_35 : i1
      %add3A_41 = arith.addi %rem3A, %select_n3A_34 : i32
      %select_n3A_42 = arith.select %and3A, %add3A_41, %rem3A : i32
      %eq3A_43 = arith.constant 0 : i32
      %eq3A_44 = arith.cmpi eq, %select_n3A_42, %eq3A_43 : i32
      %convert_element_type3A = arith.extui %eq3A_44 : i1 to i32
      %cond3A = arith.constant 0 : i32
      %cond3A_45 = arith.cmpi ne, %convert_element_type3A, %cond3A : i32
      scf.if %cond3A_45 {
        %dma_wait3A_67 = arith.constant 0 : i32
        %dma_wait3A_68 = tpu.memref_slice %arg3[%dma_wait3A_67] : memref<160000xi32, #tpu.memory_space<hbm>> -> memref<128xi32, #tpu.memory_space<hbm>>
        %dma_wait3A_69 = arith.constant 0 : i32
        %dma_wait3A_70 = tpu.memref_slice %arg3[%dma_wait3A_69] : memref<160000xi32, #tpu.memory_space<hbm>> -> memref<128xi32, #tpu.memory_space<hbm>>
        tpu.wait_dma2 semaphore(%arg9 : memref<!tpu.dma_semaphore, #tpu.memory_space<semaphore_mem>>) src(%dma_wait3A_70 : memref<128xi32, #tpu.memory_space<hbm>>) dst(%arg5 : memref<128xi32, #tpu.memory_space<vmem>>)
        %ge3A = arith.constant 2 : i32
        %ge3A_71 = arith.cmpi sge, %while3A_30, %ge3A : i32
        %convert_element_type3A_72 = arith.extui %ge3A_71 : i1 to i32
        %cond3A_73 = arith.constant 0 : i32
        %cond3A_74 = arith.cmpi ne, %convert_element_type3A_72, %cond3A_73 : i32
        scf.if %cond3A_74 {
          %dma_wait3A_96 = arith.constant 0 : i32
          %dma_wait3A_97 = arith.constant 0 : i32
          %dma_wait3A_98 = tpu.memref_slice %arg4[%dma_wait3A_96, %dma_wait3A_97] : memref<160000x128xbf16, #tpu.memory_space<hbm>> -> memref<128x128xbf16, #tpu.memory_space<hbm>>
          %dma_wait3A_99 = arith.constant 0 : i32
          %dma_wait3A_100 = arith.constant 0 : i32
          %dma_wait3A_101 = tpu.memref_slice %arg4[%dma_wait3A_99, %dma_wait3A_100] : memref<160000x128xbf16, #tpu.memory_space<hbm>> -> memref<128x128xbf16, #tpu.memory_space<hbm>>
          tpu.wait_dma2 semaphore(%arg13 : memref<!tpu.dma_semaphore, #tpu.memory_space<semaphore_mem>>) src(%arg7 : memref<128x128xbf16, #tpu.memory_space<vmem>>) dst(%dma_wait3A_101 : memref<128x128xbf16, #tpu.memory_space<hbm>>)
        } else {
        }
        %dma_start3A_75 = arith.constant 0 : i32
        %dma_start3A_76 = arith.constant 0 : i32
        %dma_start3A_77 = tpu.memref_slice %arg2[%dma_start3A_75, %dma_start3A_76] : memref<10000x128xbf16, #tpu.memory_space<hbm>> -> memref<10000x128xbf16, #tpu.memory_space<hbm>>
        tpu.enqueue_indirect_dma source(%dma_start3A_77 : memref<10000x128xbf16, #tpu.memory_space<hbm>>) target(%arg7 : memref<128x128xbf16, #tpu.memory_space<vmem>>) offsets(%arg5 : memref<128xi32, #tpu.memory_space<vmem>>) semaphore(%arg11 : memref<!tpu.dma_semaphore, #tpu.memory_space<semaphore_mem>>)
        %add3A_78 = arith.constant 1 : i32
        %add3A_79 = arith.addi %while3A_30, %add3A_78 : i32
        %lt3A_80 = arith.cmpi slt, %add3A_79, %add3A_4 : i32
        %convert_element_type3A_81 = arith.extui %lt3A_80 : i1 to i32
        %cond3A_82 = arith.constant 0 : i32
        %cond3A_83 = arith.cmpi ne, %convert_element_type3A_81, %cond3A_82 : i32
        scf.if %cond3A_83 {
          %add3A_96 = arith.constant 1 : i32
          %add3A_97 = arith.addi %while3A_30, %add3A_96 : i32
          %mul3A_98 = arith.constant 32 : i32
          %mul3A_99 = arith.muli %add3A_97, %mul3A_98 : i32
          %add3A_100 = arith.addi %add3A, %mul3A_99 : i32
          %mul3A_101 = arith.constant 128 : i32
          %mul3A_102 = arith.muli %add3A_100, %mul3A_101 : i32
          %dma_start3A_103 = tpu.memref_slice %arg3[%mul3A_102] : memref<160000xi32, #tpu.memory_space<hbm>> -> memref<128xi32, #tpu.memory_space<hbm>>
          %dma_start3A_104 = tpu.memref_slice %arg3[%mul3A_102] : memref<160000xi32, #tpu.memory_space<hbm>> -> memref<128xi32, #tpu.memory_space<hbm>>
          tpu.enqueue_dma source(%dma_start3A_104 : memref<128xi32, #tpu.memory_space<hbm>>) target(%arg6 : memref<128xi32, #tpu.memory_space<vmem>>) target_semaphore(%arg10 : memref<!tpu.dma_semaphore, #tpu.memory_space<semaphore_mem>>)
        } else {
        }
        %dma_wait3A_84 = arith.constant 0 : i32
        %dma_wait3A_85 = arith.constant 0 : i32
        %dma_wait3A_86 = tpu.memref_slice %arg2[%dma_wait3A_84, %dma_wait3A_85] : memref<10000x128xbf16, #tpu.memory_space<hbm>> -> memref<10000x128xbf16, #tpu.memory_space<hbm>>
        tpu.wait_indirect_dma semaphore(%arg11 : memref<!tpu.dma_semaphore, #tpu.memory_space<semaphore_mem>>) src(%dma_wait3A_86 : memref<10000x128xbf16, #tpu.memory_space<hbm>>) dst(%arg7 : memref<128x128xbf16, #tpu.memory_space<vmem>>)
        %mul3A_87 = arith.constant 32 : i32
        %mul3A_88 = arith.muli %while3A_30, %mul3A_87 : i32
        %add3A_89 = arith.addi %add3A, %mul3A_88 : i32
        %mul3A_90 = arith.constant 128 : i32
        %mul3A_91 = arith.muli %add3A_89, %mul3A_90 : i32
        %dma_start3A_92 = arith.constant 0 : i32
        %dma_start3A_93 = tpu.memref_slice %arg4[%mul3A_91, %dma_start3A_92] : memref<160000x128xbf16, #tpu.memory_space<hbm>> -> memref<128x128xbf16, #tpu.memory_space<hbm>>
        %dma_start3A_94 = arith.constant 0 : i32
        %dma_start3A_95 = tpu.memref_slice %arg4[%mul3A_91, %dma_start3A_94] : memref<160000x128xbf16, #tpu.memory_space<hbm>> -> memref<128x128xbf16, #tpu.memory_space<hbm>>
        tpu.enqueue_dma source(%arg7 : memref<128x128xbf16, #tpu.memory_space<vmem>>) target(%dma_start3A_95 : memref<128x128xbf16, #tpu.memory_space<hbm>>) target_semaphore(%arg13 : memref<!tpu.dma_semaphore, #tpu.memory_space<semaphore_mem>>)
      } else {
      }
      %jit3A_46 = arith.constant 2 : i32
      %eq3A_47 = arith.constant 0 : i32
      %eq3A_48 = arith.cmpi eq, %jit3A_46, %eq3A_47 : i32
      %jit3A_49 = arith.constant 1 : i32
      %select_n3A_50 = arith.select %eq3A_48, %jit3A_49, %jit3A_46 : i32
      %rem3A_51 = arith.remsi %while3A_30, %select_n3A_50 : i32
      %ne3A_52 = arith.constant 0 : i32
      %ne3A_53 = arith.cmpi ne, %rem3A_51, %ne3A_52 : i32
      %lt3A_54 = arith.constant 0 : i32
      %lt3A_55 = arith.cmpi slt, %rem3A_51, %lt3A_54 : i32
      %lt3A_56 = arith.constant 0 : i32
      %lt3A_57 = arith.cmpi slt, %select_n3A_50, %lt3A_56 : i32
      %ne3A_58 = arith.xori %lt3A_55, %lt3A_57 : i1
      %and3A_59 = arith.andi %ne3A_58, %ne3A_53 : i1
      %add3A_60 = arith.addi %rem3A_51, %select_n3A_50 : i32
      %select_n3A_61 = arith.select %and3A_59, %add3A_60, %rem3A_51 : i32
      %eq3A_62 = arith.constant 1 : i32
      %eq3A_63 = arith.cmpi eq, %select_n3A_61, %eq3A_62 : i32
      %convert_element_type3A_64 = arith.extui %eq3A_63 : i1 to i32
      %cond3A_65 = arith.constant 0 : i32
      %cond3A_66 = arith.cmpi ne, %convert_element_type3A_64, %cond3A_65 : i32
      scf.if %cond3A_66 {
        %dma_wait3A_67 = arith.constant 0 : i32
        %dma_wait3A_68 = tpu.memref_slice %arg3[%dma_wait3A_67] : memref<160000xi32, #tpu.memory_space<hbm>> -> memref<128xi32, #tpu.memory_space<hbm>>
        %dma_wait3A_69 = arith.constant 0 : i32
        %dma_wait3A_70 = tpu.memref_slice %arg3[%dma_wait3A_69] : memref<160000xi32, #tpu.memory_space<hbm>> -> memref<128xi32, #tpu.memory_space<hbm>>
        tpu.wait_dma2 semaphore(%arg10 : memref<!tpu.dma_semaphore, #tpu.memory_space<semaphore_mem>>) src(%dma_wait3A_70 : memref<128xi32, #tpu.memory_space<hbm>>) dst(%arg6 : memref<128xi32, #tpu.memory_space<vmem>>)
        %ge3A = arith.constant 2 : i32
        %ge3A_71 = arith.cmpi sge, %while3A_30, %ge3A : i32
        %convert_element_type3A_72 = arith.extui %ge3A_71 : i1 to i32
        %cond3A_73 = arith.constant 0 : i32
        %cond3A_74 = arith.cmpi ne, %convert_element_type3A_72, %cond3A_73 : i32
        scf.if %cond3A_74 {
          %dma_wait3A_96 = arith.constant 0 : i32
          %dma_wait3A_97 = arith.constant 0 : i32
          %dma_wait3A_98 = tpu.memref_slice %arg4[%dma_wait3A_96, %dma_wait3A_97] : memref<160000x128xbf16, #tpu.memory_space<hbm>> -> memref<128x128xbf16, #tpu.memory_space<hbm>>
          %dma_wait3A_99 = arith.constant 0 : i32
          %dma_wait3A_100 = arith.constant 0 : i32
          %dma_wait3A_101 = tpu.memref_slice %arg4[%dma_wait3A_99, %dma_wait3A_100] : memref<160000x128xbf16, #tpu.memory_space<hbm>> -> memref<128x128xbf16, #tpu.memory_space<hbm>>
          tpu.wait_dma2 semaphore(%arg14 : memref<!tpu.dma_semaphore, #tpu.memory_space<semaphore_mem>>) src(%arg8 : memref<128x128xbf16, #tpu.memory_space<vmem>>) dst(%dma_wait3A_101 : memref<128x128xbf16, #tpu.memory_space<hbm>>)
        } else {
        }
        %dma_start3A_75 = arith.constant 0 : i32
        %dma_start3A_76 = arith.constant 0 : i32
        %dma_start3A_77 = tpu.memref_slice %arg2[%dma_start3A_75, %dma_start3A_76] : memref<10000x128xbf16, #tpu.memory_space<hbm>> -> memref<10000x128xbf16, #tpu.memory_space<hbm>>
        tpu.enqueue_indirect_dma source(%dma_start3A_77 : memref<10000x128xbf16, #tpu.memory_space<hbm>>) target(%arg8 : memref<128x128xbf16, #tpu.memory_space<vmem>>) offsets(%arg6 : memref<128xi32, #tpu.memory_space<vmem>>) semaphore(%arg12 : memref<!tpu.dma_semaphore, #tpu.memory_space<semaphore_mem>>)
        %add3A_78 = arith.constant 1 : i32
        %add3A_79 = arith.addi %while3A_30, %add3A_78 : i32
        %lt3A_80 = arith.cmpi slt, %add3A_79, %add3A_4 : i32
        %convert_element_type3A_81 = arith.extui %lt3A_80 : i1 to i32
        %cond3A_82 = arith.constant 0 : i32
        %cond3A_83 = arith.cmpi ne, %convert_element_type3A_81, %cond3A_82 : i32
        scf.if %cond3A_83 {
          %add3A_96 = arith.constant 1 : i32
          %add3A_97 = arith.addi %while3A_30, %add3A_96 : i32
          %mul3A_98 = arith.constant 32 : i32
          %mul3A_99 = arith.muli %add3A_97, %mul3A_98 : i32
          %add3A_100 = arith.addi %add3A, %mul3A_99 : i32
          %mul3A_101 = arith.constant 128 : i32
          %mul3A_102 = arith.muli %add3A_100, %mul3A_101 : i32
          %dma_start3A_103 = tpu.memref_slice %arg3[%mul3A_102] : memref<160000xi32, #tpu.memory_space<hbm>> -> memref<128xi32, #tpu.memory_space<hbm>>
          %dma_start3A_104 = tpu.memref_slice %arg3[%mul3A_102] : memref<160000xi32, #tpu.memory_space<hbm>> -> memref<128xi32, #tpu.memory_space<hbm>>
          tpu.enqueue_dma source(%dma_start3A_104 : memref<128xi32, #tpu.memory_space<hbm>>) target(%arg5 : memref<128xi32, #tpu.memory_space<vmem>>) target_semaphore(%arg9 : memref<!tpu.dma_semaphore, #tpu.memory_space<semaphore_mem>>)
        } else {
        }
        %dma_wait3A_84 = arith.constant 0 : i32
        %dma_wait3A_85 = arith.constant 0 : i32
        %dma_wait3A_86 = tpu.memref_slice %arg2[%dma_wait3A_84, %dma_wait3A_85] : memref<10000x128xbf16, #tpu.memory_space<hbm>> -> memref<10000x128xbf16, #tpu.memory_space<hbm>>
        tpu.wait_indirect_dma semaphore(%arg12 : memref<!tpu.dma_semaphore, #tpu.memory_space<semaphore_mem>>) src(%dma_wait3A_86 : memref<10000x128xbf16, #tpu.memory_space<hbm>>) dst(%arg8 : memref<128x128xbf16, #tpu.memory_space<vmem>>)
        %mul3A_87 = arith.constant 32 : i32
        %mul3A_88 = arith.muli %while3A_30, %mul3A_87 : i32
        %add3A_89 = arith.addi %add3A, %mul3A_88 : i32
        %mul3A_90 = arith.constant 128 : i32
        %mul3A_91 = arith.muli %add3A_89, %mul3A_90 : i32
        %dma_start3A_92 = arith.constant 0 : i32
        %dma_start3A_93 = tpu.memref_slice %arg4[%mul3A_91, %dma_start3A_92] : memref<160000x128xbf16, #tpu.memory_space<hbm>> -> memref<128x128xbf16, #tpu.memory_space<hbm>>
        %dma_start3A_94 = arith.constant 0 : i32
        %dma_start3A_95 = tpu.memref_slice %arg4[%mul3A_91, %dma_start3A_94] : memref<160000x128xbf16, #tpu.memory_space<hbm>> -> memref<128x128xbf16, #tpu.memory_space<hbm>>
        tpu.enqueue_dma source(%arg8 : memref<128x128xbf16, #tpu.memory_space<vmem>>) target(%dma_start3A_95 : memref<128x128xbf16, #tpu.memory_space<hbm>>) target_semaphore(%arg14 : memref<!tpu.dma_semaphore, #tpu.memory_space<semaphore_mem>>)
      } else {
      }
    }
    %dma_wait3A = arith.constant 0 : i32
    %dma_wait3A_19 = arith.constant 0 : i32
    %dma_wait3A_20 = tpu.memref_slice %arg4[%dma_wait3A, %dma_wait3A_19] : memref<160000x128xbf16, #tpu.memory_space<hbm>> -> memref<128x128xbf16, #tpu.memory_space<hbm>>
    %dma_wait3A_21 = arith.constant 0 : i32
    %dma_wait3A_22 = arith.constant 0 : i32
    %dma_wait3A_23 = tpu.memref_slice %arg4[%dma_wait3A_21, %dma_wait3A_22] : memref<160000x128xbf16, #tpu.memory_space<hbm>> -> memref<128x128xbf16, #tpu.memory_space<hbm>>
    tpu.wait_dma2 semaphore(%arg13 : memref<!tpu.dma_semaphore, #tpu.memory_space<semaphore_mem>>) src(%arg7 : memref<128x128xbf16, #tpu.memory_space<vmem>>) dst(%dma_wait3A_23 : memref<128x128xbf16, #tpu.memory_space<hbm>>)
    %dma_wait3A_24 = arith.constant 0 : i32
    %dma_wait3A_25 = arith.constant 0 : i32
    %dma_wait3A_26 = tpu.memref_slice %arg4[%dma_wait3A_24, %dma_wait3A_25] : memref<160000x128xbf16, #tpu.memory_space<hbm>> -> memref<128x128xbf16, #tpu.memory_space<hbm>>
    %dma_wait3A_27 = arith.constant 0 : i32
    %dma_wait3A_28 = arith.constant 0 : i32
    %dma_wait3A_29 = tpu.memref_slice %arg4[%dma_wait3A_27, %dma_wait3A_28] : memref<160000x128xbf16, #tpu.memory_space<hbm>> -> memref<128x128xbf16, #tpu.memory_space<hbm>>
    tpu.wait_dma2 semaphore(%arg14 : memref<!tpu.dma_semaphore, #tpu.memory_space<semaphore_mem>>) src(%arg8 : memref<128x128xbf16, #tpu.memory_space<vmem>>) dst(%dma_wait3A_29 : memref<128x128xbf16, #tpu.memory_space<hbm>>)
    return
  }
}

module attributes {stable_mosaic.version = 14 : i64} {
  func.func @body(%arg0: i32, %arg1: memref<2000x16xf32, #tpu.memory_space<vmem>>, %arg2: memref<2000x3xf32, #tpu.memory_space<vmem>>, %arg3: memref<2000x128xbf16, #tpu.memory_space<vmem>>, %arg4: memref<16x64xbf16, #tpu.memory_space<vmem>>, %arg5: memref<64x64xbf16, #tpu.memory_space<vmem>>, %arg6: memref<64x384xbf16, #tpu.memory_space<vmem>>, %arg7: memref<384x288xbf16, #tpu.memory_space<vmem>>, %arg8: memref<9x288xf32, #tpu.memory_space<vmem>>, %arg9: memref<5x9xf32, #tpu.memory_space<vmem>>, %arg10: memref<4x9xf32, #tpu.memory_space<vmem>>, %arg11: memref<2000x128xf32, #tpu.memory_space<vmem>>, %arg12: memref<2000x128xf32, #tpu.memory_space<vmem>>, %arg13: memref<2000x128xf32, #tpu.memory_space<vmem>>) attributes {dimension_semantics = [#tpu.dimension_semantics<arbitrary>], iteration_bounds = array<i64: 80>, scalar_prefetch = 0 : i64, scratch_operands = 0 : i64, tpu.core_type = #tpu.core_type<tc>, window_params = [{transform_indices = @transform_0, window_bounds = array<i64: 2000, 16>}, {transform_indices = @transform_1, window_bounds = array<i64: 2000, 3>}, {transform_indices = @transform_2, window_bounds = array<i64: 2000, 128>}, {pipeline_mode = #tpu.pipeline_mode<synchronous>, transform_indices = @transform_3, window_bounds = array<i64: 16, 64>}, {pipeline_mode = #tpu.pipeline_mode<synchronous>, transform_indices = @transform_4, window_bounds = array<i64: 64, 64>}, {pipeline_mode = #tpu.pipeline_mode<synchronous>, transform_indices = @transform_5, window_bounds = array<i64: 64, 384>}, {pipeline_mode = #tpu.pipeline_mode<synchronous>, transform_indices = @transform_6, window_bounds = array<i64: 384, 288>}, {pipeline_mode = #tpu.pipeline_mode<synchronous>, transform_indices = @transform_7, window_bounds = array<i64: 9, 288>}, {pipeline_mode = #tpu.pipeline_mode<synchronous>, transform_indices = @transform_8, window_bounds = array<i64: 5, 9>}, {pipeline_mode = #tpu.pipeline_mode<synchronous>, transform_indices = @transform_9, window_bounds = array<i64: 4, 9>}, {transform_indices = @transform_10, window_bounds = array<i64: 2000, 128>}, {transform_indices = @transform_11, window_bounds = array<i64: 2000, 128>}, {transform_indices = @transform_12, window_bounds = array<i64: 2000, 128>}]} {
    %get3A = arith.constant 0 : index
    %get3A_0 = arith.constant 0 : index
    %get3A_1 = vector.load %arg1[%get3A, %get3A_0] : memref<2000x16xf32, #tpu.memory_space<vmem>>, vector<2000x16xf32>
    %convert_element_type3A = arith.truncf %get3A_1 : vector<2000x16xf32> to vector<2000x16xbf16>
    %get3A_2 = arith.constant 0 : index
    %get3A_3 = arith.constant 0 : index
    %get3A_4 = vector.load %arg4[%get3A_2, %get3A_3] : memref<16x64xbf16, #tpu.memory_space<vmem>>, vector<16x64xbf16>
    %dot_general3A = arith.constant dense<0.000000e+00> : vector<2000x64xf32>
    %dot_general3A_5 = tpu.matmul %convert_element_type3A, %get3A_4, %dot_general3A {dimension_numbers = #tpu.dot_dimension_numbers<[1], [0], [0], [1], [0, 0, 1, 1], [], []>, transpose_lhs_hint = false} : vector<2000x16xbf16>, vector<16x64xbf16>, vector<2000x64xf32> -> vector<2000x64xf32>
    %logistic3A = arith.negf %dot_general3A_5 : vector<2000x64xf32>
    %logistic3A_6 = math.exp %logistic3A : vector<2000x64xf32>
    %logistic3A_7 = arith.constant 1.000000e+00 : f32
    %logistic3A_8 = vector.broadcast %logistic3A_7 : f32 to vector<2000x64xf32>
    %logistic3A_9 = arith.addf %logistic3A_8, %logistic3A_6 : vector<2000x64xf32>
    %logistic3A_10 = arith.divf %logistic3A_8, %logistic3A_9 : vector<2000x64xf32>
    %mul3A = arith.mulf %dot_general3A_5, %logistic3A_10 : vector<2000x64xf32>
    %convert_element_type3A_11 = arith.truncf %mul3A : vector<2000x64xf32> to vector<2000x64xbf16>
    %get3A_12 = arith.constant 0 : index
    %get3A_13 = arith.constant 0 : index
    %get3A_14 = vector.load %arg5[%get3A_12, %get3A_13] : memref<64x64xbf16, #tpu.memory_space<vmem>>, vector<64x64xbf16>
    %dot_general3A_15 = arith.constant dense<0.000000e+00> : vector<2000x64xf32>
    %dot_general3A_16 = tpu.matmul %convert_element_type3A_11, %get3A_14, %dot_general3A_15 {dimension_numbers = #tpu.dot_dimension_numbers<[1], [0], [0], [1], [0, 0, 1, 1], [], []>, transpose_lhs_hint = false} : vector<2000x64xbf16>, vector<64x64xbf16>, vector<2000x64xf32> -> vector<2000x64xf32>
    %logistic3A_17 = arith.negf %dot_general3A_16 : vector<2000x64xf32>
    %logistic3A_18 = math.exp %logistic3A_17 : vector<2000x64xf32>
    %logistic3A_19 = arith.constant 1.000000e+00 : f32
    %logistic3A_20 = vector.broadcast %logistic3A_19 : f32 to vector<2000x64xf32>
    %logistic3A_21 = arith.addf %logistic3A_20, %logistic3A_18 : vector<2000x64xf32>
    %logistic3A_22 = arith.divf %logistic3A_20, %logistic3A_21 : vector<2000x64xf32>
    %mul3A_23 = arith.mulf %dot_general3A_16, %logistic3A_22 : vector<2000x64xf32>
    %convert_element_type3A_24 = arith.truncf %mul3A_23 : vector<2000x64xf32> to vector<2000x64xbf16>
    %get3A_25 = arith.constant 0 : index
    %get3A_26 = arith.constant 0 : index
    %get3A_27 = vector.load %arg6[%get3A_25, %get3A_26] : memref<64x384xbf16, #tpu.memory_space<vmem>>, vector<64x384xbf16>
    %dot_general3A_28 = arith.constant dense<0.000000e+00> : vector<2000x384xf32>
    %dot_general3A_29 = tpu.matmul %convert_element_type3A_24, %get3A_27, %dot_general3A_28 {dimension_numbers = #tpu.dot_dimension_numbers<[1], [0], [0], [1], [0, 0, 1, 1], [], []>, transpose_lhs_hint = false} : vector<2000x64xbf16>, vector<64x384xbf16>, vector<2000x384xf32> -> vector<2000x384xf32>
    %logistic3A_30 = arith.negf %dot_general3A_29 : vector<2000x384xf32>
    %logistic3A_31 = math.exp %logistic3A_30 : vector<2000x384xf32>
    %logistic3A_32 = arith.constant 1.000000e+00 : f32
    %logistic3A_33 = vector.broadcast %logistic3A_32 : f32 to vector<2000x384xf32>
    %logistic3A_34 = arith.addf %logistic3A_33, %logistic3A_31 : vector<2000x384xf32>
    %logistic3A_35 = arith.divf %logistic3A_33, %logistic3A_34 : vector<2000x384xf32>
    %mul3A_36 = arith.mulf %dot_general3A_29, %logistic3A_35 : vector<2000x384xf32>
    %get3A_37 = arith.constant 0 : index
    %get3A_38 = arith.constant 0 : index
    %get3A_39 = vector.load %arg3[%get3A_37, %get3A_38] : memref<2000x128xbf16, #tpu.memory_space<vmem>>, vector<2000x128xbf16>
    %convert_element_type3A_40 = arith.truncf %mul3A_36 : vector<2000x384xf32> to vector<2000x384xbf16>
    %concatenate3A = tpu.concatenate %get3A_39, %get3A_39, %get3A_39 in 1 : vector<2000x128xbf16>, vector<2000x128xbf16>, vector<2000x128xbf16> -> vector<2000x384xbf16>
    %mul3A_41 = arith.mulf %convert_element_type3A_40, %concatenate3A : vector<2000x384xbf16>
    %get3A_42 = arith.constant 0 : index
    %get3A_43 = arith.constant 0 : index
    %get3A_44 = vector.load %arg7[%get3A_42, %get3A_43] : memref<384x288xbf16, #tpu.memory_space<vmem>>, vector<384x288xbf16>
    %dot_general3A_45 = arith.constant dense<0.000000e+00> : vector<2000x288xf32>
    %dot_general3A_46 = tpu.matmul %mul3A_41, %get3A_44, %dot_general3A_45 {dimension_numbers = #tpu.dot_dimension_numbers<[1], [0], [0], [1], [0, 0, 1, 1], [], []>, transpose_lhs_hint = false} : vector<2000x384xbf16>, vector<384x288xbf16>, vector<2000x288xf32> -> vector<2000x288xf32>
    %get3A_47 = arith.constant 0 : index
    %get3A_48 = arith.constant 0 : index
    %get3A_49 = vector.load %arg2[%get3A_47, %get3A_48] : memref<2000x3xf32, #tpu.memory_space<vmem>>, vector<2000x3xf32>
    %mul3A_50 = arith.mulf %get3A_49, %get3A_49 : vector<2000x3xf32>
    %reduce_sum3A = arith.constant dense<0.000000e+00> : vector<2000xf32>
    %reduce_sum3A_51 = vector.multi_reduction <add>, %mul3A_50, %reduce_sum3A [1] : vector<2000x3xf32> to vector<2000xf32>
    %broadcast_in_dim3A = vector.shape_cast %reduce_sum3A_51 : vector<2000xf32> to vector<2000x1xf32>
    %sqrt3A = math.sqrt %broadcast_in_dim3A : vector<2000x1xf32>
    %max3A = arith.constant 9.99999971E-10 : f32
    %max3A_52 = vector.broadcast %max3A : f32 to vector<2000x1xf32>
    %max3A_53 = arith.maximumf %sqrt3A, %max3A_52 : vector<2000x1xf32>
    %div3A = vector.broadcast %max3A_53 : vector<2000x1xf32> to vector<2000x3xf32>
    %div3A_54 = arith.divf %get3A_49, %div3A : vector<2000x3xf32>
    %get3A_55 = arith.constant 0 : index
    %get3A_56 = arith.constant 0 : index
    %get3A_57 = vector.load %arg9[%get3A_55, %get3A_56] : memref<5x9xf32, #tpu.memory_space<vmem>>, vector<3x9xf32>
    %dot_general3A_58 = arith.constant dense<0.000000e+00> : vector<2000x9xf32>
    %dot_general3A_59 = tpu.matmul %div3A_54, %get3A_57, %dot_general3A_58 {dimension_numbers = #tpu.dot_dimension_numbers<[1], [0], [0], [1], [0, 0, 1, 1], [], []>, transpose_lhs_hint = false} : vector<2000x3xf32>, vector<3x9xf32>, vector<2000x9xf32> -> vector<2000x9xf32>
    %get3A_60 = arith.constant 3 : index
    %get3A_61 = arith.constant 0 : index
    %get3A_62 = vector.load %arg9[%get3A_60, %get3A_61] : memref<5x9xf32, #tpu.memory_space<vmem>>, vector<1x9xf32>
    %add3A = vector.broadcast %get3A_62 : vector<1x9xf32> to vector<2000x9xf32>
    %add3A_63 = arith.addf %dot_general3A_59, %add3A : vector<2000x9xf32>
    %get3A_64 = arith.constant 0 : index
    %get3A_65 = arith.constant 0 : index
    %get3A_66 = vector.load %arg10[%get3A_64, %get3A_65] : memref<4x9xf32, #tpu.memory_space<vmem>>, vector<3x9xf32>
    %dot_general3A_67 = arith.constant dense<0.000000e+00> : vector<2000x9xf32>
    %dot_general3A_68 = tpu.matmul %div3A_54, %get3A_66, %dot_general3A_67 {dimension_numbers = #tpu.dot_dimension_numbers<[1], [0], [0], [1], [0, 0, 1, 1], [], []>, transpose_lhs_hint = false} : vector<2000x3xf32>, vector<3x9xf32>, vector<2000x9xf32> -> vector<2000x9xf32>
    %get3A_69 = arith.constant 3 : index
    %get3A_70 = arith.constant 0 : index
    %get3A_71 = vector.load %arg10[%get3A_69, %get3A_70] : memref<4x9xf32, #tpu.memory_space<vmem>>, vector<1x9xf32>
    %add3A_72 = vector.broadcast %get3A_71 : vector<1x9xf32> to vector<2000x9xf32>
    %add3A_73 = arith.addf %dot_general3A_68, %add3A_72 : vector<2000x9xf32>
    %mul3A_74 = arith.mulf %add3A_63, %add3A_73 : vector<2000x9xf32>
    %get3A_75 = arith.constant 4 : index
    %get3A_76 = arith.constant 0 : index
    %get3A_77 = vector.load %arg9[%get3A_75, %get3A_76] : memref<5x9xf32, #tpu.memory_space<vmem>>, vector<1x9xf32>
    %add3A_78 = vector.broadcast %get3A_77 : vector<1x9xf32> to vector<2000x9xf32>
    %add3A_79 = arith.addf %mul3A_74, %add3A_78 : vector<2000x9xf32>
    %get3A_80 = arith.constant 0 : index
    %get3A_81 = arith.constant 0 : index
    %get3A_82 = vector.load %arg8[%get3A_80, %get3A_81] : memref<9x288xf32, #tpu.memory_space<vmem>>, vector<9x288xf32>
    %dot_general3A_83 = arith.constant dense<0.000000e+00> : vector<2000x288xf32>
    %dot_general3A_84 = tpu.matmul %add3A_79, %get3A_82, %dot_general3A_83 {dimension_numbers = #tpu.dot_dimension_numbers<[1], [0], [0], [1], [0, 0, 1, 1], [], []>, transpose_lhs_hint = false} : vector<2000x9xf32>, vector<9x288xf32>, vector<2000x288xf32> -> vector<2000x288xf32>
    %mul3A_85 = arith.mulf %dot_general3A_46, %dot_general3A_84 : vector<2000x288xf32>
    %slice3A = vector.extract_strided_slice %mul3A_85 {offsets = [0, 0], sizes = [2000, 128], strides = [1, 1]} : vector<2000x288xf32> to vector<2000x128xf32>
    %swap3A = arith.constant 0 : index
    %swap3A_86 = arith.constant 0 : index
    %swap3A_87 = vector.load %arg11[%swap3A, %swap3A_86] : memref<2000x128xf32, #tpu.memory_space<vmem>>, vector<2000x128xf32>
    tpu.vector_store %arg11[%swap3A, %swap3A_86], %slice3A {strides = array<i32>} : memref<2000x128xf32, #tpu.memory_space<vmem>>, vector<2000x128xf32>,
    %slice3A_88 = vector.extract_strided_slice %mul3A_85 {offsets = [0, 128], sizes = [2000, 128], strides = [1, 1]} : vector<2000x288xf32> to vector<2000x128xf32>
    %swap3A_89 = arith.constant 0 : index
    %swap3A_90 = arith.constant 0 : index
    %swap3A_91 = vector.load %arg12[%swap3A_89, %swap3A_90] : memref<2000x128xf32, #tpu.memory_space<vmem>>, vector<2000x128xf32>
    tpu.vector_store %arg12[%swap3A_89, %swap3A_90], %slice3A_88 {strides = array<i32>} : memref<2000x128xf32, #tpu.memory_space<vmem>>, vector<2000x128xf32>,
    %slice3A_92 = vector.extract_strided_slice %mul3A_85 {offsets = [0, 256], sizes = [2000, 32], strides = [1, 1]} : vector<2000x288xf32> to vector<2000x32xf32>
    %swap3A_93 = arith.constant 0 : index
    %swap3A_94 = arith.constant 0 : index
    %swap3A_95 = vector.load %arg13[%swap3A_93, %swap3A_94] : memref<2000x128xf32, #tpu.memory_space<vmem>>, vector<2000x32xf32>
    tpu.vector_store %arg13[%swap3A_93, %swap3A_94], %slice3A_92 {strides = array<i32>} : memref<2000x128xf32, #tpu.memory_space<vmem>>, vector<2000x32xf32>,
    return
  }
  func.func @transform_0(%arg0: i32) -> (i32, i32) {
    %c0_i32 = arith.constant 0 : i32
    %c0_i32_0 = arith.constant 0 : i32
    return %arg0, %c0_i32 : i32, i32
  }
  func.func @transform_1(%arg0: i32) -> (i32, i32) {
    %c0_i32 = arith.constant 0 : i32
    %c0_i32_0 = arith.constant 0 : i32
    return %arg0, %c0_i32 : i32, i32
  }
  func.func @transform_2(%arg0: i32) -> (i32, i32) {
    %c0_i32 = arith.constant 0 : i32
    %c0_i32_0 = arith.constant 0 : i32
    return %arg0, %c0_i32 : i32, i32
  }
  func.func @transform_3(%arg0: i32) -> (i32, i32) {
    %c0_i32 = arith.constant 0 : i32
    %c0_i32_0 = arith.constant 0 : i32
    %c0_i32_1 = arith.constant 0 : i32
    return %c0_i32, %c0_i32_0 : i32, i32
  }
  func.func @transform_4(%arg0: i32) -> (i32, i32) {
    %c0_i32 = arith.constant 0 : i32
    %c0_i32_0 = arith.constant 0 : i32
    %c0_i32_1 = arith.constant 0 : i32
    return %c0_i32, %c0_i32_0 : i32, i32
  }
  func.func @transform_5(%arg0: i32) -> (i32, i32) {
    %c0_i32 = arith.constant 0 : i32
    %c0_i32_0 = arith.constant 0 : i32
    %c0_i32_1 = arith.constant 0 : i32
    return %c0_i32, %c0_i32_0 : i32, i32
  }
  func.func @transform_6(%arg0: i32) -> (i32, i32) {
    %c0_i32 = arith.constant 0 : i32
    %c0_i32_0 = arith.constant 0 : i32
    %c0_i32_1 = arith.constant 0 : i32
    return %c0_i32, %c0_i32_0 : i32, i32
  }
  func.func @transform_7(%arg0: i32) -> (i32, i32) {
    %c0_i32 = arith.constant 0 : i32
    %c0_i32_0 = arith.constant 0 : i32
    %c0_i32_1 = arith.constant 0 : i32
    return %c0_i32, %c0_i32_0 : i32, i32
  }
  func.func @transform_8(%arg0: i32) -> (i32, i32) {
    %c0_i32 = arith.constant 0 : i32
    %c0_i32_0 = arith.constant 0 : i32
    %c0_i32_1 = arith.constant 0 : i32
    return %c0_i32, %c0_i32_0 : i32, i32
  }
  func.func @transform_9(%arg0: i32) -> (i32, i32) {
    %c0_i32 = arith.constant 0 : i32
    %c0_i32_0 = arith.constant 0 : i32
    %c0_i32_1 = arith.constant 0 : i32
    return %c0_i32, %c0_i32_0 : i32, i32
  }
  func.func @transform_10(%arg0: i32) -> (i32, i32) {
    %c0_i32 = arith.constant 0 : i32
    %c0_i32_0 = arith.constant 0 : i32
    return %arg0, %c0_i32 : i32, i32
  }
  func.func @transform_11(%arg0: i32) -> (i32, i32) {
    %c0_i32 = arith.constant 0 : i32
    %c0_i32_0 = arith.constant 0 : i32
    return %arg0, %c0_i32 : i32, i32
  }
  func.func @transform_12(%arg0: i32) -> (i32, i32) {
    %c0_i32 = arith.constant 0 : i32
    %c0_i32_0 = arith.constant 0 : i32
    return %arg0, %c0_i32 : i32, i32
  }
}

module attributes {stable_mosaic.version = 14 : i64} {
  func.func @body(%arg0: i32, %arg1: memref<2000x128xf32, #tpu.memory_space<vmem>>, %arg2: memref<2000x128xf32, #tpu.memory_space<vmem>>, %arg3: memref<2000x128xf32, #tpu.memory_space<vmem>>, %arg4: memref<2000x288xf32, #tpu.memory_space<vmem>>) attributes {dimension_semantics = [#tpu.dimension_semantics<arbitrary>], iteration_bounds = array<i64: 5>, scalar_prefetch = 0 : i64, scratch_operands = 0 : i64, tpu.core_type = #tpu.core_type<tc>, window_params = [{transform_indices = @transform_0, window_bounds = array<i64: 2000, 128>}, {transform_indices = @transform_1, window_bounds = array<i64: 2000, 128>}, {transform_indices = @transform_2, window_bounds = array<i64: 2000, 128>}, {transform_indices = @transform_3, window_bounds = array<i64: 2000, 288>}]} {
    %get3A = arith.constant 0 : index
    %get3A_0 = arith.constant 0 : index
    %get3A_1 = vector.load %arg1[%get3A, %get3A_0] : memref<2000x128xf32, #tpu.memory_space<vmem>>, vector<2000x128xf32>
    %swap3A = arith.constant 0 : index
    %swap3A_2 = arith.constant 0 : index
    %swap3A_3 = vector.load %arg4[%swap3A, %swap3A_2] : memref<2000x288xf32, #tpu.memory_space<vmem>>, vector<2000x128xf32>
    tpu.vector_store %arg4[%swap3A, %swap3A_2], %get3A_1 {strides = array<i32>} : memref<2000x288xf32, #tpu.memory_space<vmem>>, vector<2000x128xf32>,
    %get3A_4 = arith.constant 0 : index
    %get3A_5 = arith.constant 0 : index
    %get3A_6 = vector.load %arg2[%get3A_4, %get3A_5] : memref<2000x128xf32, #tpu.memory_space<vmem>>, vector<2000x128xf32>
    %swap3A_7 = arith.constant 0 : index
    %swap3A_8 = arith.constant 128 : index
    %swap3A_9 = vector.load %arg4[%swap3A_7, %swap3A_8] : memref<2000x288xf32, #tpu.memory_space<vmem>>, vector<2000x128xf32>
    tpu.vector_store %arg4[%swap3A_7, %swap3A_8], %get3A_6 {strides = array<i32>} : memref<2000x288xf32, #tpu.memory_space<vmem>>, vector<2000x128xf32>,
    %get3A_10 = arith.constant 0 : index
    %get3A_11 = arith.constant 0 : index
    %get3A_12 = vector.load %arg3[%get3A_10, %get3A_11] : memref<2000x128xf32, #tpu.memory_space<vmem>>, vector<2000x32xf32>
    %swap3A_13 = arith.constant 0 : index
    %swap3A_14 = arith.constant 256 : index
    %swap3A_15 = vector.load %arg4[%swap3A_13, %swap3A_14] : memref<2000x288xf32, #tpu.memory_space<vmem>>, vector<2000x32xf32>
    tpu.vector_store %arg4[%swap3A_13, %swap3A_14], %get3A_12 {strides = array<i32>} : memref<2000x288xf32, #tpu.memory_space<vmem>>, vector<2000x32xf32>,
    return
  }
  func.func @transform_0(%arg0: i32) -> (i32, i32) {
    %c0_i32 = arith.constant 0 : i32
    %c0_i32_0 = arith.constant 0 : i32
    return %arg0, %c0_i32 : i32, i32
  }
  func.func @transform_1(%arg0: i32) -> (i32, i32) {
    %c0_i32 = arith.constant 0 : i32
    %c0_i32_0 = arith.constant 0 : i32
    return %arg0, %c0_i32 : i32, i32
  }
  func.func @transform_2(%arg0: i32) -> (i32, i32) {
    %c0_i32 = arith.constant 0 : i32
    %c0_i32_0 = arith.constant 0 : i32
    return %arg0, %c0_i32 : i32, i32
  }
  func.func @transform_3(%arg0: i32) -> (i32, i32) {
    %c0_i32 = arith.constant 0 : i32
    %c0_i32_0 = arith.constant 0 : i32
    return %arg0, %c0_i32 : i32, i32
  }
}

</mosaic_0001>

<sc_bundles>
// kernel: kernel.6.cloned.1.call-start
scs
__scs_entry_jumppad:
0x0: {  	(pc) =	sbr.rel $0x88, $3  }
0x1: {  	(tag) =	ssettag $0x0;
	lr =	simm.s32 $0x1  }
0x2: {  	[smem:$0x3F99] =	sst lr;
	_ =	strace $0xD0000000  }
0x3: {  	_ = 	snop  }
0x4: {  	_ = 	snop  }
0x5: {  	_ = 	snop  }
0x6: {  	_ = 	snop  }
0x7: {  	_ = 	snop  }
__scs_overlays_trampoline_lowered:
0x8: {  	[smem:$0x3FA8] =	sst s0  }
0x9: {  	[smem:$0x3FA9] =	sst s1  }
0xa: {  	[smem:$0x3FAA] =	sst s2  }
0xb: {  	[smem:$0x3FAB] =	sst s3  }
0xc: {  	[smem:$0x3FAC] =	sst s4  }
0xd: {  	[smem:$0x3FAD] =	sst s5  }
0xe: {  	[smem:$0x3FAE] =	sst s6  }
0xf: {  	[smem:$0x3FAF] =	sst s7  }
0x10: {  	[smem:$0x3FB0] =	sst s8  }
0x11: {  	[smem:$0x3FB1] =	sst s9;
	s0 =	simm.s32 @!p0 $0x0  }
0x12: {  	s1 =	sld [smem:$0x3F97];
	s0 =	simm.s32 @p0 $0x1  }
0x13: {  	[smem:$0x3FB2] =	sst s0;
	s0 =	simm.s32 @!p1 $0x0  }
0x14: {  	s2 =	sld [smem:$0x3F96];
	s0 =	simm.s32 @p1 $0x1  }
0x15: {  	[smem:$0x3FB3] =	sst s0;
	s0 =	simm.s32 @!p2 $0x0  }
0x16: {  	s3 =	sld [smem:$0x3FDB];
	s0 =	simm.s32 @p2 $0x1  }
0x17: {  	s4 =	simm.s32 $0x1BF5;
	[smem:$0x3FB5] =	sst s0  }
0x18: {  	s0 =	sld [smem:$0x3F98];
	_ =	swait.ge [sflag:s4], $0x0  }
0x19: {  	s7 =	sld [smem:$0x3F99]  }
0x1a: {  	s8 =	sadd.s32 $0xFFFFE003, lr  }
0x1b: {  	s9 =	sadd.s32 $0xFFFFFEF7, lr;
	s5 =	simm.s32 $0xFFFFFFFF;
	p2 =	slt.u32 s8, $0xFFFFF086  }
0x1c: {  	p1 =	slt.u32 s9, $0xF7A;
	s5 =	simm.s32 @!p2 $0x0  }
0x1d: {  	s5 =	simm.s32 @p1 $0x1;
	p0 =	seq.s32 s7, s2  }
0x1e: {  	s7 =	smul.u32 @!p0 $0xF7A, s2;
	p2 =	seq.s32 @!p0 s5, $0x0  }
0x1f: {  	s9 =	smul.u32 $0xF7A, s1;
	s8 =	simm.s32 @!p0 $0x1BF5;
	p2 =	por !p2, p0  }
0x20: {  	[sflag:s8] =	ssyncset.s32 @!p0 $0xFFFFF086;
	s6 =	sadd.s32 @!p0 s3, s7;
	s7 =	simm.s32 @!p0 $0x108  }
0x21: {  	s3 =	sadd.s32 s3, s9;
	s6 =	sadd.s32 @!p0 $0x88, s6;
	s7 =	simm.s32 @p2 $0x1082  }
0x22: {  	[simem:s7], [sflag:s8] =	dma.local @!p0 [hbm:s6], $0xF7A  }
0x23: {  	s9 =	sor.u32 $0xD0000000, s2;
	s6 =	simm.s32 $0x108;
	_ =	swait.ge @!p0 [sflag:s8], $0x0  }
0x24: {  	s3 =	sadd.s32 $0x88, s3;
	s6 =	simm.s32 @!p1 $0x1082;
	[sflag:s4] =	ssyncset.s32 $0xFFFFF086  }
0x25: {  	[simem:s6], [sflag:s4] =	dma.local [hbm:s3], $0xF7A  }
0x26: {  	[smem:$0x3F99] =	sst s1;
	(tag) =	ssettag s2;
	_ =	strace s9  }
0x27: {  	s1 =	sld [smem:$0x3FA9]  }
0x28: {  	s2 =	sld [smem:$0x3FAA]  }
0x29: {  	s4 =	sld [smem:$0x3FAC]  }
0x2a: {  	p0 =	seq.s32 s5, $0x0;
	s5 =	sld [smem:$0x3FAD]  }
0x2b: {  	s6 =	sld [smem:$0x3FAE]  }
0x2c: {  	s7 =	sld [smem:$0x3FAF]  }
0x2d: {  	s3 =	simm.s32 $0x108;
	s8 =	sld [smem:$0x3FB0]  }
0x2e: {  	s3 =	simm.s32 @!p0 $0x1082;
	s9 =	sld [smem:$0x3FB1]  }
0x2f: {  	lr =	sadd.s32 s0, s3;
	s0 =	sld [smem:$0x3FA8]  }
0x30: {  	s3 =	sld [smem:$0x3FAB]  }
0x31: {  	[smem:$0x3FB4] =	sst s10  }
0x32: {  	s10 =	sld [smem:$0x3FB2];
	_ =	sdelay $0x3  }
0x33: {  	p0 =	seq.s32 s10, $0x1;
	s10 =	sld [smem:$0x3FB4];
	_ =	sdelay $0x3  }
0x34: {  	[smem:$0x3FB4] =	sst s10  }
0x35: {  	s10 =	sld [smem:$0x3FB3];
	_ =	sdelay $0x3  }
0x36: {  	p1 =	seq.s32 s10, $0x1;
	s10 =	sld [smem:$0x3FB4];
	_ =	sdelay $0x3  }
0x37: {  	[smem:$0x3FB4] =	sst s10  }
0x38: {  	s10 =	sld [smem:$0x3FB5]  }
0x39: {  	_ = 	snop;
	(pc) =	sbr.ind lr, $3  }
0x3a: {  	_ = 	snop  }
0x3b: {  	_ = 	snop  }
0x3c: {  	p2 =	seq.s32 s10, $0x1;
	s10 =	sld [smem:$0x3FB4]  }
0x3d: {  	_ =	shalt  }
0x3e: {  	_ =	shalt  }
0x3f: {  	_ =	shalt  }
0x40: {  	_ =	shalt  }
0x41: {  	_ =	shalt  }
0x42: {  	_ =	shalt  }
0x43: {  	_ =	shalt  }
0x44: {  	_ =	shalt  }
0x45: {  	_ =	shalt  }
0x46: {  	_ =	shalt  }
0x47: {  	_ =	shalt  }
0x48: {  	_ =	shalt  }
0x49: {  	_ =	shalt  }
0x4a: {  	_ =	shalt  }
0x4b: {  	_ =	shalt  }
0x4c: {  	_ =	shalt  }
0x4d: {  	_ =	shalt  }
0x4e: {  	_ =	shalt  }
0x4f: {  	_ =	shalt  }
0x50: {  	_ =	shalt  }
0x51: {  	_ =	shalt  }
0x52: {  	_ =	shalt  }
0x53: {  	_ =	shalt  }
0x54: {  	_ =	shalt  }
0x55: {  	_ =	shalt  }
0x56: {  	_ =	shalt  }
0x57: {  	_ =	shalt  }
0x58: {  	_ =	shalt  }
0x59: {  	_ =	shalt  }
0x5a: {  	_ =	shalt  }
0x5b: {  	_ =	shalt  }
0x5c: {  	_ =	shalt  }
0x5d: {  	_ =	shalt  }
0x5e: {  	_ =	shalt  }
0x5f: {  	_ =	shalt  }
0x60: {  	_ =	shalt  }
0x61: {  	_ =	shalt  }
0x62: {  	_ =	shalt  }
0x63: {  	_ =	shalt  }
0x64: {  	_ =	shalt  }
0x65: {  	_ =	shalt  }
0x66: {  	_ =	shalt  }
0x67: {  	_ =	shalt  }
0x68: {  	_ =	shalt  }
0x69: {  	_ =	shalt  }
0x6a: {  	_ =	shalt  }
0x6b: {  	_ =	shalt  }
0x6c: {  	_ =	shalt  }
0x6d: {  	_ =	shalt  }
0x6e: {  	_ =	shalt  }
0x6f: {  	_ =	shalt  }
0x70: {  	_ =	shalt  }
0x71: {  	_ =	shalt  }
0x72: {  	_ =	shalt  }
0x73: {  	_ =	shalt  }
0x74: {  	_ =	shalt  }
0x75: {  	_ =	shalt  }
0x76: {  	_ =	shalt  }
0x77: {  	_ =	shalt  }
0x78: {  	_ =	shalt  }
0x79: {  	_ =	shalt  }
0x7a: {  	_ =	shalt  }
0x7b: {  	_ =	shalt  }
0x7c: {  	_ =	shalt  }
0x7d: {  	_ =	shalt  }
0x7e: {  	_ =	shalt  }
0x7f: {  	_ =	shalt  }
0x80: {  	_ =	shalt  }
0x81: {  	_ =	shalt  }
0x82: {  	_ =	shalt  }
0x83: {  	_ =	shalt  }
0x84: {  	_ =	shalt  }
0x85: {  	_ =	shalt  }
0x86: {  	_ =	shalt  }
0x87: {  	_ =	shalt  }
.Lfunc_end0:
.L_simem_size_0:
called_computation_lowered:
.L_overlay_start_0:
0x88: {  	s2 =	sld [smem:$0x3FD9]  }
0x89: {  	s3 =	sld [smem:$0x3FFE];
	_ =	sdelay $0x1  }
0x8a: {  	s1 =	srdreg.scid  }
0x8b: {  	s0 =	sand.u32 $0x1, s1  }
0x8c: {  	s17 =	sshll.u32 s0, $0xA;
	s2 =	sadd.s32 s3, s2  }
0x8d: {  	s2 =	sadd.s32 s2, s17  }
0x8e: {  	[smem:$0x3FC0] =	sst s2  }
0x8f: {  	_ = 	snop  }
0x90: {  	s2 =	sld [smem:$0x3FD0];
	(tm) =	ssettm $0x1  }
0x91: {  	s18 =	sld [smem:$0x3FFB];
	_ =	sdelay $0x3  }
0x92: {  	_ =	strace s18  }
0x93: {  	s3 =	sld [smem:$0x3FFC];
	_ =	sdelay $0x3  }
0x94: {  	_ =	strace s3  }
0x95: {  	s3 =	sld [smem:$0x3FFD];
	_ =	sdelay $0x3  }
0x96: {  	_ =	strace s3  }
0x97: {  	_ =	strace $0x8FFFFFFF  }
0x98: {  	s19 =	sld [smem:$0x3FDB];
	_ =	sdelay $0x1  }
0x99: {  	s4 =	simm.s32 $_scs_section_size  }
0x9a: {  	s5 =	simm.s32 $_size__tile_overlayer_lowered;
	s6 =	simm.s32 $_tile_overlayer_lowered  }
0x9b: {  	s22 =	simm.s32 $0x1BFF;
	s21 =	sshll.u32 s6, $0x1;
	s3 =	sadd.s32 s4, s19  }
0x9c: {  	s7 =	simm.s32 $0x0;
	s20 =	sshll.u32 s5, $0x1;
	s5 =	sadd.s32 s21, s3  }
0x9d: {  	[timem:s7], [sflag:s22] =	dma.local [hbm:s5], s20  }
0x9e: {  	_ =	swait.ge [sflag:s22], s20  }
0x9f: {  	s4 =	ssub.s32 $0x0, s20;
	[sflag:s22] =	ssyncset.done $0x0  }
0xa0: {  	[sflag:s22] =	ssyncadd.s32 s4;
	_ =	sdelay $0x1  }
0xa1: {  	s23 =	simm.s32 $0x1B8B  }
0xa2: {  	_ =	swait.ge [sflag:s23], $0x1  }
0xa3: {  	[sflag:s23] =	ssyncset.done $0x0  }
0xa4: {  	s25 =	simm.s32 $0x1B8E;
	s24 =	sld [smem:$0x3FFE];
	[sflag:s23] =	ssyncadd.s32 $0xFFFFFFFF  }
0xa5: {  	s26 =	simm.s32 $execute0_lowered;
	[smem:$0x3FD2] =	sst s25  }
0xa6: {  	s5 =	sshll.u32 s26, $0x1;
	_ =	strace $0x80000046;
	[dreg:$0x1] =	wrdreg $0xFFFFFFFF  }
0xa7: {  	s28 =	simm.s32 $_size_execute0_lowered;
	s3 =	sadd.s32 s3, s5;
	[dreg:$0x0] =	wrdreg $0x0  }
0xa8: {  	s5 =	sshll.u32 s28, $0x1;
	[dreg:$0x2] =	wrdreg s3  }
0xa9: {  	[dreg:$0x3] =	wrdreg s5  }
0xaa: {  	[dreg:$0x4] =	wrdreg $0xC0  }
0xab: {  	_ =	task [dreg:s7], $0x5FFFF  }
0xac: {  	[dreg:$0x1] =	wrdreg $0xFFFFFFFF  }
0xad: {  	[dreg:$0x0] =	wrdreg $0x60  }
0xae: {  	[dreg:$0x2] =	wrdreg s2  }
0xaf: {  	[dreg:$0x3] =	wrdreg s24  }
0xb0: {  	[dreg:$0x4] =	wrdreg $0x9  }
0xb1: {  	_ =	task.clear_ibuf [dreg:s7], $0x5FFFF;
	_ =	strace $0x90000046  }
0xb2: {  	s29 =	simm.s32 $0x9;
	_ =	strace $0x80000048  }
0xb3: {  	_ =	swait.ge [sflag:s29], $0x1  }
0xb4: {  	[sflag:s29] =	ssyncadd.s32 $0xFFFFFFFF  }
0xb5: {  	_ =	strace $0x90000048  }
0xb6: {  	_ =	sfence  }
0xb7: {  	s30 =	sld [smem:$0x0];
	_ =	sdelay $0x2  }
0xb8: {  	s31 =	sshll.u32 s1, $0xD;
	s1 =	sshrl.u32 s1, $0x2  }
0xb9: {  	s3 =	sand.u32 $0x4000, s31;
	s1 =	sadd.s32 s1, s30  }
0xba: {  	s0 =	sor.u32 s3, s0;
	s1 =	sshll.u32 s1, $0x11  }
0xbb: {  	s0 =	sor.u32 s1, s0  }
0xbc: {  	s0 =	sadd.s32 $0x8F2B, s0  }
0xbd: {  	[sflag:s0] =	ssyncadd.remote.s32 $0x1  }
0xbe: {  	_ =	sfence.sel $0xFFFF  }
0xbf: {  	[dreg:$0x0] =	wrdreg $0xFFFFFFFF;
	(pc) =	sbr.abs _section_cstart, $3  }
0xc0: {  	[dreg:$0x1] =	wrdreg $0xFFFFFFFF  }
0xc1: {  	_ =	task.clear_ibuf [dreg:s7], $0x2FFFF;
	_ =	strace $0x9FFFFFFF  }
0xc2: {  	(tm) =	ssettm $0x7FFFFFFF  }
0xc3: {  	_ =	shalt  }
tec
execute0_lowered:
.L_overlay_start_1:
0x0: {  	(tag) =	ssettag $0x1  }
0x1: {  	s1 =	rddreg [dreg:$0x0]  }
0x2: {  	s5 =	rddreg [dreg:$0x1]  }
0x3: {  	s0 =	rddreg [dreg:$0x2]  }
0x4: {  	s3 =	simm.s32 $0x0;
	s4 =	srdreg.scid;
	s2 =	stileid.u32  }
0x5: {  	s13 =	simm.s32 $0x5;
	s14 =	simm.s32 $0x6;
	s15 =	simm.s32 $0x2  }
0x6: {  	s16 =	simm.s32 $0x80;
	s17 =	simm.s32 $0x2100;
	s18 =	simm.s32 $0x4  }
0x7: {  	s19 =	simm.s32 $0x0;
	[smem:$0x7FF] =	sst s3;
	s10 =	sand.u32 $0x1, s4  }
0x8: {  	s7 =	sshll.u32 s2, $0x1;
	s4 =	sadd.s32 $0x2E00, s5;
	s5 =	sadd.s32 $0xCE00, s5  }
0x9: {  	p0 =	seq.s32 s2, $0x0;
	_ =	strace $0x80000047;
	s6 =	ssub.s32 $0x2, s10  }
.Ltmp0:
0xa: {  	s9 =	sor.u32 s10, s7;
	s12 =	sshll.u32 s10, $0x4;
	(pc) =	sbr.rel .LBB2_1-.Ltmp0, $4  }
0xb: {  	s8 =	sshrl.u32 s6, $0x1;
	s30 =	sshll.u32 s9, $0x4;
	s7 =	sshll.u32 s9, $0x7  }
0xc: {  	s31 =	sadd.s32 s12, s4;
	s11 =	ssub.s32 s6, s8;
	s6 =	sadd.s32 s4, s30  }
0xd: {  	s8 =	sshll.u32 s9, $0xE;
	s9 =	simm.s32 $0x27;
	s10 =	smax.u32 s11, $0x1  }
0xe: {  	s9 =	simm.s32 @!p0 $0x26;
	s11 =	sadd.s32 $0x4E00, s31;
	s12 =	sadd.s32 $0x4E00, s6  }
.LBB2_8:
0xf: {  	s19 =	sadd.s32 $0x1, s19  }
0x10: {  	_ =	swait.ge [sflag:s13], $0x2000;
	p0 =	sne.s32 s19, s10  }
.Ltmp1:
0x11: {  	[sflag:s13] =	ssyncset.done $0x0;
	(pc) =	sbr.rel @!p0 .LBB2_9-.Ltmp1, $4  }
0x12: {  	[sflag:s13] =	ssyncadd.s32 $0xFFFFE000  }
0x13: {  	_ =	swait.ge [sflag:s14], $0x2000  }
0x14: {  	[sflag:s14] =	ssyncset.done $0x0  }
0x15: {  	[sflag:s14] =	ssyncadd.s32 $0xFFFFE000  }
.LBB2_1:
.Ltmp2:
0x16: {  	(pc) =	sbr.rel .LBB2_2-.Ltmp2, $3  }
0x17: {  	_ =	sdelay $0x1  }
0x18: {  	[tilespmem:s3], [sflag:$0x1] =	stream.linear.gather [hbm4b:s6+s3], $0x80, $0x38;
	[tilespmem:$0x4100] =	vst v63  }
0x19: {  	s20 =	simm.s32 $0x0  }
.LBB2_4:
0x1a: {  	_ =	swait.ge [sflag:s15], $0x80  }
0x1b: {  	p0 =	slt.u32 s20, $0x2;
	[sflag:s15] =	ssyncset.done $0x0  }
0x1c: {  	s30 =	sadd.s32 $0x1, s20;
	s21 =	simm.s32 @!p0 $0x6;
	[sflag:s15] =	ssyncadd.s32 $0xFFFFFF80  }
0x1d: {  	s22 =	sshll.u32 s30, $0xC;
	_ =	swait.ge @!p0 [sflag:s21], $0x2000  }
0x1e: {  	s22 =	sor.u32 s7, s22;
	[sflag:s21] =	ssyncset.done @!p0 $0x0  }
0x1f: {  	s22 =	sshrl.u32 s22, $0x3;
	[sflag:s21] =	ssyncadd.s32 @!p0 $0xFFFFE000  }
0x20: {  	[tilespmem:s17], [sflag:$0x4] =	stream.indirect.gather [hbm4b:s1+s16], $0x40, s16, s16, $0xb8;
	[tilespmem:$0x4100] =	vst v63  }
0x21: {  	s31 =	sshll.u32 s20, $0x13;
	s22 =	sadd.s32 s4, s22  }
0x22: {  	[tilespmem:s3], [sflag:$0x1] =	stream.linear.gather [hbm4b:s22+s3], $0x80, $0x38;
	[tilespmem:$0x4100] =	vst v63  }
0x23: {  	s20 =	sor.u32 s8, s31;
	_ =	swait.ge [sflag:s18], $0x2000  }
0x24: {  	s20 =	sshrl.u32 s20, $0x4;
	[sflag:s18] =	ssyncset.done $0x0  }
0x25: {  	s20 =	sadd.s32 s5, s20;
	[sflag:s18] =	ssyncadd.s32 $0xFFFFE000  }
0x26: {  	[hbm4b:s20+s3] =	stream.linear.scatter [tilespmem:s17], [sflag:$0x6], $0x2000, $0x38;
	[tilespmem:$0x4100] =	vst v63  }
0x27: {  	s20 =	smov.u32 s30  }
.LBB2_5:
0x28: {  	p0 =	sne.s32 s20, s9  }
.Ltmp3:
0x29: {  	_ = 	snop;
	(pc) =	sbr.rel @!p0 .LBB2_6-.Ltmp3, $1  }
0x2a: {  	_ =	sdelay $0x3  }
.LBB2_2:
0x2b: {  	s21 =	sand.u32 $0x1, s20  }
0x2c: {  	p0 =	seq.s32 s21, $0x1  }
0x2d: {  	s22 =	simm.s32 @!p0 $0x1  }
0x2e: {  	p1 =	slt.u32 @!p0 s20, $0x2;
	_ =	swait.ge @!p0 [sflag:s22], $0x80  }
0x2f: {  	p1 =	por p1, p0;
	[sflag:s22] =	ssyncset.done @!p0 $0x0  }
0x30: {  	s25 =	sshll.u32 @!p0 s20, $0xC;
	[sflag:s22] =	ssyncadd.s32 @!p0 $0xFFFFFF80;
	s22 =	simm.s32 @!p1 $0x5  }
0x31: {  	s23 =	simm.s32 @!p0 $0x0;
	s25 =	sor.u32 @!p0 s7, s25;
	_ =	swait.ge @!p1 [sflag:s22], $0x2000  }
0x32: {  	s24 =	simm.s32 @!p0 $0x100;
	s25 =	sshrl.u32 @!p0 s25, $0x3;
	[sflag:s22] =	ssyncset.done @!p1 $0x0  }
0x33: {  	s25 =	sor.u32 @!p0 $0x200, s25;
	[sflag:s22] =	ssyncadd.s32 @!p1 $0xFFFFE000;
	s22 =	simm.s32 @!p0 $0x80  }
0x34: {  	[tilespmem:s24], [sflag:$0x3] =	stream.indirect.gather @!p0 [hbm4b:s1+s22], $0x40, s23, s22, $0xb8;
	[tilespmem:$0x4100] =	vst v63  }
0x35: {  	s25 =	sadd.s32 @!p0 s4, s25  }
0x36: {  	[tilespmem:s22], [sflag:$0x2] =	stream.linear.gather @!p0 [hbm4b:s25+s23], $0x80, $0x38;
	[tilespmem:$0x4100] =	vst v63  }
0x37: {  	s22 =	simm.s32 @!p0 $0x3;
	s25 =	sshll.u32 @!p0 s20, $0x13  }
0x38: {  	_ =	swait.ge @!p0 [sflag:s22], $0x2000;
	s25 =	sor.u32 @!p0 s8, s25  }
0x39: {  	[sflag:s22] =	ssyncset.done @!p0 $0x0;
	s25 =	sshrl.u32 @!p0 s25, $0x4  }
0x3a: {  	p1 =	sne.s32 @!p0 s21, $0x0;
	[sflag:s22] =	ssyncadd.s32 @!p0 $0xFFFFE000;
	s22 =	sadd.s32 @!p0 s5, s25  }
0x3b: {  	[hbm4b:s22+s23] =	stream.linear.scatter @!p0 [tilespmem:s24], [sflag:$0x5], $0x2000, $0x38;
	[tilespmem:$0x4100] =	vst v63  }
0x3c: {  	p0 =	por p0, p1  }
.Ltmp4:
0x3d: {  	_ = 	snop;
	(pc) =	sbr.rel @p0 .LBB2_4-.Ltmp4, $1  }
0x3e: {  	_ =	sdelay $0x3  }
.Ltmp5:
0x3f: {  	(pc) =	sbr.rel .LBB2_5-.Ltmp5, $2  }
0x40: {  	_ =	sdelay $0x2  }
0x41: {  	s20 =	sor.u32 $0x1, s20  }
.LBB2_6:
0x42: {  	s21 =	sand.u32 $0x1, s20  }
0x43: {  	p0 =	seq.s32 s21, $0x1  }
0x44: {  	s22 =	simm.s32 @!p0 $0x1  }
0x45: {  	_ =	swait.ge @!p0 [sflag:s22], $0x80  }
0x46: {  	[sflag:s22] =	ssyncset.done @!p0 $0x0  }
0x47: {  	[sflag:s22] =	ssyncadd.s32 @!p0 $0xFFFFFF80;
	s22 =	simm.s32 @!p0 $0x5  }
0x48: {  	p1 =	sne.s32 @!p0 s2, $0x0;
	_ =	swait.ge @!p0 [sflag:s22], $0x2000  }
0x49: {  	s23 =	simm.s32 @!p0 $0x0;
	s24 =	simm.s32 @!p0 $0x100;
	[sflag:s22] =	ssyncset.done @!p0 $0x0  }
0x4a: {  	p1 =	por p1, p0;
	[sflag:s22] =	ssyncadd.s32 @!p0 $0xFFFFE000;
	s22 =	simm.s32 @!p0 $0x80  }
0x4b: {  	[tilespmem:s24], [sflag:$0x3] =	stream.indirect.gather @!p0 [hbm4b:s1+s22], $0x40, s23, s22, $0xb8;
	[tilespmem:$0x4100] =	vst v63  }
0x4c: {  	s25 =	simm.s32 @!p1 $0x80;
	s22 =	simm.s32 @!p1 $0x0  }
0x4d: {  	[tilespmem:s25], [sflag:$0x2] =	stream.linear.gather @!p1 [hbm4b:s11+s22], $0x80, $0x38;
	[tilespmem:$0x4100] =	vst v63  }
0x4e: {  	s22 =	simm.s32 @!p0 $0x3;
	s25 =	sshll.u32 @!p0 s20, $0x13  }
0x4f: {  	_ =	swait.ge @!p0 [sflag:s22], $0x2000;
	s25 =	sor.u32 @!p0 s8, s25  }
0x50: {  	[sflag:s22] =	ssyncset.done @!p0 $0x0;
	s25 =	sshrl.u32 @!p0 s25, $0x4  }
0x51: {  	p1 =	seq.s32 @!p0 s21, $0x0;
	[sflag:s22] =	ssyncadd.s32 @!p0 $0xFFFFE000;
	s22 =	sadd.s32 @!p0 s5, s25  }
0x52: {  	[hbm4b:s22+s23] =	stream.linear.scatter @!p0 [tilespmem:s24], [sflag:$0x5], $0x2000, $0x38;
	[tilespmem:$0x4100] =	vst v63  }
0x53: {  	p0 =	por p0, !p1  }
.Ltmp6:
0x54: {  	_ = 	snop;
	(pc) =	sbr.rel @!p0 .LBB2_8-.Ltmp6, $1  }
0x55: {  	_ =	sdelay $0x3  }
0x56: {  	_ =	swait.ge [sflag:s15], $0x80  }
0x57: {  	[sflag:s15] =	ssyncset.done $0x0  }
0x58: {  	[sflag:s15] =	ssyncadd.s32 $0xFFFFFF80  }
0x59: {  	_ =	swait.ge [sflag:s14], $0x2000  }
0x5a: {  	[sflag:s14] =	ssyncset.done $0x0  }
0x5b: {  	p0 =	sge.u32 s20, s9;
	[sflag:s14] =	ssyncadd.s32 $0xFFFFE000  }
0x5c: {  	[tilespmem:s17], [sflag:$0x4] =	stream.indirect.gather [hbm4b:s1+s16], $0x40, s16, s16, $0xb8;
	[tilespmem:$0x4100] =	vst v63  }
0x5d: {  	s21 =	simm.s32 @!p0 $0x0  }
0x5e: {  	[tilespmem:s21], [sflag:$0x1] =	stream.linear.gather @!p0 [hbm4b:s12+s21], $0x80, $0x38;
	[tilespmem:$0x4100] =	vst v63  }
.Ltmp7:
0x5f: {  	s31 =	sshll.u32 s20, $0x13;
	(pc) =	sbr.rel .LBB2_8-.Ltmp7, $4  }
0x60: {  	s20 =	sor.u32 s8, s31;
	_ =	swait.ge [sflag:s18], $0x2000  }
0x61: {  	s20 =	sshrl.u32 s20, $0x4;
	[sflag:s18] =	ssyncset.done $0x0  }
0x62: {  	s20 =	sadd.s32 s5, s20;
	[sflag:s18] =	ssyncadd.s32 $0xFFFFE000  }
0x63: {  	[hbm4b:s20+s3] =	stream.linear.scatter [tilespmem:s17], [sflag:$0x6], $0x2000, $0x38;
	[tilespmem:$0x4100] =	vst v63  }
.LBB2_9:
0x64: {  	_ =	sfence.sel $0x180000  }
0x65: {  	[bflag:$0x0] =	sbarrier.arrive $0xFFFF  }
0x66: {  	p0 =	sne.s32 s2, $0x0;
	_ =	strace $0x90000047  }
0x67: {  	s0 =	sadd.s32 @!p0 $0x100000, s0;
	[bflag:$0x2] =	sbarrier.arrive $0xFFFF  }
0x68: {  	[sflag:s0] =	ssyncadd.tile.s32 @!p0 $0x1;
	_ =	shalt  }
.Lfunc_end2:
_tile_overlayer_lowered:
.L_overlay_start_2:
0x69: {  	(tag) =	ssettag $0x2  }
0x6a: {  	s0 =	rddreg [dreg:$0x0];
	s2 =	stileid.u32  }
0x6b: {  	s1 =	rddreg [dreg:$0x1];
	p0 =	sne.s32 s2, $0x0  }
0x6c: {  	s3 =	rddreg [dreg:$0x2];
	[bflag:$0x3] =	sbarrier.arrive $0xFFFF;
	s2 =	simm.s32 @!p0 $0x1C07  }
0x6d: {  	[timem:s3], [sflag:s2] =	dma.local @!p0 [hbm:s0], s1  }
0x6e: {  	s0 =	simm.s32 @!p0 $0x7  }
0x6f: {  	_ =	swait.ge @!p0 [sflag:s0], s1  }
0x70: {  	s1 =	ssub.s32 @!p0 $0x0, s1;
	[sflag:s0] =	ssyncset.done @!p0 $0x0  }
0x71: {  	[sflag:s0] =	ssyncadd.s32 @!p0 s1  }
0x72: {  	[bflag:$0x3] =	sbarrier.arrive $0xFFFF  }
0x73: {  	_ =	shalt  }

// kernel: kernel.9.cloned.1.call-start
scs
__scs_entry_jumppad:
0x0: {  	(pc) =	sbr.rel $0x88, $3  }
0x1: {  	(tag) =	ssettag $0x0;
	lr =	simm.s32 $0x1  }
0x2: {  	[smem:$0x3F99] =	sst lr;
	_ =	strace $0xD0000000  }
0x3: {  	_ = 	snop  }
0x4: {  	_ = 	snop  }
0x5: {  	_ = 	snop  }
0x6: {  	_ = 	snop  }
0x7: {  	_ = 	snop  }
__scs_overlays_trampoline_lowered:
0x8: {  	[smem:$0x3FA8] =	sst s0  }
0x9: {  	[smem:$0x3FA9] =	sst s1  }
0xa: {  	[smem:$0x3FAA] =	sst s2  }
0xb: {  	[smem:$0x3FAB] =	sst s3  }
0xc: {  	[smem:$0x3FAC] =	sst s4  }
0xd: {  	[smem:$0x3FAD] =	sst s5  }
0xe: {  	[smem:$0x3FAE] =	sst s6  }
0xf: {  	[smem:$0x3FAF] =	sst s7  }
0x10: {  	[smem:$0x3FB0] =	sst s8  }
0x11: {  	[smem:$0x3FB1] =	sst s9;
	s0 =	simm.s32 @!p0 $0x0  }
0x12: {  	s1 =	sld [smem:$0x3F97];
	s0 =	simm.s32 @p0 $0x1  }
0x13: {  	[smem:$0x3FB2] =	sst s0;
	s0 =	simm.s32 @!p1 $0x0  }
0x14: {  	s2 =	sld [smem:$0x3F96];
	s0 =	simm.s32 @p1 $0x1  }
0x15: {  	[smem:$0x3FB3] =	sst s0;
	s0 =	simm.s32 @!p2 $0x0  }
0x16: {  	s3 =	sld [smem:$0x3FDB];
	s0 =	simm.s32 @p2 $0x1  }
0x17: {  	s4 =	simm.s32 $0x1BF5;
	[smem:$0x3FB5] =	sst s0  }
0x18: {  	s0 =	sld [smem:$0x3F98];
	_ =	swait.ge [sflag:s4], $0x0  }
0x19: {  	s7 =	sld [smem:$0x3F99]  }
0x1a: {  	s8 =	sadd.s32 $0xFFFFE003, lr  }
0x1b: {  	s9 =	sadd.s32 $0xFFFFFEF7, lr;
	s5 =	simm.s32 $0xFFFFFFFF;
	p2 =	slt.u32 s8, $0xFFFFF086  }
0x1c: {  	p1 =	slt.u32 s9, $0xF7A;
	s5 =	simm.s32 @!p2 $0x0  }
0x1d: {  	s5 =	simm.s32 @p1 $0x1;
	p0 =	seq.s32 s7, s2  }
0x1e: {  	s7 =	smul.u32 @!p0 $0xF7A, s2;
	p2 =	seq.s32 @!p0 s5, $0x0  }
0x1f: {  	s9 =	smul.u32 $0xF7A, s1;
	s8 =	simm.s32 @!p0 $0x1BF5;
	p2 =	por !p2, p0  }
0x20: {  	[sflag:s8] =	ssyncset.s32 @!p0 $0xFFFFF086;
	s6 =	sadd.s32 @!p0 s3, s7;
	s7 =	simm.s32 @!p0 $0x108  }
0x21: {  	s3 =	sadd.s32 s3, s9;
	s6 =	sadd.s32 @!p0 $0x88, s6;
	s7 =	simm.s32 @p2 $0x1082  }
0x22: {  	[simem:s7], [sflag:s8] =	dma.local @!p0 [hbm:s6], $0xF7A  }
0x23: {  	s9 =	sor.u32 $0xD0000000, s2;
	s6 =	simm.s32 $0x108;
	_ =	swait.ge @!p0 [sflag:s8], $0x0  }
0x24: {  	s3 =	sadd.s32 $0x88, s3;
	s6 =	simm.s32 @!p1 $0x1082;
	[sflag:s4] =	ssyncset.s32 $0xFFFFF086  }
0x25: {  	[simem:s6], [sflag:s4] =	dma.local [hbm:s3], $0xF7A  }
0x26: {  	[smem:$0x3F99] =	sst s1;
	(tag) =	ssettag s2;
	_ =	strace s9  }
0x27: {  	s1 =	sld [smem:$0x3FA9]  }
0x28: {  	s2 =	sld [smem:$0x3FAA]  }
0x29: {  	s4 =	sld [smem:$0x3FAC]  }
0x2a: {  	p0 =	seq.s32 s5, $0x0;
	s5 =	sld [smem:$0x3FAD]  }
0x2b: {  	s6 =	sld [smem:$0x3FAE]  }
0x2c: {  	s7 =	sld [smem:$0x3FAF]  }
0x2d: {  	s3 =	simm.s32 $0x108;
	s8 =	sld [smem:$0x3FB0]  }
0x2e: {  	s3 =	simm.s32 @!p0 $0x1082;
	s9 =	sld [smem:$0x3FB1]  }
0x2f: {  	lr =	sadd.s32 s0, s3;
	s0 =	sld [smem:$0x3FA8]  }
0x30: {  	s3 =	sld [smem:$0x3FAB]  }
0x31: {  	[smem:$0x3FB4] =	sst s10  }
0x32: {  	s10 =	sld [smem:$0x3FB2];
	_ =	sdelay $0x3  }
0x33: {  	p0 =	seq.s32 s10, $0x1;
	s10 =	sld [smem:$0x3FB4];
	_ =	sdelay $0x3  }
0x34: {  	[smem:$0x3FB4] =	sst s10  }
0x35: {  	s10 =	sld [smem:$0x3FB3];
	_ =	sdelay $0x3  }
0x36: {  	p1 =	seq.s32 s10, $0x1;
	s10 =	sld [smem:$0x3FB4];
	_ =	sdelay $0x3  }
0x37: {  	[smem:$0x3FB4] =	sst s10  }
0x38: {  	s10 =	sld [smem:$0x3FB5]  }
0x39: {  	_ = 	snop;
	(pc) =	sbr.ind lr, $3  }
0x3a: {  	_ = 	snop  }
0x3b: {  	_ = 	snop  }
0x3c: {  	p2 =	seq.s32 s10, $0x1;
	s10 =	sld [smem:$0x3FB4]  }
0x3d: {  	_ =	shalt  }
0x3e: {  	_ =	shalt  }
0x3f: {  	_ =	shalt  }
0x40: {  	_ =	shalt  }
0x41: {  	_ =	shalt  }
0x42: {  	_ =	shalt  }
0x43: {  	_ =	shalt  }
0x44: {  	_ =	shalt  }
0x45: {  	_ =	shalt  }
0x46: {  	_ =	shalt  }
0x47: {  	_ =	shalt  }
0x48: {  	_ =	shalt  }
0x49: {  	_ =	shalt  }
0x4a: {  	_ =	shalt  }
0x4b: {  	_ =	shalt  }
0x4c: {  	_ =	shalt  }
0x4d: {  	_ =	shalt  }
0x4e: {  	_ =	shalt  }
0x4f: {  	_ =	shalt  }
0x50: {  	_ =	shalt  }
0x51: {  	_ =	shalt  }
0x52: {  	_ =	shalt  }
0x53: {  	_ =	shalt  }
0x54: {  	_ =	shalt  }
0x55: {  	_ =	shalt  }
0x56: {  	_ =	shalt  }
0x57: {  	_ =	shalt  }
0x58: {  	_ =	shalt  }
0x59: {  	_ =	shalt  }
0x5a: {  	_ =	shalt  }
0x5b: {  	_ =	shalt  }
0x5c: {  	_ =	shalt  }
0x5d: {  	_ =	shalt  }
0x5e: {  	_ =	shalt  }
0x5f: {  	_ =	shalt  }
0x60: {  	_ =	shalt  }
0x61: {  	_ =	shalt  }
0x62: {  	_ =	shalt  }
0x63: {  	_ =	shalt  }
0x64: {  	_ =	shalt  }
0x65: {  	_ =	shalt  }
0x66: {  	_ =	shalt  }
0x67: {  	_ =	shalt  }
0x68: {  	_ =	shalt  }
0x69: {  	_ =	shalt  }
0x6a: {  	_ =	shalt  }
0x6b: {  	_ =	shalt  }
0x6c: {  	_ =	shalt  }
0x6d: {  	_ =	shalt  }
0x6e: {  	_ =	shalt  }
0x6f: {  	_ =	shalt  }
0x70: {  	_ =	shalt  }
0x71: {  	_ =	shalt  }
0x72: {  	_ =	shalt  }
0x73: {  	_ =	shalt  }
0x74: {  	_ =	shalt  }
0x75: {  	_ =	shalt  }
0x76: {  	_ =	shalt  }
0x77: {  	_ =	shalt  }
0x78: {  	_ =	shalt  }
0x79: {  	_ =	shalt  }
0x7a: {  	_ =	shalt  }
0x7b: {  	_ =	shalt  }
0x7c: {  	_ =	shalt  }
0x7d: {  	_ =	shalt  }
0x7e: {  	_ =	shalt  }
0x7f: {  	_ =	shalt  }
0x80: {  	_ =	shalt  }
0x81: {  	_ =	shalt  }
0x82: {  	_ =	shalt  }
0x83: {  	_ =	shalt  }
0x84: {  	_ =	shalt  }
0x85: {  	_ =	shalt  }
0x86: {  	_ =	shalt  }
0x87: {  	_ =	shalt  }
.Lfunc_end0:
.L_simem_size_0:
called_computation.1_lowered:
.L_overlay_start_0:
0x88: {  	s2 =	sld [smem:$0x3FD9]  }
0x89: {  	s3 =	sld [smem:$0x3FFE];
	_ =	sdelay $0x1  }
0x8a: {  	s1 =	srdreg.scid  }
0x8b: {  	s0 =	sand.u32 $0x1, s1  }
0x8c: {  	s17 =	sshll.u32 s0, $0xA;
	s2 =	sadd.s32 s3, s2  }
0x8d: {  	s2 =	sadd.s32 s2, s17  }
0x8e: {  	[smem:$0x3FC0] =	sst s2  }
0x8f: {  	_ = 	snop  }
0x90: {  	s2 =	sld [smem:$0x3FD0];
	(tm) =	ssettm $0x1  }
0x91: {  	s18 =	sld [smem:$0x3FFB];
	_ =	sdelay $0x3  }
0x92: {  	_ =	strace s18  }
0x93: {  	s3 =	sld [smem:$0x3FFC];
	_ =	sdelay $0x3  }
0x94: {  	_ =	strace s3  }
0x95: {  	s3 =	sld [smem:$0x3FFD];
	_ =	sdelay $0x3  }
0x96: {  	_ =	strace s3  }
0x97: {  	_ =	strace $0x8FFFFFFF  }
0x98: {  	s19 =	sld [smem:$0x3FDB];
	_ =	sdelay $0x1  }
0x99: {  	s4 =	simm.s32 $_scs_section_size  }
0x9a: {  	s5 =	simm.s32 $_size__tile_overlayer_lowered;
	s6 =	simm.s32 $_tile_overlayer_lowered  }
0x9b: {  	s22 =	simm.s32 $0x1BFF;
	s21 =	sshll.u32 s6, $0x1;
	s3 =	sadd.s32 s4, s19  }
0x9c: {  	s7 =	simm.s32 $0x0;
	s20 =	sshll.u32 s5, $0x1;
	s5 =	sadd.s32 s21, s3  }
0x9d: {  	[timem:s7], [sflag:s22] =	dma.local [hbm:s5], s20  }
0x9e: {  	_ =	swait.ge [sflag:s22], s20  }
0x9f: {  	s4 =	ssub.s32 $0x0, s20;
	[sflag:s22] =	ssyncset.done $0x0  }
0xa0: {  	[sflag:s22] =	ssyncadd.s32 s4;
	_ =	sdelay $0x1  }
0xa1: {  	s23 =	simm.s32 $0x1B8B  }
0xa2: {  	_ =	swait.ge [sflag:s23], $0x1  }
0xa3: {  	[sflag:s23] =	ssyncset.done $0x0  }
0xa4: {  	s25 =	simm.s32 $0x1B8E;
	s24 =	sld [smem:$0x3FFE];
	[sflag:s23] =	ssyncadd.s32 $0xFFFFFFFF  }
0xa5: {  	s26 =	simm.s32 $execute0_lowered;
	[smem:$0x3FD2] =	sst s25  }
0xa6: {  	s5 =	sshll.u32 s26, $0x1;
	_ =	strace $0x80000049;
	[dreg:$0x1] =	wrdreg $0xFFFFFFFF  }
0xa7: {  	s28 =	simm.s32 $_size_execute0_lowered;
	s3 =	sadd.s32 s3, s5;
	[dreg:$0x0] =	wrdreg $0x0  }
0xa8: {  	s5 =	sshll.u32 s28, $0x1;
	[dreg:$0x2] =	wrdreg s3  }
0xa9: {  	[dreg:$0x3] =	wrdreg s5  }
0xaa: {  	[dreg:$0x4] =	wrdreg $0xC0  }
0xab: {  	_ =	task [dreg:s7], $0x5FFFF  }
0xac: {  	[dreg:$0x1] =	wrdreg $0xFFFFFFFF  }
0xad: {  	[dreg:$0x0] =	wrdreg $0x60  }
0xae: {  	[dreg:$0x2] =	wrdreg s24  }
0xaf: {  	[dreg:$0x3] =	wrdreg s2  }
0xb0: {  	[dreg:$0x4] =	wrdreg $0x57400  }
0xb1: {  	[dreg:$0x5] =	wrdreg $0xF3800  }
0xb2: {  	[dreg:$0x6] =	wrdreg $0x9  }
0xb3: {  	_ =	task.clear_ibuf [dreg:s7], $0x7FFFF;
	_ =	strace $0x90000049  }
0xb4: {  	s29 =	simm.s32 $0x9;
	_ =	strace $0x8000004B  }
0xb5: {  	_ =	swait.ge [sflag:s29], $0x1  }
0xb6: {  	[sflag:s29] =	ssyncadd.s32 $0xFFFFFFFF  }
0xb7: {  	_ =	strace $0x9000004B  }
0xb8: {  	_ =	sfence  }
0xb9: {  	s30 =	sld [smem:$0x0];
	_ =	sdelay $0x2  }
0xba: {  	s31 =	sshll.u32 s1, $0xD;
	s1 =	sshrl.u32 s1, $0x2  }
0xbb: {  	s3 =	sand.u32 $0x4000, s31;
	s1 =	sadd.s32 s1, s30  }
0xbc: {  	s0 =	sor.u32 s3, s0;
	s1 =	sshll.u32 s1, $0x11  }
0xbd: {  	s0 =	sor.u32 s1, s0  }
0xbe: {  	s0 =	sadd.s32 $0x8F2B, s0  }
0xbf: {  	[sflag:s0] =	ssyncadd.remote.s32 $0x1  }
0xc0: {  	_ =	sfence.sel $0xFFFF  }
0xc1: {  	[dreg:$0x0] =	wrdreg $0xFFFFFFFF;
	(pc) =	sbr.abs _section_cstart, $3  }
0xc2: {  	[dreg:$0x1] =	wrdreg $0xFFFFFFFF  }
0xc3: {  	_ =	task.clear_ibuf [dreg:s7], $0x2FFFF;
	_ =	strace $0x9FFFFFFF  }
0xc4: {  	(tm) =	ssettm $0x7FFFFFFF  }
0xc5: {  	_ =	shalt  }
tec
execute0_lowered:
.L_overlay_start_1:
0x0: {  	(tag) =	ssettag $0x1  }
0x1: {  	s2 =	rddreg [dreg:$0x0]  }
0x2: {  	s0 =	rddreg [dreg:$0x1]  }
0x3: {  	s11 =	rddreg [dreg:$0x2]  }
0x4: {  	s12 =	rddreg [dreg:$0x3];
	s14 =	simm.s32 $0x0  }
0x5: {  	s17 =	stileid.u32;
	[smem:$0x7FF] =	sst s14;
	s26 =	sadd.s32 $0x2E00, s2  }
0x6: {  	s7 =	sshll.u32 s17, $0x7;
	_ =	strace $0x8000004A;
	[dreg:$0x9] =	wrdreg s26  }
0x7: {  	s10 =	sadd.s32 $0x7E00, s2;
	[dreg:$0xe] =	wrdreg s7  }
0x8: {  	s18 =	sadd.s32 $0x75FE08, s2;
	[dreg:$0x8] =	wrdreg s10  }
0x9: {  	s1 =	srdreg.scid;
	s19 =	sadd.s32 $0x9D0E08, s2;
	[dreg:$0xb] =	wrdreg s18  }
0xa: {  	s22 =	simm.s32 $0x4F;
	s13 =	sadd.s32 $0x75FE00, s2;
	[dreg:$0x10] =	wrdreg s19  }
0xb: {  	s15 =	sadd.s32 $0x9D0E00, s2;
	s16 =	sadd.s32 $0xC41E00, s2;
	[dreg:$0x5] =	wrdreg s13  }
0xc: {  	s3 =	sand.u32 $0x1, s1;
	p0 =	slt.u32 s17, $0x2;
	[dreg:$0x6] =	wrdreg s15  }
0xd: {  	s6 =	sshll.u32 s17, $0xB;
	s20 =	sadd.s32 $0xC41E02, s2;
	[dreg:$0x7] =	wrdreg s16  }
0xe: {  	s28 =	sshll.u32 s17, $0x4;
	s29 =	sadd.s32 s6, s18;
	[dreg:$0x13] =	wrdreg s20  }
0xf: {  	s4 =	ssub.s32 $0x2, s3;
	s30 =	sadd.s32 s13, s6;
	[dreg:$0xd] =	wrdreg s29  }
0x10: {  	s22 =	simm.s32 @!p0 $0x4E;
	s31 =	sadd.s32 s15, s6;
	[dreg:$0xf] =	wrdreg s30  }
0x11: {  	s8 =	sadd.s32 s6, s19;
	s9 =	sadd.s32 s16, s6;
	[dreg:$0x11] =	wrdreg s31  }
0x12: {  	s21 =	sadd.s32 s6, s20;
	s23 =	sor.u32 $0x800, s7;
	[dreg:$0x12] =	wrdreg s8  }
0x13: {  	s7 =	sadd.s32 $0xCE08, s2;
	s5 =	sshrl.u32 s4, $0x1;
	[dreg:$0x14] =	wrdreg s9  }
0x14: {  	[dreg:$0x15] =	wrdreg s21;
	s8 =	sshrl.u32 s23, $0x3;
	s9 =	smul.u32 $0x27100, s17  }
0x15: {  	[dreg:$0xa] =	wrdreg s22;
	s4 =	ssub.s32 s4, s5;
	s5 =	sadd.s32 s10, s28  }
0x16: {  	s24 =	sadd.s32 s10, s8;
	[dreg:$0xc] =	wrdreg s5;
	s5 =	smul.u32 $0x271, s17  }
0x17: {  	s4 =	smax.u32 s4, $0x1;
	[dreg:$0x17] =	wrdreg s24;
	s25 =	sshrl.u32 s9, $0x2  }
0x18: {  	[dreg:$0x16] =	wrdreg s4;
	s4 =	sshll.u32 s23, $0x4;
	s24 =	sadd.s32 s25, s11  }
0x19: {  	s26 =	sadd.s32 $0x7D, s5;
	s29 =	sadd.s32 $0xFA, s5;
	s13 =	sadd.s32 s13, s4  }
0x1a: {  	s31 =	sadd.s32 $0x177, s5;
	s21 =	sshll.u32 s26, $0x4;
	[smem:$0x7F4] =	sst s13  }
0x1b: {  	s5 =	sadd.s32 $0x1F4, s5;
	s9 =	sshll.u32 s29, $0x4;
	[dreg:$0x19] =	wrdreg s21  }
0x1c: {  	s28 =	sshll.u32 s26, $0x6;
	s10 =	sshll.u32 s31, $0x4;
	[dreg:$0x1b] =	wrdreg s9  }
0x1d: {  	s25 =	sshll.u32 s5, $0x6;
	s6 =	sadd.s32 s28, s11;
	[dreg:$0x1d] =	wrdreg s10  }
0x1e: {  	s26 =	sadd.s32 $0x8, s0;
	s8 =	sadd.s32 s25, s11;
	[dreg:$0x18] =	wrdreg s6  }
0x1f: {  	s30 =	sshll.u32 s29, $0x6;
	s29 =	sadd.s32 s21, s26;
	[dreg:$0x1e] =	wrdreg s8  }
0x20: {  	s23 =	sshll.u32 s31, $0x6;
	s31 =	sadd.s32 s10, s26;
	[smem:$0x7DA] =	sst s29  }
0x21: {  	s25 =	sadd.s32 s9, s7;
	[smem:$0x7DC] =	sst s31  }
0x22: {  	s6 =	sadd.s32 s30, s11;
	[smem:$0x7E0] =	sst s25  }
0x23: {  	s30 =	sadd.s32 s9, s26;
	[dreg:$0x1a] =	wrdreg s6  }
0x24: {  	s1 =	sadd.s32 $0xCE00, s2;
	s31 =	sadd.s32 s0, s9;
	[smem:$0x7DB] =	sst s30  }
0x25: {  	s25 =	sadd.s32 s1, s9;
	[smem:$0x7E5] =	sst s31  }
0x26: {  	s8 =	sshll.u32 s5, $0x4;
	[smem:$0x7EA] =	sst s25  }
0x27: {  	s6 =	sadd.s32 s23, s11;
	[dreg:$0x1f] =	wrdreg s8  }
0x28: {  	s5 =	sadd.s32 s8, s26;
	[dreg:$0x1c] =	wrdreg s6  }
0x29: {  	p0 =	sne.s32 s3, $0x0;
	s23 =	sadd.s32 s21, s7;
	[smem:$0x7DD] =	sst s5  }
0x2a: {  	s3 =	sadd.s32 $0x34000, s2;
	s30 =	sadd.s32 s0, s21;
	[smem:$0x7DF] =	sst s23  }
0x2b: {  	s31 =	sadd.s32 s3, s9;
	[smem:$0x7E4] =	sst s30  }
0x2c: {  	s25 =	sadd.s32 s4, s20;
	[smem:$0x7EF] =	sst s31  }
0x2d: {  	s23 =	sadd.s32 s1, s21;
	[smem:$0x7F7] =	sst s25  }
0x2e: {  	s30 =	sadd.s32 s3, s21;
	[smem:$0x7E9] =	sst s23  }
0x2f: {  	s2 =	sadd.s32 $0x34002, s2;
	s5 =	sadd.s32 s3, s8;
	[smem:$0x7EE] =	sst s30  }
0x30: {  	s31 =	sadd.s32 s8, s2;
	[smem:$0x7F1] =	sst s5  }
0x31: {  	s6 =	smul.u32 $0x2710, s17;
	s23 =	sadd.s32 s16, s4;
	[smem:$0x7FC] =	sst s31  }
0x32: {  	s30 =	sadd.s32 s10, s2;
	[smem:$0x7F6] =	sst s23  }
0x33: {  	s28 =	sadd.s32 s6, s26;
	[smem:$0x7FB] =	sst s30  }
0x34: {  	s11 =	sadd.s32 s6, s7;
	[smem:$0x7D9] =	sst s28  }
0x35: {  	s26 =	sadd.s32 s10, s7;
	[smem:$0x7DE] =	sst s11  }
0x36: {  	s29 =	sadd.s32 s0, s6;
	[smem:$0x7E1] =	sst s26  }
0x37: {  	s28 =	sadd.s32 s8, s7;
	[smem:$0x7E3] =	sst s29  }
0x38: {  	s7 =	sadd.s32 s0, s10;
	[smem:$0x7E2] =	sst s28  }
0x39: {  	s0 =	sadd.s32 s0, s8;
	[smem:$0x7E6] =	sst s7  }
0x3a: {  	s11 =	sadd.s32 s1, s6;
	[smem:$0x7E7] =	sst s0  }
0x3b: {  	s26 =	sadd.s32 s1, s10;
	[smem:$0x7E8] =	sst s11  }
0x3c: {  	s29 =	sadd.s32 s3, s6;
	[smem:$0x7EB] =	sst s26  }
0x3d: {  	s28 =	sadd.s32 s1, s8;
	[smem:$0x7ED] =	sst s29  }
0x3e: {  	s1 =	sadd.s32 s3, s10;
	[smem:$0x7EC] =	sst s28  }
0x3f: {  	s7 =	sadd.s32 s4, s18;
	[smem:$0x7F0] =	sst s1  }
0x40: {  	s5 =	simm.s32 $0x4;
	s11 =	sadd.s32 s4, s19;
	[smem:$0x7F2] =	sst s7  }
0x41: {  	s18 =	sadd.s32 s15, s4;
	s19 =	smul.u32 $0x9C40, s17;
	[smem:$0x7F3] =	sst s11  }
.Ltmp0:
0x42: {  	s26 =	sadd.s32 s6, s2;
	[smem:$0x7F5] =	sst s18;
	(pc) =	sbr.rel .LBB2_1-.Ltmp0, $4  }
0x43: {  	s29 =	sadd.s32 s9, s2;
	s17 =	simm.s32 $0x7;
	[smem:$0x7F8] =	sst s26  }
0x44: {  	s28 =	sadd.s32 s21, s2;
	[smem:$0x7FA] =	sst s29;
	s0 =	sshrl.u32 s19, $0x2  }
0x45: {  	s4 =	simm.s32 $0x2;
	[smem:$0x7F9] =	sst s28;
	s15 =	sadd.s32 s0, s12  }
0x46: {  	s1 =	simm.s32 $0x5100;
	s0 =	simm.s32 $0x0;
	[smem:$0x7FD] =	sst s15  }
.LBB2_39:
0x47: {  	s10 =	sld [smem:$0x7F8]  }
0x48: {  	s8 =	sld [smem:$0x7F9]  }
0x49: {  	s14 =	sld [smem:$0x7FA]  }
0x4a: {  	s9 =	sld [smem:$0x7FB]  }
0x4b: {  	s6 =	sld [smem:$0x7FC]  }
0x4c: {  	s3 =	sld [smem:$0x7D8]  }
.LBB2_40:
0x4d: {  	s7 =	simm.s32 $0x5  }
0x4e: {  	_ =	swait.ge [sflag:s7], $0x800  }
0x4f: {  	[sflag:s7] =	ssyncset.done $0x0  }
0x50: {  	s21 =	simm.s32 $0x6;
	[sflag:s7] =	ssyncadd.s32 $0xFFFFF800  }
0x51: {  	_ =	swait.ge [sflag:s21], $0x800  }
0x52: {  	[sflag:s21] =	ssyncset.done $0x0  }
0x53: {  	[sflag:s21] =	ssyncadd.s32 $0xFFFFF800  }
0x54: {  	[bflag:$0x0] =	sbarrier.arrive $0xFFFF  }
0x55: {  	s15 =	sld [smem:$0x7FD];
	_ =	sdelay $0x2  }
0x56: {  	[tilespmem:s2], [sflag:$0x7] =	stream.linear.gather [spmem:s15], $0x7D0, $0x38;
	[tilespmem:$0x11A90] =	vst v63  }
0x57: {  	_ =	swait.ge [sflag:s17], $0x7D0  }
0x58: {  	[sflag:s17] =	ssyncset.done $0x0  }
0x59: {  	s25 =	simm.s32 $0x80;
	[sflag:s17] =	ssyncadd.s32 $0xFFFFF830  }
0x5a: {  	[hbm4b:s10+s0] =	stream.strided.scatter [tilespmem:s2], [sflag:$0x7], $0x7D0, s25, s0, $0x38;
	[tilespmem:$0x11A90] =	vst v63  }
0x5b: {  	_ =	swait.ge [sflag:s17], $0x7D0  }
0x5c: {  	[sflag:s17] =	ssyncset.done $0x0;
	s26 =	rddreg [dreg:$0x19]  }
0x5d: {  	s23 =	rddreg [dreg:$0x3]  }
0x5e: {  	[sflag:s17] =	ssyncadd.s32 $0xFFFFF830;
	s7 =	sadd.s32 s26, s23  }
0x5f: {  	[tilespmem:s2], [sflag:$0x7] =	stream.linear.gather [spmem:s7], $0x7D0, $0x38;
	[tilespmem:$0x11A90] =	vst v63  }
0x60: {  	_ =	swait.ge [sflag:s17], $0x7D0  }
0x61: {  	[sflag:s17] =	ssyncset.done $0x0  }
0x62: {  	[sflag:s17] =	ssyncadd.s32 $0xFFFFF830  }
0x63: {  	[hbm4b:s8+s0] =	stream.strided.scatter [tilespmem:s2], [sflag:$0x7], $0x7D0, s25, s0, $0x38;
	[tilespmem:$0x11A90] =	vst v63  }
0x64: {  	_ =	swait.ge [sflag:s17], $0x7D0  }
0x65: {  	[sflag:s17] =	ssyncset.done $0x0;
	s28 =	rddreg [dreg:$0x1b]  }
0x66: {  	s7 =	sadd.s32 s28, s23;
	[sflag:s17] =	ssyncadd.s32 $0xFFFFF830  }
0x67: {  	[tilespmem:s2], [sflag:$0x7] =	stream.linear.gather [spmem:s7], $0x7D0, $0x38;
	[tilespmem:$0x11A90] =	vst v63  }
0x68: {  	_ =	swait.ge [sflag:s17], $0x7D0  }
0x69: {  	[sflag:s17] =	ssyncset.done $0x0  }
0x6a: {  	[sflag:s17] =	ssyncadd.s32 $0xFFFFF830  }
0x6b: {  	[hbm4b:s14+s0] =	stream.strided.scatter [tilespmem:s2], [sflag:$0x7], $0x7D0, s25, s0, $0x38;
	[tilespmem:$0x11A90] =	vst v63  }
0x6c: {  	_ =	swait.ge [sflag:s17], $0x7D0  }
0x6d: {  	[sflag:s17] =	ssyncset.done $0x0;
	s29 =	rddreg [dreg:$0x1d]  }
0x6e: {  	s7 =	sadd.s32 s29, s23;
	[sflag:s17] =	ssyncadd.s32 $0xFFFFF830  }
0x6f: {  	[tilespmem:s2], [sflag:$0x7] =	stream.linear.gather [spmem:s7], $0x7D0, $0x38;
	[tilespmem:$0x11A90] =	vst v63  }
0x70: {  	_ =	swait.ge [sflag:s17], $0x7D0  }
0x71: {  	[sflag:s17] =	ssyncset.done $0x0  }
0x72: {  	[sflag:s17] =	ssyncadd.s32 $0xFFFFF830  }
0x73: {  	[hbm4b:s9+s0] =	stream.strided.scatter [tilespmem:s2], [sflag:$0x7], $0x7D0, s25, s0, $0x38;
	[tilespmem:$0x11A90] =	vst v63  }
0x74: {  	_ =	swait.ge [sflag:s17], $0x7D0  }
0x75: {  	[sflag:s17] =	ssyncset.done $0x0;
	s30 =	rddreg [dreg:$0x1f]  }
0x76: {  	s7 =	sadd.s32 s30, s23;
	[sflag:s17] =	ssyncadd.s32 $0xFFFFF830  }
0x77: {  	[tilespmem:s2], [sflag:$0x7] =	stream.linear.gather [spmem:s7], $0x7D0, $0x38;
	[tilespmem:$0x11A90] =	vst v63  }
0x78: {  	_ =	swait.ge [sflag:s17], $0x7D0  }
0x79: {  	[sflag:s17] =	ssyncset.done $0x0  }
0x7a: {  	[sflag:s17] =	ssyncadd.s32 $0xFFFFF830  }
0x7b: {  	[hbm4b:s6+s0] =	stream.strided.scatter [tilespmem:s2], [sflag:$0x7], $0x7D0, s25, s0, $0x38;
	[tilespmem:$0x11A90] =	vst v63  }
0x7c: {  	_ =	swait.ge [sflag:s17], $0x7D0  }
0x7d: {  	s0 =	sadd.s32 $0x1, s3;
	s31 =	rddreg [dreg:$0x16]  }
0x7e: {  	p1 =	sne.s32 s0, s31  }
.Ltmp1:
0x7f: {  	_ = 	snop;
	(pc) =	sbr.rel @!p1 .LBB2_41-.Ltmp1, $4  }
0x80: {  	[sflag:s17] =	ssyncset.done $0x0  }
0x81: {  	[sflag:s17] =	ssyncadd.s32 $0xFFFFF830  }
0x82: {  	[bflag:$0x0] =	sbarrier.arrive $0xFFFF  }
0x83: {  	s14 =	simm.s32 $0x0  }
.LBB2_1:
.Ltmp2:
0x84: {  	s7 =	rddreg [dreg:$0x9];
	(pc) =	sbr.rel @p0 .LBB2_21-.Ltmp2, $4  }
0x85: {  	[tilespmem:s1], [sflag:$0x7] =	stream.linear.gather [hbm4b:s7+s14], $0x640, $0x38;
	[tilespmem:$0x11A90] =	vst v63  }
0x86: {  	_ =	swait.ge [sflag:s17], $0x640  }
0x87: {  	[sflag:s17] =	ssyncset.done $0x0  }
0x88: {  	[smem:$0x7D8] =	sst s0;
	[sflag:s17] =	ssyncadd.s32 $0xFFFFF9C0  }
0x89: {  	s8 =	sshra.s32 s14, $0x2  }
0x8a: {  	s8 =	sadd.s32 s8, s24  }
0x8b: {  	[spmem:s8] =	stream.linear.scatter [tilespmem:s1], [sflag:$0x7], $0x640, $0x38;
	[tilespmem:$0x11A90] =	vst v63  }
0x8c: {  	s8 =	sadd.s32 $0x1900, s14;
	_ =	swait.ge [sflag:s17], $0x640  }
.LBB2_3:
0x8d: {  	s10 =	sshra.s32 s8, $0x2;
	[sflag:s17] =	ssyncset.done $0x0;
	p1 =	sne.s32 s8, $0x25800  }
.Ltmp3:
0x8e: {  	s10 =	sadd.s32 s10, s24;
	[sflag:s17] =	ssyncadd.s32 $0xFFFFF9C0;
	(pc) =	sbr.rel @p1 .LBB2_3-.Ltmp3, $3  }
0x8f: {  	[spmem:s10] =	stream.linear.scatter [tilespmem:s1], [sflag:$0x7], $0x640, $0x38;
	[tilespmem:$0x11A90] =	vst v63  }
0x90: {  	s8 =	sadd.s32 $0x1900, s8;
	_ =	sdelay $0x1  }
0x91: {  	_ =	swait.ge [sflag:s17], $0x640  }
0x92: {  	[sflag:s17] =	ssyncset.done $0x0  }
0x93: {  	[sflag:s17] =	ssyncadd.s32 $0xFFFFF9C0  }
0x94: {  	[bflag:$0x0] =	sbarrier.arrive $0xFFFF  }
0x95: {  	s10 =	simm.s32 $0x40;
	s25 =	simm.s32 $0x80;
	s7 =	rddreg [dreg:$0xc]  }
0x96: {  	[tilespmem:s14], [sflag:$0x1] =	stream.linear.gather [hbm4b:s7+s14], $0x80, $0x38;
	[tilespmem:$0x11A90] =	vst v63  }
0x97: {  	s28 =	simm.s32 $0x100;
	s8 =	simm.s32 $0x1;
	s23 =	rddreg [dreg:$0xf]  }
0x98: {  	[tilespmem:s28], [sflag:$0x3] =	stream.strided.gather [hbm4b:s23+s10], $0x2000, s25, s10, $0x38;
	[tilespmem:$0x11A90] =	vst v63  }
0x99: {  	_ =	swait.ge [sflag:s8], $0x80  }
0x9a: {  	[sflag:s8] =	ssyncset.done $0x0  }
0x9b: {  	s26 =	simm.s32 $0x3;
	[sflag:s8] =	ssyncadd.s32 $0xFFFFFF80  }
0x9c: {  	_ =	swait.ge [sflag:s26], $0x2000  }
0x9d: {  	[sflag:s26] =	ssyncset.done $0x0  }
0x9e: {  	[sflag:s26] =	ssyncadd.s32 $0xFFFFE000  }
0x9f: {  	s7 =	rddreg [dreg:$0x2]  }
0xa0: {  	[spmem:s7] =	stream.indirect.scatter.add.f32 [tilespmem:s28], [sflag:$0x5], $0x40, s14, s25, $0xb8;
	[tilespmem:$0x11A90] =	vst v63  }
.Ltmp4:
0xa1: {  	s29 =	rddreg [dreg:$0x17];
	(pc) =	sbr.rel .LBB2_5-.Ltmp4, $4  }
0xa2: {  	s30 =	sld [smem:$0x7F4]  }
0xa3: {  	[tilespmem:s25], [sflag:$0x2] =	stream.linear.gather [hbm4b:s29+s14], $0x80, $0x38;
	[tilespmem:$0x11A90] =	vst v63  }
0xa4: {  	s31 =	simm.s32 $0x2100  }
0xa5: {  	[tilespmem:s31], [sflag:$0x4] =	stream.strided.gather [hbm4b:s30+s10], $0x2000, s25, s10, $0x38;
	[tilespmem:$0x11A90] =	vst v63  }
.LBB2_7:
0xa6: {  	p1 =	sne.s32 s10, s2  }
.Ltmp5:
0xa7: {  	_ = 	snop;
	(pc) =	sbr.rel @!p1 .LBB2_8-.Ltmp5, $2  }
0xa8: {  	_ =	sdelay $0x2  }
0xa9: {  	s8 =	smov.u32 s10  }
.LBB2_5:
0xaa: {  	s14 =	sand.u32 $0x1, s8  }
0xab: {  	p1 =	seq.s32 s14, $0x1  }
0xac: {  	s10 =	simm.s32 @!p1 $0x1  }
0xad: {  	_ =	swait.ge @!p1 [sflag:s10], $0x80  }
0xae: {  	[sflag:s10] =	ssyncset.done @!p1 $0x0  }
0xaf: {  	[sflag:s10] =	ssyncadd.s32 @!p1 $0xFFFFFF80;
	s10 =	simm.s32 @!p1 $0x3  }
0xb0: {  	_ =	swait.ge @!p1 [sflag:s10], $0x2000  }
0xb1: {  	[sflag:s10] =	ssyncset.done @!p1 $0x0  }
0xb2: {  	s31 =	simm.s32 @!p1 $0x0;
	[sflag:s10] =	ssyncadd.s32 @!p1 $0xFFFFE000  }
0xb3: {  	s7 =	simm.s32 @!p1 $0x100;
	s10 =	simm.s32 @!p1 $0x80;
	s25 =	rddreg [dreg:$0x2]  }
0xb4: {  	[spmem:s25] =	stream.indirect.scatter.add.f32 @!p1 [tilespmem:s7], [sflag:$0x5], $0x40, s31, s10, $0xb8;
	[tilespmem:$0x11A90] =	vst v63  }
0xb5: {  	s10 =	sor.u32 @!p1 $0x1, s8;
	s7 =	rddreg [dreg:$0xa]  }
0xb6: {  	p2 =	sge.u32 @!p1 s10, s7  }
0xb7: {  	p2 =	por p2, p1  }
0xb8: {  	s7 =	simm.s32 @!p2 $0x6  }
0xb9: {  	_ =	swait.ge @!p2 [sflag:s7], $0x2000  }
0xba: {  	s31 =	sshll.u32 @!p2 s10, $0xB;
	s25 =	rddreg [dreg:$0xe]  }
0xbb: {  	[sflag:s7] =	ssyncset.done @!p2 $0x0;
	s31 =	sor.u32 @!p2 s25, s31  }
0xbc: {  	[sflag:s7] =	ssyncadd.s32 @!p2 $0xFFFFE000;
	s25 =	rddreg [dreg:$0x8];
	s7 =	sshrl.u32 @!p2 s31, $0x3  }
0xbd: {  	s28 =	simm.s32 @!p2 $0x80;
	s7 =	sadd.s32 @!p2 s25, s7;
	s25 =	simm.s32 @!p2 $0x0  }
0xbe: {  	[tilespmem:s28], [sflag:$0x2] =	stream.linear.gather @!p2 [hbm4b:s7+s25], $0x80, $0x38;
	[tilespmem:$0x11A90] =	vst v63  }
0xbf: {  	s7 =	sshll.u32 @!p2 s31, $0x4;
	s25 =	rddreg [dreg:$0x5]  }
0xc0: {  	s31 =	simm.s32 @!p2 $0x2100;
	s7 =	sadd.s32 @!p2 s25, s7;
	s25 =	simm.s32 @!p2 $0x40  }
0xc1: {  	[tilespmem:s31], [sflag:$0x4] =	stream.strided.gather @!p2 [hbm4b:s7+s25], $0x2000, s28, s25, $0x38;
	[tilespmem:$0x11A90] =	vst v63  }
0xc2: {  	p2 =	seq.s32 @!p1 s14, $0x0  }
0xc3: {  	p1 =	por p1, !p2  }
.Ltmp6:
0xc4: {  	_ = 	snop;
	(pc) =	sbr.rel @!p1 .LBB2_7-.Ltmp6, $2  }
0xc5: {  	_ =	sdelay $0x2  }
0xc6: {  	s2 =	rddreg [dreg:$0xa]  }
0xc7: {  	_ =	swait.ge [sflag:s4], $0x80  }
0xc8: {  	[sflag:s4] =	ssyncset.done $0x0  }
0xc9: {  	[sflag:s4] =	ssyncadd.s32 $0xFFFFFF80  }
0xca: {  	_ =	swait.ge [sflag:s5], $0x2000  }
0xcb: {  	[sflag:s5] =	ssyncset.done $0x0  }
0xcc: {  	[sflag:s5] =	ssyncadd.s32 $0xFFFFE000  }
0xcd: {  	s10 =	simm.s32 $0x80;
	s14 =	simm.s32 $0x2100;
	s7 =	rddreg [dreg:$0x2]  }
0xce: {  	[spmem:s7] =	stream.indirect.scatter.add.f32 [tilespmem:s14], [sflag:$0x6], $0x40, s10, s10, $0xb8;
	[tilespmem:$0x11A90] =	vst v63  }
0xcf: {  	s10 =	sadd.s32 $0x1, s8  }
0xd0: {  	p1 =	sge.u32 s10, s2  }
0xd1: {  	s7 =	simm.s32 @!p1 $0x5  }
0xd2: {  	_ =	swait.ge @!p1 [sflag:s7], $0x2000  }
0xd3: {  	s8 =	sshll.u32 @!p1 s10, $0xB;
	s14 =	rddreg [dreg:$0xe]  }
0xd4: {  	[sflag:s7] =	ssyncset.done @!p1 $0x0;
	s8 =	sor.u32 @!p1 s14, s8  }
0xd5: {  	[sflag:s7] =	ssyncadd.s32 @!p1 $0xFFFFE000;
	s7 =	rddreg [dreg:$0x8];
	s14 =	sshrl.u32 @!p1 s8, $0x3  }
.Ltmp7:
0xd6: {  	s7 =	sadd.s32 @!p1 s7, s14;
	s14 =	simm.s32 @!p1 $0x0;
	(pc) =	sbr.rel .LBB2_7-.Ltmp7, $4  }
0xd7: {  	[tilespmem:s14], [sflag:$0x1] =	stream.linear.gather @!p1 [hbm4b:s7+s14], $0x80, $0x38;
	[tilespmem:$0x11A90] =	vst v63  }
0xd8: {  	s25 =	simm.s32 @!p1 $0x100;
	s7 =	sshll.u32 @!p1 s8, $0x4;
	s8 =	rddreg [dreg:$0x5]  }
0xd9: {  	s14 =	simm.s32 @!p1 $0x80;
	s7 =	sadd.s32 @!p1 s8, s7;
	s8 =	simm.s32 @!p1 $0x40  }
0xda: {  	[tilespmem:s25], [sflag:$0x3] =	stream.strided.gather @!p1 [hbm4b:s7+s8], $0x2000, s14, s8, $0x38;
	[tilespmem:$0x11A90] =	vst v63  }
.LBB2_21:
0xdb: {  	s7 =	sshra.s32 s14, $0x2  }
0xdc: {  	s7 =	sadd.s32 s7, s24  }
0xdd: {  	[spmem:s7] =	stream.linear.scatter [tilespmem:s1], [sflag:$0x7], $0x640, $0x38;
	[tilespmem:$0x11A90] =	vst v63  }
0xde: {  	s8 =	sadd.s32 $0x1900, s14;
	_ =	swait.ge [sflag:s17], $0x640  }
.LBB2_22:
0xdf: {  	s7 =	sshra.s32 s8, $0x2;
	[sflag:s17] =	ssyncset.done $0x0;
	p1 =	sne.s32 s8, $0x25800  }
.Ltmp8:
0xe0: {  	s7 =	sadd.s32 s7, s24;
	[sflag:s17] =	ssyncadd.s32 $0xFFFFF9C0;
	(pc) =	sbr.rel @p1 .LBB2_22-.Ltmp8, $3  }
0xe1: {  	[spmem:s7] =	stream.linear.scatter [tilespmem:s1], [sflag:$0x7], $0x640, $0x38;
	[tilespmem:$0x11A90] =	vst v63  }
0xe2: {  	s8 =	sadd.s32 $0x1900, s8;
	_ =	sdelay $0x1  }
0xe3: {  	_ =	swait.ge [sflag:s17], $0x640  }
0xe4: {  	[sflag:s17] =	ssyncset.done $0x0  }
0xe5: {  	[sflag:s17] =	ssyncadd.s32 $0xFFFFF9C0  }
0xe6: {  	[bflag:$0x0] =	sbarrier.arrive $0xFFFF  }
0xe7: {  	s10 =	simm.s32 $0x40;
	s25 =	simm.s32 $0x80;
	s7 =	rddreg [dreg:$0xc]  }
0xe8: {  	[tilespmem:s14], [sflag:$0x1] =	stream.linear.gather [hbm4b:s7+s14], $0x80, $0x38;
	[tilespmem:$0x11A90] =	vst v63  }
0xe9: {  	s28 =	simm.s32 $0x100;
	s8 =	simm.s32 $0x1;
	s23 =	rddreg [dreg:$0xd]  }
0xea: {  	[tilespmem:s28], [sflag:$0x3] =	stream.strided.gather [hbm4b:s23+s10], $0x2000, s25, s10, $0x38;
	[tilespmem:$0x11A90] =	vst v63  }
0xeb: {  	_ =	swait.ge [sflag:s8], $0x80  }
0xec: {  	[sflag:s8] =	ssyncset.done $0x0  }
0xed: {  	s26 =	simm.s32 $0x3;
	[sflag:s8] =	ssyncadd.s32 $0xFFFFFF80  }
0xee: {  	_ =	swait.ge [sflag:s26], $0x2000  }
0xef: {  	[sflag:s26] =	ssyncset.done $0x0  }
0xf0: {  	[sflag:s26] =	ssyncadd.s32 $0xFFFFE000  }
0xf1: {  	s7 =	rddreg [dreg:$0x2]  }
0xf2: {  	[spmem:s7] =	stream.indirect.scatter.add.f32 [tilespmem:s28], [sflag:$0x5], $0x40, s14, s25, $0xb8;
	[tilespmem:$0x11A90] =	vst v63  }
.Ltmp9:
0xf3: {  	s29 =	rddreg [dreg:$0x17];
	(pc) =	sbr.rel .LBB2_24-.Ltmp9, $4  }
0xf4: {  	s30 =	sld [smem:$0x7F2]  }
0xf5: {  	[tilespmem:s25], [sflag:$0x2] =	stream.linear.gather [hbm4b:s29+s14], $0x80, $0x38;
	[tilespmem:$0x11A90] =	vst v63  }
0xf6: {  	s31 =	simm.s32 $0x2100  }
0xf7: {  	[tilespmem:s31], [sflag:$0x4] =	stream.strided.gather [hbm4b:s30+s10], $0x2000, s25, s10, $0x38;
	[tilespmem:$0x11A90] =	vst v63  }
.LBB2_26:
0xf8: {  	p1 =	seq.s32 s10, s22  }
.Ltmp10:
0xf9: {  	_ = 	snop;
	(pc) =	sbr.rel @p1 .LBB2_27-.Ltmp10, $2  }
0xfa: {  	_ =	sdelay $0x2  }
0xfb: {  	s8 =	smov.u32 s10  }
.LBB2_24:
0xfc: {  	s7 =	sand.u32 $0x1, s8  }
0xfd: {  	p1 =	seq.s32 s7, $0x1  }
0xfe: {  	s10 =	simm.s32 @!p1 $0x1  }
0xff: {  	_ =	swait.ge @!p1 [sflag:s10], $0x80  }
0x100: {  	[sflag:s10] =	ssyncset.done @!p1 $0x0  }
0x101: {  	[sflag:s10] =	ssyncadd.s32 @!p1 $0xFFFFFF80;
	s10 =	simm.s32 @!p1 $0x3  }
0x102: {  	_ =	swait.ge @!p1 [sflag:s10], $0x2000  }
0x103: {  	[sflag:s10] =	ssyncset.done @!p1 $0x0  }
0x104: {  	s14 =	simm.s32 @!p1 $0x0;
	[sflag:s10] =	ssyncadd.s32 @!p1 $0xFFFFE000  }
0x105: {  	s25 =	simm.s32 @!p1 $0x100;
	s10 =	simm.s32 @!p1 $0x80;
	s28 =	rddreg [dreg:$0x2]  }
0x106: {  	[spmem:s28] =	stream.indirect.scatter.add.f32 @!p1 [tilespmem:s25], [sflag:$0x5], $0x40, s14, s10, $0xb8;
	[tilespmem:$0x11A90] =	vst v63  }
0x107: {  	s10 =	sor.u32 @!p1 $0x1, s8  }
0x108: {  	p2 =	sge.u32 @!p1 s10, s22  }
0x109: {  	p2 =	por p2, p1  }
0x10a: {  	s14 =	simm.s32 @!p2 $0x6  }
0x10b: {  	_ =	swait.ge @!p2 [sflag:s14], $0x2000  }
0x10c: {  	s25 =	sshll.u32 @!p2 s10, $0xB;
	s28 =	rddreg [dreg:$0xe]  }
0x10d: {  	[sflag:s14] =	ssyncset.done @!p2 $0x0;
	s25 =	sor.u32 @!p2 s28, s25  }
0x10e: {  	[sflag:s14] =	ssyncadd.s32 @!p2 $0xFFFFE000;
	s28 =	rddreg [dreg:$0x8];
	s14 =	sshrl.u32 @!p2 s25, $0x3  }
0x10f: {  	s31 =	simm.s32 @!p2 $0x80;
	s14 =	sadd.s32 @!p2 s28, s14;
	s28 =	simm.s32 @!p2 $0x0  }
0x110: {  	[tilespmem:s31], [sflag:$0x2] =	stream.linear.gather @!p2 [hbm4b:s14+s28], $0x80, $0x38;
	[tilespmem:$0x11A90] =	vst v63  }
0x111: {  	s14 =	sshll.u32 @!p2 s25, $0x4;
	s25 =	rddreg [dreg:$0xb]  }
0x112: {  	s28 =	simm.s32 @!p2 $0x2100;
	s14 =	sadd.s32 @!p2 s14, s25;
	s25 =	simm.s32 @!p2 $0x40  }
0x113: {  	[tilespmem:s28], [sflag:$0x4] =	stream.strided.gather @!p2 [hbm4b:s14+s25], $0x2000, s31, s25, $0x38;
	[tilespmem:$0x11A90] =	vst v63  }
0x114: {  	p2 =	seq.s32 @!p1 s7, $0x0  }
0x115: {  	p1 =	por p1, !p2  }
.Ltmp11:
0x116: {  	_ = 	snop;
	(pc) =	sbr.rel @!p1 .LBB2_26-.Ltmp11, $2  }
0x117: {  	_ =	sdelay $0x2  }
0x118: {  	s22 =	rddreg [dreg:$0xa]  }
0x119: {  	_ =	swait.ge [sflag:s4], $0x80  }
0x11a: {  	[sflag:s4] =	ssyncset.done $0x0  }
0x11b: {  	[sflag:s4] =	ssyncadd.s32 $0xFFFFFF80  }
0x11c: {  	_ =	swait.ge [sflag:s5], $0x2000  }
0x11d: {  	[sflag:s5] =	ssyncset.done $0x0  }
0x11e: {  	[sflag:s5] =	ssyncadd.s32 $0xFFFFE000  }
0x11f: {  	s10 =	simm.s32 $0x80;
	s14 =	simm.s32 $0x2100;
	s7 =	rddreg [dreg:$0x2]  }
0x120: {  	[spmem:s7] =	stream.indirect.scatter.add.f32 [tilespmem:s14], [sflag:$0x6], $0x40, s10, s10, $0xb8;
	[tilespmem:$0x11A90] =	vst v63  }
0x121: {  	s10 =	sadd.s32 $0x1, s8  }
0x122: {  	p1 =	sge.u32 s10, s22  }
0x123: {  	s7 =	simm.s32 @!p1 $0x5  }
0x124: {  	_ =	swait.ge @!p1 [sflag:s7], $0x2000  }
0x125: {  	s8 =	sshll.u32 @!p1 s10, $0xB;
	s14 =	rddreg [dreg:$0xe]  }
0x126: {  	[sflag:s7] =	ssyncset.done @!p1 $0x0;
	s8 =	sor.u32 @!p1 s14, s8  }
0x127: {  	[sflag:s7] =	ssyncadd.s32 @!p1 $0xFFFFE000;
	s7 =	rddreg [dreg:$0x8];
	s14 =	sshrl.u32 @!p1 s8, $0x3  }
.Ltmp12:
0x128: {  	s7 =	sadd.s32 @!p1 s7, s14;
	s14 =	simm.s32 @!p1 $0x0;
	(pc) =	sbr.rel .LBB2_26-.Ltmp12, $4  }
0x129: {  	[tilespmem:s14], [sflag:$0x1] =	stream.linear.gather @!p1 [hbm4b:s7+s14], $0x80, $0x38;
	[tilespmem:$0x11A90] =	vst v63  }
0x12a: {  	s25 =	simm.s32 @!p1 $0x100;
	s7 =	sshll.u32 @!p1 s8, $0x4;
	s8 =	rddreg [dreg:$0xb]  }
0x12b: {  	s14 =	simm.s32 @!p1 $0x80;
	s7 =	sadd.s32 @!p1 s7, s8;
	s8 =	simm.s32 @!p1 $0x40  }
0x12c: {  	[tilespmem:s25], [sflag:$0x3] =	stream.strided.gather @!p1 [hbm4b:s7+s8], $0x2000, s14, s8, $0x38;
	[tilespmem:$0x11A90] =	vst v63  }
.LBB2_8:
0x12d: {  	s7 =	simm.s32 $0x5  }
0x12e: {  	_ =	swait.ge [sflag:s7], $0x2000  }
0x12f: {  	[sflag:s7] =	ssyncset.done $0x0  }
0x130: {  	s19 =	simm.s32 $0x6;
	[sflag:s7] =	ssyncadd.s32 $0xFFFFE000  }
0x131: {  	_ =	swait.ge [sflag:s19], $0x2000  }
0x132: {  	[sflag:s19] =	ssyncset.done $0x0  }
0x133: {  	[sflag:s19] =	ssyncadd.s32 $0xFFFFE000  }
0x134: {  	s14 =	simm.s32 $0x100;
	[bflag:$0x0] =	sbarrier.arrive $0xFFFF  }
0x135: {  	[tilespmem:s14], [sflag:$0x7] =	stream.linear.gather [spmem:s24], $0x1F40, $0x38;
	[tilespmem:$0x11A90] =	vst v63  }
0x136: {  	_ =	swait.ge [sflag:s17], $0x1F40  }
0x137: {  	s20 =	sld [smem:$0x7E3]  }
0x138: {  	[sflag:s17] =	ssyncset.done $0x0  }
0x139: {  	s8 =	simm.s32 $0x40;
	s10 =	simm.s32 $0x80;
	[sflag:s17] =	ssyncadd.s32 $0xFFFFE0C0  }
0x13a: {  	[hbm4b:s20+s8] =	stream.strided.scatter [tilespmem:s14], [sflag:$0x7], $0x1F40, s10, s8, $0x38;
	[tilespmem:$0x11A90] =	vst v63  }
0x13b: {  	_ =	swait.ge [sflag:s17], $0x1F40  }
0x13c: {  	[sflag:s17] =	ssyncset.done $0x0  }
0x13d: {  	s21 =	rddreg [dreg:$0x18];
	[sflag:s17] =	ssyncadd.s32 $0xFFFFE0C0  }
0x13e: {  	[tilespmem:s14], [sflag:$0x7] =	stream.linear.gather [spmem:s21], $0x1F40, $0x38;
	[tilespmem:$0x11A90] =	vst v63  }
0x13f: {  	_ =	swait.ge [sflag:s17], $0x1F40  }
0x140: {  	s22 =	sld [smem:$0x7E4]  }
0x141: {  	[sflag:s17] =	ssyncset.done $0x0  }
0x142: {  	[sflag:s17] =	ssyncadd.s32 $0xFFFFE0C0  }
0x143: {  	[hbm4b:s22+s8] =	stream.strided.scatter [tilespmem:s14], [sflag:$0x7], $0x1F40, s10, s8, $0x38;
	[tilespmem:$0x11A90] =	vst v63  }
0x144: {  	_ =	swait.ge [sflag:s17], $0x1F40  }
0x145: {  	[sflag:s17] =	ssyncset.done $0x0  }
0x146: {  	s23 =	rddreg [dreg:$0x1a];
	[sflag:s17] =	ssyncadd.s32 $0xFFFFE0C0  }
0x147: {  	[tilespmem:s14], [sflag:$0x7] =	stream.linear.gather [spmem:s23], $0x1F40, $0x38;
	[tilespmem:$0x11A90] =	vst v63  }
0x148: {  	_ =	swait.ge [sflag:s17], $0x1F40  }
0x149: {  	s25 =	sld [smem:$0x7E5]  }
0x14a: {  	[sflag:s17] =	ssyncset.done $0x0  }
0x14b: {  	[sflag:s17] =	ssyncadd.s32 $0xFFFFE0C0  }
0x14c: {  	[hbm4b:s25+s8] =	stream.strided.scatter [tilespmem:s14], [sflag:$0x7], $0x1F40, s10, s8, $0x38;
	[tilespmem:$0x11A90] =	vst v63  }
0x14d: {  	_ =	swait.ge [sflag:s17], $0x1F40  }
0x14e: {  	[sflag:s17] =	ssyncset.done $0x0  }
0x14f: {  	s26 =	rddreg [dreg:$0x1c];
	[sflag:s17] =	ssyncadd.s32 $0xFFFFE0C0  }
0x150: {  	[tilespmem:s14], [sflag:$0x7] =	stream.linear.gather [spmem:s26], $0x1F40, $0x38;
	[tilespmem:$0x11A90] =	vst v63  }
0x151: {  	_ =	swait.ge [sflag:s17], $0x1F40  }
0x152: {  	s28 =	sld [smem:$0x7E6]  }
0x153: {  	[sflag:s17] =	ssyncset.done $0x0  }
0x154: {  	[sflag:s17] =	ssyncadd.s32 $0xFFFFE0C0  }
0x155: {  	[hbm4b:s28+s8] =	stream.strided.scatter [tilespmem:s14], [sflag:$0x7], $0x1F40, s10, s8, $0x38;
	[tilespmem:$0x11A90] =	vst v63  }
0x156: {  	_ =	swait.ge [sflag:s17], $0x1F40  }
0x157: {  	[sflag:s17] =	ssyncset.done $0x0  }
0x158: {  	s29 =	rddreg [dreg:$0x1e];
	[sflag:s17] =	ssyncadd.s32 $0xFFFFE0C0  }
0x159: {  	[tilespmem:s14], [sflag:$0x7] =	stream.linear.gather [spmem:s29], $0x1F40, $0x38;
	[tilespmem:$0x11A90] =	vst v63  }
0x15a: {  	_ =	swait.ge [sflag:s17], $0x1F40  }
0x15b: {  	s30 =	sld [smem:$0x7E7]  }
0x15c: {  	[sflag:s17] =	ssyncset.done $0x0  }
0x15d: {  	[sflag:s17] =	ssyncadd.s32 $0xFFFFE0C0  }
0x15e: {  	[hbm4b:s30+s8] =	stream.strided.scatter [tilespmem:s14], [sflag:$0x7], $0x1F40, s10, s8, $0x38;
	[tilespmem:$0x11A90] =	vst v63  }
0x15f: {  	_ =	swait.ge [sflag:s17], $0x1F40  }
0x160: {  	[sflag:s17] =	ssyncset.done $0x0  }
0x161: {  	[sflag:s17] =	ssyncadd.s32 $0xFFFFE0C0  }
0x162: {  	s31 =	sadd.s32 $0x0, s24;
	[bflag:$0x0] =	sbarrier.arrive $0xFFFF  }
0x163: {  	[spmem:s31] =	stream.linear.scatter [tilespmem:s1], [sflag:$0x7], $0x640, $0x38;
	[tilespmem:$0x11A90] =	vst v63  }
0x164: {  	s8 =	simm.s32 $0x1900;
	s10 =	simm.s32 $0x0;
	_ =	swait.ge [sflag:s17], $0x640  }
.LBB2_9:
0x165: {  	s7 =	sshra.s32 s8, $0x2;
	[sflag:s17] =	ssyncset.done $0x0;
	p1 =	sne.s32 s8, $0x25800  }
.Ltmp13:
0x166: {  	s7 =	sadd.s32 s7, s24;
	[sflag:s17] =	ssyncadd.s32 $0xFFFFF9C0;
	(pc) =	sbr.rel @p1 .LBB2_9-.Ltmp13, $3  }
0x167: {  	[spmem:s7] =	stream.linear.scatter [tilespmem:s1], [sflag:$0x7], $0x640, $0x38;
	[tilespmem:$0x11A90] =	vst v63  }
0x168: {  	s8 =	sadd.s32 $0x1900, s8;
	_ =	sdelay $0x1  }
0x169: {  	_ =	swait.ge [sflag:s17], $0x640  }
0x16a: {  	[sflag:s17] =	ssyncset.done $0x0  }
0x16b: {  	[sflag:s17] =	ssyncadd.s32 $0xFFFFF9C0  }
0x16c: {  	[bflag:$0x0] =	sbarrier.arrive $0xFFFF  }
0x16d: {  	s14 =	simm.s32 $0x40;
	s25 =	simm.s32 $0x80;
	s7 =	rddreg [dreg:$0xc]  }
0x16e: {  	[tilespmem:s10], [sflag:$0x1] =	stream.linear.gather [hbm4b:s7+s10], $0x80, $0x38;
	[tilespmem:$0x11A90] =	vst v63  }
0x16f: {  	s28 =	simm.s32 $0x100;
	s8 =	simm.s32 $0x1;
	s23 =	rddreg [dreg:$0x11]  }
0x170: {  	[tilespmem:s28], [sflag:$0x3] =	stream.strided.gather [hbm4b:s23+s14], $0x2000, s25, s14, $0x38;
	[tilespmem:$0x11A90] =	vst v63  }
0x171: {  	_ =	swait.ge [sflag:s8], $0x80  }
0x172: {  	[sflag:s8] =	ssyncset.done $0x0  }
0x173: {  	s26 =	simm.s32 $0x3;
	[sflag:s8] =	ssyncadd.s32 $0xFFFFFF80  }
0x174: {  	_ =	swait.ge [sflag:s26], $0x2000  }
0x175: {  	[sflag:s26] =	ssyncset.done $0x0  }
0x176: {  	[sflag:s26] =	ssyncadd.s32 $0xFFFFE000  }
0x177: {  	s7 =	rddreg [dreg:$0x2]  }
0x178: {  	[spmem:s7] =	stream.indirect.scatter.add.f32 [tilespmem:s28], [sflag:$0x5], $0x40, s10, s25, $0xb8;
	[tilespmem:$0x11A90] =	vst v63  }
.Ltmp14:
0x179: {  	s29 =	rddreg [dreg:$0x17];
	(pc) =	sbr.rel .LBB2_11-.Ltmp14, $4  }
0x17a: {  	s30 =	sld [smem:$0x7F5]  }
0x17b: {  	[tilespmem:s25], [sflag:$0x2] =	stream.linear.gather [hbm4b:s29+s10], $0x80, $0x38;
	[tilespmem:$0x11A90] =	vst v63  }
0x17c: {  	s31 =	simm.s32 $0x2100  }
0x17d: {  	[tilespmem:s31], [sflag:$0x4] =	stream.strided.gather [hbm4b:s30+s14], $0x2000, s25, s14, $0x38;
	[tilespmem:$0x11A90] =	vst v63  }
.LBB2_13:
0x17e: {  	p1 =	seq.s32 s10, s2  }
.Ltmp15:
0x17f: {  	_ = 	snop;
	(pc) =	sbr.rel @p1 .LBB2_14-.Ltmp15, $2  }
0x180: {  	_ =	sdelay $0x2  }
0x181: {  	s8 =	smov.u32 s10  }
.LBB2_11:
0x182: {  	s7 =	sand.u32 $0x1, s8  }
0x183: {  	p1 =	seq.s32 s7, $0x1  }
0x184: {  	s10 =	simm.s32 @!p1 $0x1  }
0x185: {  	_ =	swait.ge @!p1 [sflag:s10], $0x80  }
0x186: {  	[sflag:s10] =	ssyncset.done @!p1 $0x0  }
0x187: {  	[sflag:s10] =	ssyncadd.s32 @!p1 $0xFFFFFF80;
	s10 =	simm.s32 @!p1 $0x3  }
0x188: {  	_ =	swait.ge @!p1 [sflag:s10], $0x2000  }
0x189: {  	[sflag:s10] =	ssyncset.done @!p1 $0x0  }
0x18a: {  	s14 =	simm.s32 @!p1 $0x0;
	[sflag:s10] =	ssyncadd.s32 @!p1 $0xFFFFE000  }
0x18b: {  	s25 =	simm.s32 @!p1 $0x100;
	s10 =	simm.s32 @!p1 $0x80;
	s28 =	rddreg [dreg:$0x2]  }
0x18c: {  	[spmem:s28] =	stream.indirect.scatter.add.f32 @!p1 [tilespmem:s25], [sflag:$0x5], $0x40, s14, s10, $0xb8;
	[tilespmem:$0x11A90] =	vst v63  }
0x18d: {  	s10 =	sor.u32 @!p1 $0x1, s8  }
0x18e: {  	p2 =	sge.u32 @!p1 s10, s2  }
0x18f: {  	p2 =	por p2, p1  }
0x190: {  	s14 =	simm.s32 @!p2 $0x6  }
0x191: {  	_ =	swait.ge @!p2 [sflag:s14], $0x2000  }
0x192: {  	s25 =	sshll.u32 @!p2 s10, $0xB;
	s28 =	rddreg [dreg:$0xe]  }
0x193: {  	[sflag:s14] =	ssyncset.done @!p2 $0x0;
	s25 =	sor.u32 @!p2 s28, s25  }
0x194: {  	[sflag:s14] =	ssyncadd.s32 @!p2 $0xFFFFE000;
	s28 =	rddreg [dreg:$0x8];
	s14 =	sshrl.u32 @!p2 s25, $0x3  }
0x195: {  	s31 =	simm.s32 @!p2 $0x80;
	s14 =	sadd.s32 @!p2 s28, s14;
	s28 =	simm.s32 @!p2 $0x0  }
0x196: {  	[tilespmem:s31], [sflag:$0x2] =	stream.linear.gather @!p2 [hbm4b:s14+s28], $0x80, $0x38;
	[tilespmem:$0x11A90] =	vst v63  }
0x197: {  	s14 =	sshll.u32 @!p2 s25, $0x4;
	s25 =	rddreg [dreg:$0x6]  }
0x198: {  	s28 =	simm.s32 @!p2 $0x2100;
	s14 =	sadd.s32 @!p2 s25, s14;
	s25 =	simm.s32 @!p2 $0x40  }
0x199: {  	[tilespmem:s28], [sflag:$0x4] =	stream.strided.gather @!p2 [hbm4b:s14+s25], $0x2000, s31, s25, $0x38;
	[tilespmem:$0x11A90] =	vst v63  }
0x19a: {  	p2 =	seq.s32 @!p1 s7, $0x0  }
0x19b: {  	p1 =	por p1, !p2  }
.Ltmp16:
0x19c: {  	_ = 	snop;
	(pc) =	sbr.rel @!p1 .LBB2_13-.Ltmp16, $2  }
0x19d: {  	_ =	sdelay $0x2  }
0x19e: {  	s2 =	rddreg [dreg:$0xa]  }
0x19f: {  	_ =	swait.ge [sflag:s4], $0x80  }
0x1a0: {  	[sflag:s4] =	ssyncset.done $0x0  }
0x1a1: {  	[sflag:s4] =	ssyncadd.s32 $0xFFFFFF80  }
0x1a2: {  	_ =	swait.ge [sflag:s5], $0x2000  }
0x1a3: {  	[sflag:s5] =	ssyncset.done $0x0  }
0x1a4: {  	[sflag:s5] =	ssyncadd.s32 $0xFFFFE000  }
0x1a5: {  	s10 =	simm.s32 $0x80;
	s14 =	simm.s32 $0x2100;
	s7 =	rddreg [dreg:$0x2]  }
0x1a6: {  	[spmem:s7] =	stream.indirect.scatter.add.f32 [tilespmem:s14], [sflag:$0x6], $0x40, s10, s10, $0xb8;
	[tilespmem:$0x11A90] =	vst v63  }
0x1a7: {  	s10 =	sadd.s32 $0x1, s8  }
0x1a8: {  	p1 =	sge.u32 s10, s2  }
0x1a9: {  	s7 =	simm.s32 @!p1 $0x5  }
0x1aa: {  	_ =	swait.ge @!p1 [sflag:s7], $0x2000  }
0x1ab: {  	s8 =	sshll.u32 @!p1 s10, $0xB;
	s14 =	rddreg [dreg:$0xe]  }
0x1ac: {  	[sflag:s7] =	ssyncset.done @!p1 $0x0;
	s8 =	sor.u32 @!p1 s14, s8  }
0x1ad: {  	[sflag:s7] =	ssyncadd.s32 @!p1 $0xFFFFE000;
	s7 =	rddreg [dreg:$0x8];
	s14 =	sshrl.u32 @!p1 s8, $0x3  }
.Ltmp17:
0x1ae: {  	s7 =	sadd.s32 @!p1 s7, s14;
	s14 =	simm.s32 @!p1 $0x0;
	(pc) =	sbr.rel .LBB2_13-.Ltmp17, $4  }
0x1af: {  	[tilespmem:s14], [sflag:$0x1] =	stream.linear.gather @!p1 [hbm4b:s7+s14], $0x80, $0x38;
	[tilespmem:$0x11A90] =	vst v63  }
0x1b0: {  	s25 =	simm.s32 @!p1 $0x100;
	s7 =	sshll.u32 @!p1 s8, $0x4;
	s8 =	rddreg [dreg:$0x6]  }
0x1b1: {  	s14 =	simm.s32 @!p1 $0x80;
	s7 =	sadd.s32 @!p1 s8, s7;
	s8 =	simm.s32 @!p1 $0x40  }
0x1b2: {  	[tilespmem:s25], [sflag:$0x3] =	stream.strided.gather @!p1 [hbm4b:s7+s8], $0x2000, s14, s8, $0x38;
	[tilespmem:$0x11A90] =	vst v63  }
.LBB2_27:
0x1b3: {  	s7 =	simm.s32 $0x5  }
0x1b4: {  	_ =	swait.ge [sflag:s7], $0x2000  }
0x1b5: {  	[sflag:s7] =	ssyncset.done $0x0  }
0x1b6: {  	s18 =	simm.s32 $0x6;
	[sflag:s7] =	ssyncadd.s32 $0xFFFFE000  }
0x1b7: {  	_ =	swait.ge [sflag:s18], $0x2000  }
0x1b8: {  	[sflag:s18] =	ssyncset.done $0x0  }
0x1b9: {  	[sflag:s18] =	ssyncadd.s32 $0xFFFFE000  }
0x1ba: {  	s14 =	simm.s32 $0x100;
	[bflag:$0x0] =	sbarrier.arrive $0xFFFF  }
0x1bb: {  	[tilespmem:s14], [sflag:$0x7] =	stream.linear.gather [spmem:s24], $0x1F40, $0x38;
	[tilespmem:$0x11A90] =	vst v63  }
0x1bc: {  	_ =	swait.ge [sflag:s17], $0x1F40  }
0x1bd: {  	s19 =	sld [smem:$0x7D9]  }
0x1be: {  	[sflag:s17] =	ssyncset.done $0x0  }
0x1bf: {  	s8 =	simm.s32 $0x40;
	s10 =	simm.s32 $0x80;
	[sflag:s17] =	ssyncadd.s32 $0xFFFFE0C0  }
0x1c0: {  	[hbm4b:s19+s8] =	stream.strided.scatter [tilespmem:s14], [sflag:$0x7], $0x1F40, s10, s8, $0x38;
	[tilespmem:$0x11A90] =	vst v63  }
0x1c1: {  	_ =	swait.ge [sflag:s17], $0x1F40  }
0x1c2: {  	[sflag:s17] =	ssyncset.done $0x0  }
0x1c3: {  	s20 =	rddreg [dreg:$0x18];
	[sflag:s17] =	ssyncadd.s32 $0xFFFFE0C0  }
0x1c4: {  	[tilespmem:s14], [sflag:$0x7] =	stream.linear.gather [spmem:s20], $0x1F40, $0x38;
	[tilespmem:$0x11A90] =	vst v63  }
0x1c5: {  	_ =	swait.ge [sflag:s17], $0x1F40  }
0x1c6: {  	s21 =	sld [smem:$0x7DA]  }
0x1c7: {  	[sflag:s17] =	ssyncset.done $0x0  }
0x1c8: {  	[sflag:s17] =	ssyncadd.s32 $0xFFFFE0C0  }
0x1c9: {  	[hbm4b:s21+s8] =	stream.strided.scatter [tilespmem:s14], [sflag:$0x7], $0x1F40, s10, s8, $0x38;
	[tilespmem:$0x11A90] =	vst v63  }
0x1ca: {  	_ =	swait.ge [sflag:s17], $0x1F40  }
0x1cb: {  	[sflag:s17] =	ssyncset.done $0x0  }
0x1cc: {  	s23 =	rddreg [dreg:$0x1a];
	[sflag:s17] =	ssyncadd.s32 $0xFFFFE0C0  }
0x1cd: {  	[tilespmem:s14], [sflag:$0x7] =	stream.linear.gather [spmem:s23], $0x1F40, $0x38;
	[tilespmem:$0x11A90] =	vst v63  }
0x1ce: {  	_ =	swait.ge [sflag:s17], $0x1F40  }
0x1cf: {  	s25 =	sld [smem:$0x7DB]  }
0x1d0: {  	[sflag:s17] =	ssyncset.done $0x0  }
0x1d1: {  	[sflag:s17] =	ssyncadd.s32 $0xFFFFE0C0  }
0x1d2: {  	[hbm4b:s25+s8] =	stream.strided.scatter [tilespmem:s14], [sflag:$0x7], $0x1F40, s10, s8, $0x38;
	[tilespmem:$0x11A90] =	vst v63  }
0x1d3: {  	_ =	swait.ge [sflag:s17], $0x1F40  }
0x1d4: {  	[sflag:s17] =	ssyncset.done $0x0  }
0x1d5: {  	s26 =	rddreg [dreg:$0x1c];
	[sflag:s17] =	ssyncadd.s32 $0xFFFFE0C0  }
0x1d6: {  	[tilespmem:s14], [sflag:$0x7] =	stream.linear.gather [spmem:s26], $0x1F40, $0x38;
	[tilespmem:$0x11A90] =	vst v63  }
0x1d7: {  	_ =	swait.ge [sflag:s17], $0x1F40  }
0x1d8: {  	s28 =	sld [smem:$0x7DC]  }
0x1d9: {  	[sflag:s17] =	ssyncset.done $0x0  }
0x1da: {  	[sflag:s17] =	ssyncadd.s32 $0xFFFFE0C0  }
0x1db: {  	[hbm4b:s28+s8] =	stream.strided.scatter [tilespmem:s14], [sflag:$0x7], $0x1F40, s10, s8, $0x38;
	[tilespmem:$0x11A90] =	vst v63  }
0x1dc: {  	_ =	swait.ge [sflag:s17], $0x1F40  }
0x1dd: {  	[sflag:s17] =	ssyncset.done $0x0  }
0x1de: {  	s29 =	rddreg [dreg:$0x1e];
	[sflag:s17] =	ssyncadd.s32 $0xFFFFE0C0  }
0x1df: {  	[tilespmem:s14], [sflag:$0x7] =	stream.linear.gather [spmem:s29], $0x1F40, $0x38;
	[tilespmem:$0x11A90] =	vst v63  }
0x1e0: {  	_ =	swait.ge [sflag:s17], $0x1F40  }
0x1e1: {  	s30 =	sld [smem:$0x7DD]  }
0x1e2: {  	[sflag:s17] =	ssyncset.done $0x0  }
0x1e3: {  	[sflag:s17] =	ssyncadd.s32 $0xFFFFE0C0  }
0x1e4: {  	[hbm4b:s30+s8] =	stream.strided.scatter [tilespmem:s14], [sflag:$0x7], $0x1F40, s10, s8, $0x38;
	[tilespmem:$0x11A90] =	vst v63  }
0x1e5: {  	_ =	swait.ge [sflag:s17], $0x1F40  }
0x1e6: {  	[sflag:s17] =	ssyncset.done $0x0  }
0x1e7: {  	[sflag:s17] =	ssyncadd.s32 $0xFFFFE0C0  }
0x1e8: {  	s31 =	sadd.s32 $0x0, s24;
	[bflag:$0x0] =	sbarrier.arrive $0xFFFF  }
0x1e9: {  	[spmem:s31] =	stream.linear.scatter [tilespmem:s1], [sflag:$0x7], $0x640, $0x38;
	[tilespmem:$0x11A90] =	vst v63  }
0x1ea: {  	s8 =	simm.s32 $0x1900;
	_ =	swait.ge [sflag:s17], $0x640  }
.LBB2_28:
0x1eb: {  	s7 =	sshra.s32 s8, $0x2;
	[sflag:s17] =	ssyncset.done $0x0;
	p1 =	sne.s32 s8, $0x25800  }
.Ltmp18:
0x1ec: {  	s7 =	sadd.s32 s7, s24;
	[sflag:s17] =	ssyncadd.s32 $0xFFFFF9C0;
	(pc) =	sbr.rel @p1 .LBB2_28-.Ltmp18, $3  }
0x1ed: {  	[spmem:s7] =	stream.linear.scatter [tilespmem:s1], [sflag:$0x7], $0x640, $0x38;
	[tilespmem:$0x11A90] =	vst v63  }
0x1ee: {  	s8 =	sadd.s32 $0x1900, s8;
	_ =	sdelay $0x1  }
0x1ef: {  	_ =	swait.ge [sflag:s17], $0x640  }
0x1f0: {  	[sflag:s17] =	ssyncset.done $0x0  }
0x1f1: {  	[sflag:s17] =	ssyncadd.s32 $0xFFFFF9C0  }
0x1f2: {  	s10 =	simm.s32 $0x0;
	[bflag:$0x0] =	sbarrier.arrive $0xFFFF  }
0x1f3: {  	s14 =	simm.s32 $0x40;
	s25 =	simm.s32 $0x80;
	s7 =	rddreg [dreg:$0xc]  }
0x1f4: {  	[tilespmem:s10], [sflag:$0x1] =	stream.linear.gather [hbm4b:s7+s10], $0x80, $0x38;
	[tilespmem:$0x11A90] =	vst v63  }
0x1f5: {  	s28 =	simm.s32 $0x100;
	s8 =	simm.s32 $0x1;
	s23 =	rddreg [dreg:$0x12]  }
0x1f6: {  	[tilespmem:s28], [sflag:$0x3] =	stream.strided.gather [hbm4b:s23+s14], $0x2000, s25, s14, $0x38;
	[tilespmem:$0x11A90] =	vst v63  }
0x1f7: {  	_ =	swait.ge [sflag:s8], $0x80  }
0x1f8: {  	[sflag:s8] =	ssyncset.done $0x0  }
0x1f9: {  	s26 =	simm.s32 $0x3;
	[sflag:s8] =	ssyncadd.s32 $0xFFFFFF80  }
0x1fa: {  	_ =	swait.ge [sflag:s26], $0x2000  }
0x1fb: {  	[sflag:s26] =	ssyncset.done $0x0  }
0x1fc: {  	[sflag:s26] =	ssyncadd.s32 $0xFFFFE000  }
0x1fd: {  	s7 =	rddreg [dreg:$0x2]  }
0x1fe: {  	[spmem:s7] =	stream.indirect.scatter.add.f32 [tilespmem:s28], [sflag:$0x5], $0x40, s10, s25, $0xb8;
	[tilespmem:$0x11A90] =	vst v63  }
.Ltmp19:
0x1ff: {  	s29 =	rddreg [dreg:$0x17];
	(pc) =	sbr.rel .LBB2_30-.Ltmp19, $4  }
0x200: {  	s30 =	sld [smem:$0x7F3]  }
0x201: {  	[tilespmem:s25], [sflag:$0x2] =	stream.linear.gather [hbm4b:s29+s10], $0x80, $0x38;
	[tilespmem:$0x11A90] =	vst v63  }
0x202: {  	s31 =	simm.s32 $0x2100  }
0x203: {  	[tilespmem:s31], [sflag:$0x4] =	stream.strided.gather [hbm4b:s30+s14], $0x2000, s25, s14, $0x38;
	[tilespmem:$0x11A90] =	vst v63  }
.LBB2_32:
0x204: {  	p1 =	sne.s32 s10, s22  }
.Ltmp20:
0x205: {  	_ = 	snop;
	(pc) =	sbr.rel @!p1 .LBB2_33-.Ltmp20, $2  }
0x206: {  	_ =	sdelay $0x2  }
0x207: {  	s8 =	smov.u32 s10  }
.LBB2_30:
0x208: {  	s7 =	sand.u32 $0x1, s8  }
0x209: {  	p1 =	seq.s32 s7, $0x1  }
0x20a: {  	s10 =	simm.s32 @!p1 $0x1  }
0x20b: {  	_ =	swait.ge @!p1 [sflag:s10], $0x80  }
0x20c: {  	[sflag:s10] =	ssyncset.done @!p1 $0x0  }
0x20d: {  	[sflag:s10] =	ssyncadd.s32 @!p1 $0xFFFFFF80;
	s10 =	simm.s32 @!p1 $0x3  }
0x20e: {  	_ =	swait.ge @!p1 [sflag:s10], $0x2000  }
0x20f: {  	[sflag:s10] =	ssyncset.done @!p1 $0x0  }
0x210: {  	s14 =	simm.s32 @!p1 $0x0;
	[sflag:s10] =	ssyncadd.s32 @!p1 $0xFFFFE000  }
0x211: {  	s25 =	simm.s32 @!p1 $0x100;
	s10 =	simm.s32 @!p1 $0x80;
	s28 =	rddreg [dreg:$0x2]  }
0x212: {  	[spmem:s28] =	stream.indirect.scatter.add.f32 @!p1 [tilespmem:s25], [sflag:$0x5], $0x40, s14, s10, $0xb8;
	[tilespmem:$0x11A90] =	vst v63  }
0x213: {  	s10 =	sor.u32 @!p1 $0x1, s8  }
0x214: {  	p2 =	sge.u32 @!p1 s10, s22  }
0x215: {  	p2 =	por p2, p1  }
0x216: {  	s14 =	simm.s32 @!p2 $0x6  }
0x217: {  	_ =	swait.ge @!p2 [sflag:s14], $0x2000  }
0x218: {  	s25 =	sshll.u32 @!p2 s10, $0xB;
	s28 =	rddreg [dreg:$0xe]  }
0x219: {  	[sflag:s14] =	ssyncset.done @!p2 $0x0;
	s25 =	sor.u32 @!p2 s28, s25  }
0x21a: {  	[sflag:s14] =	ssyncadd.s32 @!p2 $0xFFFFE000;
	s28 =	rddreg [dreg:$0x8];
	s14 =	sshrl.u32 @!p2 s25, $0x3  }
0x21b: {  	s31 =	simm.s32 @!p2 $0x80;
	s14 =	sadd.s32 @!p2 s28, s14;
	s28 =	simm.s32 @!p2 $0x0  }
0x21c: {  	[tilespmem:s31], [sflag:$0x2] =	stream.linear.gather @!p2 [hbm4b:s14+s28], $0x80, $0x38;
	[tilespmem:$0x11A90] =	vst v63  }
0x21d: {  	s14 =	sshll.u32 @!p2 s25, $0x4;
	s25 =	rddreg [dreg:$0x10]  }
0x21e: {  	s28 =	simm.s32 @!p2 $0x2100;
	s14 =	sadd.s32 @!p2 s14, s25;
	s25 =	simm.s32 @!p2 $0x40  }
0x21f: {  	[tilespmem:s28], [sflag:$0x4] =	stream.strided.gather @!p2 [hbm4b:s14+s25], $0x2000, s31, s25, $0x38;
	[tilespmem:$0x11A90] =	vst v63  }
0x220: {  	p2 =	seq.s32 @!p1 s7, $0x0  }
0x221: {  	p1 =	por p1, !p2  }
.Ltmp21:
0x222: {  	_ = 	snop;
	(pc) =	sbr.rel @!p1 .LBB2_32-.Ltmp21, $2  }
0x223: {  	_ =	sdelay $0x2  }
0x224: {  	s22 =	rddreg [dreg:$0xa]  }
0x225: {  	_ =	swait.ge [sflag:s4], $0x80  }
0x226: {  	[sflag:s4] =	ssyncset.done $0x0  }
0x227: {  	[sflag:s4] =	ssyncadd.s32 $0xFFFFFF80  }
0x228: {  	_ =	swait.ge [sflag:s5], $0x2000  }
0x229: {  	[sflag:s5] =	ssyncset.done $0x0  }
0x22a: {  	[sflag:s5] =	ssyncadd.s32 $0xFFFFE000  }
0x22b: {  	s10 =	simm.s32 $0x80;
	s14 =	simm.s32 $0x2100;
	s7 =	rddreg [dreg:$0x2]  }
0x22c: {  	[spmem:s7] =	stream.indirect.scatter.add.f32 [tilespmem:s14], [sflag:$0x6], $0x40, s10, s10, $0xb8;
	[tilespmem:$0x11A90] =	vst v63  }
0x22d: {  	s10 =	sadd.s32 $0x1, s8  }
0x22e: {  	p1 =	sge.u32 s10, s22  }
0x22f: {  	s7 =	simm.s32 @!p1 $0x5  }
0x230: {  	_ =	swait.ge @!p1 [sflag:s7], $0x2000  }
0x231: {  	s8 =	sshll.u32 @!p1 s10, $0xB;
	s14 =	rddreg [dreg:$0xe]  }
0x232: {  	[sflag:s7] =	ssyncset.done @!p1 $0x0;
	s8 =	sor.u32 @!p1 s14, s8  }
0x233: {  	[sflag:s7] =	ssyncadd.s32 @!p1 $0xFFFFE000;
	s7 =	rddreg [dreg:$0x8];
	s14 =	sshrl.u32 @!p1 s8, $0x3  }
.Ltmp22:
0x234: {  	s7 =	sadd.s32 @!p1 s7, s14;
	s14 =	simm.s32 @!p1 $0x0;
	(pc) =	sbr.rel .LBB2_32-.Ltmp22, $4  }
0x235: {  	[tilespmem:s14], [sflag:$0x1] =	stream.linear.gather @!p1 [hbm4b:s7+s14], $0x80, $0x38;
	[tilespmem:$0x11A90] =	vst v63  }
0x236: {  	s25 =	simm.s32 @!p1 $0x100;
	s7 =	sshll.u32 @!p1 s8, $0x4;
	s8 =	rddreg [dreg:$0x10]  }
0x237: {  	s14 =	simm.s32 @!p1 $0x80;
	s7 =	sadd.s32 @!p1 s7, s8;
	s8 =	simm.s32 @!p1 $0x40  }
0x238: {  	[tilespmem:s25], [sflag:$0x3] =	stream.strided.gather @!p1 [hbm4b:s7+s8], $0x2000, s14, s8, $0x38;
	[tilespmem:$0x11A90] =	vst v63  }
.LBB2_14:
0x239: {  	s7 =	simm.s32 $0x5  }
0x23a: {  	_ =	swait.ge [sflag:s7], $0x2000  }
0x23b: {  	[sflag:s7] =	ssyncset.done $0x0  }
0x23c: {  	s4 =	simm.s32 $0x6;
	[sflag:s7] =	ssyncadd.s32 $0xFFFFE000  }
0x23d: {  	_ =	swait.ge [sflag:s4], $0x2000  }
0x23e: {  	[sflag:s4] =	ssyncset.done $0x0  }
0x23f: {  	[sflag:s4] =	ssyncadd.s32 $0xFFFFE000  }
0x240: {  	s14 =	simm.s32 $0x100;
	[bflag:$0x0] =	sbarrier.arrive $0xFFFF  }
0x241: {  	[tilespmem:s14], [sflag:$0x7] =	stream.linear.gather [spmem:s24], $0x1F40, $0x38;
	[tilespmem:$0x11A90] =	vst v63  }
0x242: {  	_ =	swait.ge [sflag:s17], $0x1F40  }
0x243: {  	s5 =	sld [smem:$0x7E8]  }
0x244: {  	[sflag:s17] =	ssyncset.done $0x0  }
0x245: {  	s8 =	simm.s32 $0x40;
	s10 =	simm.s32 $0x80;
	[sflag:s17] =	ssyncadd.s32 $0xFFFFE0C0  }
0x246: {  	[hbm4b:s5+s8] =	stream.strided.scatter [tilespmem:s14], [sflag:$0x7], $0x1F40, s10, s8, $0x38;
	[tilespmem:$0x11A90] =	vst v63  }
0x247: {  	_ =	swait.ge [sflag:s17], $0x1F40  }
0x248: {  	[sflag:s17] =	ssyncset.done $0x0  }
0x249: {  	s6 =	rddreg [dreg:$0x18];
	[sflag:s17] =	ssyncadd.s32 $0xFFFFE0C0  }
0x24a: {  	[tilespmem:s14], [sflag:$0x7] =	stream.linear.gather [spmem:s6], $0x1F40, $0x38;
	[tilespmem:$0x11A90] =	vst v63  }
0x24b: {  	_ =	swait.ge [sflag:s17], $0x1F40  }
0x24c: {  	s9 =	sld [smem:$0x7E9]  }
0x24d: {  	[sflag:s17] =	ssyncset.done $0x0  }
0x24e: {  	[sflag:s17] =	ssyncadd.s32 $0xFFFFE0C0  }
0x24f: {  	[hbm4b:s9+s8] =	stream.strided.scatter [tilespmem:s14], [sflag:$0x7], $0x1F40, s10, s8, $0x38;
	[tilespmem:$0x11A90] =	vst v63  }
0x250: {  	_ =	swait.ge [sflag:s17], $0x1F40  }
0x251: {  	[sflag:s17] =	ssyncset.done $0x0  }
0x252: {  	s11 =	rddreg [dreg:$0x1a];
	[sflag:s17] =	ssyncadd.s32 $0xFFFFE0C0  }
0x253: {  	[tilespmem:s14], [sflag:$0x7] =	stream.linear.gather [spmem:s11], $0x1F40, $0x38;
	[tilespmem:$0x11A90] =	vst v63  }
0x254: {  	_ =	swait.ge [sflag:s17], $0x1F40  }
0x255: {  	s12 =	sld [smem:$0x7EA]  }
0x256: {  	[sflag:s17] =	ssyncset.done $0x0  }
0x257: {  	[sflag:s17] =	ssyncadd.s32 $0xFFFFE0C0  }
0x258: {  	[hbm4b:s12+s8] =	stream.strided.scatter [tilespmem:s14], [sflag:$0x7], $0x1F40, s10, s8, $0x38;
	[tilespmem:$0x11A90] =	vst v63  }
0x259: {  	_ =	swait.ge [sflag:s17], $0x1F40  }
0x25a: {  	[sflag:s17] =	ssyncset.done $0x0  }
0x25b: {  	s13 =	rddreg [dreg:$0x1c];
	[sflag:s17] =	ssyncadd.s32 $0xFFFFE0C0  }
0x25c: {  	[tilespmem:s14], [sflag:$0x7] =	stream.linear.gather [spmem:s13], $0x1F40, $0x38;
	[tilespmem:$0x11A90] =	vst v63  }
0x25d: {  	_ =	swait.ge [sflag:s17], $0x1F40  }
0x25e: {  	s16 =	sld [smem:$0x7EB]  }
0x25f: {  	[sflag:s17] =	ssyncset.done $0x0  }
0x260: {  	[sflag:s17] =	ssyncadd.s32 $0xFFFFE0C0  }
0x261: {  	[hbm4b:s16+s8] =	stream.strided.scatter [tilespmem:s14], [sflag:$0x7], $0x1F40, s10, s8, $0x38;
	[tilespmem:$0x11A90] =	vst v63  }
0x262: {  	_ =	swait.ge [sflag:s17], $0x1F40  }
0x263: {  	[sflag:s17] =	ssyncset.done $0x0  }
0x264: {  	s18 =	rddreg [dreg:$0x1e];
	[sflag:s17] =	ssyncadd.s32 $0xFFFFE0C0  }
0x265: {  	[tilespmem:s14], [sflag:$0x7] =	stream.linear.gather [spmem:s18], $0x1F40, $0x38;
	[tilespmem:$0x11A90] =	vst v63  }
0x266: {  	_ =	swait.ge [sflag:s17], $0x1F40  }
0x267: {  	s19 =	sld [smem:$0x7EC]  }
0x268: {  	[sflag:s17] =	ssyncset.done $0x0  }
0x269: {  	[sflag:s17] =	ssyncadd.s32 $0xFFFFE0C0  }
0x26a: {  	[hbm4b:s19+s8] =	stream.strided.scatter [tilespmem:s14], [sflag:$0x7], $0x1F40, s10, s8, $0x38;
	[tilespmem:$0x11A90] =	vst v63  }
0x26b: {  	_ =	swait.ge [sflag:s17], $0x1F40  }
0x26c: {  	[sflag:s17] =	ssyncset.done $0x0  }
0x26d: {  	[sflag:s17] =	ssyncadd.s32 $0xFFFFE0C0  }
0x26e: {  	s7 =	sadd.s32 $0x0, s15;
	[bflag:$0x0] =	sbarrier.arrive $0xFFFF  }
0x26f: {  	[spmem:s7] =	stream.linear.scatter [tilespmem:s1], [sflag:$0x7], $0x10, $0x38;
	[tilespmem:$0x11A90] =	vst v63  }
0x270: {  	s0 =	simm.s32 $0x5140;
	s20 =	sadd.s32 $0x10, s7  }
0x271: {  	[spmem:s20] =	stream.linear.scatter [tilespmem:s0], [sflag:$0x7], $0x10, $0x38;
	[tilespmem:$0x11A90] =	vst v63  }
0x272: {  	s22 =	simm.s32 $0x5180;
	s21 =	sadd.s32 $0x20, s7  }
0x273: {  	[spmem:s21] =	stream.linear.scatter [tilespmem:s22], [sflag:$0x7], $0x10, $0x38;
	[tilespmem:$0x11A90] =	vst v63  }
0x274: {  	s26 =	simm.s32 $0x5140;
	s25 =	simm.s32 $0x51C0;
	s23 =	sadd.s32 $0x30, s7  }
0x275: {  	[spmem:s23] =	stream.linear.scatter [tilespmem:s25], [sflag:$0x7], $0x10, $0x38;
	[tilespmem:$0x11A90] =	vst v63  }
0x276: {  	s29 =	simm.s32 $0x5180;
	s2 =	simm.s32 $0x5200;
	s1 =	sadd.s32 $0x40, s7  }
0x277: {  	[spmem:s1] =	stream.linear.scatter [tilespmem:s2], [sflag:$0x7], $0x10, $0x38;
	[tilespmem:$0x11A90] =	vst v63  }
0x278: {  	s31 =	simm.s32 $0x5200;
	s3 =	sadd.s32 $0x50, s7;
	s2 =	simm.s32 $0x5240  }
0x279: {  	[spmem:s3] =	stream.linear.scatter [tilespmem:s2], [sflag:$0x7], $0x10, $0x38;
	[tilespmem:$0x11A90] =	vst v63  }
0x27a: {  	s28 =	simm.s32 $0x5340;
	s4 =	sadd.s32 $0x60, s7;
	s5 =	simm.s32 $0x5280  }
0x27b: {  	[spmem:s4] =	stream.linear.scatter [tilespmem:s5], [sflag:$0x7], $0x10, $0x38;
	[tilespmem:$0x11A90] =	vst v63  }
0x27c: {  	s30 =	simm.s32 $0x5380;
	s6 =	sadd.s32 $0x70, s7;
	s9 =	simm.s32 $0x52C0  }
0x27d: {  	[spmem:s6] =	stream.linear.scatter [tilespmem:s9], [sflag:$0x7], $0x10, $0x38;
	[tilespmem:$0x11A90] =	vst v63  }
0x27e: {  	s11 =	simm.s32 $0x5300;
	s12 =	simm.s32 $0x5300;
	s10 =	sadd.s32 $0x80, s7  }
0x27f: {  	[spmem:s10] =	stream.linear.scatter [tilespmem:s12], [sflag:$0x7], $0x10, $0x38;
	[tilespmem:$0x11A90] =	vst v63  }
0x280: {  	s14 =	sadd.s32 $0x90, s7;
	s0 =	smov.u32 s15;
	s15 =	simm.s32 $0x5340  }
0x281: {  	[spmem:s14] =	stream.linear.scatter [tilespmem:s15], [sflag:$0x7], $0x10, $0x38;
	[tilespmem:$0x11A90] =	vst v63  }
0x282: {  	s13 =	simm.s32 $0x5280;
	s18 =	sadd.s32 $0xA0, s7;
	s19 =	simm.s32 $0x5380  }
0x283: {  	[spmem:s18] =	stream.linear.scatter [tilespmem:s19], [sflag:$0x7], $0x10, $0x38;
	[tilespmem:$0x11A90] =	vst v63  }
0x284: {  	s16 =	simm.s32 $0x5240;
	s20 =	sadd.s32 $0xB0, s7;
	s21 =	simm.s32 $0x53C0  }
0x285: {  	[spmem:s20] =	stream.linear.scatter [tilespmem:s21], [sflag:$0x7], $0x10, $0x38;
	[tilespmem:$0x11A90] =	vst v63  }
0x286: {  	s8 =	simm.s32 $0x640;
	s22 =	sadd.s32 $0xC0, s7;
	s23 =	simm.s32 $0x5400  }
0x287: {  	[spmem:s22] =	stream.linear.scatter [tilespmem:s23], [sflag:$0x7], $0x10, $0x38;
	[tilespmem:$0x11A90] =	vst v63  }
0x288: {  	s25 =	simm.s32 $0x52C0;
	s2 =	sadd.s32 $0xD0, s7;
	s3 =	simm.s32 $0x5440  }
0x289: {  	[spmem:s2] =	stream.linear.scatter [tilespmem:s3], [sflag:$0x7], $0x10, $0x38;
	[tilespmem:$0x11A90] =	vst v63  }
0x28a: {  	s1 =	simm.s32 $0x5100;
	s5 =	sadd.s32 $0xE0, s7;
	s6 =	simm.s32 $0x5480  }
0x28b: {  	[spmem:s5] =	stream.linear.scatter [tilespmem:s6], [sflag:$0x7], $0x10, $0x38;
	[tilespmem:$0x11A90] =	vst v63  }
0x28c: {  	s4 =	simm.s32 $0x53C0;
	s9 =	sadd.s32 $0xF0, s7;
	s10 =	simm.s32 $0x54C0  }
0x28d: {  	[spmem:s9] =	stream.linear.scatter [tilespmem:s10], [sflag:$0x7], $0x10, $0x38;
	[tilespmem:$0x11A90] =	vst v63  }
0x28e: {  	s12 =	sadd.s32 $0x100, s7;
	s14 =	simm.s32 $0x5500;
	s15 =	sadd.s32 $0x110, s7  }
0x28f: {  	[spmem:s12] =	stream.linear.scatter [tilespmem:s14], [sflag:$0x7], $0x10, $0x38;
	[tilespmem:$0x11A90] =	vst v63  }
0x290: {  	s19 =	simm.s32 $0x5400;
	s18 =	simm.s32 $0x5540;
	s20 =	sadd.s32 $0x120, s7  }
0x291: {  	[spmem:s15] =	stream.linear.scatter [tilespmem:s18], [sflag:$0x7], $0x10, $0x38;
	[tilespmem:$0x11A90] =	vst v63  }
0x292: {  	s21 =	simm.s32 $0x5580;
	s22 =	simm.s32 $0x5440;
	s23 =	simm.s32 $0x5480  }
0x293: {  	[spmem:s20] =	stream.linear.scatter [tilespmem:s21], [sflag:$0x7], $0x10, $0x38;
	[tilespmem:$0x11A90] =	vst v63  }
0x294: {  	s2 =	sadd.s32 $0x130, s7;
	s3 =	simm.s32 $0x55C0;
	s5 =	simm.s32 $0x54C0  }
0x295: {  	[spmem:s2] =	stream.linear.scatter [tilespmem:s3], [sflag:$0x7], $0x10, $0x38;
	[tilespmem:$0x11A90] =	vst v63  }
0x296: {  	s6 =	simm.s32 $0x5500;
	s10 =	sadd.s32 $0x140, s7;
	s14 =	simm.s32 $0x5600  }
0x297: {  	[spmem:s10] =	stream.linear.scatter [tilespmem:s14], [sflag:$0x7], $0x10, $0x38;
	[tilespmem:$0x11A90] =	vst v63  }
0x298: {  	s9 =	simm.s32 $0x5540;
	s15 =	sadd.s32 $0x150, s7;
	s21 =	simm.s32 $0x5640  }
0x299: {  	[spmem:s15] =	stream.linear.scatter [tilespmem:s21], [sflag:$0x7], $0x10, $0x38;
	[tilespmem:$0x11A90] =	vst v63  }
0x29a: {  	s12 =	simm.s32 $0x5580;
	s10 =	sadd.s32 $0x160, s7;
	s14 =	simm.s32 $0x5680  }
0x29b: {  	[spmem:s10] =	stream.linear.scatter [tilespmem:s14], [sflag:$0x7], $0x10, $0x38;
	[tilespmem:$0x11A90] =	vst v63  }
0x29c: {  	s18 =	simm.s32 $0x55C0;
	s2 =	simm.s32 $0x56C0;
	s15 =	sadd.s32 $0x170, s7  }
0x29d: {  	[spmem:s15] =	stream.linear.scatter [tilespmem:s2], [sflag:$0x7], $0x10, $0x38;
	[tilespmem:$0x11A90] =	vst v63  }
0x29e: {  	s20 =	simm.s32 $0x5600;
	s7 =	sadd.s32 $0x180, s7;
	s14 =	simm.s32 $0x5700  }
0x29f: {  	[spmem:s7] =	stream.linear.scatter [tilespmem:s14], [sflag:$0x7], $0x10, $0x38;
	[tilespmem:$0x11A90] =	vst v63  }
0x2a0: {  	s3 =	simm.s32 $0x5640;
	s21 =	simm.s32 $0x5680;
	_ =	swait.ge [sflag:s17], $0x190  }
0x2a1: {  	s10 =	simm.s32 $0xC80;
	s15 =	simm.s32 $0x5700;
	[sflag:s17] =	ssyncset.done $0x0  }
.LBB2_15:
0x2a2: {  	s7 =	sshra.s32 s8, $0x2  }
0x2a3: {  	[sflag:s17] =	ssyncadd.s32 $0xFFFFFE70;
	s8 =	smov.u32 s10;
	s14 =	sadd.s32 $0x640, s10  }
0x2a4: {  	p1 =	sne.s32 s10, $0x9600;
	s10 =	sadd.s32 s7, s0  }
0x2a5: {  	[spmem:s10] =	stream.linear.scatter [tilespmem:s1], [sflag:$0x7], $0x10, $0x38;
	[tilespmem:$0x11A90] =	vst v63  }
0x2a6: {  	s7 =	sadd.s32 $0x10, s10  }
0x2a7: {  	[spmem:s7] =	stream.linear.scatter [tilespmem:s26], [sflag:$0x7], $0x10, $0x38;
	[tilespmem:$0x11A90] =	vst v63  }
0x2a8: {  	s7 =	sadd.s32 $0x20, s10  }
0x2a9: {  	[spmem:s7] =	stream.linear.scatter [tilespmem:s29], [sflag:$0x7], $0x10, $0x38;
	[tilespmem:$0x11A90] =	vst v63  }
0x2aa: {  	s2 =	simm.s32 $0x51C0;
	s7 =	sadd.s32 $0x30, s10  }
0x2ab: {  	[spmem:s7] =	stream.linear.scatter [tilespmem:s2], [sflag:$0x7], $0x10, $0x38;
	[tilespmem:$0x11A90] =	vst v63  }
0x2ac: {  	s7 =	sadd.s32 $0x40, s10  }
0x2ad: {  	[spmem:s7] =	stream.linear.scatter [tilespmem:s31], [sflag:$0x7], $0x10, $0x38;
	[tilespmem:$0x11A90] =	vst v63  }
0x2ae: {  	s7 =	sadd.s32 $0x50, s10  }
0x2af: {  	[spmem:s7] =	stream.linear.scatter [tilespmem:s16], [sflag:$0x7], $0x10, $0x38;
	[tilespmem:$0x11A90] =	vst v63  }
0x2b0: {  	s7 =	sadd.s32 $0x60, s10  }
0x2b1: {  	[spmem:s7] =	stream.linear.scatter [tilespmem:s13], [sflag:$0x7], $0x10, $0x38;
	[tilespmem:$0x11A90] =	vst v63  }
0x2b2: {  	s7 =	sadd.s32 $0x70, s10  }
0x2b3: {  	[spmem:s7] =	stream.linear.scatter [tilespmem:s25], [sflag:$0x7], $0x10, $0x38;
	[tilespmem:$0x11A90] =	vst v63  }
0x2b4: {  	s7 =	sadd.s32 $0x80, s10  }
0x2b5: {  	[spmem:s7] =	stream.linear.scatter [tilespmem:s11], [sflag:$0x7], $0x10, $0x38;
	[tilespmem:$0x11A90] =	vst v63  }
0x2b6: {  	s7 =	sadd.s32 $0x90, s10  }
0x2b7: {  	[spmem:s7] =	stream.linear.scatter [tilespmem:s28], [sflag:$0x7], $0x10, $0x38;
	[tilespmem:$0x11A90] =	vst v63  }
0x2b8: {  	s7 =	sadd.s32 $0xA0, s10  }
0x2b9: {  	[spmem:s7] =	stream.linear.scatter [tilespmem:s30], [sflag:$0x7], $0x10, $0x38;
	[tilespmem:$0x11A90] =	vst v63  }
0x2ba: {  	s7 =	sadd.s32 $0xB0, s10  }
0x2bb: {  	[spmem:s7] =	stream.linear.scatter [tilespmem:s4], [sflag:$0x7], $0x10, $0x38;
	[tilespmem:$0x11A90] =	vst v63  }
0x2bc: {  	s7 =	sadd.s32 $0xC0, s10  }
0x2bd: {  	[spmem:s7] =	stream.linear.scatter [tilespmem:s19], [sflag:$0x7], $0x10, $0x38;
	[tilespmem:$0x11A90] =	vst v63  }
0x2be: {  	s7 =	sadd.s32 $0xD0, s10  }
0x2bf: {  	[spmem:s7] =	stream.linear.scatter [tilespmem:s22], [sflag:$0x7], $0x10, $0x38;
	[tilespmem:$0x11A90] =	vst v63  }
0x2c0: {  	s7 =	sadd.s32 $0xE0, s10  }
0x2c1: {  	[spmem:s7] =	stream.linear.scatter [tilespmem:s23], [sflag:$0x7], $0x10, $0x38;
	[tilespmem:$0x11A90] =	vst v63  }
0x2c2: {  	s7 =	sadd.s32 $0xF0, s10  }
0x2c3: {  	[spmem:s7] =	stream.linear.scatter [tilespmem:s5], [sflag:$0x7], $0x10, $0x38;
	[tilespmem:$0x11A90] =	vst v63  }
0x2c4: {  	s7 =	sadd.s32 $0x100, s10  }
0x2c5: {  	[spmem:s7] =	stream.linear.scatter [tilespmem:s6], [sflag:$0x7], $0x10, $0x38;
	[tilespmem:$0x11A90] =	vst v63  }
0x2c6: {  	s7 =	sadd.s32 $0x110, s10  }
0x2c7: {  	[spmem:s7] =	stream.linear.scatter [tilespmem:s9], [sflag:$0x7], $0x10, $0x38;
	[tilespmem:$0x11A90] =	vst v63  }
0x2c8: {  	s7 =	sadd.s32 $0x120, s10  }
0x2c9: {  	[spmem:s7] =	stream.linear.scatter [tilespmem:s12], [sflag:$0x7], $0x10, $0x38;
	[tilespmem:$0x11A90] =	vst v63  }
0x2ca: {  	s7 =	sadd.s32 $0x130, s10  }
0x2cb: {  	[spmem:s7] =	stream.linear.scatter [tilespmem:s18], [sflag:$0x7], $0x10, $0x38;
	[tilespmem:$0x11A90] =	vst v63  }
0x2cc: {  	s7 =	sadd.s32 $0x140, s10  }
0x2cd: {  	[spmem:s7] =	stream.linear.scatter [tilespmem:s20], [sflag:$0x7], $0x10, $0x38;
	[tilespmem:$0x11A90] =	vst v63  }
0x2ce: {  	s7 =	sadd.s32 $0x150, s10  }
0x2cf: {  	[spmem:s7] =	stream.linear.scatter [tilespmem:s3], [sflag:$0x7], $0x10, $0x38;
	[tilespmem:$0x11A90] =	vst v63  }
0x2d0: {  	s7 =	sadd.s32 $0x160, s10  }
0x2d1: {  	[spmem:s7] =	stream.linear.scatter [tilespmem:s21], [sflag:$0x7], $0x10, $0x38;
	[tilespmem:$0x11A90] =	vst v63  }
0x2d2: {  	s2 =	simm.s32 $0x56C0;
	s7 =	sadd.s32 $0x170, s10  }
0x2d3: {  	[spmem:s7] =	stream.linear.scatter [tilespmem:s2], [sflag:$0x7], $0x10, $0x38;
	[tilespmem:$0x11A90] =	vst v63  }
.Ltmp23:
0x2d4: {  	_ = 	snop;
	(pc) =	sbr.rel @p1 .LBB2_15-.Ltmp23, $4  }
0x2d5: {  	s7 =	sadd.s32 $0x180, s10  }
0x2d6: {  	[spmem:s7] =	stream.linear.scatter [tilespmem:s15], [sflag:$0x7], $0x10, $0x38;
	[tilespmem:$0x11A90] =	vst v63  }
0x2d7: {  	_ =	swait.ge [sflag:s17], $0x190  }
0x2d8: {  	s10 =	smov.u32 s14;
	[sflag:s17] =	ssyncset.done $0x0  }
0x2d9: {  	s7 =	sshra.s32 s8, $0x2  }
0x2da: {  	[sflag:s17] =	ssyncadd.s32 $0xFFFFFE70;
	s7 =	sadd.s32 s7, s0  }
0x2db: {  	[spmem:s7] =	stream.linear.scatter [tilespmem:s1], [sflag:$0x7], $0x10, $0x38;
	[tilespmem:$0x11A90] =	vst v63  }
0x2dc: {  	s14 =	sadd.s32 $0x10, s7  }
0x2dd: {  	[spmem:s14] =	stream.linear.scatter [tilespmem:s26], [sflag:$0x7], $0x10, $0x38;
	[tilespmem:$0x11A90] =	vst v63  }
0x2de: {  	s26 =	sadd.s32 $0x20, s7  }
0x2df: {  	[spmem:s26] =	stream.linear.scatter [tilespmem:s29], [sflag:$0x7], $0x10, $0x38;
	[tilespmem:$0x11A90] =	vst v63  }
0x2e0: {  	s0 =	sadd.s32 $0x30, s7;
	s1 =	simm.s32 $0x51C0  }
0x2e1: {  	[spmem:s0] =	stream.linear.scatter [tilespmem:s1], [sflag:$0x7], $0x10, $0x38;
	[tilespmem:$0x11A90] =	vst v63  }
0x2e2: {  	s2 =	sadd.s32 $0x40, s7  }
0x2e3: {  	[spmem:s2] =	stream.linear.scatter [tilespmem:s31], [sflag:$0x7], $0x10, $0x38;
	[tilespmem:$0x11A90] =	vst v63  }
0x2e4: {  	s10 =	sadd.s32 $0x50, s7  }
0x2e5: {  	[spmem:s10] =	stream.linear.scatter [tilespmem:s16], [sflag:$0x7], $0x10, $0x38;
	[tilespmem:$0x11A90] =	vst v63  }
0x2e6: {  	s14 =	sadd.s32 $0x60, s7  }
0x2e7: {  	[spmem:s14] =	stream.linear.scatter [tilespmem:s13], [sflag:$0x7], $0x10, $0x38;
	[tilespmem:$0x11A90] =	vst v63  }
0x2e8: {  	s16 =	sadd.s32 $0x70, s7  }
0x2e9: {  	[spmem:s16] =	stream.linear.scatter [tilespmem:s25], [sflag:$0x7], $0x10, $0x38;
	[tilespmem:$0x11A90] =	vst v63  }
0x2ea: {  	s26 =	sadd.s32 $0x80, s7  }
0x2eb: {  	[spmem:s26] =	stream.linear.scatter [tilespmem:s11], [sflag:$0x7], $0x10, $0x38;
	[tilespmem:$0x11A90] =	vst v63  }
0x2ec: {  	s29 =	sadd.s32 $0x90, s7  }
0x2ed: {  	[spmem:s29] =	stream.linear.scatter [tilespmem:s28], [sflag:$0x7], $0x10, $0x38;
	[tilespmem:$0x11A90] =	vst v63  }
0x2ee: {  	s31 =	sadd.s32 $0xA0, s7  }
0x2ef: {  	[spmem:s31] =	stream.linear.scatter [tilespmem:s30], [sflag:$0x7], $0x10, $0x38;
	[tilespmem:$0x11A90] =	vst v63  }
0x2f0: {  	s0 =	sadd.s32 $0xB0, s7  }
0x2f1: {  	[spmem:s0] =	stream.linear.scatter [tilespmem:s4], [sflag:$0x7], $0x10, $0x38;
	[tilespmem:$0x11A90] =	vst v63  }
0x2f2: {  	s1 =	sadd.s32 $0xC0, s7  }
0x2f3: {  	[spmem:s1] =	stream.linear.scatter [tilespmem:s19], [sflag:$0x7], $0x10, $0x38;
	[tilespmem:$0x11A90] =	vst v63  }
0x2f4: {  	s2 =	sadd.s32 $0xD0, s7  }
0x2f5: {  	[spmem:s2] =	stream.linear.scatter [tilespmem:s22], [sflag:$0x7], $0x10, $0x38;
	[tilespmem:$0x11A90] =	vst v63  }
0x2f6: {  	s4 =	sadd.s32 $0xE0, s7  }
0x2f7: {  	[spmem:s4] =	stream.linear.scatter [tilespmem:s23], [sflag:$0x7], $0x10, $0x38;
	[tilespmem:$0x11A90] =	vst v63  }
0x2f8: {  	s10 =	sadd.s32 $0xF0, s7  }
0x2f9: {  	[spmem:s10] =	stream.linear.scatter [tilespmem:s5], [sflag:$0x7], $0x10, $0x38;
	[tilespmem:$0x11A90] =	vst v63  }
0x2fa: {  	s11 =	sadd.s32 $0x100, s7  }
0x2fb: {  	[spmem:s11] =	stream.linear.scatter [tilespmem:s6], [sflag:$0x7], $0x10, $0x38;
	[tilespmem:$0x11A90] =	vst v63  }
0x2fc: {  	s13 =	sadd.s32 $0x110, s7  }
0x2fd: {  	[spmem:s13] =	stream.linear.scatter [tilespmem:s9], [sflag:$0x7], $0x10, $0x38;
	[tilespmem:$0x11A90] =	vst v63  }
0x2fe: {  	s14 =	sadd.s32 $0x120, s7  }
0x2ff: {  	[spmem:s14] =	stream.linear.scatter [tilespmem:s12], [sflag:$0x7], $0x10, $0x38;
	[tilespmem:$0x11A90] =	vst v63  }
0x300: {  	s16 =	sadd.s32 $0x130, s7  }
0x301: {  	[spmem:s16] =	stream.linear.scatter [tilespmem:s18], [sflag:$0x7], $0x10, $0x38;
	[tilespmem:$0x11A90] =	vst v63  }
0x302: {  	s19 =	sadd.s32 $0x140, s7  }
0x303: {  	[spmem:s19] =	stream.linear.scatter [tilespmem:s20], [sflag:$0x7], $0x10, $0x38;
	[tilespmem:$0x11A90] =	vst v63  }
0x304: {  	s20 =	sadd.s32 $0x150, s7  }
0x305: {  	[spmem:s20] =	stream.linear.scatter [tilespmem:s3], [sflag:$0x7], $0x10, $0x38;
	[tilespmem:$0x11A90] =	vst v63  }
0x306: {  	s22 =	sadd.s32 $0x160, s7  }
0x307: {  	[spmem:s22] =	stream.linear.scatter [tilespmem:s21], [sflag:$0x7], $0x10, $0x38;
	[tilespmem:$0x11A90] =	vst v63  }
0x308: {  	s25 =	simm.s32 $0x56C0;
	s23 =	sadd.s32 $0x170, s7  }
0x309: {  	[spmem:s23] =	stream.linear.scatter [tilespmem:s25], [sflag:$0x7], $0x10, $0x38;
	[tilespmem:$0x11A90] =	vst v63  }
0x30a: {  	s7 =	sadd.s32 $0x180, s7  }
0x30b: {  	[spmem:s7] =	stream.linear.scatter [tilespmem:s15], [sflag:$0x7], $0x10, $0x38;
	[tilespmem:$0x11A90] =	vst v63  }
0x30c: {  	_ =	swait.ge [sflag:s17], $0x190  }
0x30d: {  	[sflag:s17] =	ssyncset.done $0x0  }
0x30e: {  	[sflag:s17] =	ssyncadd.s32 $0xFFFFFE70  }
0x30f: {  	s8 =	simm.s32 $0x1;
	[bflag:$0x0] =	sbarrier.arrive $0xFFFF  }
0x310: {  	s0 =	simm.s32 $0x10;
	s10 =	simm.s32 $0x0;
	s26 =	rddreg [dreg:$0xc]  }
0x311: {  	[tilespmem:s10], [sflag:$0x1] =	stream.linear.gather [hbm4b:s26+s10], $0x80, $0x38;
	[tilespmem:$0x11A90] =	vst v63  }
0x312: {  	s2 =	simm.s32 $0x4100;
	s14 =	simm.s32 $0x80;
	s28 =	rddreg [dreg:$0x14]  }
0x313: {  	[tilespmem:s2], [sflag:$0x3] =	stream.strided.gather [hbm4b:s28+s0], $0x800, s14, s0, $0x38;
	[tilespmem:$0x11A90] =	vst v63  }
0x314: {  	_ =	swait.ge [sflag:s8], $0x80  }
0x315: {  	[sflag:s8] =	ssyncset.done $0x0  }
0x316: {  	s29 =	simm.s32 $0x3;
	[sflag:s8] =	ssyncadd.s32 $0xFFFFFF80  }
0x317: {  	_ =	swait.ge [sflag:s29], $0x800  }
0x318: {  	[sflag:s29] =	ssyncset.done $0x0  }
0x319: {  	[sflag:s29] =	ssyncadd.s32 $0xFFFFF800  }
0x31a: {  	s7 =	rddreg [dreg:$0x3]  }
0x31b: {  	[spmem:s7] =	stream.indirect.scatter.add.f32 [tilespmem:s2], [sflag:$0x5], $0x10, s10, s14, $0xb8;
	[tilespmem:$0x11A90] =	vst v63  }
.Ltmp24:
0x31c: {  	s30 =	rddreg [dreg:$0x17];
	(pc) =	sbr.rel .LBB2_17-.Ltmp24, $4  }
0x31d: {  	s1 =	simm.s32 $0x4900;
	s31 =	sld [smem:$0x7F6]  }
0x31e: {  	[tilespmem:s14], [sflag:$0x2] =	stream.linear.gather [hbm4b:s30+s10], $0x80, $0x38;
	[tilespmem:$0x11A90] =	vst v63  }
0x31f: {  	s4 =	simm.s32 $0x2;
	s5 =	simm.s32 $0x4;
	s22 =	rddreg [dreg:$0xa]  }
0x320: {  	[tilespmem:s1], [sflag:$0x4] =	stream.strided.gather [hbm4b:s31+s0], $0x800, s14, s0, $0x38;
	[tilespmem:$0x11A90] =	vst v63  }
.LBB2_19:
0x321: {  	p1 =	seq.s32 s10, s22  }
.Ltmp25:
0x322: {  	_ = 	snop;
	(pc) =	sbr.rel @p1 .LBB2_20-.Ltmp25, $2  }
0x323: {  	_ =	sdelay $0x2  }
0x324: {  	s8 =	smov.u32 s10  }
.LBB2_17:
0x325: {  	s7 =	sand.u32 $0x1, s8  }
0x326: {  	p1 =	seq.s32 s7, $0x1  }
0x327: {  	s10 =	simm.s32 @!p1 $0x1  }
0x328: {  	_ =	swait.ge @!p1 [sflag:s10], $0x80  }
0x329: {  	[sflag:s10] =	ssyncset.done @!p1 $0x0  }
0x32a: {  	[sflag:s10] =	ssyncadd.s32 @!p1 $0xFFFFFF80;
	s10 =	simm.s32 @!p1 $0x3  }
0x32b: {  	_ =	swait.ge @!p1 [sflag:s10], $0x800  }
0x32c: {  	[sflag:s10] =	ssyncset.done @!p1 $0x0  }
0x32d: {  	s14 =	simm.s32 @!p1 $0x0;
	[sflag:s10] =	ssyncadd.s32 @!p1 $0xFFFFF800  }
0x32e: {  	s25 =	simm.s32 @!p1 $0x4100;
	s10 =	simm.s32 @!p1 $0x80;
	s28 =	rddreg [dreg:$0x3]  }
0x32f: {  	[spmem:s28] =	stream.indirect.scatter.add.f32 @!p1 [tilespmem:s25], [sflag:$0x5], $0x10, s14, s10, $0xb8;
	[tilespmem:$0x11A90] =	vst v63  }
0x330: {  	s10 =	sor.u32 @!p1 $0x1, s8  }
0x331: {  	p2 =	sge.u32 @!p1 s10, s22  }
0x332: {  	p2 =	por p2, p1  }
0x333: {  	s14 =	simm.s32 @!p2 $0x6  }
0x334: {  	_ =	swait.ge @!p2 [sflag:s14], $0x800  }
0x335: {  	s25 =	sshll.u32 @!p2 s10, $0xB;
	s28 =	rddreg [dreg:$0xe]  }
0x336: {  	[sflag:s14] =	ssyncset.done @!p2 $0x0;
	s25 =	sor.u32 @!p2 s28, s25  }
0x337: {  	[sflag:s14] =	ssyncadd.s32 @!p2 $0xFFFFF800;
	s28 =	rddreg [dreg:$0x8];
	s14 =	sshrl.u32 @!p2 s25, $0x3  }
0x338: {  	s31 =	simm.s32 @!p2 $0x80;
	s14 =	sadd.s32 @!p2 s28, s14;
	s28 =	simm.s32 @!p2 $0x0  }
0x339: {  	[tilespmem:s31], [sflag:$0x2] =	stream.linear.gather @!p2 [hbm4b:s14+s28], $0x80, $0x38;
	[tilespmem:$0x11A90] =	vst v63  }
0x33a: {  	s14 =	sshll.u32 @!p2 s25, $0x4;
	s25 =	rddreg [dreg:$0x7]  }
0x33b: {  	s28 =	simm.s32 @!p2 $0x4900;
	s14 =	sadd.s32 @!p2 s25, s14;
	s25 =	simm.s32 @!p2 $0x10  }
0x33c: {  	[tilespmem:s28], [sflag:$0x4] =	stream.strided.gather @!p2 [hbm4b:s14+s25], $0x800, s31, s25, $0x38;
	[tilespmem:$0x11A90] =	vst v63  }
0x33d: {  	p2 =	seq.s32 @!p1 s7, $0x0  }
0x33e: {  	p1 =	por p1, !p2  }
.Ltmp26:
0x33f: {  	_ = 	snop;
	(pc) =	sbr.rel @!p1 .LBB2_19-.Ltmp26, $2  }
0x340: {  	_ =	sdelay $0x2  }
0x341: {  	s22 =	rddreg [dreg:$0xa]  }
0x342: {  	_ =	swait.ge [sflag:s4], $0x80  }
0x343: {  	[sflag:s4] =	ssyncset.done $0x0  }
0x344: {  	[sflag:s4] =	ssyncadd.s32 $0xFFFFFF80  }
0x345: {  	_ =	swait.ge [sflag:s5], $0x800  }
0x346: {  	[sflag:s5] =	ssyncset.done $0x0  }
0x347: {  	[sflag:s5] =	ssyncadd.s32 $0xFFFFF800  }
0x348: {  	s10 =	simm.s32 $0x80;
	s7 =	rddreg [dreg:$0x3]  }
0x349: {  	[spmem:s7] =	stream.indirect.scatter.add.f32 [tilespmem:s1], [sflag:$0x6], $0x10, s10, s10, $0xb8;
	[tilespmem:$0x11A90] =	vst v63  }
0x34a: {  	s10 =	sadd.s32 $0x1, s8  }
0x34b: {  	p1 =	sge.u32 s10, s22  }
0x34c: {  	s7 =	simm.s32 @!p1 $0x5  }
0x34d: {  	_ =	swait.ge @!p1 [sflag:s7], $0x800  }
0x34e: {  	s8 =	sshll.u32 @!p1 s10, $0xB;
	s14 =	rddreg [dreg:$0xe]  }
0x34f: {  	[sflag:s7] =	ssyncset.done @!p1 $0x0;
	s8 =	sor.u32 @!p1 s14, s8  }
0x350: {  	[sflag:s7] =	ssyncadd.s32 @!p1 $0xFFFFF800;
	s7 =	rddreg [dreg:$0x8];
	s14 =	sshrl.u32 @!p1 s8, $0x3  }
.Ltmp27:
0x351: {  	s7 =	sadd.s32 @!p1 s7, s14;
	s14 =	simm.s32 @!p1 $0x0;
	(pc) =	sbr.rel .LBB2_19-.Ltmp27, $4  }
0x352: {  	[tilespmem:s14], [sflag:$0x1] =	stream.linear.gather @!p1 [hbm4b:s7+s14], $0x80, $0x38;
	[tilespmem:$0x11A90] =	vst v63  }
0x353: {  	s25 =	simm.s32 @!p1 $0x4100;
	s7 =	sshll.u32 @!p1 s8, $0x4;
	s8 =	rddreg [dreg:$0x7]  }
0x354: {  	s14 =	simm.s32 @!p1 $0x80;
	s7 =	sadd.s32 @!p1 s8, s7;
	s8 =	simm.s32 @!p1 $0x10  }
0x355: {  	[tilespmem:s25], [sflag:$0x3] =	stream.strided.gather @!p1 [hbm4b:s7+s8], $0x800, s14, s8, $0x38;
	[tilespmem:$0x11A90] =	vst v63  }
.LBB2_33:
0x356: {  	s7 =	simm.s32 $0x5  }
0x357: {  	_ =	swait.ge [sflag:s7], $0x2000  }
0x358: {  	[sflag:s7] =	ssyncset.done $0x0  }
0x359: {  	s4 =	simm.s32 $0x6;
	[sflag:s7] =	ssyncadd.s32 $0xFFFFE000  }
0x35a: {  	_ =	swait.ge [sflag:s4], $0x2000  }
0x35b: {  	[sflag:s4] =	ssyncset.done $0x0  }
0x35c: {  	[sflag:s4] =	ssyncadd.s32 $0xFFFFE000  }
0x35d: {  	s14 =	simm.s32 $0x100;
	[bflag:$0x0] =	sbarrier.arrive $0xFFFF  }
0x35e: {  	[tilespmem:s14], [sflag:$0x7] =	stream.linear.gather [spmem:s24], $0x1F40, $0x38;
	[tilespmem:$0x11A90] =	vst v63  }
0x35f: {  	_ =	swait.ge [sflag:s17], $0x1F40  }
0x360: {  	s5 =	sld [smem:$0x7DE]  }
0x361: {  	[sflag:s17] =	ssyncset.done $0x0  }
0x362: {  	s8 =	simm.s32 $0x40;
	s10 =	simm.s32 $0x80;
	[sflag:s17] =	ssyncadd.s32 $0xFFFFE0C0  }
0x363: {  	[hbm4b:s5+s8] =	stream.strided.scatter [tilespmem:s14], [sflag:$0x7], $0x1F40, s10, s8, $0x38;
	[tilespmem:$0x11A90] =	vst v63  }
0x364: {  	_ =	swait.ge [sflag:s17], $0x1F40  }
0x365: {  	[sflag:s17] =	ssyncset.done $0x0  }
0x366: {  	s6 =	rddreg [dreg:$0x18];
	[sflag:s17] =	ssyncadd.s32 $0xFFFFE0C0  }
0x367: {  	[tilespmem:s14], [sflag:$0x7] =	stream.linear.gather [spmem:s6], $0x1F40, $0x38;
	[tilespmem:$0x11A90] =	vst v63  }
0x368: {  	_ =	swait.ge [sflag:s17], $0x1F40  }
0x369: {  	s9 =	sld [smem:$0x7DF]  }
0x36a: {  	[sflag:s17] =	ssyncset.done $0x0  }
0x36b: {  	[sflag:s17] =	ssyncadd.s32 $0xFFFFE0C0  }
0x36c: {  	[hbm4b:s9+s8] =	stream.strided.scatter [tilespmem:s14], [sflag:$0x7], $0x1F40, s10, s8, $0x38;
	[tilespmem:$0x11A90] =	vst v63  }
0x36d: {  	_ =	swait.ge [sflag:s17], $0x1F40  }
0x36e: {  	[sflag:s17] =	ssyncset.done $0x0  }
0x36f: {  	s11 =	rddreg [dreg:$0x1a];
	[sflag:s17] =	ssyncadd.s32 $0xFFFFE0C0  }
0x370: {  	[tilespmem:s14], [sflag:$0x7] =	stream.linear.gather [spmem:s11], $0x1F40, $0x38;
	[tilespmem:$0x11A90] =	vst v63  }
0x371: {  	_ =	swait.ge [sflag:s17], $0x1F40  }
0x372: {  	s12 =	sld [smem:$0x7E0]  }
0x373: {  	[sflag:s17] =	ssyncset.done $0x0  }
0x374: {  	[sflag:s17] =	ssyncadd.s32 $0xFFFFE0C0  }
0x375: {  	[hbm4b:s12+s8] =	stream.strided.scatter [tilespmem:s14], [sflag:$0x7], $0x1F40, s10, s8, $0x38;
	[tilespmem:$0x11A90] =	vst v63  }
0x376: {  	_ =	swait.ge [sflag:s17], $0x1F40  }
0x377: {  	[sflag:s17] =	ssyncset.done $0x0  }
0x378: {  	s13 =	rddreg [dreg:$0x1c];
	[sflag:s17] =	ssyncadd.s32 $0xFFFFE0C0  }
0x379: {  	[tilespmem:s14], [sflag:$0x7] =	stream.linear.gather [spmem:s13], $0x1F40, $0x38;
	[tilespmem:$0x11A90] =	vst v63  }
0x37a: {  	_ =	swait.ge [sflag:s17], $0x1F40  }
0x37b: {  	s16 =	sld [smem:$0x7E1]  }
0x37c: {  	[sflag:s17] =	ssyncset.done $0x0  }
0x37d: {  	[sflag:s17] =	ssyncadd.s32 $0xFFFFE0C0  }
0x37e: {  	[hbm4b:s16+s8] =	stream.strided.scatter [tilespmem:s14], [sflag:$0x7], $0x1F40, s10, s8, $0x38;
	[tilespmem:$0x11A90] =	vst v63  }
0x37f: {  	_ =	swait.ge [sflag:s17], $0x1F40  }
0x380: {  	[sflag:s17] =	ssyncset.done $0x0  }
0x381: {  	s18 =	rddreg [dreg:$0x1e];
	[sflag:s17] =	ssyncadd.s32 $0xFFFFE0C0  }
0x382: {  	[tilespmem:s14], [sflag:$0x7] =	stream.linear.gather [spmem:s18], $0x1F40, $0x38;
	[tilespmem:$0x11A90] =	vst v63  }
0x383: {  	_ =	swait.ge [sflag:s17], $0x1F40  }
0x384: {  	s19 =	sld [smem:$0x7E2]  }
0x385: {  	[sflag:s17] =	ssyncset.done $0x0  }
0x386: {  	[sflag:s17] =	ssyncadd.s32 $0xFFFFE0C0  }
0x387: {  	[hbm4b:s19+s8] =	stream.strided.scatter [tilespmem:s14], [sflag:$0x7], $0x1F40, s10, s8, $0x38;
	[tilespmem:$0x11A90] =	vst v63  }
0x388: {  	_ =	swait.ge [sflag:s17], $0x1F40  }
0x389: {  	[sflag:s17] =	ssyncset.done $0x0  }
0x38a: {  	[sflag:s17] =	ssyncadd.s32 $0xFFFFE0C0  }
0x38b: {  	s7 =	sadd.s32 $0x0, s15;
	[bflag:$0x0] =	sbarrier.arrive $0xFFFF  }
0x38c: {  	[spmem:s7] =	stream.linear.scatter [tilespmem:s1], [sflag:$0x7], $0x10, $0x38;
	[tilespmem:$0x11A90] =	vst v63  }
0x38d: {  	s0 =	simm.s32 $0x5140;
	s20 =	sadd.s32 $0x10, s7  }
0x38e: {  	[spmem:s20] =	stream.linear.scatter [tilespmem:s0], [sflag:$0x7], $0x10, $0x38;
	[tilespmem:$0x11A90] =	vst v63  }
0x38f: {  	s22 =	simm.s32 $0x5180;
	s21 =	sadd.s32 $0x20, s7  }
0x390: {  	[spmem:s21] =	stream.linear.scatter [tilespmem:s22], [sflag:$0x7], $0x10, $0x38;
	[tilespmem:$0x11A90] =	vst v63  }
0x391: {  	s25 =	simm.s32 $0x51C0;
	s23 =	sadd.s32 $0x30, s7  }
0x392: {  	[spmem:s23] =	stream.linear.scatter [tilespmem:s25], [sflag:$0x7], $0x10, $0x38;
	[tilespmem:$0x11A90] =	vst v63  }
0x393: {  	s26 =	simm.s32 $0x5140;
	s2 =	simm.s32 $0x5200;
	s1 =	sadd.s32 $0x40, s7  }
0x394: {  	[spmem:s1] =	stream.linear.scatter [tilespmem:s2], [sflag:$0x7], $0x10, $0x38;
	[tilespmem:$0x11A90] =	vst v63  }
0x395: {  	s29 =	simm.s32 $0x5180;
	s3 =	sadd.s32 $0x50, s7;
	s2 =	simm.s32 $0x5240  }
0x396: {  	[spmem:s3] =	stream.linear.scatter [tilespmem:s2], [sflag:$0x7], $0x10, $0x38;
	[tilespmem:$0x11A90] =	vst v63  }
0x397: {  	s31 =	simm.s32 $0x5200;
	s4 =	sadd.s32 $0x60, s7;
	s5 =	simm.s32 $0x5280  }
0x398: {  	[spmem:s4] =	stream.linear.scatter [tilespmem:s5], [sflag:$0x7], $0x10, $0x38;
	[tilespmem:$0x11A90] =	vst v63  }
0x399: {  	s28 =	simm.s32 $0x5340;
	s6 =	sadd.s32 $0x70, s7;
	s9 =	simm.s32 $0x52C0  }
0x39a: {  	[spmem:s6] =	stream.linear.scatter [tilespmem:s9], [sflag:$0x7], $0x10, $0x38;
	[tilespmem:$0x11A90] =	vst v63  }
0x39b: {  	s30 =	simm.s32 $0x5380;
	s12 =	simm.s32 $0x5300;
	s10 =	sadd.s32 $0x80, s7  }
0x39c: {  	[spmem:s10] =	stream.linear.scatter [tilespmem:s12], [sflag:$0x7], $0x10, $0x38;
	[tilespmem:$0x11A90] =	vst v63  }
0x39d: {  	s11 =	simm.s32 $0x5300;
	s16 =	simm.s32 $0x5340;
	s14 =	sadd.s32 $0x90, s7  }
0x39e: {  	[spmem:s14] =	stream.linear.scatter [tilespmem:s16], [sflag:$0x7], $0x10, $0x38;
	[tilespmem:$0x11A90] =	vst v63  }
0x39f: {  	s13 =	simm.s32 $0x5280;
	s18 =	sadd.s32 $0xA0, s7;
	s19 =	simm.s32 $0x5380  }
0x3a0: {  	[spmem:s18] =	stream.linear.scatter [tilespmem:s19], [sflag:$0x7], $0x10, $0x38;
	[tilespmem:$0x11A90] =	vst v63  }
0x3a1: {  	s8 =	simm.s32 $0x640;
	s20 =	sadd.s32 $0xB0, s7;
	s21 =	simm.s32 $0x53C0  }
0x3a2: {  	[spmem:s20] =	stream.linear.scatter [tilespmem:s21], [sflag:$0x7], $0x10, $0x38;
	[tilespmem:$0x11A90] =	vst v63  }
0x3a3: {  	s0 =	simm.s32 $0x5100;
	s22 =	sadd.s32 $0xC0, s7;
	s23 =	simm.s32 $0x5400  }
0x3a4: {  	[spmem:s22] =	stream.linear.scatter [tilespmem:s23], [sflag:$0x7], $0x10, $0x38;
	[tilespmem:$0x11A90] =	vst v63  }
0x3a5: {  	s25 =	simm.s32 $0x52C0;
	s2 =	sadd.s32 $0xD0, s7;
	s3 =	simm.s32 $0x5440  }
0x3a6: {  	[spmem:s2] =	stream.linear.scatter [tilespmem:s3], [sflag:$0x7], $0x10, $0x38;
	[tilespmem:$0x11A90] =	vst v63  }
0x3a7: {  	s1 =	simm.s32 $0x5240;
	s5 =	sadd.s32 $0xE0, s7;
	s6 =	simm.s32 $0x5480  }
0x3a8: {  	[spmem:s5] =	stream.linear.scatter [tilespmem:s6], [sflag:$0x7], $0x10, $0x38;
	[tilespmem:$0x11A90] =	vst v63  }
0x3a9: {  	s4 =	simm.s32 $0x53C0;
	s9 =	sadd.s32 $0xF0, s7;
	s10 =	simm.s32 $0x54C0  }
0x3aa: {  	[spmem:s9] =	stream.linear.scatter [tilespmem:s10], [sflag:$0x7], $0x10, $0x38;
	[tilespmem:$0x11A90] =	vst v63  }
0x3ab: {  	s12 =	sadd.s32 $0x100, s7;
	s14 =	simm.s32 $0x5500;
	s16 =	sadd.s32 $0x110, s7  }
0x3ac: {  	[spmem:s12] =	stream.linear.scatter [tilespmem:s14], [sflag:$0x7], $0x10, $0x38;
	[tilespmem:$0x11A90] =	vst v63  }
0x3ad: {  	s19 =	simm.s32 $0x5400;
	s18 =	simm.s32 $0x5540;
	s20 =	sadd.s32 $0x120, s7  }
0x3ae: {  	[spmem:s16] =	stream.linear.scatter [tilespmem:s18], [sflag:$0x7], $0x10, $0x38;
	[tilespmem:$0x11A90] =	vst v63  }
0x3af: {  	s21 =	simm.s32 $0x5580;
	s22 =	simm.s32 $0x5440;
	s23 =	simm.s32 $0x5480  }
0x3b0: {  	[spmem:s20] =	stream.linear.scatter [tilespmem:s21], [sflag:$0x7], $0x10, $0x38;
	[tilespmem:$0x11A90] =	vst v63  }
0x3b1: {  	s2 =	sadd.s32 $0x130, s7;
	s3 =	simm.s32 $0x55C0;
	s5 =	simm.s32 $0x54C0  }
0x3b2: {  	[spmem:s2] =	stream.linear.scatter [tilespmem:s3], [sflag:$0x7], $0x10, $0x38;
	[tilespmem:$0x11A90] =	vst v63  }
0x3b3: {  	s6 =	simm.s32 $0x5500;
	s10 =	sadd.s32 $0x140, s7;
	s14 =	simm.s32 $0x5600  }
0x3b4: {  	[spmem:s10] =	stream.linear.scatter [tilespmem:s14], [sflag:$0x7], $0x10, $0x38;
	[tilespmem:$0x11A90] =	vst v63  }
0x3b5: {  	s9 =	simm.s32 $0x5540;
	s16 =	sadd.s32 $0x150, s7;
	s21 =	simm.s32 $0x5640  }
0x3b6: {  	[spmem:s16] =	stream.linear.scatter [tilespmem:s21], [sflag:$0x7], $0x10, $0x38;
	[tilespmem:$0x11A90] =	vst v63  }
0x3b7: {  	s12 =	simm.s32 $0x5580;
	s10 =	sadd.s32 $0x160, s7;
	s14 =	simm.s32 $0x5680  }
0x3b8: {  	[spmem:s10] =	stream.linear.scatter [tilespmem:s14], [sflag:$0x7], $0x10, $0x38;
	[tilespmem:$0x11A90] =	vst v63  }
0x3b9: {  	s18 =	simm.s32 $0x55C0;
	s2 =	simm.s32 $0x56C0;
	s16 =	sadd.s32 $0x170, s7  }
0x3ba: {  	[spmem:s16] =	stream.linear.scatter [tilespmem:s2], [sflag:$0x7], $0x10, $0x38;
	[tilespmem:$0x11A90] =	vst v63  }
0x3bb: {  	s20 =	simm.s32 $0x5600;
	s7 =	sadd.s32 $0x180, s7;
	s14 =	simm.s32 $0x5700  }
0x3bc: {  	[spmem:s7] =	stream.linear.scatter [tilespmem:s14], [sflag:$0x7], $0x10, $0x38;
	[tilespmem:$0x11A90] =	vst v63  }
0x3bd: {  	s3 =	simm.s32 $0x5640;
	s21 =	simm.s32 $0x5680;
	_ =	swait.ge [sflag:s17], $0x190  }
0x3be: {  	s10 =	simm.s32 $0xC80;
	s16 =	simm.s32 $0x5700;
	[sflag:s17] =	ssyncset.done $0x0  }
.LBB2_34:
0x3bf: {  	s7 =	sshra.s32 s8, $0x2  }
0x3c0: {  	[sflag:s17] =	ssyncadd.s32 $0xFFFFFE70;
	s8 =	smov.u32 s10;
	s14 =	sadd.s32 $0x640, s10  }
0x3c1: {  	p1 =	sne.s32 s10, $0x9600;
	s10 =	sadd.s32 s7, s15  }
0x3c2: {  	[spmem:s10] =	stream.linear.scatter [tilespmem:s0], [sflag:$0x7], $0x10, $0x38;
	[tilespmem:$0x11A90] =	vst v63  }
0x3c3: {  	s7 =	sadd.s32 $0x10, s10  }
0x3c4: {  	[spmem:s7] =	stream.linear.scatter [tilespmem:s26], [sflag:$0x7], $0x10, $0x38;
	[tilespmem:$0x11A90] =	vst v63  }
0x3c5: {  	s7 =	sadd.s32 $0x20, s10  }
0x3c6: {  	[spmem:s7] =	stream.linear.scatter [tilespmem:s29], [sflag:$0x7], $0x10, $0x38;
	[tilespmem:$0x11A90] =	vst v63  }
0x3c7: {  	s2 =	simm.s32 $0x51C0;
	s7 =	sadd.s32 $0x30, s10  }
0x3c8: {  	[spmem:s7] =	stream.linear.scatter [tilespmem:s2], [sflag:$0x7], $0x10, $0x38;
	[tilespmem:$0x11A90] =	vst v63  }
0x3c9: {  	s7 =	sadd.s32 $0x40, s10  }
0x3ca: {  	[spmem:s7] =	stream.linear.scatter [tilespmem:s31], [sflag:$0x7], $0x10, $0x38;
	[tilespmem:$0x11A90] =	vst v63  }
0x3cb: {  	s7 =	sadd.s32 $0x50, s10  }
0x3cc: {  	[spmem:s7] =	stream.linear.scatter [tilespmem:s1], [sflag:$0x7], $0x10, $0x38;
	[tilespmem:$0x11A90] =	vst v63  }
0x3cd: {  	s7 =	sadd.s32 $0x60, s10  }
0x3ce: {  	[spmem:s7] =	stream.linear.scatter [tilespmem:s13], [sflag:$0x7], $0x10, $0x38;
	[tilespmem:$0x11A90] =	vst v63  }
0x3cf: {  	s7 =	sadd.s32 $0x70, s10  }
0x3d0: {  	[spmem:s7] =	stream.linear.scatter [tilespmem:s25], [sflag:$0x7], $0x10, $0x38;
	[tilespmem:$0x11A90] =	vst v63  }
0x3d1: {  	s7 =	sadd.s32 $0x80, s10  }
0x3d2: {  	[spmem:s7] =	stream.linear.scatter [tilespmem:s11], [sflag:$0x7], $0x10, $0x38;
	[tilespmem:$0x11A90] =	vst v63  }
0x3d3: {  	s7 =	sadd.s32 $0x90, s10  }
0x3d4: {  	[spmem:s7] =	stream.linear.scatter [tilespmem:s28], [sflag:$0x7], $0x10, $0x38;
	[tilespmem:$0x11A90] =	vst v63  }
0x3d5: {  	s7 =	sadd.s32 $0xA0, s10  }
0x3d6: {  	[spmem:s7] =	stream.linear.scatter [tilespmem:s30], [sflag:$0x7], $0x10, $0x38;
	[tilespmem:$0x11A90] =	vst v63  }
0x3d7: {  	s7 =	sadd.s32 $0xB0, s10  }
0x3d8: {  	[spmem:s7] =	stream.linear.scatter [tilespmem:s4], [sflag:$0x7], $0x10, $0x38;
	[tilespmem:$0x11A90] =	vst v63  }
0x3d9: {  	s7 =	sadd.s32 $0xC0, s10  }
0x3da: {  	[spmem:s7] =	stream.linear.scatter [tilespmem:s19], [sflag:$0x7], $0x10, $0x38;
	[tilespmem:$0x11A90] =	vst v63  }
0x3db: {  	s7 =	sadd.s32 $0xD0, s10  }
0x3dc: {  	[spmem:s7] =	stream.linear.scatter [tilespmem:s22], [sflag:$0x7], $0x10, $0x38;
	[tilespmem:$0x11A90] =	vst v63  }
0x3dd: {  	s7 =	sadd.s32 $0xE0, s10  }
0x3de: {  	[spmem:s7] =	stream.linear.scatter [tilespmem:s23], [sflag:$0x7], $0x10, $0x38;
	[tilespmem:$0x11A90] =	vst v63  }
0x3df: {  	s7 =	sadd.s32 $0xF0, s10  }
0x3e0: {  	[spmem:s7] =	stream.linear.scatter [tilespmem:s5], [sflag:$0x7], $0x10, $0x38;
	[tilespmem:$0x11A90] =	vst v63  }
0x3e1: {  	s7 =	sadd.s32 $0x100, s10  }
0x3e2: {  	[spmem:s7] =	stream.linear.scatter [tilespmem:s6], [sflag:$0x7], $0x10, $0x38;
	[tilespmem:$0x11A90] =	vst v63  }
0x3e3: {  	s7 =	sadd.s32 $0x110, s10  }
0x3e4: {  	[spmem:s7] =	stream.linear.scatter [tilespmem:s9], [sflag:$0x7], $0x10, $0x38;
	[tilespmem:$0x11A90] =	vst v63  }
0x3e5: {  	s7 =	sadd.s32 $0x120, s10  }
0x3e6: {  	[spmem:s7] =	stream.linear.scatter [tilespmem:s12], [sflag:$0x7], $0x10, $0x38;
	[tilespmem:$0x11A90] =	vst v63  }
0x3e7: {  	s7 =	sadd.s32 $0x130, s10  }
0x3e8: {  	[spmem:s7] =	stream.linear.scatter [tilespmem:s18], [sflag:$0x7], $0x10, $0x38;
	[tilespmem:$0x11A90] =	vst v63  }
0x3e9: {  	s7 =	sadd.s32 $0x140, s10  }
0x3ea: {  	[spmem:s7] =	stream.linear.scatter [tilespmem:s20], [sflag:$0x7], $0x10, $0x38;
	[tilespmem:$0x11A90] =	vst v63  }
0x3eb: {  	s7 =	sadd.s32 $0x150, s10  }
0x3ec: {  	[spmem:s7] =	stream.linear.scatter [tilespmem:s3], [sflag:$0x7], $0x10, $0x38;
	[tilespmem:$0x11A90] =	vst v63  }
0x3ed: {  	s7 =	sadd.s32 $0x160, s10  }
0x3ee: {  	[spmem:s7] =	stream.linear.scatter [tilespmem:s21], [sflag:$0x7], $0x10, $0x38;
	[tilespmem:$0x11A90] =	vst v63  }
0x3ef: {  	s2 =	simm.s32 $0x56C0;
	s7 =	sadd.s32 $0x170, s10  }
0x3f0: {  	[spmem:s7] =	stream.linear.scatter [tilespmem:s2], [sflag:$0x7], $0x10, $0x38;
	[tilespmem:$0x11A90] =	vst v63  }
.Ltmp28:
0x3f1: {  	_ = 	snop;
	(pc) =	sbr.rel @p1 .LBB2_34-.Ltmp28, $4  }
0x3f2: {  	s7 =	sadd.s32 $0x180, s10  }
0x3f3: {  	[spmem:s7] =	stream.linear.scatter [tilespmem:s16], [sflag:$0x7], $0x10, $0x38;
	[tilespmem:$0x11A90] =	vst v63  }
0x3f4: {  	_ =	swait.ge [sflag:s17], $0x190  }
0x3f5: {  	s10 =	smov.u32 s14;
	[sflag:s17] =	ssyncset.done $0x0  }
0x3f6: {  	s7 =	sshra.s32 s8, $0x2  }
0x3f7: {  	[sflag:s17] =	ssyncadd.s32 $0xFFFFFE70;
	s7 =	sadd.s32 s7, s15  }
0x3f8: {  	[spmem:s7] =	stream.linear.scatter [tilespmem:s0], [sflag:$0x7], $0x10, $0x38;
	[tilespmem:$0x11A90] =	vst v63  }
0x3f9: {  	s14 =	sadd.s32 $0x10, s7  }
0x3fa: {  	[spmem:s14] =	stream.linear.scatter [tilespmem:s26], [sflag:$0x7], $0x10, $0x38;
	[tilespmem:$0x11A90] =	vst v63  }
0x3fb: {  	s15 =	sadd.s32 $0x20, s7  }
0x3fc: {  	[spmem:s15] =	stream.linear.scatter [tilespmem:s29], [sflag:$0x7], $0x10, $0x38;
	[tilespmem:$0x11A90] =	vst v63  }
0x3fd: {  	s26 =	sadd.s32 $0x30, s7;
	s29 =	simm.s32 $0x51C0  }
0x3fe: {  	[spmem:s26] =	stream.linear.scatter [tilespmem:s29], [sflag:$0x7], $0x10, $0x38;
	[tilespmem:$0x11A90] =	vst v63  }
0x3ff: {  	s2 =	sadd.s32 $0x40, s7  }
0x400: {  	[spmem:s2] =	stream.linear.scatter [tilespmem:s31], [sflag:$0x7], $0x10, $0x38;
	[tilespmem:$0x11A90] =	vst v63  }
0x401: {  	s10 =	sadd.s32 $0x50, s7  }
0x402: {  	[spmem:s10] =	stream.linear.scatter [tilespmem:s1], [sflag:$0x7], $0x10, $0x38;
	[tilespmem:$0x11A90] =	vst v63  }
0x403: {  	s14 =	sadd.s32 $0x60, s7  }
0x404: {  	[spmem:s14] =	stream.linear.scatter [tilespmem:s13], [sflag:$0x7], $0x10, $0x38;
	[tilespmem:$0x11A90] =	vst v63  }
0x405: {  	s15 =	sadd.s32 $0x70, s7  }
0x406: {  	[spmem:s15] =	stream.linear.scatter [tilespmem:s25], [sflag:$0x7], $0x10, $0x38;
	[tilespmem:$0x11A90] =	vst v63  }
0x407: {  	s26 =	sadd.s32 $0x80, s7  }
0x408: {  	[spmem:s26] =	stream.linear.scatter [tilespmem:s11], [sflag:$0x7], $0x10, $0x38;
	[tilespmem:$0x11A90] =	vst v63  }
0x409: {  	s29 =	sadd.s32 $0x90, s7  }
0x40a: {  	[spmem:s29] =	stream.linear.scatter [tilespmem:s28], [sflag:$0x7], $0x10, $0x38;
	[tilespmem:$0x11A90] =	vst v63  }
0x40b: {  	s31 =	sadd.s32 $0xA0, s7  }
0x40c: {  	[spmem:s31] =	stream.linear.scatter [tilespmem:s30], [sflag:$0x7], $0x10, $0x38;
	[tilespmem:$0x11A90] =	vst v63  }
0x40d: {  	s0 =	sadd.s32 $0xB0, s7  }
0x40e: {  	[spmem:s0] =	stream.linear.scatter [tilespmem:s4], [sflag:$0x7], $0x10, $0x38;
	[tilespmem:$0x11A90] =	vst v63  }
0x40f: {  	s1 =	sadd.s32 $0xC0, s7  }
0x410: {  	[spmem:s1] =	stream.linear.scatter [tilespmem:s19], [sflag:$0x7], $0x10, $0x38;
	[tilespmem:$0x11A90] =	vst v63  }
0x411: {  	s2 =	sadd.s32 $0xD0, s7  }
0x412: {  	[spmem:s2] =	stream.linear.scatter [tilespmem:s22], [sflag:$0x7], $0x10, $0x38;
	[tilespmem:$0x11A90] =	vst v63  }
0x413: {  	s4 =	sadd.s32 $0xE0, s7  }
0x414: {  	[spmem:s4] =	stream.linear.scatter [tilespmem:s23], [sflag:$0x7], $0x10, $0x38;
	[tilespmem:$0x11A90] =	vst v63  }
0x415: {  	s10 =	sadd.s32 $0xF0, s7  }
0x416: {  	[spmem:s10] =	stream.linear.scatter [tilespmem:s5], [sflag:$0x7], $0x10, $0x38;
	[tilespmem:$0x11A90] =	vst v63  }
0x417: {  	s11 =	sadd.s32 $0x100, s7  }
0x418: {  	[spmem:s11] =	stream.linear.scatter [tilespmem:s6], [sflag:$0x7], $0x10, $0x38;
	[tilespmem:$0x11A90] =	vst v63  }
0x419: {  	s13 =	sadd.s32 $0x110, s7  }
0x41a: {  	[spmem:s13] =	stream.linear.scatter [tilespmem:s9], [sflag:$0x7], $0x10, $0x38;
	[tilespmem:$0x11A90] =	vst v63  }
0x41b: {  	s14 =	sadd.s32 $0x120, s7  }
0x41c: {  	[spmem:s14] =	stream.linear.scatter [tilespmem:s12], [sflag:$0x7], $0x10, $0x38;
	[tilespmem:$0x11A90] =	vst v63  }
0x41d: {  	s15 =	sadd.s32 $0x130, s7  }
0x41e: {  	[spmem:s15] =	stream.linear.scatter [tilespmem:s18], [sflag:$0x7], $0x10, $0x38;
	[tilespmem:$0x11A90] =	vst v63  }
0x41f: {  	s19 =	sadd.s32 $0x140, s7  }
0x420: {  	[spmem:s19] =	stream.linear.scatter [tilespmem:s20], [sflag:$0x7], $0x10, $0x38;
	[tilespmem:$0x11A90] =	vst v63  }
0x421: {  	s20 =	sadd.s32 $0x150, s7  }
0x422: {  	[spmem:s20] =	stream.linear.scatter [tilespmem:s3], [sflag:$0x7], $0x10, $0x38;
	[tilespmem:$0x11A90] =	vst v63  }
0x423: {  	s22 =	sadd.s32 $0x160, s7  }
0x424: {  	[spmem:s22] =	stream.linear.scatter [tilespmem:s21], [sflag:$0x7], $0x10, $0x38;
	[tilespmem:$0x11A90] =	vst v63  }
0x425: {  	s25 =	simm.s32 $0x56C0;
	s23 =	sadd.s32 $0x170, s7  }
0x426: {  	[spmem:s23] =	stream.linear.scatter [tilespmem:s25], [sflag:$0x7], $0x10, $0x38;
	[tilespmem:$0x11A90] =	vst v63  }
0x427: {  	s7 =	sadd.s32 $0x180, s7  }
0x428: {  	[spmem:s7] =	stream.linear.scatter [tilespmem:s16], [sflag:$0x7], $0x10, $0x38;
	[tilespmem:$0x11A90] =	vst v63  }
0x429: {  	_ =	swait.ge [sflag:s17], $0x190  }
0x42a: {  	[sflag:s17] =	ssyncset.done $0x0  }
0x42b: {  	[sflag:s17] =	ssyncadd.s32 $0xFFFFFE70  }
0x42c: {  	s8 =	simm.s32 $0x1;
	[bflag:$0x0] =	sbarrier.arrive $0xFFFF  }
0x42d: {  	s0 =	simm.s32 $0x10;
	s10 =	simm.s32 $0x0;
	s26 =	rddreg [dreg:$0xc]  }
0x42e: {  	[tilespmem:s10], [sflag:$0x1] =	stream.linear.gather [hbm4b:s26+s10], $0x80, $0x38;
	[tilespmem:$0x11A90] =	vst v63  }
0x42f: {  	s2 =	simm.s32 $0x4100;
	s14 =	simm.s32 $0x80;
	s28 =	rddreg [dreg:$0x15]  }
0x430: {  	[tilespmem:s2], [sflag:$0x3] =	stream.strided.gather [hbm4b:s28+s0], $0x800, s14, s0, $0x38;
	[tilespmem:$0x11A90] =	vst v63  }
0x431: {  	_ =	swait.ge [sflag:s8], $0x80  }
0x432: {  	[sflag:s8] =	ssyncset.done $0x0  }
0x433: {  	s29 =	simm.s32 $0x3;
	[sflag:s8] =	ssyncadd.s32 $0xFFFFFF80  }
0x434: {  	_ =	swait.ge [sflag:s29], $0x800  }
0x435: {  	[sflag:s29] =	ssyncset.done $0x0  }
0x436: {  	[sflag:s29] =	ssyncadd.s32 $0xFFFFF800  }
0x437: {  	s7 =	rddreg [dreg:$0x3]  }
0x438: {  	[spmem:s7] =	stream.indirect.scatter.add.f32 [tilespmem:s2], [sflag:$0x5], $0x10, s10, s14, $0xb8;
	[tilespmem:$0x11A90] =	vst v63  }
.Ltmp29:
0x439: {  	s30 =	rddreg [dreg:$0x17];
	(pc) =	sbr.rel .LBB2_36-.Ltmp29, $4  }
0x43a: {  	s1 =	simm.s32 $0x5100;
	s4 =	simm.s32 $0x2;
	s31 =	sld [smem:$0x7F7]  }
0x43b: {  	[tilespmem:s14], [sflag:$0x2] =	stream.linear.gather [hbm4b:s30+s10], $0x80, $0x38;
	[tilespmem:$0x11A90] =	vst v63  }
0x43c: {  	s5 =	simm.s32 $0x4;
	s3 =	simm.s32 $0x4900;
	s22 =	rddreg [dreg:$0xa]  }
0x43d: {  	[tilespmem:s3], [sflag:$0x4] =	stream.strided.gather [hbm4b:s31+s0], $0x800, s14, s0, $0x38;
	[tilespmem:$0x11A90] =	vst v63  }
.LBB2_38:
0x43e: {  	p1 =	sne.s32 s10, s22  }
.Ltmp30:
0x43f: {  	_ = 	snop;
	(pc) =	sbr.rel @!p1 .LBB2_39-.Ltmp30, $2  }
0x440: {  	_ =	sdelay $0x2  }
0x441: {  	s8 =	smov.u32 s10  }
.LBB2_36:
0x442: {  	s7 =	sand.u32 $0x1, s8  }
0x443: {  	p1 =	seq.s32 s7, $0x1  }
0x444: {  	s10 =	simm.s32 @!p1 $0x1  }
0x445: {  	_ =	swait.ge @!p1 [sflag:s10], $0x80  }
0x446: {  	[sflag:s10] =	ssyncset.done @!p1 $0x0  }
0x447: {  	[sflag:s10] =	ssyncadd.s32 @!p1 $0xFFFFFF80;
	s10 =	simm.s32 @!p1 $0x3  }
0x448: {  	_ =	swait.ge @!p1 [sflag:s10], $0x800  }
0x449: {  	[sflag:s10] =	ssyncset.done @!p1 $0x0  }
0x44a: {  	s14 =	simm.s32 @!p1 $0x0;
	[sflag:s10] =	ssyncadd.s32 @!p1 $0xFFFFF800  }
0x44b: {  	s25 =	simm.s32 @!p1 $0x4100;
	s10 =	simm.s32 @!p1 $0x80;
	s28 =	rddreg [dreg:$0x3]  }
0x44c: {  	[spmem:s28] =	stream.indirect.scatter.add.f32 @!p1 [tilespmem:s25], [sflag:$0x5], $0x10, s14, s10, $0xb8;
	[tilespmem:$0x11A90] =	vst v63  }
0x44d: {  	s10 =	sor.u32 @!p1 $0x1, s8  }
0x44e: {  	p2 =	sge.u32 @!p1 s10, s22  }
0x44f: {  	p2 =	por p2, p1  }
0x450: {  	s14 =	simm.s32 @!p2 $0x6  }
0x451: {  	_ =	swait.ge @!p2 [sflag:s14], $0x800  }
0x452: {  	s25 =	sshll.u32 @!p2 s10, $0xB;
	s28 =	rddreg [dreg:$0xe]  }
0x453: {  	[sflag:s14] =	ssyncset.done @!p2 $0x0;
	s25 =	sor.u32 @!p2 s28, s25  }
0x454: {  	[sflag:s14] =	ssyncadd.s32 @!p2 $0xFFFFF800;
	s28 =	rddreg [dreg:$0x8];
	s14 =	sshrl.u32 @!p2 s25, $0x3  }
0x455: {  	s31 =	simm.s32 @!p2 $0x80;
	s14 =	sadd.s32 @!p2 s28, s14;
	s28 =	simm.s32 @!p2 $0x0  }
0x456: {  	[tilespmem:s31], [sflag:$0x2] =	stream.linear.gather @!p2 [hbm4b:s14+s28], $0x80, $0x38;
	[tilespmem:$0x11A90] =	vst v63  }
0x457: {  	s14 =	sshll.u32 @!p2 s25, $0x4;
	s25 =	rddreg [dreg:$0x13]  }
0x458: {  	s28 =	simm.s32 @!p2 $0x4900;
	s14 =	sadd.s32 @!p2 s14, s25;
	s25 =	simm.s32 @!p2 $0x10  }
0x459: {  	[tilespmem:s28], [sflag:$0x4] =	stream.strided.gather @!p2 [hbm4b:s14+s25], $0x800, s31, s25, $0x38;
	[tilespmem:$0x11A90] =	vst v63  }
0x45a: {  	p2 =	seq.s32 @!p1 s7, $0x0  }
0x45b: {  	p1 =	por p1, !p2  }
.Ltmp31:
0x45c: {  	_ = 	snop;
	(pc) =	sbr.rel @!p1 .LBB2_38-.Ltmp31, $2  }
0x45d: {  	_ =	sdelay $0x2  }
0x45e: {  	s22 =	rddreg [dreg:$0xa]  }
0x45f: {  	_ =	swait.ge [sflag:s4], $0x80  }
0x460: {  	[sflag:s4] =	ssyncset.done $0x0  }
0x461: {  	[sflag:s4] =	ssyncadd.s32 $0xFFFFFF80  }
0x462: {  	_ =	swait.ge [sflag:s5], $0x800  }
0x463: {  	[sflag:s5] =	ssyncset.done $0x0  }
0x464: {  	[sflag:s5] =	ssyncadd.s32 $0xFFFFF800  }
0x465: {  	s10 =	simm.s32 $0x80;
	s7 =	rddreg [dreg:$0x3]  }
0x466: {  	[spmem:s7] =	stream.indirect.scatter.add.f32 [tilespmem:s3], [sflag:$0x6], $0x10, s10, s10, $0xb8;
	[tilespmem:$0x11A90] =	vst v63  }
0x467: {  	s10 =	sadd.s32 $0x1, s8  }
0x468: {  	p1 =	sge.u32 s10, s22  }
0x469: {  	s7 =	simm.s32 @!p1 $0x5  }
0x46a: {  	_ =	swait.ge @!p1 [sflag:s7], $0x800  }
0x46b: {  	s8 =	sshll.u32 @!p1 s10, $0xB;
	s14 =	rddreg [dreg:$0xe]  }
0x46c: {  	[sflag:s7] =	ssyncset.done @!p1 $0x0;
	s8 =	sor.u32 @!p1 s14, s8  }
0x46d: {  	[sflag:s7] =	ssyncadd.s32 @!p1 $0xFFFFF800;
	s7 =	rddreg [dreg:$0x8];
	s14 =	sshrl.u32 @!p1 s8, $0x3  }
.Ltmp32:
0x46e: {  	s7 =	sadd.s32 @!p1 s7, s14;
	s14 =	simm.s32 @!p1 $0x0;
	(pc) =	sbr.rel .LBB2_38-.Ltmp32, $4  }
0x46f: {  	[tilespmem:s14], [sflag:$0x1] =	stream.linear.gather @!p1 [hbm4b:s7+s14], $0x80, $0x38;
	[tilespmem:$0x11A90] =	vst v63  }
0x470: {  	s25 =	simm.s32 @!p1 $0x4100;
	s7 =	sshll.u32 @!p1 s8, $0x4;
	s8 =	rddreg [dreg:$0x13]  }
0x471: {  	s14 =	simm.s32 @!p1 $0x80;
	s7 =	sadd.s32 @!p1 s7, s8;
	s8 =	simm.s32 @!p1 $0x10  }
0x472: {  	[tilespmem:s25], [sflag:$0x3] =	stream.strided.gather @!p1 [hbm4b:s7+s8], $0x800, s14, s8, $0x38;
	[tilespmem:$0x11A90] =	vst v63  }
.LBB2_20:
0x473: {  	s10 =	sld [smem:$0x7ED]  }
.Ltmp33:
0x474: {  	s8 =	sld [smem:$0x7EE];
	(pc) =	sbr.rel .LBB2_40-.Ltmp33, $4  }
0x475: {  	s14 =	sld [smem:$0x7EF]  }
0x476: {  	s9 =	sld [smem:$0x7F0]  }
0x477: {  	s6 =	sld [smem:$0x7F1]  }
0x478: {  	s1 =	simm.s32 $0x5100;
	s3 =	sld [smem:$0x7D8]  }
.LBB2_41:
0x479: {  	_ =	sfence.sel $0x180000  }
0x47a: {  	[bflag:$0x0] =	sbarrier.arrive $0xFFFF  }
0x47b: {  	_ =	strace $0x9000004A  }
0x47c: {  	s0 =	stileid.u32;
	[bflag:$0x2] =	sbarrier.arrive $0xFFFF  }
0x47d: {  	p0 =	sne.s32 s0, $0x0;
	s0 =	rddreg [dreg:$0x4]  }
0x47e: {  	s0 =	sadd.s32 @!p0 $0x100000, s0  }
0x47f: {  	[sflag:s0] =	ssyncadd.tile.s32 @!p0 $0x1;
	_ =	shalt  }
.Lfunc_end2:
_tile_overlayer_lowered:
.L_overlay_start_2:
0x480: {  	(tag) =	ssettag $0x2  }
0x481: {  	s0 =	rddreg [dreg:$0x0];
	s2 =	stileid.u32  }
0x482: {  	s1 =	rddreg [dreg:$0x1];
	p0 =	sne.s32 s2, $0x0  }
0x483: {  	s3 =	rddreg [dreg:$0x2];
	[bflag:$0x3] =	sbarrier.arrive $0xFFFF;
	s2 =	simm.s32 @!p0 $0x1C07  }
0x484: {  	[timem:s3], [sflag:s2] =	dma.local @!p0 [hbm:s0], s1  }
0x485: {  	s0 =	simm.s32 @!p0 $0x7  }
0x486: {  	_ =	swait.ge @!p0 [sflag:s0], s1  }
0x487: {  	s1 =	ssub.s32 @!p0 $0x0, s1;
	[sflag:s0] =	ssyncset.done @!p0 $0x0  }
0x488: {  	[sflag:s0] =	ssyncadd.s32 @!p0 s1  }
0x489: {  	[bflag:$0x3] =	sbarrier.arrive $0xFFFF  }
0x48a: {  	_ =	shalt  }

</sc_bundles>
